<compile_context>
chip_gen: v7x
topology: tpu7x:2x2x1
jax: 0.10.2.dev20260603
libtpu: 0.0.44.dev20260713+nightly
codegen_flags: <defaults>
</compile_context>

<pallas_src>
import functools

import jax
import jax.numpy as jnp
from jax import lax
from jax.experimental import pallas as pl
from jax.experimental.pallas import tpu as pltpu
from jax.experimental.pallas import tpu_sc as plsc

N = 10000
E = 320000
DF = 128
DE = 16
H = 256
EO = 128
NO = 128

NC = 2
NS = 16
NW = NC * NS

C = 128
K2CH = 80
PER_W = C * K2CH
EP = NW * PER_W
NP = 10240
TE = 2048
TN = 1024

NPH = 5
EPH = EP // NPH
PH_CH = K2CH // NPH
PH_ROWS = EPH // C
PH_TILES = EPH // TE

_f32 = jnp.float32
_bf16 = jnp.bfloat16


def _pack2(a):
    lo = lax.bitcast_convert_type(a[:, :128].astype(_bf16), jnp.uint16)
    hi = lax.bitcast_convert_type(a[:, 128:].astype(_bf16), jnp.uint16)
    packed = hi.astype(jnp.uint32) << 16 | lo.astype(jnp.uint32)
    return lax.bitcast_convert_type(packed, jnp.int32)


def _proj_body(x_ref, wa_ref, wb_ref, wc_ref, oa_ref, ob_ref, oc_ref):
    xb = x_ref[...]
    a = jnp.dot(xb, wa_ref[...], preferred_element_type=_f32)
    b = jnp.dot(xb, wb_ref[...], preferred_element_type=_f32)
    oa_ref[...] = _pack2(a)
    ob_ref[...] = _pack2(b)
    oc_ref[...] = jnp.dot(xb, wc_ref[...], preferred_element_type=_f32)


def _proj(x_p, w1a, w1b, wn1a):
    grid = NP // TN
    return pl.pallas_call(
        _proj_body,
        grid=(grid,),
        in_specs=[
            pl.BlockSpec((TN, DF), lambda i: (i, 0)),
            pl.BlockSpec((DF, H), lambda i: (0, 0)),
            pl.BlockSpec((DF, H), lambda i: (0, 0)),
            pl.BlockSpec((DF, H), lambda i: (0, 0)),
        ],
        out_specs=[
            pl.BlockSpec((TN, 128), lambda i: (i, 0)),
            pl.BlockSpec((TN, 128), lambda i: (i, 0)),
            pl.BlockSpec((TN, H), lambda i: (i, 0)),
        ],
        out_shape=[
            jax.ShapeDtypeStruct((NP, 128), jnp.int32),
            jax.ShapeDtypeStruct((NP, 128), jnp.int32),
            jax.ShapeDtypeStruct((NP, H), _f32),
        ],
    )(x_p, w1a, w1b, wn1a)


def _gather_body(xs_hbm, xr_hbm, src2_hbm, dst2_hbm, gs_hbm, gr_hbm,
                 idx_s, idx_d, buf_a0, buf_b0, buf_a1, buf_b1,
                 sem_a0, sem_b0, sem_a1, sem_b1, sem_o0, sem_o1):
    cid = lax.axis_index("c")
    sid = lax.axis_index("s")
    wid = sid * NC + cid
    ch0 = pl.multiple_of(wid * PH_CH, 8)

    pltpu.sync_copy(src2_hbm.at[pl.ds(ch0, PH_CH)], idx_s)
    pltpu.sync_copy(dst2_hbm.at[pl.ds(ch0, PH_CH)], idx_d)

    def row_off(j):
        return pl.multiple_of((ch0 + j) * C, 8)

    def issue(j, buf_a, buf_b, sem_a, sem_b):
        pltpu.async_copy(xs_hbm.at[idx_s.at[j]], buf_a, sem_a)
        pltpu.async_copy(xr_hbm.at[idx_d.at[j]], buf_b, sem_b)

    def wait_gather(j, buf_a, buf_b, sem_a, sem_b):
        pltpu.make_async_copy(xs_hbm.at[idx_s.at[j]], buf_a, sem_a).wait()
        pltpu.make_async_copy(xr_hbm.at[idx_d.at[j]], buf_b, sem_b).wait()

    def issue_out(j, buf_a, buf_b, sem_o):
        pltpu.async_copy(buf_a, gs_hbm.at[pl.ds(row_off(j), C)], sem_o)
        pltpu.async_copy(buf_b, gr_hbm.at[pl.ds(row_off(j), C)], sem_o)

    def wait_out(j, buf_a, buf_b, sem_o):
        pltpu.make_async_copy(buf_a, gs_hbm.at[pl.ds(row_off(j), C)], sem_o).wait()
        pltpu.make_async_copy(buf_b, gr_hbm.at[pl.ds(row_off(j), C)], sem_o).wait()

    issue(0, buf_a0, buf_b0, sem_a0, sem_b0)
    issue(1, buf_a1, buf_b1, sem_a1, sem_b1)
    nb2 = PH_CH // 2

    def pair(jj, carry):
        j0 = jj * 2
        j1 = j0 + 1
        wait_gather(j0, buf_a0, buf_b0, sem_a0, sem_b0)
        issue_out(j0, buf_a0, buf_b0, sem_o0)
        wait_gather(j1, buf_a1, buf_b1, sem_a1, sem_b1)
        issue_out(j1, buf_a1, buf_b1, sem_o1)
        wait_out(j0, buf_a0, buf_b0, sem_o0)

        @pl.when(jj + 1 < nb2)
        def _():
            issue(j0 + 2, buf_a0, buf_b0, sem_a0, sem_b0)

        wait_out(j1, buf_a1, buf_b1, sem_o1)

        @pl.when(jj + 1 < nb2)
        def _():
            issue(j1 + 2, buf_a1, buf_b1, sem_a1, sem_b1)

        return carry

    lax.fori_loop(0, nb2, pair, 0)


def _gather(xs, xr, src2, dst2):
    mesh = plsc.VectorSubcoreMesh(core_axis_name="c", subcore_axis_name="s")
    fn = functools.partial(
        pl.kernel,
        out_type=[jax.ShapeDtypeStruct((EPH, 128), jnp.int32),
                  jax.ShapeDtypeStruct((EPH, 128), jnp.int32)],
        mesh=mesh,
        scratch_types=[
            pltpu.VMEM((PH_CH, C), jnp.int32),
            pltpu.VMEM((PH_CH, C), jnp.int32),
            pltpu.VMEM((C, 128), jnp.int32),
            pltpu.VMEM((C, 128), jnp.int32),
            pltpu.VMEM((C, 128), jnp.int32),
            pltpu.VMEM((C, 128), jnp.int32),
            pltpu.SemaphoreType.DMA,
            pltpu.SemaphoreType.DMA,
            pltpu.SemaphoreType.DMA,
            pltpu.SemaphoreType.DMA,
            pltpu.SemaphoreType.DMA,
            pltpu.SemaphoreType.DMA,
        ],
    )(_gather_body)
    return fn(xs, xr, src2, dst2)


def _unpack2(gi):
    lo16 = (gi & 0xFFFF).astype(jnp.uint16)
    hi16 = ((gi >> 16) & 0xFFFF).astype(jnp.uint16)
    return (lax.bitcast_convert_type(lo16, _bf16).astype(_f32),
            lax.bitcast_convert_type(hi16, _bf16).astype(_f32))


def _edge_body(gs_ref, gr_ref, ea_ref, w1c_ref, b1_ref, w2a_ref, w2b_ref,
               b2_ref, w3_ref, b3_ref, *rest):
    out_ref = rest[-1]
    ea1 = jnp.dot(ea_ref[...], w1c_ref[...],
                  preferred_element_type=_f32) + b1_ref[...]
    sa, sb = _unpack2(gs_ref[...])
    ra, rb = _unpack2(gr_ref[...])
    h1a = jnp.maximum(sa + ra + ea1[:, :128], 0.0)
    h1b = jnp.maximum(sb + rb + ea1[:, 128:], 0.0)
    h2 = jnp.dot(h1a, w2a_ref[...], preferred_element_type=_f32) + \
         jnp.dot(h1b, w2b_ref[...], preferred_element_type=_f32) + b2_ref[...]
    h2 = jnp.maximum(h2, 0.0)
    out_ref[...] = jnp.dot(h2, w3_ref[...],
                           preferred_element_type=_f32) + b3_ref[...]


def _edge_mlp(gs, gr, ea_p, w1c, b1, w2a, w2b, b2, w3, b3, phase, prev=None):
    off = phase * PH_TILES
    in_specs = [
        pl.BlockSpec((TE, 128), lambda i: (i, 0)),
        pl.BlockSpec((TE, 128), lambda i: (i, 0)),
        pl.BlockSpec((TE, DE), lambda i: (i + off, 0)),
        pl.BlockSpec((DE, H), lambda i: (0, 0)),
        pl.BlockSpec((1, H), lambda i: (0, 0)),
        pl.BlockSpec((128, H), lambda i: (0, 0)),
        pl.BlockSpec((128, H), lambda i: (0, 0)),
        pl.BlockSpec((1, H), lambda i: (0, 0)),
        pl.BlockSpec((H, EO), lambda i: (0, 0)),
        pl.BlockSpec((1, EO), lambda i: (0, 0)),
    ]
    args = [gs, gr, ea_p, w1c, b1, w2a, w2b, b2, w3, b3]
    aliases = {}
    if prev is not None:
        in_specs.append(pl.BlockSpec((8, EO), lambda i: (0, 0)))
        args.append(prev)
        aliases = {10: 0}
    return pl.pallas_call(
        _edge_body,
        grid=(PH_TILES,),
        in_specs=in_specs,
        out_specs=pl.BlockSpec((TE, EO), lambda i: (i + off, 0)),
        out_shape=jax.ShapeDtypeStruct((EP, EO), _f32),
        input_output_aliases=aliases,
    )(*args)


ROWS_PER_TILE = NP // NS
CZ = 128


def _scatter_body(eo_hbm, dst2_hbm, out_hbm, idxs, buf0, buf1, accum,
                  sem_r0, sem_r1, sem_s0, sem_s1):
    cid = lax.axis_index("c")
    sid = lax.axis_index("s")
    wid = sid * NC + cid

    def zrow(r, carry):
        for t in range(EO // 16):
            buf0[r, pl.ds(t * 16, 16)] = jnp.zeros((16,), _f32)
        return carry

    lax.fori_loop(0, CZ, zrow, 0)
    for z in range(ROWS_PER_TILE // CZ):
        r0 = pl.multiple_of(sid * ROWS_PER_TILE + z * CZ, 8)
        pltpu.sync_copy(buf0, accum.at[pl.ds(r0, CZ)])

    pltpu.sync_copy(dst2_hbm.at[pl.ds(pl.multiple_of(wid * K2CH, 8), K2CH)], idxs)
    plsc.subcore_barrier()

    def row_off(j):
        return pl.multiple_of(wid * PER_W + j * C, 8)

    def issue_read(j, buf, sem):
        pltpu.async_copy(eo_hbm.at[pl.ds(row_off(j), C)], buf, sem)

    def wait_read(j, buf, sem):
        pltpu.make_async_copy(eo_hbm.at[pl.ds(row_off(j), C)], buf, sem).wait()

    def issue_scat(j, buf, sem):
        pltpu.async_copy(buf, accum.at[idxs.at[j]], sem, add=True)

    def wait_scat(j, buf, sem):
        pltpu.make_async_copy(buf, accum.at[idxs.at[j]], sem).wait()

    issue_read(0, buf0, sem_r0)
    issue_read(1, buf1, sem_r1)
    nb2 = K2CH // 2

    def pair(jj, carry):
        j0 = jj * 2
        j1 = j0 + 1
        wait_read(j0, buf0, sem_r0)
        issue_scat(j0, buf0, sem_s0)
        wait_read(j1, buf1, sem_r1)
        issue_scat(j1, buf1, sem_s1)
        wait_scat(j0, buf0, sem_s0)

        @pl.when(jj + 1 < nb2)
        def _():
            issue_read(j0 + 2, buf0, sem_r0)

        wait_scat(j1, buf1, sem_s1)

        @pl.when(jj + 1 < nb2)
        def _():
            issue_read(j1 + 2, buf1, sem_r1)

        return carry

    lax.fori_loop(0, nb2, pair, 0)
    plsc.subcore_barrier()

    for z in range(ROWS_PER_TILE // CZ):
        r0 = pl.multiple_of(sid * ROWS_PER_TILE + z * CZ, 8)
        pltpu.sync_copy(accum.at[pl.ds(r0, CZ)], out_hbm.at[cid].at[pl.ds(r0, CZ)])


def _scatter(e_out_p, dst2):
    mesh = plsc.VectorSubcoreMesh(core_axis_name="c", subcore_axis_name="s")
    fn = functools.partial(
        pl.kernel,
        out_type=jax.ShapeDtypeStruct((NC, NP, EO), _f32),
        mesh=mesh,
        scratch_types=[
            pltpu.VMEM((K2CH, C), jnp.int32),
            pltpu.VMEM((C, EO), _f32),
            pltpu.VMEM((C, EO), _f32),
            pltpu.VMEM_SHARED((NP, EO), _f32),
            pltpu.SemaphoreType.DMA,
            pltpu.SemaphoreType.DMA,
            pltpu.SemaphoreType.DMA,
            pltpu.SemaphoreType.DMA,
        ],
    )(_scatter_body)
    return fn(e_out_p, dst2)


def _node_body(a0_ref, a1_ref, xn1_ref, w1b_ref, b1_ref, w2_ref, b2_ref,
               w3_ref, b3_ref, out_ref):
    ie = a0_ref[...] + a1_ref[...]
    h1 = xn1_ref[...] + jnp.dot(ie, w1b_ref[...],
                                preferred_element_type=_f32) + b1_ref[...]
    h1 = jnp.maximum(h1, 0.0)
    h2 = jnp.dot(h1, w2_ref[...], preferred_element_type=_f32) + b2_ref[...]
    h2 = jnp.maximum(h2, 0.0)
    out_ref[...] = jnp.dot(h2, w3_ref[...],
                           preferred_element_type=_f32) + b3_ref[...]


def _node_mlp(acc0, acc1, xn1, wn1b, b1, w2, b2, w3, b3):
    grid = NP // TN
    return pl.pallas_call(
        _node_body,
        grid=(grid,),
        in_specs=[
            pl.BlockSpec((TN, EO), lambda i: (i, 0)),
            pl.BlockSpec((TN, EO), lambda i: (i, 0)),
            pl.BlockSpec((TN, H), lambda i: (i, 0)),
            pl.BlockSpec((EO, H), lambda i: (0, 0)),
            pl.BlockSpec((1, H), lambda i: (0, 0)),
            pl.BlockSpec((H, H), lambda i: (0, 0)),
            pl.BlockSpec((1, H), lambda i: (0, 0)),
            pl.BlockSpec((H, NO), lambda i: (0, 0)),
            pl.BlockSpec((1, NO), lambda i: (0, 0)),
        ],
        out_specs=pl.BlockSpec((TN, NO), lambda i: (i, 0)),
        out_shape=jax.ShapeDtypeStruct((NP, NO), _f32),
    )(acc0, acc1, xn1, wn1b, b1, w2, b2, w3, b3)


def kernel(x, edge_index, edge_attr, fe_W1, fe_b1, fe_W2, fe_b2, fe_W3, fe_b3,
           fn_W1, fn_b1, fn_W2, fn_b2, fn_W3, fn_b3):
    x_p = jnp.pad(x, ((0, NP - N), (0, 0)))
    dst_p = jnp.pad(edge_index[1], (0, EP - E), constant_values=N)
    ea_p = jnp.pad(edge_attr, ((0, EP - E), (0, 0)))

    spread = jnp.arange(EP - E, dtype=jnp.int32) % N
    src_g = jnp.concatenate([edge_index[0], spread])
    dst_g = jnp.concatenate([edge_index[1], spread])
    src2 = src_g.reshape(EP // C, C)
    dst2 = dst_g.reshape(EP // C, C)

    w1a = fe_W1[:DF]
    w1b = fe_W1[DF:2 * DF]
    w1c = fe_W1[2 * DF:]
    wn1a = fn_W1[:DF]
    wn1b = fn_W1[DF:]

    xs, xr, xn1 = _proj(x_p, w1a, w1b, wn1a)

    ew = (w1c, fe_b1[None, :], fe_W2[:128], fe_W2[128:], fe_b2[None, :],
          fe_W3, fe_b3[None, :])
    e_out_p = None
    for p in range(NPH):
        rows = slice(p * PH_ROWS, (p + 1) * PH_ROWS)
        gs_p, gr_p = _gather(xs, xr, src2[rows], dst2[rows])
        e_out_p = _edge_mlp(gs_p, gr_p, ea_p, *ew, phase=p, prev=e_out_p)

    acc = _scatter(e_out_p, dst_p.reshape(EP // C, C))
    n_out_p = _node_mlp(acc[0], acc[1], xn1, wn1b, fn_b1[None, :], fn_W2,
                        fn_b2[None, :], fn_W3, fn_b3[None, :])
    return n_out_p[:N], e_out_p[:E]

# --- scband reference (transcript-rebuilt; emitter-appended) ---
"""Pipeline reference for scband-gn-72559177498912 (READ-ONLY COPY).

The authoritative reference and input builder live on the scoring server;
editing this copy changes nothing except your own understanding.
"""

import jax, jax.numpy as jnp
import numpy as np

N = 10000
E = 320000
DF = 128
DE = 16
H = 256
EO = 128
NO = 128


def _init_linear(key, fan_in, fan_out):
    kw, kb = jax.random.split(key)
    W = jax.random.normal(kw, (fan_in, fan_out), dtype=jnp.float32) * (1.0 / np.sqrt(fan_in))
    b = jax.random.normal(kb, (fan_out,), dtype=jnp.float32) * 0.01
    return W, b


def setup_inputs(seed: int = 0) -> dict:
    key = jax.random.key(seed)
    ks = jax.random.split(key, 10)
    x = jax.random.normal(ks[0], (N, DF), dtype=jnp.float32)
    edge_index = jax.random.randint(ks[1], (2, E), 0, N, dtype=jnp.int32)
    edge_attr = jax.random.normal(ks[2], (E, DE), dtype=jnp.float32)
    # EdgeNet MLP: [2*DF + DE] -> 256 -> 256 -> EO (global_features = 0)
    fe_W1, fe_b1 = _init_linear(ks[3], 2 * DF + DE, H)
    fe_W2, fe_b2 = _init_linear(ks[4], H, H)
    fe_W3, fe_b3 = _init_linear(ks[5], H, EO)
    # NodeNet MLP: [DF + EO] -> 256 -> 256 -> NO
    fn_W1, fn_b1 = _init_linear(ks[6], DF + EO, H)
    fn_W2, fn_b2 = _init_linear(ks[7], H, H)
    fn_W3, fn_b3 = _init_linear(ks[8], H, NO)
    return {
        "x": x, "edge_index": edge_index, "edge_attr": edge_attr,
        "fe_W1": fe_W1, "fe_b1": fe_b1, "fe_W2": fe_W2, "fe_b2": fe_b2,
        "fe_W3": fe_W3, "fe_b3": fe_b3,
        "fn_W1": fn_W1, "fn_b1": fn_b1, "fn_W2": fn_W2, "fn_b2": fn_b2,
        "fn_W3": fn_W3, "fn_b3": fn_b3,
    }


def _mlp(h, W1, b1, W2, b2, W3, b3):
    h = jax.nn.relu(h @ W1 + b1)
    h = jax.nn.relu(h @ W2 + b2)
    return h @ W3 + b3


def reference(x, edge_index, edge_attr,
              fe_W1, fe_b1, fe_W2, fe_b2, fe_W3, fe_b3,
              fn_W1, fn_b1, fn_W2, fn_b2, fn_W3, fn_b3):
    # EdgeNet: gather sender/receiver node attrs per edge, concat with edge attrs
    ns = jnp.take(x, edge_index[0], axis=0)          # [E, DF]
    nr = jnp.take(x, edge_index[1], axis=0)          # [E, DF]
    e_in = jnp.concatenate([ns, nr, edge_attr], axis=-1)  # [E, 2*DF+DE]
    e_out = _mlp(e_in, fe_W1, fe_b1, fe_W2, fe_b2, fe_W3, fe_b3)  # [E, EO]
    # Aggregate incoming edge messages per destination node (sum over in-edges)
    in_edges = jax.ops.segment_sum(e_out, edge_index[1], num_segments=N)  # [N, EO]
    # NodeNet
    n_in = jnp.concatenate([x, in_edges], axis=-1)   # [N, DF+EO]
    n_out = _mlp(n_in, fn_W1, fn_b1, fn_W2, fn_b2, fn_W3, fn_b3)  # [N, NO]
    # global_features == 0 -> has_global is False, g_out is empty; return node/edge outputs
    return n_out, e_out

if __name__ == "__main__":
    import jax
    _d = setup_inputs()
    print(jax.jit(kernel)(*tuple(_d.values())))

</pallas_src>

<mosaic_0001>
#map = affine_map<(d0, d1) -> (0, 0)>
module attributes {stable_mosaic.version = 14 : i64} {
  func.func @_gather_body(%arg0: i32, %arg1: i32, %arg2: memref<10240x128xi32, #tpu.memory_space<hbm>>, %arg3: memref<10240x128xi32, #tpu.memory_space<hbm>>, %arg4: memref<512x128xi32, #tpu.memory_space<hbm>>, %arg5: memref<512x128xi32, #tpu.memory_space<hbm>>, %arg6: memref<65536x128xi32, #tpu.memory_space<hbm>>, %arg7: memref<65536x128xi32, #tpu.memory_space<hbm>>, %arg8: memref<16x128xi32, #tpu.memory_space<vmem>>, %arg9: memref<16x128xi32, #tpu.memory_space<vmem>>, %arg10: memref<128x128xi32, #tpu.memory_space<vmem>>, %arg11: memref<128x128xi32, #tpu.memory_space<vmem>>, %arg12: memref<128x128xi32, #tpu.memory_space<vmem>>, %arg13: memref<128x128xi32, #tpu.memory_space<vmem>>, %arg14: memref<!tpu.dma_semaphore, #tpu.memory_space<semaphore_mem>>, %arg15: memref<!tpu.dma_semaphore, #tpu.memory_space<semaphore_mem>>, %arg16: memref<!tpu.dma_semaphore, #tpu.memory_space<semaphore_mem>>, %arg17: memref<!tpu.dma_semaphore, #tpu.memory_space<semaphore_mem>>, %arg18: memref<!tpu.dma_semaphore, #tpu.memory_space<semaphore_mem>>, %arg19: memref<!tpu.dma_semaphore, #tpu.memory_space<semaphore_mem>>) attributes {dimension_semantics = [#tpu.dimension_semantics<core_parallel>, #tpu.dimension_semantics<subcore_parallel>], iteration_bounds = array<i64: 2, 16>, scalar_prefetch = 0 : i64, scratch_operands = 12 : i64, tpu.core_type = #tpu.core_type<sc_vector_subcore>, window_params = [{transform_indices = #map}, {transform_indices = #map}, {transform_indices = #map}, {transform_indices = #map}, {transform_indices = #map}, {transform_indices = #map}]} {
    %mul3A = arith.constant 2 : i32
    %mul3A_0 = arith.muli %arg1, %mul3A : i32
    %add3A = arith.addi %mul3A_0, %arg0 : i32
    %mul3A_1 = arith.constant 16 : i32
    %mul3A_2 = arith.muli %add3A, %mul3A_1 : i32
    %multiple_of3A = tpu.assume_multiple %mul3A_2, 8 : i32
    "tpu.region"() ({
      %run_scoped3A = tpu.sem_alloc : memref<!tpu.dma_semaphore, #tpu.memory_space<semaphore_mem>>
      %dma_start3A_35 = arith.constant 0 : i32
      %dma_start3A_36 = tpu.memref_slice %arg4[%multiple_of3A, %dma_start3A_35] : memref<512x128xi32, #tpu.memory_space<hbm>> -> memref<16x128xi32, #tpu.memory_space<hbm>>
      %dma_start3A_37 = arith.constant 0 : i32
      %dma_start3A_38 = tpu.memref_slice %arg4[%multiple_of3A, %dma_start3A_37] : memref<512x128xi32, #tpu.memory_space<hbm>> -> memref<16x128xi32, #tpu.memory_space<hbm>>
      tpu.enqueue_dma source(%dma_start3A_38 : memref<16x128xi32, #tpu.memory_space<hbm>>) target(%arg8 : memref<16x128xi32, #tpu.memory_space<vmem>>) target_semaphore(%run_scoped3A : memref<!tpu.dma_semaphore, #tpu.memory_space<semaphore_mem>>)
      %dma_wait3A = arith.constant 0 : i32
      %dma_wait3A_39 = tpu.memref_slice %arg4[%multiple_of3A, %dma_wait3A] : memref<512x128xi32, #tpu.memory_space<hbm>> -> memref<16x128xi32, #tpu.memory_space<hbm>>
      %dma_wait3A_40 = arith.constant 0 : i32
      %dma_wait3A_41 = tpu.memref_slice %arg4[%multiple_of3A, %dma_wait3A_40] : memref<512x128xi32, #tpu.memory_space<hbm>> -> memref<16x128xi32, #tpu.memory_space<hbm>>
      tpu.wait_dma2 semaphore(%run_scoped3A : memref<!tpu.dma_semaphore, #tpu.memory_space<semaphore_mem>>) src(%dma_wait3A_41 : memref<16x128xi32, #tpu.memory_space<hbm>>) dst(%arg8 : memref<16x128xi32, #tpu.memory_space<vmem>>)
      tpu.yield
    }) : () -> ()
    "tpu.region"() ({
      %run_scoped3A = tpu.sem_alloc : memref<!tpu.dma_semaphore, #tpu.memory_space<semaphore_mem>>
      %dma_start3A_35 = arith.constant 0 : i32
      %dma_start3A_36 = tpu.memref_slice %arg5[%multiple_of3A, %dma_start3A_35] : memref<512x128xi32, #tpu.memory_space<hbm>> -> memref<16x128xi32, #tpu.memory_space<hbm>>
      %dma_start3A_37 = arith.constant 0 : i32
      %dma_start3A_38 = tpu.memref_slice %arg5[%multiple_of3A, %dma_start3A_37] : memref<512x128xi32, #tpu.memory_space<hbm>> -> memref<16x128xi32, #tpu.memory_space<hbm>>
      tpu.enqueue_dma source(%dma_start3A_38 : memref<16x128xi32, #tpu.memory_space<hbm>>) target(%arg9 : memref<16x128xi32, #tpu.memory_space<vmem>>) target_semaphore(%run_scoped3A : memref<!tpu.dma_semaphore, #tpu.memory_space<semaphore_mem>>)
      %dma_wait3A = arith.constant 0 : i32
      %dma_wait3A_39 = tpu.memref_slice %arg5[%multiple_of3A, %dma_wait3A] : memref<512x128xi32, #tpu.memory_space<hbm>> -> memref<16x128xi32, #tpu.memory_space<hbm>>
      %dma_wait3A_40 = arith.constant 0 : i32
      %dma_wait3A_41 = tpu.memref_slice %arg5[%multiple_of3A, %dma_wait3A_40] : memref<512x128xi32, #tpu.memory_space<hbm>> -> memref<16x128xi32, #tpu.memory_space<hbm>>
      tpu.wait_dma2 semaphore(%run_scoped3A : memref<!tpu.dma_semaphore, #tpu.memory_space<semaphore_mem>>) src(%dma_wait3A_41 : memref<16x128xi32, #tpu.memory_space<hbm>>) dst(%arg9 : memref<16x128xi32, #tpu.memory_space<vmem>>)
      tpu.yield
    }) : () -> ()
    %dma_start3A = arith.constant 0 : i32
    %dma_start3A_3 = arith.constant 0 : i32
    %dma_start3A_4 = tpu.memref_slice %arg8[%dma_start3A, %dma_start3A_3] : memref<16x128xi32, #tpu.memory_space<vmem>> -> memref<1x128xi32, #tpu.memory_space<vmem>>
    %dma_start3A_5 = tpu.memref_squeeze %dma_start3A_4 : memref<1x128xi32, #tpu.memory_space<vmem>> -> memref<128xi32, #tpu.memory_space<vmem>>
    %dma_start3A_6 = arith.constant 0 : i32
    %dma_start3A_7 = arith.constant 0 : i32
    %dma_start3A_8 = tpu.memref_slice %arg2[%dma_start3A_6, %dma_start3A_7] : memref<10240x128xi32, #tpu.memory_space<hbm>> -> memref<10240x128xi32, #tpu.memory_space<hbm>>
    tpu.enqueue_indirect_dma source(%dma_start3A_8 : memref<10240x128xi32, #tpu.memory_space<hbm>>) target(%arg10 : memref<128x128xi32, #tpu.memory_space<vmem>>) offsets(%dma_start3A_5 : memref<128xi32, #tpu.memory_space<vmem>>) semaphore(%arg14 : memref<!tpu.dma_semaphore, #tpu.memory_space<semaphore_mem>>)
    %dma_start3A_9 = arith.constant 0 : i32
    %dma_start3A_10 = arith.constant 0 : i32
    %dma_start3A_11 = tpu.memref_slice %arg9[%dma_start3A_9, %dma_start3A_10] : memref<16x128xi32, #tpu.memory_space<vmem>> -> memref<1x128xi32, #tpu.memory_space<vmem>>
    %dma_start3A_12 = tpu.memref_squeeze %dma_start3A_11 : memref<1x128xi32, #tpu.memory_space<vmem>> -> memref<128xi32, #tpu.memory_space<vmem>>
    %dma_start3A_13 = arith.constant 0 : i32
    %dma_start3A_14 = arith.constant 0 : i32
    %dma_start3A_15 = tpu.memref_slice %arg3[%dma_start3A_13, %dma_start3A_14] : memref<10240x128xi32, #tpu.memory_space<hbm>> -> memref<10240x128xi32, #tpu.memory_space<hbm>>
    tpu.enqueue_indirect_dma source(%dma_start3A_15 : memref<10240x128xi32, #tpu.memory_space<hbm>>) target(%arg11 : memref<128x128xi32, #tpu.memory_space<vmem>>) offsets(%dma_start3A_12 : memref<128xi32, #tpu.memory_space<vmem>>) semaphore(%arg15 : memref<!tpu.dma_semaphore, #tpu.memory_space<semaphore_mem>>)
    %dma_start3A_16 = arith.constant 1 : i32
    %dma_start3A_17 = arith.constant 0 : i32
    %dma_start3A_18 = tpu.memref_slice %arg8[%dma_start3A_16, %dma_start3A_17] : memref<16x128xi32, #tpu.memory_space<vmem>> -> memref<1x128xi32, #tpu.memory_space<vmem>>
    %dma_start3A_19 = tpu.memref_squeeze %dma_start3A_18 : memref<1x128xi32, #tpu.memory_space<vmem>> -> memref<128xi32, #tpu.memory_space<vmem>>
    %dma_start3A_20 = arith.constant 0 : i32
    %dma_start3A_21 = arith.constant 0 : i32
    %dma_start3A_22 = tpu.memref_slice %arg2[%dma_start3A_20, %dma_start3A_21] : memref<10240x128xi32, #tpu.memory_space<hbm>> -> memref<10240x128xi32, #tpu.memory_space<hbm>>
    tpu.enqueue_indirect_dma source(%dma_start3A_22 : memref<10240x128xi32, #tpu.memory_space<hbm>>) target(%arg12 : memref<128x128xi32, #tpu.memory_space<vmem>>) offsets(%dma_start3A_19 : memref<128xi32, #tpu.memory_space<vmem>>) semaphore(%arg16 : memref<!tpu.dma_semaphore, #tpu.memory_space<semaphore_mem>>)
    %dma_start3A_23 = arith.constant 1 : i32
    %dma_start3A_24 = arith.constant 0 : i32
    %dma_start3A_25 = tpu.memref_slice %arg9[%dma_start3A_23, %dma_start3A_24] : memref<16x128xi32, #tpu.memory_space<vmem>> -> memref<1x128xi32, #tpu.memory_space<vmem>>
    %dma_start3A_26 = tpu.memref_squeeze %dma_start3A_25 : memref<1x128xi32, #tpu.memory_space<vmem>> -> memref<128xi32, #tpu.memory_space<vmem>>
    %dma_start3A_27 = arith.constant 0 : i32
    %dma_start3A_28 = arith.constant 0 : i32
    %dma_start3A_29 = tpu.memref_slice %arg3[%dma_start3A_27, %dma_start3A_28] : memref<10240x128xi32, #tpu.memory_space<hbm>> -> memref<10240x128xi32, #tpu.memory_space<hbm>>
    tpu.enqueue_indirect_dma source(%dma_start3A_29 : memref<10240x128xi32, #tpu.memory_space<hbm>>) target(%arg13 : memref<128x128xi32, #tpu.memory_space<vmem>>) offsets(%dma_start3A_26 : memref<128xi32, #tpu.memory_space<vmem>>) semaphore(%arg17 : memref<!tpu.dma_semaphore, #tpu.memory_space<semaphore_mem>>)
    %scan3A = arith.constant 0 : i32
    %scan3A_30 = arith.constant 0 : i32
    %scan3A_31 = arith.constant 8 : i32
    %scan3A_32 = arith.addi %scan3A_30, %scan3A_31 : i32
    %scan3A_33 = arith.constant 1 : i32
    scf.for %scan3A_35 = %scan3A_30 to %scan3A_32 step %scan3A_33  : i32 {
      %mul3A_36 = arith.constant 2 : i32
      %mul3A_37 = arith.muli %scan3A_35, %mul3A_36 : i32
      %add3A_38 = arith.constant 1 : i32
      %add3A_39 = arith.addi %mul3A_37, %add3A_38 : i32
      %dma_wait3A = arith.constant 0 : i32
      %dma_wait3A_40 = tpu.memref_slice %arg8[%mul3A_37, %dma_wait3A] : memref<16x128xi32, #tpu.memory_space<vmem>> -> memref<1x128xi32, #tpu.memory_space<vmem>>
      %dma_wait3A_41 = tpu.memref_squeeze %dma_wait3A_40 : memref<1x128xi32, #tpu.memory_space<vmem>> -> memref<128xi32, #tpu.memory_space<vmem>>
      %dma_wait3A_42 = arith.constant 0 : i32
      %dma_wait3A_43 = arith.constant 0 : i32
      %dma_wait3A_44 = tpu.memref_slice %arg2[%dma_wait3A_42, %dma_wait3A_43] : memref<10240x128xi32, #tpu.memory_space<hbm>> -> memref<10240x128xi32, #tpu.memory_space<hbm>>
      tpu.wait_indirect_dma semaphore(%arg14 : memref<!tpu.dma_semaphore, #tpu.memory_space<semaphore_mem>>) src(%dma_wait3A_44 : memref<10240x128xi32, #tpu.memory_space<hbm>>) dst(%arg10 : memref<128x128xi32, #tpu.memory_space<vmem>>)
      %dma_wait3A_45 = arith.constant 0 : i32
      %dma_wait3A_46 = tpu.memref_slice %arg9[%mul3A_37, %dma_wait3A_45] : memref<16x128xi32, #tpu.memory_space<vmem>> -> memref<1x128xi32, #tpu.memory_space<vmem>>
      %dma_wait3A_47 = tpu.memref_squeeze %dma_wait3A_46 : memref<1x128xi32, #tpu.memory_space<vmem>> -> memref<128xi32, #tpu.memory_space<vmem>>
      %dma_wait3A_48 = arith.constant 0 : i32
      %dma_wait3A_49 = arith.constant 0 : i32
      %dma_wait3A_50 = tpu.memref_slice %arg3[%dma_wait3A_48, %dma_wait3A_49] : memref<10240x128xi32, #tpu.memory_space<hbm>> -> memref<10240x128xi32, #tpu.memory_space<hbm>>
      tpu.wait_indirect_dma semaphore(%arg15 : memref<!tpu.dma_semaphore, #tpu.memory_space<semaphore_mem>>) src(%dma_wait3A_50 : memref<10240x128xi32, #tpu.memory_space<hbm>>) dst(%arg11 : memref<128x128xi32, #tpu.memory_space<vmem>>)
      %add3A_51 = arith.addi %multiple_of3A, %mul3A_37 : i32
      %mul3A_52 = arith.constant 128 : i32
      %mul3A_53 = arith.muli %add3A_51, %mul3A_52 : i32
      %multiple_of3A_54 = tpu.assume_multiple %mul3A_53, 8 : i32
      %dma_start3A_55 = arith.constant 0 : i32
      %dma_start3A_56 = tpu.memref_slice %arg6[%multiple_of3A_54, %dma_start3A_55] : memref<65536x128xi32, #tpu.memory_space<hbm>> -> memref<128x128xi32, #tpu.memory_space<hbm>>
      %dma_start3A_57 = arith.constant 0 : i32
      %dma_start3A_58 = tpu.memref_slice %arg6[%multiple_of3A_54, %dma_start3A_57] : memref<65536x128xi32, #tpu.memory_space<hbm>> -> memref<128x128xi32, #tpu.memory_space<hbm>>
      tpu.enqueue_dma source(%arg10 : memref<128x128xi32, #tpu.memory_space<vmem>>) target(%dma_start3A_58 : memref<128x128xi32, #tpu.memory_space<hbm>>) target_semaphore(%arg18 : memref<!tpu.dma_semaphore, #tpu.memory_space<semaphore_mem>>)
      %add3A_59 = arith.addi %multiple_of3A, %mul3A_37 : i32
      %mul3A_60 = arith.constant 128 : i32
      %mul3A_61 = arith.muli %add3A_59, %mul3A_60 : i32
      %multiple_of3A_62 = tpu.assume_multiple %mul3A_61, 8 : i32
      %dma_start3A_63 = arith.constant 0 : i32
      %dma_start3A_64 = tpu.memref_slice %arg7[%multiple_of3A_62, %dma_start3A_63] : memref<65536x128xi32, #tpu.memory_space<hbm>> -> memref<128x128xi32, #tpu.memory_space<hbm>>
      %dma_start3A_65 = arith.constant 0 : i32
      %dma_start3A_66 = tpu.memref_slice %arg7[%multiple_of3A_62, %dma_start3A_65] : memref<65536x128xi32, #tpu.memory_space<hbm>> -> memref<128x128xi32, #tpu.memory_space<hbm>>
      tpu.enqueue_dma source(%arg11 : memref<128x128xi32, #tpu.memory_space<vmem>>) target(%dma_start3A_66 : memref<128x128xi32, #tpu.memory_space<hbm>>) target_semaphore(%arg18 : memref<!tpu.dma_semaphore, #tpu.memory_space<semaphore_mem>>)
      %dma_wait3A_67 = arith.constant 0 : i32
      %dma_wait3A_68 = tpu.memref_slice %arg8[%add3A_39, %dma_wait3A_67] : memref<16x128xi32, #tpu.memory_space<vmem>> -> memref<1x128xi32, #tpu.memory_space<vmem>>
      %dma_wait3A_69 = tpu.memref_squeeze %dma_wait3A_68 : memref<1x128xi32, #tpu.memory_space<vmem>> -> memref<128xi32, #tpu.memory_space<vmem>>
      %dma_wait3A_70 = arith.constant 0 : i32
      %dma_wait3A_71 = arith.constant 0 : i32
      %dma_wait3A_72 = tpu.memref_slice %arg2[%dma_wait3A_70, %dma_wait3A_71] : memref<10240x128xi32, #tpu.memory_space<hbm>> -> memref<10240x128xi32, #tpu.memory_space<hbm>>
      tpu.wait_indirect_dma semaphore(%arg16 : memref<!tpu.dma_semaphore, #tpu.memory_space<semaphore_mem>>) src(%dma_wait3A_72 : memref<10240x128xi32, #tpu.memory_space<hbm>>) dst(%arg12 : memref<128x128xi32, #tpu.memory_space<vmem>>)
      %dma_wait3A_73 = arith.constant 0 : i32
      %dma_wait3A_74 = tpu.memref_slice %arg9[%add3A_39, %dma_wait3A_73] : memref<16x128xi32, #tpu.memory_space<vmem>> -> memref<1x128xi32, #tpu.memory_space<vmem>>
      %dma_wait3A_75 = tpu.memref_squeeze %dma_wait3A_74 : memref<1x128xi32, #tpu.memory_space<vmem>> -> memref<128xi32, #tpu.memory_space<vmem>>
      %dma_wait3A_76 = arith.constant 0 : i32
      %dma_wait3A_77 = arith.constant 0 : i32
      %dma_wait3A_78 = tpu.memref_slice %arg3[%dma_wait3A_76, %dma_wait3A_77] : memref<10240x128xi32, #tpu.memory_space<hbm>> -> memref<10240x128xi32, #tpu.memory_space<hbm>>
      tpu.wait_indirect_dma semaphore(%arg17 : memref<!tpu.dma_semaphore, #tpu.memory_space<semaphore_mem>>) src(%dma_wait3A_78 : memref<10240x128xi32, #tpu.memory_space<hbm>>) dst(%arg13 : memref<128x128xi32, #tpu.memory_space<vmem>>)
      %add3A_79 = arith.addi %multiple_of3A, %add3A_39 : i32
      %mul3A_80 = arith.constant 128 : i32
      %mul3A_81 = arith.muli %add3A_79, %mul3A_80 : i32
      %multiple_of3A_82 = tpu.assume_multiple %mul3A_81, 8 : i32
      %dma_start3A_83 = arith.constant 0 : i32
      %dma_start3A_84 = tpu.memref_slice %arg6[%multiple_of3A_82, %dma_start3A_83] : memref<65536x128xi32, #tpu.memory_space<hbm>> -> memref<128x128xi32, #tpu.memory_space<hbm>>
      %dma_start3A_85 = arith.constant 0 : i32
      %dma_start3A_86 = tpu.memref_slice %arg6[%multiple_of3A_82, %dma_start3A_85] : memref<65536x128xi32, #tpu.memory_space<hbm>> -> memref<128x128xi32, #tpu.memory_space<hbm>>
      tpu.enqueue_dma source(%arg12 : memref<128x128xi32, #tpu.memory_space<vmem>>) target(%dma_start3A_86 : memref<128x128xi32, #tpu.memory_space<hbm>>) target_semaphore(%arg19 : memref<!tpu.dma_semaphore, #tpu.memory_space<semaphore_mem>>)
      %add3A_87 = arith.addi %multiple_of3A, %add3A_39 : i32
      %mul3A_88 = arith.constant 128 : i32
      %mul3A_89 = arith.muli %add3A_87, %mul3A_88 : i32
      %multiple_of3A_90 = tpu.assume_multiple %mul3A_89, 8 : i32
      %dma_start3A_91 = arith.constant 0 : i32
      %dma_start3A_92 = tpu.memref_slice %arg7[%multiple_of3A_90, %dma_start3A_91] : memref<65536x128xi32, #tpu.memory_space<hbm>> -> memref<128x128xi32, #tpu.memory_space<hbm>>
      %dma_start3A_93 = arith.constant 0 : i32
      %dma_start3A_94 = tpu.memref_slice %arg7[%multiple_of3A_90, %dma_start3A_93] : memref<65536x128xi32, #tpu.memory_space<hbm>> -> memref<128x128xi32, #tpu.memory_space<hbm>>
      tpu.enqueue_dma source(%arg13 : memref<128x128xi32, #tpu.memory_space<vmem>>) target(%dma_start3A_94 : memref<128x128xi32, #tpu.memory_space<hbm>>) target_semaphore(%arg19 : memref<!tpu.dma_semaphore, #tpu.memory_space<semaphore_mem>>)
      %add3A_95 = arith.addi %multiple_of3A, %mul3A_37 : i32
      %mul3A_96 = arith.constant 128 : i32
      %mul3A_97 = arith.muli %add3A_95, %mul3A_96 : i32
      %multiple_of3A_98 = tpu.assume_multiple %mul3A_97, 8 : i32
      %dma_wait3A_99 = arith.constant 0 : i32
      %dma_wait3A_100 = tpu.memref_slice %arg6[%multiple_of3A_98, %dma_wait3A_99] : memref<65536x128xi32, #tpu.memory_space<hbm>> -> memref<128x128xi32, #tpu.memory_space<hbm>>
      %dma_wait3A_101 = arith.constant 0 : i32
      %dma_wait3A_102 = tpu.memref_slice %arg6[%multiple_of3A_98, %dma_wait3A_101] : memref<65536x128xi32, #tpu.memory_space<hbm>> -> memref<128x128xi32, #tpu.memory_space<hbm>>
      tpu.wait_dma2 semaphore(%arg18 : memref<!tpu.dma_semaphore, #tpu.memory_space<semaphore_mem>>) src(%arg10 : memref<128x128xi32, #tpu.memory_space<vmem>>) dst(%dma_wait3A_102 : memref<128x128xi32, #tpu.memory_space<hbm>>)
      %add3A_103 = arith.addi %multiple_of3A, %mul3A_37 : i32
      %mul3A_104 = arith.constant 128 : i32
      %mul3A_105 = arith.muli %add3A_103, %mul3A_104 : i32
      %multiple_of3A_106 = tpu.assume_multiple %mul3A_105, 8 : i32
      %dma_wait3A_107 = arith.constant 0 : i32
      %dma_wait3A_108 = tpu.memref_slice %arg7[%multiple_of3A_106, %dma_wait3A_107] : memref<65536x128xi32, #tpu.memory_space<hbm>> -> memref<128x128xi32, #tpu.memory_space<hbm>>
      %dma_wait3A_109 = arith.constant 0 : i32
      %dma_wait3A_110 = tpu.memref_slice %arg7[%multiple_of3A_106, %dma_wait3A_109] : memref<65536x128xi32, #tpu.memory_space<hbm>> -> memref<128x128xi32, #tpu.memory_space<hbm>>
      tpu.wait_dma2 semaphore(%arg18 : memref<!tpu.dma_semaphore, #tpu.memory_space<semaphore_mem>>) src(%arg11 : memref<128x128xi32, #tpu.memory_space<vmem>>) dst(%dma_wait3A_110 : memref<128x128xi32, #tpu.memory_space<hbm>>)
      %add3A_111 = arith.constant 1 : i32
      %add3A_112 = arith.addi %scan3A_35, %add3A_111 : i32
      %lt3A = arith.constant 8 : i32
      %lt3A_113 = arith.cmpi slt, %add3A_112, %lt3A : i32
      %convert_element_type3A = arith.extui %lt3A_113 : i1 to i32
      %cond3A = arith.constant 0 : i32
      %cond3A_114 = arith.cmpi ne, %convert_element_type3A, %cond3A : i32
      scf.if %cond3A_114 {
        %add3A_138 = arith.constant 2 : i32
        %add3A_139 = arith.addi %mul3A_37, %add3A_138 : i32
        %dma_start3A_140 = arith.constant 0 : i32
        %dma_start3A_141 = tpu.memref_slice %arg8[%add3A_139, %dma_start3A_140] : memref<16x128xi32, #tpu.memory_space<vmem>> -> memref<1x128xi32, #tpu.memory_space<vmem>>
        %dma_start3A_142 = tpu.memref_squeeze %dma_start3A_141 : memref<1x128xi32, #tpu.memory_space<vmem>> -> memref<128xi32, #tpu.memory_space<vmem>>
        %dma_start3A_143 = arith.constant 0 : i32
        %dma_start3A_144 = arith.constant 0 : i32
        %dma_start3A_145 = tpu.memref_slice %arg2[%dma_start3A_143, %dma_start3A_144] : memref<10240x128xi32, #tpu.memory_space<hbm>> -> memref<10240x128xi32, #tpu.memory_space<hbm>>
        tpu.enqueue_indirect_dma source(%dma_start3A_145 : memref<10240x128xi32, #tpu.memory_space<hbm>>) target(%arg10 : memref<128x128xi32, #tpu.memory_space<vmem>>) offsets(%dma_start3A_142 : memref<128xi32, #tpu.memory_space<vmem>>) semaphore(%arg14 : memref<!tpu.dma_semaphore, #tpu.memory_space<semaphore_mem>>)
        %dma_start3A_146 = arith.constant 0 : i32
        %dma_start3A_147 = tpu.memref_slice %arg9[%add3A_139, %dma_start3A_146] : memref<16x128xi32, #tpu.memory_space<vmem>> -> memref<1x128xi32, #tpu.memory_space<vmem>>
        %dma_start3A_148 = tpu.memref_squeeze %dma_start3A_147 : memref<1x128xi32, #tpu.memory_space<vmem>> -> memref<128xi32, #tpu.memory_space<vmem>>
        %dma_start3A_149 = arith.constant 0 : i32
        %dma_start3A_150 = arith.constant 0 : i32
        %dma_start3A_151 = tpu.memref_slice %arg3[%dma_start3A_149, %dma_start3A_150] : memref<10240x128xi32, #tpu.memory_space<hbm>> -> memref<10240x128xi32, #tpu.memory_space<hbm>>
        tpu.enqueue_indirect_dma source(%dma_start3A_151 : memref<10240x128xi32, #tpu.memory_space<hbm>>) target(%arg11 : memref<128x128xi32, #tpu.memory_space<vmem>>) offsets(%dma_start3A_148 : memref<128xi32, #tpu.memory_space<vmem>>) semaphore(%arg15 : memref<!tpu.dma_semaphore, #tpu.memory_space<semaphore_mem>>)
      } else {
      }
      %add3A_115 = arith.addi %multiple_of3A, %add3A_39 : i32
      %mul3A_116 = arith.constant 128 : i32
      %mul3A_117 = arith.muli %add3A_115, %mul3A_116 : i32
      %multiple_of3A_118 = tpu.assume_multiple %mul3A_117, 8 : i32
      %dma_wait3A_119 = arith.constant 0 : i32
      %dma_wait3A_120 = tpu.memref_slice %arg6[%multiple_of3A_118, %dma_wait3A_119] : memref<65536x128xi32, #tpu.memory_space<hbm>> -> memref<128x128xi32, #tpu.memory_space<hbm>>
      %dma_wait3A_121 = arith.constant 0 : i32
      %dma_wait3A_122 = tpu.memref_slice %arg6[%multiple_of3A_118, %dma_wait3A_121] : memref<65536x128xi32, #tpu.memory_space<hbm>> -> memref<128x128xi32, #tpu.memory_space<hbm>>
      tpu.wait_dma2 semaphore(%arg19 : memref<!tpu.dma_semaphore, #tpu.memory_space<semaphore_mem>>) src(%arg12 : memref<128x128xi32, #tpu.memory_space<vmem>>) dst(%dma_wait3A_122 : memref<128x128xi32, #tpu.memory_space<hbm>>)
      %add3A_123 = arith.addi %multiple_of3A, %add3A_39 : i32
      %mul3A_124 = arith.constant 128 : i32
      %mul3A_125 = arith.muli %add3A_123, %mul3A_124 : i32
      %multiple_of3A_126 = tpu.assume_multiple %mul3A_125, 8 : i32
      %dma_wait3A_127 = arith.constant 0 : i32
      %dma_wait3A_128 = tpu.memref_slice %arg7[%multiple_of3A_126, %dma_wait3A_127] : memref<65536x128xi32, #tpu.memory_space<hbm>> -> memref<128x128xi32, #tpu.memory_space<hbm>>
      %dma_wait3A_129 = arith.constant 0 : i32
      %dma_wait3A_130 = tpu.memref_slice %arg7[%multiple_of3A_126, %dma_wait3A_129] : memref<65536x128xi32, #tpu.memory_space<hbm>> -> memref<128x128xi32, #tpu.memory_space<hbm>>
      tpu.wait_dma2 semaphore(%arg19 : memref<!tpu.dma_semaphore, #tpu.memory_space<semaphore_mem>>) src(%arg13 : memref<128x128xi32, #tpu.memory_space<vmem>>) dst(%dma_wait3A_130 : memref<128x128xi32, #tpu.memory_space<hbm>>)
      %add3A_131 = arith.constant 1 : i32
      %add3A_132 = arith.addi %scan3A_35, %add3A_131 : i32
      %lt3A_133 = arith.constant 8 : i32
      %lt3A_134 = arith.cmpi slt, %add3A_132, %lt3A_133 : i32
      %convert_element_type3A_135 = arith.extui %lt3A_134 : i1 to i32
      %cond3A_136 = arith.constant 0 : i32
      %cond3A_137 = arith.cmpi ne, %convert_element_type3A_135, %cond3A_136 : i32
      scf.if %cond3A_137 {
        %add3A_138 = arith.constant 2 : i32
        %add3A_139 = arith.addi %add3A_39, %add3A_138 : i32
        %dma_start3A_140 = arith.constant 0 : i32
        %dma_start3A_141 = tpu.memref_slice %arg8[%add3A_139, %dma_start3A_140] : memref<16x128xi32, #tpu.memory_space<vmem>> -> memref<1x128xi32, #tpu.memory_space<vmem>>
        %dma_start3A_142 = tpu.memref_squeeze %dma_start3A_141 : memref<1x128xi32, #tpu.memory_space<vmem>> -> memref<128xi32, #tpu.memory_space<vmem>>
        %dma_start3A_143 = arith.constant 0 : i32
        %dma_start3A_144 = arith.constant 0 : i32
        %dma_start3A_145 = tpu.memref_slice %arg2[%dma_start3A_143, %dma_start3A_144] : memref<10240x128xi32, #tpu.memory_space<hbm>> -> memref<10240x128xi32, #tpu.memory_space<hbm>>
        tpu.enqueue_indirect_dma source(%dma_start3A_145 : memref<10240x128xi32, #tpu.memory_space<hbm>>) target(%arg12 : memref<128x128xi32, #tpu.memory_space<vmem>>) offsets(%dma_start3A_142 : memref<128xi32, #tpu.memory_space<vmem>>) semaphore(%arg16 : memref<!tpu.dma_semaphore, #tpu.memory_space<semaphore_mem>>)
        %dma_start3A_146 = arith.constant 0 : i32
        %dma_start3A_147 = tpu.memref_slice %arg9[%add3A_139, %dma_start3A_146] : memref<16x128xi32, #tpu.memory_space<vmem>> -> memref<1x128xi32, #tpu.memory_space<vmem>>
        %dma_start3A_148 = tpu.memref_squeeze %dma_start3A_147 : memref<1x128xi32, #tpu.memory_space<vmem>> -> memref<128xi32, #tpu.memory_space<vmem>>
        %dma_start3A_149 = arith.constant 0 : i32
        %dma_start3A_150 = arith.constant 0 : i32
        %dma_start3A_151 = tpu.memref_slice %arg3[%dma_start3A_149, %dma_start3A_150] : memref<10240x128xi32, #tpu.memory_space<hbm>> -> memref<10240x128xi32, #tpu.memory_space<hbm>>
        tpu.enqueue_indirect_dma source(%dma_start3A_151 : memref<10240x128xi32, #tpu.memory_space<hbm>>) target(%arg13 : memref<128x128xi32, #tpu.memory_space<vmem>>) offsets(%dma_start3A_148 : memref<128xi32, #tpu.memory_space<vmem>>) semaphore(%arg17 : memref<!tpu.dma_semaphore, #tpu.memory_space<semaphore_mem>>)
      } else {
      }
    }
    %scan3A_34 = arith.constant 8 : i32
    return
  }
}

#map = affine_map<(d0, d1) -> (0, 0)>
module attributes {stable_mosaic.version = 14 : i64} {
  func.func @_gather_body(%arg0: i32, %arg1: i32, %arg2: memref<10240x128xi32, #tpu.memory_space<hbm>>, %arg3: memref<10240x128xi32, #tpu.memory_space<hbm>>, %arg4: memref<512x128xi32, #tpu.memory_space<hbm>>, %arg5: memref<512x128xi32, #tpu.memory_space<hbm>>, %arg6: memref<65536x128xi32, #tpu.memory_space<hbm>>, %arg7: memref<65536x128xi32, #tpu.memory_space<hbm>>, %arg8: memref<16x128xi32, #tpu.memory_space<vmem>>, %arg9: memref<16x128xi32, #tpu.memory_space<vmem>>, %arg10: memref<128x128xi32, #tpu.memory_space<vmem>>, %arg11: memref<128x128xi32, #tpu.memory_space<vmem>>, %arg12: memref<128x128xi32, #tpu.memory_space<vmem>>, %arg13: memref<128x128xi32, #tpu.memory_space<vmem>>, %arg14: memref<!tpu.dma_semaphore, #tpu.memory_space<semaphore_mem>>, %arg15: memref<!tpu.dma_semaphore, #tpu.memory_space<semaphore_mem>>, %arg16: memref<!tpu.dma_semaphore, #tpu.memory_space<semaphore_mem>>, %arg17: memref<!tpu.dma_semaphore, #tpu.memory_space<semaphore_mem>>, %arg18: memref<!tpu.dma_semaphore, #tpu.memory_space<semaphore_mem>>, %arg19: memref<!tpu.dma_semaphore, #tpu.memory_space<semaphore_mem>>) attributes {dimension_semantics = [#tpu.dimension_semantics<core_parallel>, #tpu.dimension_semantics<subcore_parallel>], iteration_bounds = array<i64: 2, 16>, scalar_prefetch = 0 : i64, scratch_operands = 12 : i64, tpu.core_type = #tpu.core_type<sc_vector_subcore>, window_params = [{transform_indices = #map}, {transform_indices = #map}, {transform_indices = #map}, {transform_indices = #map}, {transform_indices = #map}, {transform_indices = #map}]} {
    %mul3A = arith.constant 2 : i32
    %mul3A_0 = arith.muli %arg1, %mul3A : i32
    %add3A = arith.addi %mul3A_0, %arg0 : i32
    %mul3A_1 = arith.constant 16 : i32
    %mul3A_2 = arith.muli %add3A, %mul3A_1 : i32
    %multiple_of3A = tpu.assume_multiple %mul3A_2, 8 : i32
    "tpu.region"() ({
      %run_scoped3A = tpu.sem_alloc : memref<!tpu.dma_semaphore, #tpu.memory_space<semaphore_mem>>
      %dma_start3A_35 = arith.constant 0 : i32
      %dma_start3A_36 = tpu.memref_slice %arg4[%multiple_of3A, %dma_start3A_35] : memref<512x128xi32, #tpu.memory_space<hbm>> -> memref<16x128xi32, #tpu.memory_space<hbm>>
      %dma_start3A_37 = arith.constant 0 : i32
      %dma_start3A_38 = tpu.memref_slice %arg4[%multiple_of3A, %dma_start3A_37] : memref<512x128xi32, #tpu.memory_space<hbm>> -> memref<16x128xi32, #tpu.memory_space<hbm>>
      tpu.enqueue_dma source(%dma_start3A_38 : memref<16x128xi32, #tpu.memory_space<hbm>>) target(%arg8 : memref<16x128xi32, #tpu.memory_space<vmem>>) target_semaphore(%run_scoped3A : memref<!tpu.dma_semaphore, #tpu.memory_space<semaphore_mem>>)
      %dma_wait3A = arith.constant 0 : i32
      %dma_wait3A_39 = tpu.memref_slice %arg4[%multiple_of3A, %dma_wait3A] : memref<512x128xi32, #tpu.memory_space<hbm>> -> memref<16x128xi32, #tpu.memory_space<hbm>>
      %dma_wait3A_40 = arith.constant 0 : i32
      %dma_wait3A_41 = tpu.memref_slice %arg4[%multiple_of3A, %dma_wait3A_40] : memref<512x128xi32, #tpu.memory_space<hbm>> -> memref<16x128xi32, #tpu.memory_space<hbm>>
      tpu.wait_dma2 semaphore(%run_scoped3A : memref<!tpu.dma_semaphore, #tpu.memory_space<semaphore_mem>>) src(%dma_wait3A_41 : memref<16x128xi32, #tpu.memory_space<hbm>>) dst(%arg8 : memref<16x128xi32, #tpu.memory_space<vmem>>)
      tpu.yield
    }) : () -> ()
    "tpu.region"() ({
      %run_scoped3A = tpu.sem_alloc : memref<!tpu.dma_semaphore, #tpu.memory_space<semaphore_mem>>
      %dma_start3A_35 = arith.constant 0 : i32
      %dma_start3A_36 = tpu.memref_slice %arg5[%multiple_of3A, %dma_start3A_35] : memref<512x128xi32, #tpu.memory_space<hbm>> -> memref<16x128xi32, #tpu.memory_space<hbm>>
      %dma_start3A_37 = arith.constant 0 : i32
      %dma_start3A_38 = tpu.memref_slice %arg5[%multiple_of3A, %dma_start3A_37] : memref<512x128xi32, #tpu.memory_space<hbm>> -> memref<16x128xi32, #tpu.memory_space<hbm>>
      tpu.enqueue_dma source(%dma_start3A_38 : memref<16x128xi32, #tpu.memory_space<hbm>>) target(%arg9 : memref<16x128xi32, #tpu.memory_space<vmem>>) target_semaphore(%run_scoped3A : memref<!tpu.dma_semaphore, #tpu.memory_space<semaphore_mem>>)
      %dma_wait3A = arith.constant 0 : i32
      %dma_wait3A_39 = tpu.memref_slice %arg5[%multiple_of3A, %dma_wait3A] : memref<512x128xi32, #tpu.memory_space<hbm>> -> memref<16x128xi32, #tpu.memory_space<hbm>>
      %dma_wait3A_40 = arith.constant 0 : i32
      %dma_wait3A_41 = tpu.memref_slice %arg5[%multiple_of3A, %dma_wait3A_40] : memref<512x128xi32, #tpu.memory_space<hbm>> -> memref<16x128xi32, #tpu.memory_space<hbm>>
      tpu.wait_dma2 semaphore(%run_scoped3A : memref<!tpu.dma_semaphore, #tpu.memory_space<semaphore_mem>>) src(%dma_wait3A_41 : memref<16x128xi32, #tpu.memory_space<hbm>>) dst(%arg9 : memref<16x128xi32, #tpu.memory_space<vmem>>)
      tpu.yield
    }) : () -> ()
    %dma_start3A = arith.constant 0 : i32
    %dma_start3A_3 = arith.constant 0 : i32
    %dma_start3A_4 = tpu.memref_slice %arg8[%dma_start3A, %dma_start3A_3] : memref<16x128xi32, #tpu.memory_space<vmem>> -> memref<1x128xi32, #tpu.memory_space<vmem>>
    %dma_start3A_5 = tpu.memref_squeeze %dma_start3A_4 : memref<1x128xi32, #tpu.memory_space<vmem>> -> memref<128xi32, #tpu.memory_space<vmem>>
    %dma_start3A_6 = arith.constant 0 : i32
    %dma_start3A_7 = arith.constant 0 : i32
    %dma_start3A_8 = tpu.memref_slice %arg2[%dma_start3A_6, %dma_start3A_7] : memref<10240x128xi32, #tpu.memory_space<hbm>> -> memref<10240x128xi32, #tpu.memory_space<hbm>>
    tpu.enqueue_indirect_dma source(%dma_start3A_8 : memref<10240x128xi32, #tpu.memory_space<hbm>>) target(%arg10 : memref<128x128xi32, #tpu.memory_space<vmem>>) offsets(%dma_start3A_5 : memref<128xi32, #tpu.memory_space<vmem>>) semaphore(%arg14 : memref<!tpu.dma_semaphore, #tpu.memory_space<semaphore_mem>>)
    %dma_start3A_9 = arith.constant 0 : i32
    %dma_start3A_10 = arith.constant 0 : i32
    %dma_start3A_11 = tpu.memref_slice %arg9[%dma_start3A_9, %dma_start3A_10] : memref<16x128xi32, #tpu.memory_space<vmem>> -> memref<1x128xi32, #tpu.memory_space<vmem>>
    %dma_start3A_12 = tpu.memref_squeeze %dma_start3A_11 : memref<1x128xi32, #tpu.memory_space<vmem>> -> memref<128xi32, #tpu.memory_space<vmem>>
    %dma_start3A_13 = arith.constant 0 : i32
    %dma_start3A_14 = arith.constant 0 : i32
    %dma_start3A_15 = tpu.memref_slice %arg3[%dma_start3A_13, %dma_start3A_14] : memref<10240x128xi32, #tpu.memory_space<hbm>> -> memref<10240x128xi32, #tpu.memory_space<hbm>>
    tpu.enqueue_indirect_dma source(%dma_start3A_15 : memref<10240x128xi32, #tpu.memory_space<hbm>>) target(%arg11 : memref<128x128xi32, #tpu.memory_space<vmem>>) offsets(%dma_start3A_12 : memref<128xi32, #tpu.memory_space<vmem>>) semaphore(%arg15 : memref<!tpu.dma_semaphore, #tpu.memory_space<semaphore_mem>>)
    %dma_start3A_16 = arith.constant 1 : i32
    %dma_start3A_17 = arith.constant 0 : i32
    %dma_start3A_18 = tpu.memref_slice %arg8[%dma_start3A_16, %dma_start3A_17] : memref<16x128xi32, #tpu.memory_space<vmem>> -> memref<1x128xi32, #tpu.memory_space<vmem>>
    %dma_start3A_19 = tpu.memref_squeeze %dma_start3A_18 : memref<1x128xi32, #tpu.memory_space<vmem>> -> memref<128xi32, #tpu.memory_space<vmem>>
    %dma_start3A_20 = arith.constant 0 : i32
    %dma_start3A_21 = arith.constant 0 : i32
    %dma_start3A_22 = tpu.memref_slice %arg2[%dma_start3A_20, %dma_start3A_21] : memref<10240x128xi32, #tpu.memory_space<hbm>> -> memref<10240x128xi32, #tpu.memory_space<hbm>>
    tpu.enqueue_indirect_dma source(%dma_start3A_22 : memref<10240x128xi32, #tpu.memory_space<hbm>>) target(%arg12 : memref<128x128xi32, #tpu.memory_space<vmem>>) offsets(%dma_start3A_19 : memref<128xi32, #tpu.memory_space<vmem>>) semaphore(%arg16 : memref<!tpu.dma_semaphore, #tpu.memory_space<semaphore_mem>>)
    %dma_start3A_23 = arith.constant 1 : i32
    %dma_start3A_24 = arith.constant 0 : i32
    %dma_start3A_25 = tpu.memref_slice %arg9[%dma_start3A_23, %dma_start3A_24] : memref<16x128xi32, #tpu.memory_space<vmem>> -> memref<1x128xi32, #tpu.memory_space<vmem>>
    %dma_start3A_26 = tpu.memref_squeeze %dma_start3A_25 : memref<1x128xi32, #tpu.memory_space<vmem>> -> memref<128xi32, #tpu.memory_space<vmem>>
    %dma_start3A_27 = arith.constant 0 : i32
    %dma_start3A_28 = arith.constant 0 : i32
    %dma_start3A_29 = tpu.memref_slice %arg3[%dma_start3A_27, %dma_start3A_28] : memref<10240x128xi32, #tpu.memory_space<hbm>> -> memref<10240x128xi32, #tpu.memory_space<hbm>>
    tpu.enqueue_indirect_dma source(%dma_start3A_29 : memref<10240x128xi32, #tpu.memory_space<hbm>>) target(%arg13 : memref<128x128xi32, #tpu.memory_space<vmem>>) offsets(%dma_start3A_26 : memref<128xi32, #tpu.memory_space<vmem>>) semaphore(%arg17 : memref<!tpu.dma_semaphore, #tpu.memory_space<semaphore_mem>>)
    %scan3A = arith.constant 0 : i32
    %scan3A_30 = arith.constant 0 : i32
    %scan3A_31 = arith.constant 8 : i32
    %scan3A_32 = arith.addi %scan3A_30, %scan3A_31 : i32
    %scan3A_33 = arith.constant 1 : i32
    scf.for %scan3A_35 = %scan3A_30 to %scan3A_32 step %scan3A_33  : i32 {
      %mul3A_36 = arith.constant 2 : i32
      %mul3A_37 = arith.muli %scan3A_35, %mul3A_36 : i32
      %add3A_38 = arith.constant 1 : i32
      %add3A_39 = arith.addi %mul3A_37, %add3A_38 : i32
      %dma_wait3A = arith.constant 0 : i32
      %dma_wait3A_40 = tpu.memref_slice %arg8[%mul3A_37, %dma_wait3A] : memref<16x128xi32, #tpu.memory_space<vmem>> -> memref<1x128xi32, #tpu.memory_space<vmem>>
      %dma_wait3A_41 = tpu.memref_squeeze %dma_wait3A_40 : memref<1x128xi32, #tpu.memory_space<vmem>> -> memref<128xi32, #tpu.memory_space<vmem>>
      %dma_wait3A_42 = arith.constant 0 : i32
      %dma_wait3A_43 = arith.constant 0 : i32
      %dma_wait3A_44 = tpu.memref_slice %arg2[%dma_wait3A_42, %dma_wait3A_43] : memref<10240x128xi32, #tpu.memory_space<hbm>> -> memref<10240x128xi32, #tpu.memory_space<hbm>>
      tpu.wait_indirect_dma semaphore(%arg14 : memref<!tpu.dma_semaphore, #tpu.memory_space<semaphore_mem>>) src(%dma_wait3A_44 : memref<10240x128xi32, #tpu.memory_space<hbm>>) dst(%arg10 : memref<128x128xi32, #tpu.memory_space<vmem>>)
      %dma_wait3A_45 = arith.constant 0 : i32
      %dma_wait3A_46 = tpu.memref_slice %arg9[%mul3A_37, %dma_wait3A_45] : memref<16x128xi32, #tpu.memory_space<vmem>> -> memref<1x128xi32, #tpu.memory_space<vmem>>
      %dma_wait3A_47 = tpu.memref_squeeze %dma_wait3A_46 : memref<1x128xi32, #tpu.memory_space<vmem>> -> memref<128xi32, #tpu.memory_space<vmem>>
      %dma_wait3A_48 = arith.constant 0 : i32
      %dma_wait3A_49 = arith.constant 0 : i32
      %dma_wait3A_50 = tpu.memref_slice %arg3[%dma_wait3A_48, %dma_wait3A_49] : memref<10240x128xi32, #tpu.memory_space<hbm>> -> memref<10240x128xi32, #tpu.memory_space<hbm>>
      tpu.wait_indirect_dma semaphore(%arg15 : memref<!tpu.dma_semaphore, #tpu.memory_space<semaphore_mem>>) src(%dma_wait3A_50 : memref<10240x128xi32, #tpu.memory_space<hbm>>) dst(%arg11 : memref<128x128xi32, #tpu.memory_space<vmem>>)
      %add3A_51 = arith.addi %multiple_of3A, %mul3A_37 : i32
      %mul3A_52 = arith.constant 128 : i32
      %mul3A_53 = arith.muli %add3A_51, %mul3A_52 : i32
      %multiple_of3A_54 = tpu.assume_multiple %mul3A_53, 8 : i32
      %dma_start3A_55 = arith.constant 0 : i32
      %dma_start3A_56 = tpu.memref_slice %arg6[%multiple_of3A_54, %dma_start3A_55] : memref<65536x128xi32, #tpu.memory_space<hbm>> -> memref<128x128xi32, #tpu.memory_space<hbm>>
      %dma_start3A_57 = arith.constant 0 : i32
      %dma_start3A_58 = tpu.memref_slice %arg6[%multiple_of3A_54, %dma_start3A_57] : memref<65536x128xi32, #tpu.memory_space<hbm>> -> memref<128x128xi32, #tpu.memory_space<hbm>>
      tpu.enqueue_dma source(%arg10 : memref<128x128xi32, #tpu.memory_space<vmem>>) target(%dma_start3A_58 : memref<128x128xi32, #tpu.memory_space<hbm>>) target_semaphore(%arg18 : memref<!tpu.dma_semaphore, #tpu.memory_space<semaphore_mem>>)
      %add3A_59 = arith.addi %multiple_of3A, %mul3A_37 : i32
      %mul3A_60 = arith.constant 128 : i32
      %mul3A_61 = arith.muli %add3A_59, %mul3A_60 : i32
      %multiple_of3A_62 = tpu.assume_multiple %mul3A_61, 8 : i32
      %dma_start3A_63 = arith.constant 0 : i32
      %dma_start3A_64 = tpu.memref_slice %arg7[%multiple_of3A_62, %dma_start3A_63] : memref<65536x128xi32, #tpu.memory_space<hbm>> -> memref<128x128xi32, #tpu.memory_space<hbm>>
      %dma_start3A_65 = arith.constant 0 : i32
      %dma_start3A_66 = tpu.memref_slice %arg7[%multiple_of3A_62, %dma_start3A_65] : memref<65536x128xi32, #tpu.memory_space<hbm>> -> memref<128x128xi32, #tpu.memory_space<hbm>>
      tpu.enqueue_dma source(%arg11 : memref<128x128xi32, #tpu.memory_space<vmem>>) target(%dma_start3A_66 : memref<128x128xi32, #tpu.memory_space<hbm>>) target_semaphore(%arg18 : memref<!tpu.dma_semaphore, #tpu.memory_space<semaphore_mem>>)
      %dma_wait3A_67 = arith.constant 0 : i32
      %dma_wait3A_68 = tpu.memref_slice %arg8[%add3A_39, %dma_wait3A_67] : memref<16x128xi32, #tpu.memory_space<vmem>> -> memref<1x128xi32, #tpu.memory_space<vmem>>
      %dma_wait3A_69 = tpu.memref_squeeze %dma_wait3A_68 : memref<1x128xi32, #tpu.memory_space<vmem>> -> memref<128xi32, #tpu.memory_space<vmem>>
      %dma_wait3A_70 = arith.constant 0 : i32
      %dma_wait3A_71 = arith.constant 0 : i32
      %dma_wait3A_72 = tpu.memref_slice %arg2[%dma_wait3A_70, %dma_wait3A_71] : memref<10240x128xi32, #tpu.memory_space<hbm>> -> memref<10240x128xi32, #tpu.memory_space<hbm>>
      tpu.wait_indirect_dma semaphore(%arg16 : memref<!tpu.dma_semaphore, #tpu.memory_space<semaphore_mem>>) src(%dma_wait3A_72 : memref<10240x128xi32, #tpu.memory_space<hbm>>) dst(%arg12 : memref<128x128xi32, #tpu.memory_space<vmem>>)
      %dma_wait3A_73 = arith.constant 0 : i32
      %dma_wait3A_74 = tpu.memref_slice %arg9[%add3A_39, %dma_wait3A_73] : memref<16x128xi32, #tpu.memory_space<vmem>> -> memref<1x128xi32, #tpu.memory_space<vmem>>
      %dma_wait3A_75 = tpu.memref_squeeze %dma_wait3A_74 : memref<1x128xi32, #tpu.memory_space<vmem>> -> memref<128xi32, #tpu.memory_space<vmem>>
      %dma_wait3A_76 = arith.constant 0 : i32
      %dma_wait3A_77 = arith.constant 0 : i32
      %dma_wait3A_78 = tpu.memref_slice %arg3[%dma_wait3A_76, %dma_wait3A_77] : memref<10240x128xi32, #tpu.memory_space<hbm>> -> memref<10240x128xi32, #tpu.memory_space<hbm>>
      tpu.wait_indirect_dma semaphore(%arg17 : memref<!tpu.dma_semaphore, #tpu.memory_space<semaphore_mem>>) src(%dma_wait3A_78 : memref<10240x128xi32, #tpu.memory_space<hbm>>) dst(%arg13 : memref<128x128xi32, #tpu.memory_space<vmem>>)
      %add3A_79 = arith.addi %multiple_of3A, %add3A_39 : i32
      %mul3A_80 = arith.constant 128 : i32
      %mul3A_81 = arith.muli %add3A_79, %mul3A_80 : i32
      %multiple_of3A_82 = tpu.assume_multiple %mul3A_81, 8 : i32
      %dma_start3A_83 = arith.constant 0 : i32
      %dma_start3A_84 = tpu.memref_slice %arg6[%multiple_of3A_82, %dma_start3A_83] : memref<65536x128xi32, #tpu.memory_space<hbm>> -> memref<128x128xi32, #tpu.memory_space<hbm>>
      %dma_start3A_85 = arith.constant 0 : i32
      %dma_start3A_86 = tpu.memref_slice %arg6[%multiple_of3A_82, %dma_start3A_85] : memref<65536x128xi32, #tpu.memory_space<hbm>> -> memref<128x128xi32, #tpu.memory_space<hbm>>
      tpu.enqueue_dma source(%arg12 : memref<128x128xi32, #tpu.memory_space<vmem>>) target(%dma_start3A_86 : memref<128x128xi32, #tpu.memory_space<hbm>>) target_semaphore(%arg19 : memref<!tpu.dma_semaphore, #tpu.memory_space<semaphore_mem>>)
      %add3A_87 = arith.addi %multiple_of3A, %add3A_39 : i32
      %mul3A_88 = arith.constant 128 : i32
      %mul3A_89 = arith.muli %add3A_87, %mul3A_88 : i32
      %multiple_of3A_90 = tpu.assume_multiple %mul3A_89, 8 : i32
      %dma_start3A_91 = arith.constant 0 : i32
      %dma_start3A_92 = tpu.memref_slice %arg7[%multiple_of3A_90, %dma_start3A_91] : memref<65536x128xi32, #tpu.memory_space<hbm>> -> memref<128x128xi32, #tpu.memory_space<hbm>>
      %dma_start3A_93 = arith.constant 0 : i32
      %dma_start3A_94 = tpu.memref_slice %arg7[%multiple_of3A_90, %dma_start3A_93] : memref<65536x128xi32, #tpu.memory_space<hbm>> -> memref<128x128xi32, #tpu.memory_space<hbm>>
      tpu.enqueue_dma source(%arg13 : memref<128x128xi32, #tpu.memory_space<vmem>>) target(%dma_start3A_94 : memref<128x128xi32, #tpu.memory_space<hbm>>) target_semaphore(%arg19 : memref<!tpu.dma_semaphore, #tpu.memory_space<semaphore_mem>>)
      %add3A_95 = arith.addi %multiple_of3A, %mul3A_37 : i32
      %mul3A_96 = arith.constant 128 : i32
      %mul3A_97 = arith.muli %add3A_95, %mul3A_96 : i32
      %multiple_of3A_98 = tpu.assume_multiple %mul3A_97, 8 : i32
      %dma_wait3A_99 = arith.constant 0 : i32
      %dma_wait3A_100 = tpu.memref_slice %arg6[%multiple_of3A_98, %dma_wait3A_99] : memref<65536x128xi32, #tpu.memory_space<hbm>> -> memref<128x128xi32, #tpu.memory_space<hbm>>
      %dma_wait3A_101 = arith.constant 0 : i32
      %dma_wait3A_102 = tpu.memref_slice %arg6[%multiple_of3A_98, %dma_wait3A_101] : memref<65536x128xi32, #tpu.memory_space<hbm>> -> memref<128x128xi32, #tpu.memory_space<hbm>>
      tpu.wait_dma2 semaphore(%arg18 : memref<!tpu.dma_semaphore, #tpu.memory_space<semaphore_mem>>) src(%arg10 : memref<128x128xi32, #tpu.memory_space<vmem>>) dst(%dma_wait3A_102 : memref<128x128xi32, #tpu.memory_space<hbm>>)
      %add3A_103 = arith.addi %multiple_of3A, %mul3A_37 : i32
      %mul3A_104 = arith.constant 128 : i32
      %mul3A_105 = arith.muli %add3A_103, %mul3A_104 : i32
      %multiple_of3A_106 = tpu.assume_multiple %mul3A_105, 8 : i32
      %dma_wait3A_107 = arith.constant 0 : i32
      %dma_wait3A_108 = tpu.memref_slice %arg7[%multiple_of3A_106, %dma_wait3A_107] : memref<65536x128xi32, #tpu.memory_space<hbm>> -> memref<128x128xi32, #tpu.memory_space<hbm>>
      %dma_wait3A_109 = arith.constant 0 : i32
      %dma_wait3A_110 = tpu.memref_slice %arg7[%multiple_of3A_106, %dma_wait3A_109] : memref<65536x128xi32, #tpu.memory_space<hbm>> -> memref<128x128xi32, #tpu.memory_space<hbm>>
      tpu.wait_dma2 semaphore(%arg18 : memref<!tpu.dma_semaphore, #tpu.memory_space<semaphore_mem>>) src(%arg11 : memref<128x128xi32, #tpu.memory_space<vmem>>) dst(%dma_wait3A_110 : memref<128x128xi32, #tpu.memory_space<hbm>>)
      %add3A_111 = arith.constant 1 : i32
      %add3A_112 = arith.addi %scan3A_35, %add3A_111 : i32
      %lt3A = arith.constant 8 : i32
      %lt3A_113 = arith.cmpi slt, %add3A_112, %lt3A : i32
      %convert_element_type3A = arith.extui %lt3A_113 : i1 to i32
      %cond3A = arith.constant 0 : i32
      %cond3A_114 = arith.cmpi ne, %convert_element_type3A, %cond3A : i32
      scf.if %cond3A_114 {
        %add3A_138 = arith.constant 2 : i32
        %add3A_139 = arith.addi %mul3A_37, %add3A_138 : i32
        %dma_start3A_140 = arith.constant 0 : i32
        %dma_start3A_141 = tpu.memref_slice %arg8[%add3A_139, %dma_start3A_140] : memref<16x128xi32, #tpu.memory_space<vmem>> -> memref<1x128xi32, #tpu.memory_space<vmem>>
        %dma_start3A_142 = tpu.memref_squeeze %dma_start3A_141 : memref<1x128xi32, #tpu.memory_space<vmem>> -> memref<128xi32, #tpu.memory_space<vmem>>
        %dma_start3A_143 = arith.constant 0 : i32
        %dma_start3A_144 = arith.constant 0 : i32
        %dma_start3A_145 = tpu.memref_slice %arg2[%dma_start3A_143, %dma_start3A_144] : memref<10240x128xi32, #tpu.memory_space<hbm>> -> memref<10240x128xi32, #tpu.memory_space<hbm>>
        tpu.enqueue_indirect_dma source(%dma_start3A_145 : memref<10240x128xi32, #tpu.memory_space<hbm>>) target(%arg10 : memref<128x128xi32, #tpu.memory_space<vmem>>) offsets(%dma_start3A_142 : memref<128xi32, #tpu.memory_space<vmem>>) semaphore(%arg14 : memref<!tpu.dma_semaphore, #tpu.memory_space<semaphore_mem>>)
        %dma_start3A_146 = arith.constant 0 : i32
        %dma_start3A_147 = tpu.memref_slice %arg9[%add3A_139, %dma_start3A_146] : memref<16x128xi32, #tpu.memory_space<vmem>> -> memref<1x128xi32, #tpu.memory_space<vmem>>
        %dma_start3A_148 = tpu.memref_squeeze %dma_start3A_147 : memref<1x128xi32, #tpu.memory_space<vmem>> -> memref<128xi32, #tpu.memory_space<vmem>>
        %dma_start3A_149 = arith.constant 0 : i32
        %dma_start3A_150 = arith.constant 0 : i32
        %dma_start3A_151 = tpu.memref_slice %arg3[%dma_start3A_149, %dma_start3A_150] : memref<10240x128xi32, #tpu.memory_space<hbm>> -> memref<10240x128xi32, #tpu.memory_space<hbm>>
        tpu.enqueue_indirect_dma source(%dma_start3A_151 : memref<10240x128xi32, #tpu.memory_space<hbm>>) target(%arg11 : memref<128x128xi32, #tpu.memory_space<vmem>>) offsets(%dma_start3A_148 : memref<128xi32, #tpu.memory_space<vmem>>) semaphore(%arg15 : memref<!tpu.dma_semaphore, #tpu.memory_space<semaphore_mem>>)
      } else {
      }
      %add3A_115 = arith.addi %multiple_of3A, %add3A_39 : i32
      %mul3A_116 = arith.constant 128 : i32
      %mul3A_117 = arith.muli %add3A_115, %mul3A_116 : i32
      %multiple_of3A_118 = tpu.assume_multiple %mul3A_117, 8 : i32
      %dma_wait3A_119 = arith.constant 0 : i32
      %dma_wait3A_120 = tpu.memref_slice %arg6[%multiple_of3A_118, %dma_wait3A_119] : memref<65536x128xi32, #tpu.memory_space<hbm>> -> memref<128x128xi32, #tpu.memory_space<hbm>>
      %dma_wait3A_121 = arith.constant 0 : i32
      %dma_wait3A_122 = tpu.memref_slice %arg6[%multiple_of3A_118, %dma_wait3A_121] : memref<65536x128xi32, #tpu.memory_space<hbm>> -> memref<128x128xi32, #tpu.memory_space<hbm>>
      tpu.wait_dma2 semaphore(%arg19 : memref<!tpu.dma_semaphore, #tpu.memory_space<semaphore_mem>>) src(%arg12 : memref<128x128xi32, #tpu.memory_space<vmem>>) dst(%dma_wait3A_122 : memref<128x128xi32, #tpu.memory_space<hbm>>)
      %add3A_123 = arith.addi %multiple_of3A, %add3A_39 : i32
      %mul3A_124 = arith.constant 128 : i32
      %mul3A_125 = arith.muli %add3A_123, %mul3A_124 : i32
      %multiple_of3A_126 = tpu.assume_multiple %mul3A_125, 8 : i32
      %dma_wait3A_127 = arith.constant 0 : i32
      %dma_wait3A_128 = tpu.memref_slice %arg7[%multiple_of3A_126, %dma_wait3A_127] : memref<65536x128xi32, #tpu.memory_space<hbm>> -> memref<128x128xi32, #tpu.memory_space<hbm>>
      %dma_wait3A_129 = arith.constant 0 : i32
      %dma_wait3A_130 = tpu.memref_slice %arg7[%multiple_of3A_126, %dma_wait3A_129] : memref<65536x128xi32, #tpu.memory_space<hbm>> -> memref<128x128xi32, #tpu.memory_space<hbm>>
      tpu.wait_dma2 semaphore(%arg19 : memref<!tpu.dma_semaphore, #tpu.memory_space<semaphore_mem>>) src(%arg13 : memref<128x128xi32, #tpu.memory_space<vmem>>) dst(%dma_wait3A_130 : memref<128x128xi32, #tpu.memory_space<hbm>>)
      %add3A_131 = arith.constant 1 : i32
      %add3A_132 = arith.addi %scan3A_35, %add3A_131 : i32
      %lt3A_133 = arith.constant 8 : i32
      %lt3A_134 = arith.cmpi slt, %add3A_132, %lt3A_133 : i32
      %convert_element_type3A_135 = arith.extui %lt3A_134 : i1 to i32
      %cond3A_136 = arith.constant 0 : i32
      %cond3A_137 = arith.cmpi ne, %convert_element_type3A_135, %cond3A_136 : i32
      scf.if %cond3A_137 {
        %add3A_138 = arith.constant 2 : i32
        %add3A_139 = arith.addi %add3A_39, %add3A_138 : i32
        %dma_start3A_140 = arith.constant 0 : i32
        %dma_start3A_141 = tpu.memref_slice %arg8[%add3A_139, %dma_start3A_140] : memref<16x128xi32, #tpu.memory_space<vmem>> -> memref<1x128xi32, #tpu.memory_space<vmem>>
        %dma_start3A_142 = tpu.memref_squeeze %dma_start3A_141 : memref<1x128xi32, #tpu.memory_space<vmem>> -> memref<128xi32, #tpu.memory_space<vmem>>
        %dma_start3A_143 = arith.constant 0 : i32
        %dma_start3A_144 = arith.constant 0 : i32
        %dma_start3A_145 = tpu.memref_slice %arg2[%dma_start3A_143, %dma_start3A_144] : memref<10240x128xi32, #tpu.memory_space<hbm>> -> memref<10240x128xi32, #tpu.memory_space<hbm>>
        tpu.enqueue_indirect_dma source(%dma_start3A_145 : memref<10240x128xi32, #tpu.memory_space<hbm>>) target(%arg12 : memref<128x128xi32, #tpu.memory_space<vmem>>) offsets(%dma_start3A_142 : memref<128xi32, #tpu.memory_space<vmem>>) semaphore(%arg16 : memref<!tpu.dma_semaphore, #tpu.memory_space<semaphore_mem>>)
        %dma_start3A_146 = arith.constant 0 : i32
        %dma_start3A_147 = tpu.memref_slice %arg9[%add3A_139, %dma_start3A_146] : memref<16x128xi32, #tpu.memory_space<vmem>> -> memref<1x128xi32, #tpu.memory_space<vmem>>
        %dma_start3A_148 = tpu.memref_squeeze %dma_start3A_147 : memref<1x128xi32, #tpu.memory_space<vmem>> -> memref<128xi32, #tpu.memory_space<vmem>>
        %dma_start3A_149 = arith.constant 0 : i32
        %dma_start3A_150 = arith.constant 0 : i32
        %dma_start3A_151 = tpu.memref_slice %arg3[%dma_start3A_149, %dma_start3A_150] : memref<10240x128xi32, #tpu.memory_space<hbm>> -> memref<10240x128xi32, #tpu.memory_space<hbm>>
        tpu.enqueue_indirect_dma source(%dma_start3A_151 : memref<10240x128xi32, #tpu.memory_space<hbm>>) target(%arg13 : memref<128x128xi32, #tpu.memory_space<vmem>>) offsets(%dma_start3A_148 : memref<128xi32, #tpu.memory_space<vmem>>) semaphore(%arg17 : memref<!tpu.dma_semaphore, #tpu.memory_space<semaphore_mem>>)
      } else {
      }
    }
    %scan3A_34 = arith.constant 8 : i32
    return
  }
}

#map = affine_map<(d0, d1) -> (0, 0)>
module attributes {stable_mosaic.version = 14 : i64} {
  func.func @_gather_body(%arg0: i32, %arg1: i32, %arg2: memref<10240x128xi32, #tpu.memory_space<hbm>>, %arg3: memref<10240x128xi32, #tpu.memory_space<hbm>>, %arg4: memref<512x128xi32, #tpu.memory_space<hbm>>, %arg5: memref<512x128xi32, #tpu.memory_space<hbm>>, %arg6: memref<65536x128xi32, #tpu.memory_space<hbm>>, %arg7: memref<65536x128xi32, #tpu.memory_space<hbm>>, %arg8: memref<16x128xi32, #tpu.memory_space<vmem>>, %arg9: memref<16x128xi32, #tpu.memory_space<vmem>>, %arg10: memref<128x128xi32, #tpu.memory_space<vmem>>, %arg11: memref<128x128xi32, #tpu.memory_space<vmem>>, %arg12: memref<128x128xi32, #tpu.memory_space<vmem>>, %arg13: memref<128x128xi32, #tpu.memory_space<vmem>>, %arg14: memref<!tpu.dma_semaphore, #tpu.memory_space<semaphore_mem>>, %arg15: memref<!tpu.dma_semaphore, #tpu.memory_space<semaphore_mem>>, %arg16: memref<!tpu.dma_semaphore, #tpu.memory_space<semaphore_mem>>, %arg17: memref<!tpu.dma_semaphore, #tpu.memory_space<semaphore_mem>>, %arg18: memref<!tpu.dma_semaphore, #tpu.memory_space<semaphore_mem>>, %arg19: memref<!tpu.dma_semaphore, #tpu.memory_space<semaphore_mem>>) attributes {dimension_semantics = [#tpu.dimension_semantics<core_parallel>, #tpu.dimension_semantics<subcore_parallel>], iteration_bounds = array<i64: 2, 16>, scalar_prefetch = 0 : i64, scratch_operands = 12 : i64, tpu.core_type = #tpu.core_type<sc_vector_subcore>, window_params = [{transform_indices = #map}, {transform_indices = #map}, {transform_indices = #map}, {transform_indices = #map}, {transform_indices = #map}, {transform_indices = #map}]} {
    %mul3A = arith.constant 2 : i32
    %mul3A_0 = arith.muli %arg1, %mul3A : i32
    %add3A = arith.addi %mul3A_0, %arg0 : i32
    %mul3A_1 = arith.constant 16 : i32
    %mul3A_2 = arith.muli %add3A, %mul3A_1 : i32
    %multiple_of3A = tpu.assume_multiple %mul3A_2, 8 : i32
    "tpu.region"() ({
      %run_scoped3A = tpu.sem_alloc : memref<!tpu.dma_semaphore, #tpu.memory_space<semaphore_mem>>
      %dma_start3A_35 = arith.constant 0 : i32
      %dma_start3A_36 = tpu.memref_slice %arg4[%multiple_of3A, %dma_start3A_35] : memref<512x128xi32, #tpu.memory_space<hbm>> -> memref<16x128xi32, #tpu.memory_space<hbm>>
      %dma_start3A_37 = arith.constant 0 : i32
      %dma_start3A_38 = tpu.memref_slice %arg4[%multiple_of3A, %dma_start3A_37] : memref<512x128xi32, #tpu.memory_space<hbm>> -> memref<16x128xi32, #tpu.memory_space<hbm>>
      tpu.enqueue_dma source(%dma_start3A_38 : memref<16x128xi32, #tpu.memory_space<hbm>>) target(%arg8 : memref<16x128xi32, #tpu.memory_space<vmem>>) target_semaphore(%run_scoped3A : memref<!tpu.dma_semaphore, #tpu.memory_space<semaphore_mem>>)
      %dma_wait3A = arith.constant 0 : i32
      %dma_wait3A_39 = tpu.memref_slice %arg4[%multiple_of3A, %dma_wait3A] : memref<512x128xi32, #tpu.memory_space<hbm>> -> memref<16x128xi32, #tpu.memory_space<hbm>>
      %dma_wait3A_40 = arith.constant 0 : i32
      %dma_wait3A_41 = tpu.memref_slice %arg4[%multiple_of3A, %dma_wait3A_40] : memref<512x128xi32, #tpu.memory_space<hbm>> -> memref<16x128xi32, #tpu.memory_space<hbm>>
      tpu.wait_dma2 semaphore(%run_scoped3A : memref<!tpu.dma_semaphore, #tpu.memory_space<semaphore_mem>>) src(%dma_wait3A_41 : memref<16x128xi32, #tpu.memory_space<hbm>>) dst(%arg8 : memref<16x128xi32, #tpu.memory_space<vmem>>)
      tpu.yield
    }) : () -> ()
    "tpu.region"() ({
      %run_scoped3A = tpu.sem_alloc : memref<!tpu.dma_semaphore, #tpu.memory_space<semaphore_mem>>
      %dma_start3A_35 = arith.constant 0 : i32
      %dma_start3A_36 = tpu.memref_slice %arg5[%multiple_of3A, %dma_start3A_35] : memref<512x128xi32, #tpu.memory_space<hbm>> -> memref<16x128xi32, #tpu.memory_space<hbm>>
      %dma_start3A_37 = arith.constant 0 : i32
      %dma_start3A_38 = tpu.memref_slice %arg5[%multiple_of3A, %dma_start3A_37] : memref<512x128xi32, #tpu.memory_space<hbm>> -> memref<16x128xi32, #tpu.memory_space<hbm>>
      tpu.enqueue_dma source(%dma_start3A_38 : memref<16x128xi32, #tpu.memory_space<hbm>>) target(%arg9 : memref<16x128xi32, #tpu.memory_space<vmem>>) target_semaphore(%run_scoped3A : memref<!tpu.dma_semaphore, #tpu.memory_space<semaphore_mem>>)
      %dma_wait3A = arith.constant 0 : i32
      %dma_wait3A_39 = tpu.memref_slice %arg5[%multiple_of3A, %dma_wait3A] : memref<512x128xi32, #tpu.memory_space<hbm>> -> memref<16x128xi32, #tpu.memory_space<hbm>>
      %dma_wait3A_40 = arith.constant 0 : i32
      %dma_wait3A_41 = tpu.memref_slice %arg5[%multiple_of3A, %dma_wait3A_40] : memref<512x128xi32, #tpu.memory_space<hbm>> -> memref<16x128xi32, #tpu.memory_space<hbm>>
      tpu.wait_dma2 semaphore(%run_scoped3A : memref<!tpu.dma_semaphore, #tpu.memory_space<semaphore_mem>>) src(%dma_wait3A_41 : memref<16x128xi32, #tpu.memory_space<hbm>>) dst(%arg9 : memref<16x128xi32, #tpu.memory_space<vmem>>)
      tpu.yield
    }) : () -> ()
    %dma_start3A = arith.constant 0 : i32
    %dma_start3A_3 = arith.constant 0 : i32
    %dma_start3A_4 = tpu.memref_slice %arg8[%dma_start3A, %dma_start3A_3] : memref<16x128xi32, #tpu.memory_space<vmem>> -> memref<1x128xi32, #tpu.memory_space<vmem>>
    %dma_start3A_5 = tpu.memref_squeeze %dma_start3A_4 : memref<1x128xi32, #tpu.memory_space<vmem>> -> memref<128xi32, #tpu.memory_space<vmem>>
    %dma_start3A_6 = arith.constant 0 : i32
    %dma_start3A_7 = arith.constant 0 : i32
    %dma_start3A_8 = tpu.memref_slice %arg2[%dma_start3A_6, %dma_start3A_7] : memref<10240x128xi32, #tpu.memory_space<hbm>> -> memref<10240x128xi32, #tpu.memory_space<hbm>>
    tpu.enqueue_indirect_dma source(%dma_start3A_8 : memref<10240x128xi32, #tpu.memory_space<hbm>>) target(%arg10 : memref<128x128xi32, #tpu.memory_space<vmem>>) offsets(%dma_start3A_5 : memref<128xi32, #tpu.memory_space<vmem>>) semaphore(%arg14 : memref<!tpu.dma_semaphore, #tpu.memory_space<semaphore_mem>>)
    %dma_start3A_9 = arith.constant 0 : i32
    %dma_start3A_10 = arith.constant 0 : i32
    %dma_start3A_11 = tpu.memref_slice %arg9[%dma_start3A_9, %dma_start3A_10] : memref<16x128xi32, #tpu.memory_space<vmem>> -> memref<1x128xi32, #tpu.memory_space<vmem>>
    %dma_start3A_12 = tpu.memref_squeeze %dma_start3A_11 : memref<1x128xi32, #tpu.memory_space<vmem>> -> memref<128xi32, #tpu.memory_space<vmem>>
    %dma_start3A_13 = arith.constant 0 : i32
    %dma_start3A_14 = arith.constant 0 : i32
    %dma_start3A_15 = tpu.memref_slice %arg3[%dma_start3A_13, %dma_start3A_14] : memref<10240x128xi32, #tpu.memory_space<hbm>> -> memref<10240x128xi32, #tpu.memory_space<hbm>>
    tpu.enqueue_indirect_dma source(%dma_start3A_15 : memref<10240x128xi32, #tpu.memory_space<hbm>>) target(%arg11 : memref<128x128xi32, #tpu.memory_space<vmem>>) offsets(%dma_start3A_12 : memref<128xi32, #tpu.memory_space<vmem>>) semaphore(%arg15 : memref<!tpu.dma_semaphore, #tpu.memory_space<semaphore_mem>>)
    %dma_start3A_16 = arith.constant 1 : i32
    %dma_start3A_17 = arith.constant 0 : i32
    %dma_start3A_18 = tpu.memref_slice %arg8[%dma_start3A_16, %dma_start3A_17] : memref<16x128xi32, #tpu.memory_space<vmem>> -> memref<1x128xi32, #tpu.memory_space<vmem>>
    %dma_start3A_19 = tpu.memref_squeeze %dma_start3A_18 : memref<1x128xi32, #tpu.memory_space<vmem>> -> memref<128xi32, #tpu.memory_space<vmem>>
    %dma_start3A_20 = arith.constant 0 : i32
    %dma_start3A_21 = arith.constant 0 : i32
    %dma_start3A_22 = tpu.memref_slice %arg2[%dma_start3A_20, %dma_start3A_21] : memref<10240x128xi32, #tpu.memory_space<hbm>> -> memref<10240x128xi32, #tpu.memory_space<hbm>>
    tpu.enqueue_indirect_dma source(%dma_start3A_22 : memref<10240x128xi32, #tpu.memory_space<hbm>>) target(%arg12 : memref<128x128xi32, #tpu.memory_space<vmem>>) offsets(%dma_start3A_19 : memref<128xi32, #tpu.memory_space<vmem>>) semaphore(%arg16 : memref<!tpu.dma_semaphore, #tpu.memory_space<semaphore_mem>>)
    %dma_start3A_23 = arith.constant 1 : i32
    %dma_start3A_24 = arith.constant 0 : i32
    %dma_start3A_25 = tpu.memref_slice %arg9[%dma_start3A_23, %dma_start3A_24] : memref<16x128xi32, #tpu.memory_space<vmem>> -> memref<1x128xi32, #tpu.memory_space<vmem>>
    %dma_start3A_26 = tpu.memref_squeeze %dma_start3A_25 : memref<1x128xi32, #tpu.memory_space<vmem>> -> memref<128xi32, #tpu.memory_space<vmem>>
    %dma_start3A_27 = arith.constant 0 : i32
    %dma_start3A_28 = arith.constant 0 : i32
    %dma_start3A_29 = tpu.memref_slice %arg3[%dma_start3A_27, %dma_start3A_28] : memref<10240x128xi32, #tpu.memory_space<hbm>> -> memref<10240x128xi32, #tpu.memory_space<hbm>>
    tpu.enqueue_indirect_dma source(%dma_start3A_29 : memref<10240x128xi32, #tpu.memory_space<hbm>>) target(%arg13 : memref<128x128xi32, #tpu.memory_space<vmem>>) offsets(%dma_start3A_26 : memref<128xi32, #tpu.memory_space<vmem>>) semaphore(%arg17 : memref<!tpu.dma_semaphore, #tpu.memory_space<semaphore_mem>>)
    %scan3A = arith.constant 0 : i32
    %scan3A_30 = arith.constant 0 : i32
    %scan3A_31 = arith.constant 8 : i32
    %scan3A_32 = arith.addi %scan3A_30, %scan3A_31 : i32
    %scan3A_33 = arith.constant 1 : i32
    scf.for %scan3A_35 = %scan3A_30 to %scan3A_32 step %scan3A_33  : i32 {
      %mul3A_36 = arith.constant 2 : i32
      %mul3A_37 = arith.muli %scan3A_35, %mul3A_36 : i32
      %add3A_38 = arith.constant 1 : i32
      %add3A_39 = arith.addi %mul3A_37, %add3A_38 : i32
      %dma_wait3A = arith.constant 0 : i32
      %dma_wait3A_40 = tpu.memref_slice %arg8[%mul3A_37, %dma_wait3A] : memref<16x128xi32, #tpu.memory_space<vmem>> -> memref<1x128xi32, #tpu.memory_space<vmem>>
      %dma_wait3A_41 = tpu.memref_squeeze %dma_wait3A_40 : memref<1x128xi32, #tpu.memory_space<vmem>> -> memref<128xi32, #tpu.memory_space<vmem>>
      %dma_wait3A_42 = arith.constant 0 : i32
      %dma_wait3A_43 = arith.constant 0 : i32
      %dma_wait3A_44 = tpu.memref_slice %arg2[%dma_wait3A_42, %dma_wait3A_43] : memref<10240x128xi32, #tpu.memory_space<hbm>> -> memref<10240x128xi32, #tpu.memory_space<hbm>>
      tpu.wait_indirect_dma semaphore(%arg14 : memref<!tpu.dma_semaphore, #tpu.memory_space<semaphore_mem>>) src(%dma_wait3A_44 : memref<10240x128xi32, #tpu.memory_space<hbm>>) dst(%arg10 : memref<128x128xi32, #tpu.memory_space<vmem>>)
      %dma_wait3A_45 = arith.constant 0 : i32
      %dma_wait3A_46 = tpu.memref_slice %arg9[%mul3A_37, %dma_wait3A_45] : memref<16x128xi32, #tpu.memory_space<vmem>> -> memref<1x128xi32, #tpu.memory_space<vmem>>
      %dma_wait3A_47 = tpu.memref_squeeze %dma_wait3A_46 : memref<1x128xi32, #tpu.memory_space<vmem>> -> memref<128xi32, #tpu.memory_space<vmem>>
      %dma_wait3A_48 = arith.constant 0 : i32
      %dma_wait3A_49 = arith.constant 0 : i32
      %dma_wait3A_50 = tpu.memref_slice %arg3[%dma_wait3A_48, %dma_wait3A_49] : memref<10240x128xi32, #tpu.memory_space<hbm>> -> memref<10240x128xi32, #tpu.memory_space<hbm>>
      tpu.wait_indirect_dma semaphore(%arg15 : memref<!tpu.dma_semaphore, #tpu.memory_space<semaphore_mem>>) src(%dma_wait3A_50 : memref<10240x128xi32, #tpu.memory_space<hbm>>) dst(%arg11 : memref<128x128xi32, #tpu.memory_space<vmem>>)
      %add3A_51 = arith.addi %multiple_of3A, %mul3A_37 : i32
      %mul3A_52 = arith.constant 128 : i32
      %mul3A_53 = arith.muli %add3A_51, %mul3A_52 : i32
      %multiple_of3A_54 = tpu.assume_multiple %mul3A_53, 8 : i32
      %dma_start3A_55 = arith.constant 0 : i32
      %dma_start3A_56 = tpu.memref_slice %arg6[%multiple_of3A_54, %dma_start3A_55] : memref<65536x128xi32, #tpu.memory_space<hbm>> -> memref<128x128xi32, #tpu.memory_space<hbm>>
      %dma_start3A_57 = arith.constant 0 : i32
      %dma_start3A_58 = tpu.memref_slice %arg6[%multiple_of3A_54, %dma_start3A_57] : memref<65536x128xi32, #tpu.memory_space<hbm>> -> memref<128x128xi32, #tpu.memory_space<hbm>>
      tpu.enqueue_dma source(%arg10 : memref<128x128xi32, #tpu.memory_space<vmem>>) target(%dma_start3A_58 : memref<128x128xi32, #tpu.memory_space<hbm>>) target_semaphore(%arg18 : memref<!tpu.dma_semaphore, #tpu.memory_space<semaphore_mem>>)
      %add3A_59 = arith.addi %multiple_of3A, %mul3A_37 : i32
      %mul3A_60 = arith.constant 128 : i32
      %mul3A_61 = arith.muli %add3A_59, %mul3A_60 : i32
      %multiple_of3A_62 = tpu.assume_multiple %mul3A_61, 8 : i32
      %dma_start3A_63 = arith.constant 0 : i32
      %dma_start3A_64 = tpu.memref_slice %arg7[%multiple_of3A_62, %dma_start3A_63] : memref<65536x128xi32, #tpu.memory_space<hbm>> -> memref<128x128xi32, #tpu.memory_space<hbm>>
      %dma_start3A_65 = arith.constant 0 : i32
      %dma_start3A_66 = tpu.memref_slice %arg7[%multiple_of3A_62, %dma_start3A_65] : memref<65536x128xi32, #tpu.memory_space<hbm>> -> memref<128x128xi32, #tpu.memory_space<hbm>>
      tpu.enqueue_dma source(%arg11 : memref<128x128xi32, #tpu.memory_space<vmem>>) target(%dma_start3A_66 : memref<128x128xi32, #tpu.memory_space<hbm>>) target_semaphore(%arg18 : memref<!tpu.dma_semaphore, #tpu.memory_space<semaphore_mem>>)
      %dma_wait3A_67 = arith.constant 0 : i32
      %dma_wait3A_68 = tpu.memref_slice %arg8[%add3A_39, %dma_wait3A_67] : memref<16x128xi32, #tpu.memory_space<vmem>> -> memref<1x128xi32, #tpu.memory_space<vmem>>
      %dma_wait3A_69 = tpu.memref_squeeze %dma_wait3A_68 : memref<1x128xi32, #tpu.memory_space<vmem>> -> memref<128xi32, #tpu.memory_space<vmem>>
      %dma_wait3A_70 = arith.constant 0 : i32
      %dma_wait3A_71 = arith.constant 0 : i32
      %dma_wait3A_72 = tpu.memref_slice %arg2[%dma_wait3A_70, %dma_wait3A_71] : memref<10240x128xi32, #tpu.memory_space<hbm>> -> memref<10240x128xi32, #tpu.memory_space<hbm>>
      tpu.wait_indirect_dma semaphore(%arg16 : memref<!tpu.dma_semaphore, #tpu.memory_space<semaphore_mem>>) src(%dma_wait3A_72 : memref<10240x128xi32, #tpu.memory_space<hbm>>) dst(%arg12 : memref<128x128xi32, #tpu.memory_space<vmem>>)
      %dma_wait3A_73 = arith.constant 0 : i32
      %dma_wait3A_74 = tpu.memref_slice %arg9[%add3A_39, %dma_wait3A_73] : memref<16x128xi32, #tpu.memory_space<vmem>> -> memref<1x128xi32, #tpu.memory_space<vmem>>
      %dma_wait3A_75 = tpu.memref_squeeze %dma_wait3A_74 : memref<1x128xi32, #tpu.memory_space<vmem>> -> memref<128xi32, #tpu.memory_space<vmem>>
      %dma_wait3A_76 = arith.constant 0 : i32
      %dma_wait3A_77 = arith.constant 0 : i32
      %dma_wait3A_78 = tpu.memref_slice %arg3[%dma_wait3A_76, %dma_wait3A_77] : memref<10240x128xi32, #tpu.memory_space<hbm>> -> memref<10240x128xi32, #tpu.memory_space<hbm>>
      tpu.wait_indirect_dma semaphore(%arg17 : memref<!tpu.dma_semaphore, #tpu.memory_space<semaphore_mem>>) src(%dma_wait3A_78 : memref<10240x128xi32, #tpu.memory_space<hbm>>) dst(%arg13 : memref<128x128xi32, #tpu.memory_space<vmem>>)
      %add3A_79 = arith.addi %multiple_of3A, %add3A_39 : i32
      %mul3A_80 = arith.constant 128 : i32
      %mul3A_81 = arith.muli %add3A_79, %mul3A_80 : i32
      %multiple_of3A_82 = tpu.assume_multiple %mul3A_81, 8 : i32
      %dma_start3A_83 = arith.constant 0 : i32
      %dma_start3A_84 = tpu.memref_slice %arg6[%multiple_of3A_82, %dma_start3A_83] : memref<65536x128xi32, #tpu.memory_space<hbm>> -> memref<128x128xi32, #tpu.memory_space<hbm>>
      %dma_start3A_85 = arith.constant 0 : i32
      %dma_start3A_86 = tpu.memref_slice %arg6[%multiple_of3A_82, %dma_start3A_85] : memref<65536x128xi32, #tpu.memory_space<hbm>> -> memref<128x128xi32, #tpu.memory_space<hbm>>
      tpu.enqueue_dma source(%arg12 : memref<128x128xi32, #tpu.memory_space<vmem>>) target(%dma_start3A_86 : memref<128x128xi32, #tpu.memory_space<hbm>>) target_semaphore(%arg19 : memref<!tpu.dma_semaphore, #tpu.memory_space<semaphore_mem>>)
      %add3A_87 = arith.addi %multiple_of3A, %add3A_39 : i32
      %mul3A_88 = arith.constant 128 : i32
      %mul3A_89 = arith.muli %add3A_87, %mul3A_88 : i32
      %multiple_of3A_90 = tpu.assume_multiple %mul3A_89, 8 : i32
      %dma_start3A_91 = arith.constant 0 : i32
      %dma_start3A_92 = tpu.memref_slice %arg7[%multiple_of3A_90, %dma_start3A_91] : memref<65536x128xi32, #tpu.memory_space<hbm>> -> memref<128x128xi32, #tpu.memory_space<hbm>>
      %dma_start3A_93 = arith.constant 0 : i32
      %dma_start3A_94 = tpu.memref_slice %arg7[%multiple_of3A_90, %dma_start3A_93] : memref<65536x128xi32, #tpu.memory_space<hbm>> -> memref<128x128xi32, #tpu.memory_space<hbm>>
      tpu.enqueue_dma source(%arg13 : memref<128x128xi32, #tpu.memory_space<vmem>>) target(%dma_start3A_94 : memref<128x128xi32, #tpu.memory_space<hbm>>) target_semaphore(%arg19 : memref<!tpu.dma_semaphore, #tpu.memory_space<semaphore_mem>>)
      %add3A_95 = arith.addi %multiple_of3A, %mul3A_37 : i32
      %mul3A_96 = arith.constant 128 : i32
      %mul3A_97 = arith.muli %add3A_95, %mul3A_96 : i32
      %multiple_of3A_98 = tpu.assume_multiple %mul3A_97, 8 : i32
      %dma_wait3A_99 = arith.constant 0 : i32
      %dma_wait3A_100 = tpu.memref_slice %arg6[%multiple_of3A_98, %dma_wait3A_99] : memref<65536x128xi32, #tpu.memory_space<hbm>> -> memref<128x128xi32, #tpu.memory_space<hbm>>
      %dma_wait3A_101 = arith.constant 0 : i32
      %dma_wait3A_102 = tpu.memref_slice %arg6[%multiple_of3A_98, %dma_wait3A_101] : memref<65536x128xi32, #tpu.memory_space<hbm>> -> memref<128x128xi32, #tpu.memory_space<hbm>>
      tpu.wait_dma2 semaphore(%arg18 : memref<!tpu.dma_semaphore, #tpu.memory_space<semaphore_mem>>) src(%arg10 : memref<128x128xi32, #tpu.memory_space<vmem>>) dst(%dma_wait3A_102 : memref<128x128xi32, #tpu.memory_space<hbm>>)
      %add3A_103 = arith.addi %multiple_of3A, %mul3A_37 : i32
      %mul3A_104 = arith.constant 128 : i32
      %mul3A_105 = arith.muli %add3A_103, %mul3A_104 : i32
      %multiple_of3A_106 = tpu.assume_multiple %mul3A_105, 8 : i32
      %dma_wait3A_107 = arith.constant 0 : i32
      %dma_wait3A_108 = tpu.memref_slice %arg7[%multiple_of3A_106, %dma_wait3A_107] : memref<65536x128xi32, #tpu.memory_space<hbm>> -> memref<128x128xi32, #tpu.memory_space<hbm>>
      %dma_wait3A_109 = arith.constant 0 : i32
      %dma_wait3A_110 = tpu.memref_slice %arg7[%multiple_of3A_106, %dma_wait3A_109] : memref<65536x128xi32, #tpu.memory_space<hbm>> -> memref<128x128xi32, #tpu.memory_space<hbm>>
      tpu.wait_dma2 semaphore(%arg18 : memref<!tpu.dma_semaphore, #tpu.memory_space<semaphore_mem>>) src(%arg11 : memref<128x128xi32, #tpu.memory_space<vmem>>) dst(%dma_wait3A_110 : memref<128x128xi32, #tpu.memory_space<hbm>>)
      %add3A_111 = arith.constant 1 : i32
      %add3A_112 = arith.addi %scan3A_35, %add3A_111 : i32
      %lt3A = arith.constant 8 : i32
      %lt3A_113 = arith.cmpi slt, %add3A_112, %lt3A : i32
      %convert_element_type3A = arith.extui %lt3A_113 : i1 to i32
      %cond3A = arith.constant 0 : i32
      %cond3A_114 = arith.cmpi ne, %convert_element_type3A, %cond3A : i32
      scf.if %cond3A_114 {
        %add3A_138 = arith.constant 2 : i32
        %add3A_139 = arith.addi %mul3A_37, %add3A_138 : i32
        %dma_start3A_140 = arith.constant 0 : i32
        %dma_start3A_141 = tpu.memref_slice %arg8[%add3A_139, %dma_start3A_140] : memref<16x128xi32, #tpu.memory_space<vmem>> -> memref<1x128xi32, #tpu.memory_space<vmem>>
        %dma_start3A_142 = tpu.memref_squeeze %dma_start3A_141 : memref<1x128xi32, #tpu.memory_space<vmem>> -> memref<128xi32, #tpu.memory_space<vmem>>
        %dma_start3A_143 = arith.constant 0 : i32
        %dma_start3A_144 = arith.constant 0 : i32
        %dma_start3A_145 = tpu.memref_slice %arg2[%dma_start3A_143, %dma_start3A_144] : memref<10240x128xi32, #tpu.memory_space<hbm>> -> memref<10240x128xi32, #tpu.memory_space<hbm>>
        tpu.enqueue_indirect_dma source(%dma_start3A_145 : memref<10240x128xi32, #tpu.memory_space<hbm>>) target(%arg10 : memref<128x128xi32, #tpu.memory_space<vmem>>) offsets(%dma_start3A_142 : memref<128xi32, #tpu.memory_space<vmem>>) semaphore(%arg14 : memref<!tpu.dma_semaphore, #tpu.memory_space<semaphore_mem>>)
        %dma_start3A_146 = arith.constant 0 : i32
        %dma_start3A_147 = tpu.memref_slice %arg9[%add3A_139, %dma_start3A_146] : memref<16x128xi32, #tpu.memory_space<vmem>> -> memref<1x128xi32, #tpu.memory_space<vmem>>
        %dma_start3A_148 = tpu.memref_squeeze %dma_start3A_147 : memref<1x128xi32, #tpu.memory_space<vmem>> -> memref<128xi32, #tpu.memory_space<vmem>>
        %dma_start3A_149 = arith.constant 0 : i32
        %dma_start3A_150 = arith.constant 0 : i32
        %dma_start3A_151 = tpu.memref_slice %arg3[%dma_start3A_149, %dma_start3A_150] : memref<10240x128xi32, #tpu.memory_space<hbm>> -> memref<10240x128xi32, #tpu.memory_space<hbm>>
        tpu.enqueue_indirect_dma source(%dma_start3A_151 : memref<10240x128xi32, #tpu.memory_space<hbm>>) target(%arg11 : memref<128x128xi32, #tpu.memory_space<vmem>>) offsets(%dma_start3A_148 : memref<128xi32, #tpu.memory_space<vmem>>) semaphore(%arg15 : memref<!tpu.dma_semaphore, #tpu.memory_space<semaphore_mem>>)
      } else {
      }
      %add3A_115 = arith.addi %multiple_of3A, %add3A_39 : i32
      %mul3A_116 = arith.constant 128 : i32
      %mul3A_117 = arith.muli %add3A_115, %mul3A_116 : i32
      %multiple_of3A_118 = tpu.assume_multiple %mul3A_117, 8 : i32
      %dma_wait3A_119 = arith.constant 0 : i32
      %dma_wait3A_120 = tpu.memref_slice %arg6[%multiple_of3A_118, %dma_wait3A_119] : memref<65536x128xi32, #tpu.memory_space<hbm>> -> memref<128x128xi32, #tpu.memory_space<hbm>>
      %dma_wait3A_121 = arith.constant 0 : i32
      %dma_wait3A_122 = tpu.memref_slice %arg6[%multiple_of3A_118, %dma_wait3A_121] : memref<65536x128xi32, #tpu.memory_space<hbm>> -> memref<128x128xi32, #tpu.memory_space<hbm>>
      tpu.wait_dma2 semaphore(%arg19 : memref<!tpu.dma_semaphore, #tpu.memory_space<semaphore_mem>>) src(%arg12 : memref<128x128xi32, #tpu.memory_space<vmem>>) dst(%dma_wait3A_122 : memref<128x128xi32, #tpu.memory_space<hbm>>)
      %add3A_123 = arith.addi %multiple_of3A, %add3A_39 : i32
      %mul3A_124 = arith.constant 128 : i32
      %mul3A_125 = arith.muli %add3A_123, %mul3A_124 : i32
      %multiple_of3A_126 = tpu.assume_multiple %mul3A_125, 8 : i32
      %dma_wait3A_127 = arith.constant 0 : i32
      %dma_wait3A_128 = tpu.memref_slice %arg7[%multiple_of3A_126, %dma_wait3A_127] : memref<65536x128xi32, #tpu.memory_space<hbm>> -> memref<128x128xi32, #tpu.memory_space<hbm>>
      %dma_wait3A_129 = arith.constant 0 : i32
      %dma_wait3A_130 = tpu.memref_slice %arg7[%multiple_of3A_126, %dma_wait3A_129] : memref<65536x128xi32, #tpu.memory_space<hbm>> -> memref<128x128xi32, #tpu.memory_space<hbm>>
      tpu.wait_dma2 semaphore(%arg19 : memref<!tpu.dma_semaphore, #tpu.memory_space<semaphore_mem>>) src(%arg13 : memref<128x128xi32, #tpu.memory_space<vmem>>) dst(%dma_wait3A_130 : memref<128x128xi32, #tpu.memory_space<hbm>>)
      %add3A_131 = arith.constant 1 : i32
      %add3A_132 = arith.addi %scan3A_35, %add3A_131 : i32
      %lt3A_133 = arith.constant 8 : i32
      %lt3A_134 = arith.cmpi slt, %add3A_132, %lt3A_133 : i32
      %convert_element_type3A_135 = arith.extui %lt3A_134 : i1 to i32
      %cond3A_136 = arith.constant 0 : i32
      %cond3A_137 = arith.cmpi ne, %convert_element_type3A_135, %cond3A_136 : i32
      scf.if %cond3A_137 {
        %add3A_138 = arith.constant 2 : i32
        %add3A_139 = arith.addi %add3A_39, %add3A_138 : i32
        %dma_start3A_140 = arith.constant 0 : i32
        %dma_start3A_141 = tpu.memref_slice %arg8[%add3A_139, %dma_start3A_140] : memref<16x128xi32, #tpu.memory_space<vmem>> -> memref<1x128xi32, #tpu.memory_space<vmem>>
        %dma_start3A_142 = tpu.memref_squeeze %dma_start3A_141 : memref<1x128xi32, #tpu.memory_space<vmem>> -> memref<128xi32, #tpu.memory_space<vmem>>
        %dma_start3A_143 = arith.constant 0 : i32
        %dma_start3A_144 = arith.constant 0 : i32
        %dma_start3A_145 = tpu.memref_slice %arg2[%dma_start3A_143, %dma_start3A_144] : memref<10240x128xi32, #tpu.memory_space<hbm>> -> memref<10240x128xi32, #tpu.memory_space<hbm>>
        tpu.enqueue_indirect_dma source(%dma_start3A_145 : memref<10240x128xi32, #tpu.memory_space<hbm>>) target(%arg12 : memref<128x128xi32, #tpu.memory_space<vmem>>) offsets(%dma_start3A_142 : memref<128xi32, #tpu.memory_space<vmem>>) semaphore(%arg16 : memref<!tpu.dma_semaphore, #tpu.memory_space<semaphore_mem>>)
        %dma_start3A_146 = arith.constant 0 : i32
        %dma_start3A_147 = tpu.memref_slice %arg9[%add3A_139, %dma_start3A_146] : memref<16x128xi32, #tpu.memory_space<vmem>> -> memref<1x128xi32, #tpu.memory_space<vmem>>
        %dma_start3A_148 = tpu.memref_squeeze %dma_start3A_147 : memref<1x128xi32, #tpu.memory_space<vmem>> -> memref<128xi32, #tpu.memory_space<vmem>>
        %dma_start3A_149 = arith.constant 0 : i32
        %dma_start3A_150 = arith.constant 0 : i32
        %dma_start3A_151 = tpu.memref_slice %arg3[%dma_start3A_149, %dma_start3A_150] : memref<10240x128xi32, #tpu.memory_space<hbm>> -> memref<10240x128xi32, #tpu.memory_space<hbm>>
        tpu.enqueue_indirect_dma source(%dma_start3A_151 : memref<10240x128xi32, #tpu.memory_space<hbm>>) target(%arg13 : memref<128x128xi32, #tpu.memory_space<vmem>>) offsets(%dma_start3A_148 : memref<128xi32, #tpu.memory_space<vmem>>) semaphore(%arg17 : memref<!tpu.dma_semaphore, #tpu.memory_space<semaphore_mem>>)
      } else {
      }
    }
    %scan3A_34 = arith.constant 8 : i32
    return
  }
}

#map = affine_map<(d0, d1) -> (0, 0)>
module attributes {stable_mosaic.version = 14 : i64} {
  func.func @_gather_body(%arg0: i32, %arg1: i32, %arg2: memref<10240x128xi32, #tpu.memory_space<hbm>>, %arg3: memref<10240x128xi32, #tpu.memory_space<hbm>>, %arg4: memref<512x128xi32, #tpu.memory_space<hbm>>, %arg5: memref<512x128xi32, #tpu.memory_space<hbm>>, %arg6: memref<65536x128xi32, #tpu.memory_space<hbm>>, %arg7: memref<65536x128xi32, #tpu.memory_space<hbm>>, %arg8: memref<16x128xi32, #tpu.memory_space<vmem>>, %arg9: memref<16x128xi32, #tpu.memory_space<vmem>>, %arg10: memref<128x128xi32, #tpu.memory_space<vmem>>, %arg11: memref<128x128xi32, #tpu.memory_space<vmem>>, %arg12: memref<128x128xi32, #tpu.memory_space<vmem>>, %arg13: memref<128x128xi32, #tpu.memory_space<vmem>>, %arg14: memref<!tpu.dma_semaphore, #tpu.memory_space<semaphore_mem>>, %arg15: memref<!tpu.dma_semaphore, #tpu.memory_space<semaphore_mem>>, %arg16: memref<!tpu.dma_semaphore, #tpu.memory_space<semaphore_mem>>, %arg17: memref<!tpu.dma_semaphore, #tpu.memory_space<semaphore_mem>>, %arg18: memref<!tpu.dma_semaphore, #tpu.memory_space<semaphore_mem>>, %arg19: memref<!tpu.dma_semaphore, #tpu.memory_space<semaphore_mem>>) attributes {dimension_semantics = [#tpu.dimension_semantics<core_parallel>, #tpu.dimension_semantics<subcore_parallel>], iteration_bounds = array<i64: 2, 16>, scalar_prefetch = 0 : i64, scratch_operands = 12 : i64, tpu.core_type = #tpu.core_type<sc_vector_subcore>, window_params = [{transform_indices = #map}, {transform_indices = #map}, {transform_indices = #map}, {transform_indices = #map}, {transform_indices = #map}, {transform_indices = #map}]} {
    %mul3A = arith.constant 2 : i32
    %mul3A_0 = arith.muli %arg1, %mul3A : i32
    %add3A = arith.addi %mul3A_0, %arg0 : i32
    %mul3A_1 = arith.constant 16 : i32
    %mul3A_2 = arith.muli %add3A, %mul3A_1 : i32
    %multiple_of3A = tpu.assume_multiple %mul3A_2, 8 : i32
    "tpu.region"() ({
      %run_scoped3A = tpu.sem_alloc : memref<!tpu.dma_semaphore, #tpu.memory_space<semaphore_mem>>
      %dma_start3A_35 = arith.constant 0 : i32
      %dma_start3A_36 = tpu.memref_slice %arg4[%multiple_of3A, %dma_start3A_35] : memref<512x128xi32, #tpu.memory_space<hbm>> -> memref<16x128xi32, #tpu.memory_space<hbm>>
      %dma_start3A_37 = arith.constant 0 : i32
      %dma_start3A_38 = tpu.memref_slice %arg4[%multiple_of3A, %dma_start3A_37] : memref<512x128xi32, #tpu.memory_space<hbm>> -> memref<16x128xi32, #tpu.memory_space<hbm>>
      tpu.enqueue_dma source(%dma_start3A_38 : memref<16x128xi32, #tpu.memory_space<hbm>>) target(%arg8 : memref<16x128xi32, #tpu.memory_space<vmem>>) target_semaphore(%run_scoped3A : memref<!tpu.dma_semaphore, #tpu.memory_space<semaphore_mem>>)
      %dma_wait3A = arith.constant 0 : i32
      %dma_wait3A_39 = tpu.memref_slice %arg4[%multiple_of3A, %dma_wait3A] : memref<512x128xi32, #tpu.memory_space<hbm>> -> memref<16x128xi32, #tpu.memory_space<hbm>>
      %dma_wait3A_40 = arith.constant 0 : i32
      %dma_wait3A_41 = tpu.memref_slice %arg4[%multiple_of3A, %dma_wait3A_40] : memref<512x128xi32, #tpu.memory_space<hbm>> -> memref<16x128xi32, #tpu.memory_space<hbm>>
      tpu.wait_dma2 semaphore(%run_scoped3A : memref<!tpu.dma_semaphore, #tpu.memory_space<semaphore_mem>>) src(%dma_wait3A_41 : memref<16x128xi32, #tpu.memory_space<hbm>>) dst(%arg8 : memref<16x128xi32, #tpu.memory_space<vmem>>)
      tpu.yield
    }) : () -> ()
    "tpu.region"() ({
      %run_scoped3A = tpu.sem_alloc : memref<!tpu.dma_semaphore, #tpu.memory_space<semaphore_mem>>
      %dma_start3A_35 = arith.constant 0 : i32
      %dma_start3A_36 = tpu.memref_slice %arg5[%multiple_of3A, %dma_start3A_35] : memref<512x128xi32, #tpu.memory_space<hbm>> -> memref<16x128xi32, #tpu.memory_space<hbm>>
      %dma_start3A_37 = arith.constant 0 : i32
      %dma_start3A_38 = tpu.memref_slice %arg5[%multiple_of3A, %dma_start3A_37] : memref<512x128xi32, #tpu.memory_space<hbm>> -> memref<16x128xi32, #tpu.memory_space<hbm>>
      tpu.enqueue_dma source(%dma_start3A_38 : memref<16x128xi32, #tpu.memory_space<hbm>>) target(%arg9 : memref<16x128xi32, #tpu.memory_space<vmem>>) target_semaphore(%run_scoped3A : memref<!tpu.dma_semaphore, #tpu.memory_space<semaphore_mem>>)
      %dma_wait3A = arith.constant 0 : i32
      %dma_wait3A_39 = tpu.memref_slice %arg5[%multiple_of3A, %dma_wait3A] : memref<512x128xi32, #tpu.memory_space<hbm>> -> memref<16x128xi32, #tpu.memory_space<hbm>>
      %dma_wait3A_40 = arith.constant 0 : i32
      %dma_wait3A_41 = tpu.memref_slice %arg5[%multiple_of3A, %dma_wait3A_40] : memref<512x128xi32, #tpu.memory_space<hbm>> -> memref<16x128xi32, #tpu.memory_space<hbm>>
      tpu.wait_dma2 semaphore(%run_scoped3A : memref<!tpu.dma_semaphore, #tpu.memory_space<semaphore_mem>>) src(%dma_wait3A_41 : memref<16x128xi32, #tpu.memory_space<hbm>>) dst(%arg9 : memref<16x128xi32, #tpu.memory_space<vmem>>)
      tpu.yield
    }) : () -> ()
    %dma_start3A = arith.constant 0 : i32
    %dma_start3A_3 = arith.constant 0 : i32
    %dma_start3A_4 = tpu.memref_slice %arg8[%dma_start3A, %dma_start3A_3] : memref<16x128xi32, #tpu.memory_space<vmem>> -> memref<1x128xi32, #tpu.memory_space<vmem>>
    %dma_start3A_5 = tpu.memref_squeeze %dma_start3A_4 : memref<1x128xi32, #tpu.memory_space<vmem>> -> memref<128xi32, #tpu.memory_space<vmem>>
    %dma_start3A_6 = arith.constant 0 : i32
    %dma_start3A_7 = arith.constant 0 : i32
    %dma_start3A_8 = tpu.memref_slice %arg2[%dma_start3A_6, %dma_start3A_7] : memref<10240x128xi32, #tpu.memory_space<hbm>> -> memref<10240x128xi32, #tpu.memory_space<hbm>>
    tpu.enqueue_indirect_dma source(%dma_start3A_8 : memref<10240x128xi32, #tpu.memory_space<hbm>>) target(%arg10 : memref<128x128xi32, #tpu.memory_space<vmem>>) offsets(%dma_start3A_5 : memref<128xi32, #tpu.memory_space<vmem>>) semaphore(%arg14 : memref<!tpu.dma_semaphore, #tpu.memory_space<semaphore_mem>>)
    %dma_start3A_9 = arith.constant 0 : i32
    %dma_start3A_10 = arith.constant 0 : i32
    %dma_start3A_11 = tpu.memref_slice %arg9[%dma_start3A_9, %dma_start3A_10] : memref<16x128xi32, #tpu.memory_space<vmem>> -> memref<1x128xi32, #tpu.memory_space<vmem>>
    %dma_start3A_12 = tpu.memref_squeeze %dma_start3A_11 : memref<1x128xi32, #tpu.memory_space<vmem>> -> memref<128xi32, #tpu.memory_space<vmem>>
    %dma_start3A_13 = arith.constant 0 : i32
    %dma_start3A_14 = arith.constant 0 : i32
    %dma_start3A_15 = tpu.memref_slice %arg3[%dma_start3A_13, %dma_start3A_14] : memref<10240x128xi32, #tpu.memory_space<hbm>> -> memref<10240x128xi32, #tpu.memory_space<hbm>>
    tpu.enqueue_indirect_dma source(%dma_start3A_15 : memref<10240x128xi32, #tpu.memory_space<hbm>>) target(%arg11 : memref<128x128xi32, #tpu.memory_space<vmem>>) offsets(%dma_start3A_12 : memref<128xi32, #tpu.memory_space<vmem>>) semaphore(%arg15 : memref<!tpu.dma_semaphore, #tpu.memory_space<semaphore_mem>>)
    %dma_start3A_16 = arith.constant 1 : i32
    %dma_start3A_17 = arith.constant 0 : i32
    %dma_start3A_18 = tpu.memref_slice %arg8[%dma_start3A_16, %dma_start3A_17] : memref<16x128xi32, #tpu.memory_space<vmem>> -> memref<1x128xi32, #tpu.memory_space<vmem>>
    %dma_start3A_19 = tpu.memref_squeeze %dma_start3A_18 : memref<1x128xi32, #tpu.memory_space<vmem>> -> memref<128xi32, #tpu.memory_space<vmem>>
    %dma_start3A_20 = arith.constant 0 : i32
    %dma_start3A_21 = arith.constant 0 : i32
    %dma_start3A_22 = tpu.memref_slice %arg2[%dma_start3A_20, %dma_start3A_21] : memref<10240x128xi32, #tpu.memory_space<hbm>> -> memref<10240x128xi32, #tpu.memory_space<hbm>>
    tpu.enqueue_indirect_dma source(%dma_start3A_22 : memref<10240x128xi32, #tpu.memory_space<hbm>>) target(%arg12 : memref<128x128xi32, #tpu.memory_space<vmem>>) offsets(%dma_start3A_19 : memref<128xi32, #tpu.memory_space<vmem>>) semaphore(%arg16 : memref<!tpu.dma_semaphore, #tpu.memory_space<semaphore_mem>>)
    %dma_start3A_23 = arith.constant 1 : i32
    %dma_start3A_24 = arith.constant 0 : i32
    %dma_start3A_25 = tpu.memref_slice %arg9[%dma_start3A_23, %dma_start3A_24] : memref<16x128xi32, #tpu.memory_space<vmem>> -> memref<1x128xi32, #tpu.memory_space<vmem>>
    %dma_start3A_26 = tpu.memref_squeeze %dma_start3A_25 : memref<1x128xi32, #tpu.memory_space<vmem>> -> memref<128xi32, #tpu.memory_space<vmem>>
    %dma_start3A_27 = arith.constant 0 : i32
    %dma_start3A_28 = arith.constant 0 : i32
    %dma_start3A_29 = tpu.memref_slice %arg3[%dma_start3A_27, %dma_start3A_28] : memref<10240x128xi32, #tpu.memory_space<hbm>> -> memref<10240x128xi32, #tpu.memory_space<hbm>>
    tpu.enqueue_indirect_dma source(%dma_start3A_29 : memref<10240x128xi32, #tpu.memory_space<hbm>>) target(%arg13 : memref<128x128xi32, #tpu.memory_space<vmem>>) offsets(%dma_start3A_26 : memref<128xi32, #tpu.memory_space<vmem>>) semaphore(%arg17 : memref<!tpu.dma_semaphore, #tpu.memory_space<semaphore_mem>>)
    %scan3A = arith.constant 0 : i32
    %scan3A_30 = arith.constant 0 : i32
    %scan3A_31 = arith.constant 8 : i32
    %scan3A_32 = arith.addi %scan3A_30, %scan3A_31 : i32
    %scan3A_33 = arith.constant 1 : i32
    scf.for %scan3A_35 = %scan3A_30 to %scan3A_32 step %scan3A_33  : i32 {
      %mul3A_36 = arith.constant 2 : i32
      %mul3A_37 = arith.muli %scan3A_35, %mul3A_36 : i32
      %add3A_38 = arith.constant 1 : i32
      %add3A_39 = arith.addi %mul3A_37, %add3A_38 : i32
      %dma_wait3A = arith.constant 0 : i32
      %dma_wait3A_40 = tpu.memref_slice %arg8[%mul3A_37, %dma_wait3A] : memref<16x128xi32, #tpu.memory_space<vmem>> -> memref<1x128xi32, #tpu.memory_space<vmem>>
      %dma_wait3A_41 = tpu.memref_squeeze %dma_wait3A_40 : memref<1x128xi32, #tpu.memory_space<vmem>> -> memref<128xi32, #tpu.memory_space<vmem>>
      %dma_wait3A_42 = arith.constant 0 : i32
      %dma_wait3A_43 = arith.constant 0 : i32
      %dma_wait3A_44 = tpu.memref_slice %arg2[%dma_wait3A_42, %dma_wait3A_43] : memref<10240x128xi32, #tpu.memory_space<hbm>> -> memref<10240x128xi32, #tpu.memory_space<hbm>>
      tpu.wait_indirect_dma semaphore(%arg14 : memref<!tpu.dma_semaphore, #tpu.memory_space<semaphore_mem>>) src(%dma_wait3A_44 : memref<10240x128xi32, #tpu.memory_space<hbm>>) dst(%arg10 : memref<128x128xi32, #tpu.memory_space<vmem>>)
      %dma_wait3A_45 = arith.constant 0 : i32
      %dma_wait3A_46 = tpu.memref_slice %arg9[%mul3A_37, %dma_wait3A_45] : memref<16x128xi32, #tpu.memory_space<vmem>> -> memref<1x128xi32, #tpu.memory_space<vmem>>
      %dma_wait3A_47 = tpu.memref_squeeze %dma_wait3A_46 : memref<1x128xi32, #tpu.memory_space<vmem>> -> memref<128xi32, #tpu.memory_space<vmem>>
      %dma_wait3A_48 = arith.constant 0 : i32
      %dma_wait3A_49 = arith.constant 0 : i32
      %dma_wait3A_50 = tpu.memref_slice %arg3[%dma_wait3A_48, %dma_wait3A_49] : memref<10240x128xi32, #tpu.memory_space<hbm>> -> memref<10240x128xi32, #tpu.memory_space<hbm>>
      tpu.wait_indirect_dma semaphore(%arg15 : memref<!tpu.dma_semaphore, #tpu.memory_space<semaphore_mem>>) src(%dma_wait3A_50 : memref<10240x128xi32, #tpu.memory_space<hbm>>) dst(%arg11 : memref<128x128xi32, #tpu.memory_space<vmem>>)
      %add3A_51 = arith.addi %multiple_of3A, %mul3A_37 : i32
      %mul3A_52 = arith.constant 128 : i32
      %mul3A_53 = arith.muli %add3A_51, %mul3A_52 : i32
      %multiple_of3A_54 = tpu.assume_multiple %mul3A_53, 8 : i32
      %dma_start3A_55 = arith.constant 0 : i32
      %dma_start3A_56 = tpu.memref_slice %arg6[%multiple_of3A_54, %dma_start3A_55] : memref<65536x128xi32, #tpu.memory_space<hbm>> -> memref<128x128xi32, #tpu.memory_space<hbm>>
      %dma_start3A_57 = arith.constant 0 : i32
      %dma_start3A_58 = tpu.memref_slice %arg6[%multiple_of3A_54, %dma_start3A_57] : memref<65536x128xi32, #tpu.memory_space<hbm>> -> memref<128x128xi32, #tpu.memory_space<hbm>>
      tpu.enqueue_dma source(%arg10 : memref<128x128xi32, #tpu.memory_space<vmem>>) target(%dma_start3A_58 : memref<128x128xi32, #tpu.memory_space<hbm>>) target_semaphore(%arg18 : memref<!tpu.dma_semaphore, #tpu.memory_space<semaphore_mem>>)
      %add3A_59 = arith.addi %multiple_of3A, %mul3A_37 : i32
      %mul3A_60 = arith.constant 128 : i32
      %mul3A_61 = arith.muli %add3A_59, %mul3A_60 : i32
      %multiple_of3A_62 = tpu.assume_multiple %mul3A_61, 8 : i32
      %dma_start3A_63 = arith.constant 0 : i32
      %dma_start3A_64 = tpu.memref_slice %arg7[%multiple_of3A_62, %dma_start3A_63] : memref<65536x128xi32, #tpu.memory_space<hbm>> -> memref<128x128xi32, #tpu.memory_space<hbm>>
      %dma_start3A_65 = arith.constant 0 : i32
      %dma_start3A_66 = tpu.memref_slice %arg7[%multiple_of3A_62, %dma_start3A_65] : memref<65536x128xi32, #tpu.memory_space<hbm>> -> memref<128x128xi32, #tpu.memory_space<hbm>>
      tpu.enqueue_dma source(%arg11 : memref<128x128xi32, #tpu.memory_space<vmem>>) target(%dma_start3A_66 : memref<128x128xi32, #tpu.memory_space<hbm>>) target_semaphore(%arg18 : memref<!tpu.dma_semaphore, #tpu.memory_space<semaphore_mem>>)
      %dma_wait3A_67 = arith.constant 0 : i32
      %dma_wait3A_68 = tpu.memref_slice %arg8[%add3A_39, %dma_wait3A_67] : memref<16x128xi32, #tpu.memory_space<vmem>> -> memref<1x128xi32, #tpu.memory_space<vmem>>
      %dma_wait3A_69 = tpu.memref_squeeze %dma_wait3A_68 : memref<1x128xi32, #tpu.memory_space<vmem>> -> memref<128xi32, #tpu.memory_space<vmem>>
      %dma_wait3A_70 = arith.constant 0 : i32
      %dma_wait3A_71 = arith.constant 0 : i32
      %dma_wait3A_72 = tpu.memref_slice %arg2[%dma_wait3A_70, %dma_wait3A_71] : memref<10240x128xi32, #tpu.memory_space<hbm>> -> memref<10240x128xi32, #tpu.memory_space<hbm>>
      tpu.wait_indirect_dma semaphore(%arg16 : memref<!tpu.dma_semaphore, #tpu.memory_space<semaphore_mem>>) src(%dma_wait3A_72 : memref<10240x128xi32, #tpu.memory_space<hbm>>) dst(%arg12 : memref<128x128xi32, #tpu.memory_space<vmem>>)
      %dma_wait3A_73 = arith.constant 0 : i32
      %dma_wait3A_74 = tpu.memref_slice %arg9[%add3A_39, %dma_wait3A_73] : memref<16x128xi32, #tpu.memory_space<vmem>> -> memref<1x128xi32, #tpu.memory_space<vmem>>
      %dma_wait3A_75 = tpu.memref_squeeze %dma_wait3A_74 : memref<1x128xi32, #tpu.memory_space<vmem>> -> memref<128xi32, #tpu.memory_space<vmem>>
      %dma_wait3A_76 = arith.constant 0 : i32
      %dma_wait3A_77 = arith.constant 0 : i32
      %dma_wait3A_78 = tpu.memref_slice %arg3[%dma_wait3A_76, %dma_wait3A_77] : memref<10240x128xi32, #tpu.memory_space<hbm>> -> memref<10240x128xi32, #tpu.memory_space<hbm>>
      tpu.wait_indirect_dma semaphore(%arg17 : memref<!tpu.dma_semaphore, #tpu.memory_space<semaphore_mem>>) src(%dma_wait3A_78 : memref<10240x128xi32, #tpu.memory_space<hbm>>) dst(%arg13 : memref<128x128xi32, #tpu.memory_space<vmem>>)
      %add3A_79 = arith.addi %multiple_of3A, %add3A_39 : i32
      %mul3A_80 = arith.constant 128 : i32
      %mul3A_81 = arith.muli %add3A_79, %mul3A_80 : i32
      %multiple_of3A_82 = tpu.assume_multiple %mul3A_81, 8 : i32
      %dma_start3A_83 = arith.constant 0 : i32
      %dma_start3A_84 = tpu.memref_slice %arg6[%multiple_of3A_82, %dma_start3A_83] : memref<65536x128xi32, #tpu.memory_space<hbm>> -> memref<128x128xi32, #tpu.memory_space<hbm>>
      %dma_start3A_85 = arith.constant 0 : i32
      %dma_start3A_86 = tpu.memref_slice %arg6[%multiple_of3A_82, %dma_start3A_85] : memref<65536x128xi32, #tpu.memory_space<hbm>> -> memref<128x128xi32, #tpu.memory_space<hbm>>
      tpu.enqueue_dma source(%arg12 : memref<128x128xi32, #tpu.memory_space<vmem>>) target(%dma_start3A_86 : memref<128x128xi32, #tpu.memory_space<hbm>>) target_semaphore(%arg19 : memref<!tpu.dma_semaphore, #tpu.memory_space<semaphore_mem>>)
      %add3A_87 = arith.addi %multiple_of3A, %add3A_39 : i32
      %mul3A_88 = arith.constant 128 : i32
      %mul3A_89 = arith.muli %add3A_87, %mul3A_88 : i32
      %multiple_of3A_90 = tpu.assume_multiple %mul3A_89, 8 : i32
      %dma_start3A_91 = arith.constant 0 : i32
      %dma_start3A_92 = tpu.memref_slice %arg7[%multiple_of3A_90, %dma_start3A_91] : memref<65536x128xi32, #tpu.memory_space<hbm>> -> memref<128x128xi32, #tpu.memory_space<hbm>>
      %dma_start3A_93 = arith.constant 0 : i32
      %dma_start3A_94 = tpu.memref_slice %arg7[%multiple_of3A_90, %dma_start3A_93] : memref<65536x128xi32, #tpu.memory_space<hbm>> -> memref<128x128xi32, #tpu.memory_space<hbm>>
      tpu.enqueue_dma source(%arg13 : memref<128x128xi32, #tpu.memory_space<vmem>>) target(%dma_start3A_94 : memref<128x128xi32, #tpu.memory_space<hbm>>) target_semaphore(%arg19 : memref<!tpu.dma_semaphore, #tpu.memory_space<semaphore_mem>>)
      %add3A_95 = arith.addi %multiple_of3A, %mul3A_37 : i32
      %mul3A_96 = arith.constant 128 : i32
      %mul3A_97 = arith.muli %add3A_95, %mul3A_96 : i32
      %multiple_of3A_98 = tpu.assume_multiple %mul3A_97, 8 : i32
      %dma_wait3A_99 = arith.constant 0 : i32
      %dma_wait3A_100 = tpu.memref_slice %arg6[%multiple_of3A_98, %dma_wait3A_99] : memref<65536x128xi32, #tpu.memory_space<hbm>> -> memref<128x128xi32, #tpu.memory_space<hbm>>
      %dma_wait3A_101 = arith.constant 0 : i32
      %dma_wait3A_102 = tpu.memref_slice %arg6[%multiple_of3A_98, %dma_wait3A_101] : memref<65536x128xi32, #tpu.memory_space<hbm>> -> memref<128x128xi32, #tpu.memory_space<hbm>>
      tpu.wait_dma2 semaphore(%arg18 : memref<!tpu.dma_semaphore, #tpu.memory_space<semaphore_mem>>) src(%arg10 : memref<128x128xi32, #tpu.memory_space<vmem>>) dst(%dma_wait3A_102 : memref<128x128xi32, #tpu.memory_space<hbm>>)
      %add3A_103 = arith.addi %multiple_of3A, %mul3A_37 : i32
      %mul3A_104 = arith.constant 128 : i32
      %mul3A_105 = arith.muli %add3A_103, %mul3A_104 : i32
      %multiple_of3A_106 = tpu.assume_multiple %mul3A_105, 8 : i32
      %dma_wait3A_107 = arith.constant 0 : i32
      %dma_wait3A_108 = tpu.memref_slice %arg7[%multiple_of3A_106, %dma_wait3A_107] : memref<65536x128xi32, #tpu.memory_space<hbm>> -> memref<128x128xi32, #tpu.memory_space<hbm>>
      %dma_wait3A_109 = arith.constant 0 : i32
      %dma_wait3A_110 = tpu.memref_slice %arg7[%multiple_of3A_106, %dma_wait3A_109] : memref<65536x128xi32, #tpu.memory_space<hbm>> -> memref<128x128xi32, #tpu.memory_space<hbm>>
      tpu.wait_dma2 semaphore(%arg18 : memref<!tpu.dma_semaphore, #tpu.memory_space<semaphore_mem>>) src(%arg11 : memref<128x128xi32, #tpu.memory_space<vmem>>) dst(%dma_wait3A_110 : memref<128x128xi32, #tpu.memory_space<hbm>>)
      %add3A_111 = arith.constant 1 : i32
      %add3A_112 = arith.addi %scan3A_35, %add3A_111 : i32
      %lt3A = arith.constant 8 : i32
      %lt3A_113 = arith.cmpi slt, %add3A_112, %lt3A : i32
      %convert_element_type3A = arith.extui %lt3A_113 : i1 to i32
      %cond3A = arith.constant 0 : i32
      %cond3A_114 = arith.cmpi ne, %convert_element_type3A, %cond3A : i32
      scf.if %cond3A_114 {
        %add3A_138 = arith.constant 2 : i32
        %add3A_139 = arith.addi %mul3A_37, %add3A_138 : i32
        %dma_start3A_140 = arith.constant 0 : i32
        %dma_start3A_141 = tpu.memref_slice %arg8[%add3A_139, %dma_start3A_140] : memref<16x128xi32, #tpu.memory_space<vmem>> -> memref<1x128xi32, #tpu.memory_space<vmem>>
        %dma_start3A_142 = tpu.memref_squeeze %dma_start3A_141 : memref<1x128xi32, #tpu.memory_space<vmem>> -> memref<128xi32, #tpu.memory_space<vmem>>
        %dma_start3A_143 = arith.constant 0 : i32
        %dma_start3A_144 = arith.constant 0 : i32
        %dma_start3A_145 = tpu.memref_slice %arg2[%dma_start3A_143, %dma_start3A_144] : memref<10240x128xi32, #tpu.memory_space<hbm>> -> memref<10240x128xi32, #tpu.memory_space<hbm>>
        tpu.enqueue_indirect_dma source(%dma_start3A_145 : memref<10240x128xi32, #tpu.memory_space<hbm>>) target(%arg10 : memref<128x128xi32, #tpu.memory_space<vmem>>) offsets(%dma_start3A_142 : memref<128xi32, #tpu.memory_space<vmem>>) semaphore(%arg14 : memref<!tpu.dma_semaphore, #tpu.memory_space<semaphore_mem>>)
        %dma_start3A_146 = arith.constant 0 : i32
        %dma_start3A_147 = tpu.memref_slice %arg9[%add3A_139, %dma_start3A_146] : memref<16x128xi32, #tpu.memory_space<vmem>> -> memref<1x128xi32, #tpu.memory_space<vmem>>
        %dma_start3A_148 = tpu.memref_squeeze %dma_start3A_147 : memref<1x128xi32, #tpu.memory_space<vmem>> -> memref<128xi32, #tpu.memory_space<vmem>>
        %dma_start3A_149 = arith.constant 0 : i32
        %dma_start3A_150 = arith.constant 0 : i32
        %dma_start3A_151 = tpu.memref_slice %arg3[%dma_start3A_149, %dma_start3A_150] : memref<10240x128xi32, #tpu.memory_space<hbm>> -> memref<10240x128xi32, #tpu.memory_space<hbm>>
        tpu.enqueue_indirect_dma source(%dma_start3A_151 : memref<10240x128xi32, #tpu.memory_space<hbm>>) target(%arg11 : memref<128x128xi32, #tpu.memory_space<vmem>>) offsets(%dma_start3A_148 : memref<128xi32, #tpu.memory_space<vmem>>) semaphore(%arg15 : memref<!tpu.dma_semaphore, #tpu.memory_space<semaphore_mem>>)
      } else {
      }
      %add3A_115 = arith.addi %multiple_of3A, %add3A_39 : i32
      %mul3A_116 = arith.constant 128 : i32
      %mul3A_117 = arith.muli %add3A_115, %mul3A_116 : i32
      %multiple_of3A_118 = tpu.assume_multiple %mul3A_117, 8 : i32
      %dma_wait3A_119 = arith.constant 0 : i32
      %dma_wait3A_120 = tpu.memref_slice %arg6[%multiple_of3A_118, %dma_wait3A_119] : memref<65536x128xi32, #tpu.memory_space<hbm>> -> memref<128x128xi32, #tpu.memory_space<hbm>>
      %dma_wait3A_121 = arith.constant 0 : i32
      %dma_wait3A_122 = tpu.memref_slice %arg6[%multiple_of3A_118, %dma_wait3A_121] : memref<65536x128xi32, #tpu.memory_space<hbm>> -> memref<128x128xi32, #tpu.memory_space<hbm>>
      tpu.wait_dma2 semaphore(%arg19 : memref<!tpu.dma_semaphore, #tpu.memory_space<semaphore_mem>>) src(%arg12 : memref<128x128xi32, #tpu.memory_space<vmem>>) dst(%dma_wait3A_122 : memref<128x128xi32, #tpu.memory_space<hbm>>)
      %add3A_123 = arith.addi %multiple_of3A, %add3A_39 : i32
      %mul3A_124 = arith.constant 128 : i32
      %mul3A_125 = arith.muli %add3A_123, %mul3A_124 : i32
      %multiple_of3A_126 = tpu.assume_multiple %mul3A_125, 8 : i32
      %dma_wait3A_127 = arith.constant 0 : i32
      %dma_wait3A_128 = tpu.memref_slice %arg7[%multiple_of3A_126, %dma_wait3A_127] : memref<65536x128xi32, #tpu.memory_space<hbm>> -> memref<128x128xi32, #tpu.memory_space<hbm>>
      %dma_wait3A_129 = arith.constant 0 : i32
      %dma_wait3A_130 = tpu.memref_slice %arg7[%multiple_of3A_126, %dma_wait3A_129] : memref<65536x128xi32, #tpu.memory_space<hbm>> -> memref<128x128xi32, #tpu.memory_space<hbm>>
      tpu.wait_dma2 semaphore(%arg19 : memref<!tpu.dma_semaphore, #tpu.memory_space<semaphore_mem>>) src(%arg13 : memref<128x128xi32, #tpu.memory_space<vmem>>) dst(%dma_wait3A_130 : memref<128x128xi32, #tpu.memory_space<hbm>>)
      %add3A_131 = arith.constant 1 : i32
      %add3A_132 = arith.addi %scan3A_35, %add3A_131 : i32
      %lt3A_133 = arith.constant 8 : i32
      %lt3A_134 = arith.cmpi slt, %add3A_132, %lt3A_133 : i32
      %convert_element_type3A_135 = arith.extui %lt3A_134 : i1 to i32
      %cond3A_136 = arith.constant 0 : i32
      %cond3A_137 = arith.cmpi ne, %convert_element_type3A_135, %cond3A_136 : i32
      scf.if %cond3A_137 {
        %add3A_138 = arith.constant 2 : i32
        %add3A_139 = arith.addi %add3A_39, %add3A_138 : i32
        %dma_start3A_140 = arith.constant 0 : i32
        %dma_start3A_141 = tpu.memref_slice %arg8[%add3A_139, %dma_start3A_140] : memref<16x128xi32, #tpu.memory_space<vmem>> -> memref<1x128xi32, #tpu.memory_space<vmem>>
        %dma_start3A_142 = tpu.memref_squeeze %dma_start3A_141 : memref<1x128xi32, #tpu.memory_space<vmem>> -> memref<128xi32, #tpu.memory_space<vmem>>
        %dma_start3A_143 = arith.constant 0 : i32
        %dma_start3A_144 = arith.constant 0 : i32
        %dma_start3A_145 = tpu.memref_slice %arg2[%dma_start3A_143, %dma_start3A_144] : memref<10240x128xi32, #tpu.memory_space<hbm>> -> memref<10240x128xi32, #tpu.memory_space<hbm>>
        tpu.enqueue_indirect_dma source(%dma_start3A_145 : memref<10240x128xi32, #tpu.memory_space<hbm>>) target(%arg12 : memref<128x128xi32, #tpu.memory_space<vmem>>) offsets(%dma_start3A_142 : memref<128xi32, #tpu.memory_space<vmem>>) semaphore(%arg16 : memref<!tpu.dma_semaphore, #tpu.memory_space<semaphore_mem>>)
        %dma_start3A_146 = arith.constant 0 : i32
        %dma_start3A_147 = tpu.memref_slice %arg9[%add3A_139, %dma_start3A_146] : memref<16x128xi32, #tpu.memory_space<vmem>> -> memref<1x128xi32, #tpu.memory_space<vmem>>
        %dma_start3A_148 = tpu.memref_squeeze %dma_start3A_147 : memref<1x128xi32, #tpu.memory_space<vmem>> -> memref<128xi32, #tpu.memory_space<vmem>>
        %dma_start3A_149 = arith.constant 0 : i32
        %dma_start3A_150 = arith.constant 0 : i32
        %dma_start3A_151 = tpu.memref_slice %arg3[%dma_start3A_149, %dma_start3A_150] : memref<10240x128xi32, #tpu.memory_space<hbm>> -> memref<10240x128xi32, #tpu.memory_space<hbm>>
        tpu.enqueue_indirect_dma source(%dma_start3A_151 : memref<10240x128xi32, #tpu.memory_space<hbm>>) target(%arg13 : memref<128x128xi32, #tpu.memory_space<vmem>>) offsets(%dma_start3A_148 : memref<128xi32, #tpu.memory_space<vmem>>) semaphore(%arg17 : memref<!tpu.dma_semaphore, #tpu.memory_space<semaphore_mem>>)
      } else {
      }
    }
    %scan3A_34 = arith.constant 8 : i32
    return
  }
}

#map = affine_map<(d0, d1) -> (0, 0)>
module attributes {stable_mosaic.version = 14 : i64} {
  func.func @_gather_body(%arg0: i32, %arg1: i32, %arg2: memref<10240x128xi32, #tpu.memory_space<hbm>>, %arg3: memref<10240x128xi32, #tpu.memory_space<hbm>>, %arg4: memref<512x128xi32, #tpu.memory_space<hbm>>, %arg5: memref<512x128xi32, #tpu.memory_space<hbm>>, %arg6: memref<65536x128xi32, #tpu.memory_space<hbm>>, %arg7: memref<65536x128xi32, #tpu.memory_space<hbm>>, %arg8: memref<16x128xi32, #tpu.memory_space<vmem>>, %arg9: memref<16x128xi32, #tpu.memory_space<vmem>>, %arg10: memref<128x128xi32, #tpu.memory_space<vmem>>, %arg11: memref<128x128xi32, #tpu.memory_space<vmem>>, %arg12: memref<128x128xi32, #tpu.memory_space<vmem>>, %arg13: memref<128x128xi32, #tpu.memory_space<vmem>>, %arg14: memref<!tpu.dma_semaphore, #tpu.memory_space<semaphore_mem>>, %arg15: memref<!tpu.dma_semaphore, #tpu.memory_space<semaphore_mem>>, %arg16: memref<!tpu.dma_semaphore, #tpu.memory_space<semaphore_mem>>, %arg17: memref<!tpu.dma_semaphore, #tpu.memory_space<semaphore_mem>>, %arg18: memref<!tpu.dma_semaphore, #tpu.memory_space<semaphore_mem>>, %arg19: memref<!tpu.dma_semaphore, #tpu.memory_space<semaphore_mem>>) attributes {dimension_semantics = [#tpu.dimension_semantics<core_parallel>, #tpu.dimension_semantics<subcore_parallel>], iteration_bounds = array<i64: 2, 16>, scalar_prefetch = 0 : i64, scratch_operands = 12 : i64, tpu.core_type = #tpu.core_type<sc_vector_subcore>, window_params = [{transform_indices = #map}, {transform_indices = #map}, {transform_indices = #map}, {transform_indices = #map}, {transform_indices = #map}, {transform_indices = #map}]} {
    %mul3A = arith.constant 2 : i32
    %mul3A_0 = arith.muli %arg1, %mul3A : i32
    %add3A = arith.addi %mul3A_0, %arg0 : i32
    %mul3A_1 = arith.constant 16 : i32
    %mul3A_2 = arith.muli %add3A, %mul3A_1 : i32
    %multiple_of3A = tpu.assume_multiple %mul3A_2, 8 : i32
    "tpu.region"() ({
      %run_scoped3A = tpu.sem_alloc : memref<!tpu.dma_semaphore, #tpu.memory_space<semaphore_mem>>
      %dma_start3A_35 = arith.constant 0 : i32
      %dma_start3A_36 = tpu.memref_slice %arg4[%multiple_of3A, %dma_start3A_35] : memref<512x128xi32, #tpu.memory_space<hbm>> -> memref<16x128xi32, #tpu.memory_space<hbm>>
      %dma_start3A_37 = arith.constant 0 : i32
      %dma_start3A_38 = tpu.memref_slice %arg4[%multiple_of3A, %dma_start3A_37] : memref<512x128xi32, #tpu.memory_space<hbm>> -> memref<16x128xi32, #tpu.memory_space<hbm>>
      tpu.enqueue_dma source(%dma_start3A_38 : memref<16x128xi32, #tpu.memory_space<hbm>>) target(%arg8 : memref<16x128xi32, #tpu.memory_space<vmem>>) target_semaphore(%run_scoped3A : memref<!tpu.dma_semaphore, #tpu.memory_space<semaphore_mem>>)
      %dma_wait3A = arith.constant 0 : i32
      %dma_wait3A_39 = tpu.memref_slice %arg4[%multiple_of3A, %dma_wait3A] : memref<512x128xi32, #tpu.memory_space<hbm>> -> memref<16x128xi32, #tpu.memory_space<hbm>>
      %dma_wait3A_40 = arith.constant 0 : i32
      %dma_wait3A_41 = tpu.memref_slice %arg4[%multiple_of3A, %dma_wait3A_40] : memref<512x128xi32, #tpu.memory_space<hbm>> -> memref<16x128xi32, #tpu.memory_space<hbm>>
      tpu.wait_dma2 semaphore(%run_scoped3A : memref<!tpu.dma_semaphore, #tpu.memory_space<semaphore_mem>>) src(%dma_wait3A_41 : memref<16x128xi32, #tpu.memory_space<hbm>>) dst(%arg8 : memref<16x128xi32, #tpu.memory_space<vmem>>)
      tpu.yield
    }) : () -> ()
    "tpu.region"() ({
      %run_scoped3A = tpu.sem_alloc : memref<!tpu.dma_semaphore, #tpu.memory_space<semaphore_mem>>
      %dma_start3A_35 = arith.constant 0 : i32
      %dma_start3A_36 = tpu.memref_slice %arg5[%multiple_of3A, %dma_start3A_35] : memref<512x128xi32, #tpu.memory_space<hbm>> -> memref<16x128xi32, #tpu.memory_space<hbm>>
      %dma_start3A_37 = arith.constant 0 : i32
      %dma_start3A_38 = tpu.memref_slice %arg5[%multiple_of3A, %dma_start3A_37] : memref<512x128xi32, #tpu.memory_space<hbm>> -> memref<16x128xi32, #tpu.memory_space<hbm>>
      tpu.enqueue_dma source(%dma_start3A_38 : memref<16x128xi32, #tpu.memory_space<hbm>>) target(%arg9 : memref<16x128xi32, #tpu.memory_space<vmem>>) target_semaphore(%run_scoped3A : memref<!tpu.dma_semaphore, #tpu.memory_space<semaphore_mem>>)
      %dma_wait3A = arith.constant 0 : i32
      %dma_wait3A_39 = tpu.memref_slice %arg5[%multiple_of3A, %dma_wait3A] : memref<512x128xi32, #tpu.memory_space<hbm>> -> memref<16x128xi32, #tpu.memory_space<hbm>>
      %dma_wait3A_40 = arith.constant 0 : i32
      %dma_wait3A_41 = tpu.memref_slice %arg5[%multiple_of3A, %dma_wait3A_40] : memref<512x128xi32, #tpu.memory_space<hbm>> -> memref<16x128xi32, #tpu.memory_space<hbm>>
      tpu.wait_dma2 semaphore(%run_scoped3A : memref<!tpu.dma_semaphore, #tpu.memory_space<semaphore_mem>>) src(%dma_wait3A_41 : memref<16x128xi32, #tpu.memory_space<hbm>>) dst(%arg9 : memref<16x128xi32, #tpu.memory_space<vmem>>)
      tpu.yield
    }) : () -> ()
    %dma_start3A = arith.constant 0 : i32
    %dma_start3A_3 = arith.constant 0 : i32
    %dma_start3A_4 = tpu.memref_slice %arg8[%dma_start3A, %dma_start3A_3] : memref<16x128xi32, #tpu.memory_space<vmem>> -> memref<1x128xi32, #tpu.memory_space<vmem>>
    %dma_start3A_5 = tpu.memref_squeeze %dma_start3A_4 : memref<1x128xi32, #tpu.memory_space<vmem>> -> memref<128xi32, #tpu.memory_space<vmem>>
    %dma_start3A_6 = arith.constant 0 : i32
    %dma_start3A_7 = arith.constant 0 : i32
    %dma_start3A_8 = tpu.memref_slice %arg2[%dma_start3A_6, %dma_start3A_7] : memref<10240x128xi32, #tpu.memory_space<hbm>> -> memref<10240x128xi32, #tpu.memory_space<hbm>>
    tpu.enqueue_indirect_dma source(%dma_start3A_8 : memref<10240x128xi32, #tpu.memory_space<hbm>>) target(%arg10 : memref<128x128xi32, #tpu.memory_space<vmem>>) offsets(%dma_start3A_5 : memref<128xi32, #tpu.memory_space<vmem>>) semaphore(%arg14 : memref<!tpu.dma_semaphore, #tpu.memory_space<semaphore_mem>>)
    %dma_start3A_9 = arith.constant 0 : i32
    %dma_start3A_10 = arith.constant 0 : i32
    %dma_start3A_11 = tpu.memref_slice %arg9[%dma_start3A_9, %dma_start3A_10] : memref<16x128xi32, #tpu.memory_space<vmem>> -> memref<1x128xi32, #tpu.memory_space<vmem>>
    %dma_start3A_12 = tpu.memref_squeeze %dma_start3A_11 : memref<1x128xi32, #tpu.memory_space<vmem>> -> memref<128xi32, #tpu.memory_space<vmem>>
    %dma_start3A_13 = arith.constant 0 : i32
    %dma_start3A_14 = arith.constant 0 : i32
    %dma_start3A_15 = tpu.memref_slice %arg3[%dma_start3A_13, %dma_start3A_14] : memref<10240x128xi32, #tpu.memory_space<hbm>> -> memref<10240x128xi32, #tpu.memory_space<hbm>>
    tpu.enqueue_indirect_dma source(%dma_start3A_15 : memref<10240x128xi32, #tpu.memory_space<hbm>>) target(%arg11 : memref<128x128xi32, #tpu.memory_space<vmem>>) offsets(%dma_start3A_12 : memref<128xi32, #tpu.memory_space<vmem>>) semaphore(%arg15 : memref<!tpu.dma_semaphore, #tpu.memory_space<semaphore_mem>>)
    %dma_start3A_16 = arith.constant 1 : i32
    %dma_start3A_17 = arith.constant 0 : i32
    %dma_start3A_18 = tpu.memref_slice %arg8[%dma_start3A_16, %dma_start3A_17] : memref<16x128xi32, #tpu.memory_space<vmem>> -> memref<1x128xi32, #tpu.memory_space<vmem>>
    %dma_start3A_19 = tpu.memref_squeeze %dma_start3A_18 : memref<1x128xi32, #tpu.memory_space<vmem>> -> memref<128xi32, #tpu.memory_space<vmem>>
    %dma_start3A_20 = arith.constant 0 : i32
    %dma_start3A_21 = arith.constant 0 : i32
    %dma_start3A_22 = tpu.memref_slice %arg2[%dma_start3A_20, %dma_start3A_21] : memref<10240x128xi32, #tpu.memory_space<hbm>> -> memref<10240x128xi32, #tpu.memory_space<hbm>>
    tpu.enqueue_indirect_dma source(%dma_start3A_22 : memref<10240x128xi32, #tpu.memory_space<hbm>>) target(%arg12 : memref<128x128xi32, #tpu.memory_space<vmem>>) offsets(%dma_start3A_19 : memref<128xi32, #tpu.memory_space<vmem>>) semaphore(%arg16 : memref<!tpu.dma_semaphore, #tpu.memory_space<semaphore_mem>>)
    %dma_start3A_23 = arith.constant 1 : i32
    %dma_start3A_24 = arith.constant 0 : i32
    %dma_start3A_25 = tpu.memref_slice %arg9[%dma_start3A_23, %dma_start3A_24] : memref<16x128xi32, #tpu.memory_space<vmem>> -> memref<1x128xi32, #tpu.memory_space<vmem>>
    %dma_start3A_26 = tpu.memref_squeeze %dma_start3A_25 : memref<1x128xi32, #tpu.memory_space<vmem>> -> memref<128xi32, #tpu.memory_space<vmem>>
    %dma_start3A_27 = arith.constant 0 : i32
    %dma_start3A_28 = arith.constant 0 : i32
    %dma_start3A_29 = tpu.memref_slice %arg3[%dma_start3A_27, %dma_start3A_28] : memref<10240x128xi32, #tpu.memory_space<hbm>> -> memref<10240x128xi32, #tpu.memory_space<hbm>>
    tpu.enqueue_indirect_dma source(%dma_start3A_29 : memref<10240x128xi32, #tpu.memory_space<hbm>>) target(%arg13 : memref<128x128xi32, #tpu.memory_space<vmem>>) offsets(%dma_start3A_26 : memref<128xi32, #tpu.memory_space<vmem>>) semaphore(%arg17 : memref<!tpu.dma_semaphore, #tpu.memory_space<semaphore_mem>>)
    %scan3A = arith.constant 0 : i32
    %scan3A_30 = arith.constant 0 : i32
    %scan3A_31 = arith.constant 8 : i32
    %scan3A_32 = arith.addi %scan3A_30, %scan3A_31 : i32
    %scan3A_33 = arith.constant 1 : i32
    scf.for %scan3A_35 = %scan3A_30 to %scan3A_32 step %scan3A_33  : i32 {
      %mul3A_36 = arith.constant 2 : i32
      %mul3A_37 = arith.muli %scan3A_35, %mul3A_36 : i32
      %add3A_38 = arith.constant 1 : i32
      %add3A_39 = arith.addi %mul3A_37, %add3A_38 : i32
      %dma_wait3A = arith.constant 0 : i32
      %dma_wait3A_40 = tpu.memref_slice %arg8[%mul3A_37, %dma_wait3A] : memref<16x128xi32, #tpu.memory_space<vmem>> -> memref<1x128xi32, #tpu.memory_space<vmem>>
      %dma_wait3A_41 = tpu.memref_squeeze %dma_wait3A_40 : memref<1x128xi32, #tpu.memory_space<vmem>> -> memref<128xi32, #tpu.memory_space<vmem>>
      %dma_wait3A_42 = arith.constant 0 : i32
      %dma_wait3A_43 = arith.constant 0 : i32
      %dma_wait3A_44 = tpu.memref_slice %arg2[%dma_wait3A_42, %dma_wait3A_43] : memref<10240x128xi32, #tpu.memory_space<hbm>> -> memref<10240x128xi32, #tpu.memory_space<hbm>>
      tpu.wait_indirect_dma semaphore(%arg14 : memref<!tpu.dma_semaphore, #tpu.memory_space<semaphore_mem>>) src(%dma_wait3A_44 : memref<10240x128xi32, #tpu.memory_space<hbm>>) dst(%arg10 : memref<128x128xi32, #tpu.memory_space<vmem>>)
      %dma_wait3A_45 = arith.constant 0 : i32
      %dma_wait3A_46 = tpu.memref_slice %arg9[%mul3A_37, %dma_wait3A_45] : memref<16x128xi32, #tpu.memory_space<vmem>> -> memref<1x128xi32, #tpu.memory_space<vmem>>
      %dma_wait3A_47 = tpu.memref_squeeze %dma_wait3A_46 : memref<1x128xi32, #tpu.memory_space<vmem>> -> memref<128xi32, #tpu.memory_space<vmem>>
      %dma_wait3A_48 = arith.constant 0 : i32
      %dma_wait3A_49 = arith.constant 0 : i32
      %dma_wait3A_50 = tpu.memref_slice %arg3[%dma_wait3A_48, %dma_wait3A_49] : memref<10240x128xi32, #tpu.memory_space<hbm>> -> memref<10240x128xi32, #tpu.memory_space<hbm>>
      tpu.wait_indirect_dma semaphore(%arg15 : memref<!tpu.dma_semaphore, #tpu.memory_space<semaphore_mem>>) src(%dma_wait3A_50 : memref<10240x128xi32, #tpu.memory_space<hbm>>) dst(%arg11 : memref<128x128xi32, #tpu.memory_space<vmem>>)
      %add3A_51 = arith.addi %multiple_of3A, %mul3A_37 : i32
      %mul3A_52 = arith.constant 128 : i32
      %mul3A_53 = arith.muli %add3A_51, %mul3A_52 : i32
      %multiple_of3A_54 = tpu.assume_multiple %mul3A_53, 8 : i32
      %dma_start3A_55 = arith.constant 0 : i32
      %dma_start3A_56 = tpu.memref_slice %arg6[%multiple_of3A_54, %dma_start3A_55] : memref<65536x128xi32, #tpu.memory_space<hbm>> -> memref<128x128xi32, #tpu.memory_space<hbm>>
      %dma_start3A_57 = arith.constant 0 : i32
      %dma_start3A_58 = tpu.memref_slice %arg6[%multiple_of3A_54, %dma_start3A_57] : memref<65536x128xi32, #tpu.memory_space<hbm>> -> memref<128x128xi32, #tpu.memory_space<hbm>>
      tpu.enqueue_dma source(%arg10 : memref<128x128xi32, #tpu.memory_space<vmem>>) target(%dma_start3A_58 : memref<128x128xi32, #tpu.memory_space<hbm>>) target_semaphore(%arg18 : memref<!tpu.dma_semaphore, #tpu.memory_space<semaphore_mem>>)
      %add3A_59 = arith.addi %multiple_of3A, %mul3A_37 : i32
      %mul3A_60 = arith.constant 128 : i32
      %mul3A_61 = arith.muli %add3A_59, %mul3A_60 : i32
      %multiple_of3A_62 = tpu.assume_multiple %mul3A_61, 8 : i32
      %dma_start3A_63 = arith.constant 0 : i32
      %dma_start3A_64 = tpu.memref_slice %arg7[%multiple_of3A_62, %dma_start3A_63] : memref<65536x128xi32, #tpu.memory_space<hbm>> -> memref<128x128xi32, #tpu.memory_space<hbm>>
      %dma_start3A_65 = arith.constant 0 : i32
      %dma_start3A_66 = tpu.memref_slice %arg7[%multiple_of3A_62, %dma_start3A_65] : memref<65536x128xi32, #tpu.memory_space<hbm>> -> memref<128x128xi32, #tpu.memory_space<hbm>>
      tpu.enqueue_dma source(%arg11 : memref<128x128xi32, #tpu.memory_space<vmem>>) target(%dma_start3A_66 : memref<128x128xi32, #tpu.memory_space<hbm>>) target_semaphore(%arg18 : memref<!tpu.dma_semaphore, #tpu.memory_space<semaphore_mem>>)
      %dma_wait3A_67 = arith.constant 0 : i32
      %dma_wait3A_68 = tpu.memref_slice %arg8[%add3A_39, %dma_wait3A_67] : memref<16x128xi32, #tpu.memory_space<vmem>> -> memref<1x128xi32, #tpu.memory_space<vmem>>
      %dma_wait3A_69 = tpu.memref_squeeze %dma_wait3A_68 : memref<1x128xi32, #tpu.memory_space<vmem>> -> memref<128xi32, #tpu.memory_space<vmem>>
      %dma_wait3A_70 = arith.constant 0 : i32
      %dma_wait3A_71 = arith.constant 0 : i32
      %dma_wait3A_72 = tpu.memref_slice %arg2[%dma_wait3A_70, %dma_wait3A_71] : memref<10240x128xi32, #tpu.memory_space<hbm>> -> memref<10240x128xi32, #tpu.memory_space<hbm>>
      tpu.wait_indirect_dma semaphore(%arg16 : memref<!tpu.dma_semaphore, #tpu.memory_space<semaphore_mem>>) src(%dma_wait3A_72 : memref<10240x128xi32, #tpu.memory_space<hbm>>) dst(%arg12 : memref<128x128xi32, #tpu.memory_space<vmem>>)
      %dma_wait3A_73 = arith.constant 0 : i32
      %dma_wait3A_74 = tpu.memref_slice %arg9[%add3A_39, %dma_wait3A_73] : memref<16x128xi32, #tpu.memory_space<vmem>> -> memref<1x128xi32, #tpu.memory_space<vmem>>
      %dma_wait3A_75 = tpu.memref_squeeze %dma_wait3A_74 : memref<1x128xi32, #tpu.memory_space<vmem>> -> memref<128xi32, #tpu.memory_space<vmem>>
      %dma_wait3A_76 = arith.constant 0 : i32
      %dma_wait3A_77 = arith.constant 0 : i32
      %dma_wait3A_78 = tpu.memref_slice %arg3[%dma_wait3A_76, %dma_wait3A_77] : memref<10240x128xi32, #tpu.memory_space<hbm>> -> memref<10240x128xi32, #tpu.memory_space<hbm>>
      tpu.wait_indirect_dma semaphore(%arg17 : memref<!tpu.dma_semaphore, #tpu.memory_space<semaphore_mem>>) src(%dma_wait3A_78 : memref<10240x128xi32, #tpu.memory_space<hbm>>) dst(%arg13 : memref<128x128xi32, #tpu.memory_space<vmem>>)
      %add3A_79 = arith.addi %multiple_of3A, %add3A_39 : i32
      %mul3A_80 = arith.constant 128 : i32
      %mul3A_81 = arith.muli %add3A_79, %mul3A_80 : i32
      %multiple_of3A_82 = tpu.assume_multiple %mul3A_81, 8 : i32
      %dma_start3A_83 = arith.constant 0 : i32
      %dma_start3A_84 = tpu.memref_slice %arg6[%multiple_of3A_82, %dma_start3A_83] : memref<65536x128xi32, #tpu.memory_space<hbm>> -> memref<128x128xi32, #tpu.memory_space<hbm>>
      %dma_start3A_85 = arith.constant 0 : i32
      %dma_start3A_86 = tpu.memref_slice %arg6[%multiple_of3A_82, %dma_start3A_85] : memref<65536x128xi32, #tpu.memory_space<hbm>> -> memref<128x128xi32, #tpu.memory_space<hbm>>
      tpu.enqueue_dma source(%arg12 : memref<128x128xi32, #tpu.memory_space<vmem>>) target(%dma_start3A_86 : memref<128x128xi32, #tpu.memory_space<hbm>>) target_semaphore(%arg19 : memref<!tpu.dma_semaphore, #tpu.memory_space<semaphore_mem>>)
      %add3A_87 = arith.addi %multiple_of3A, %add3A_39 : i32
      %mul3A_88 = arith.constant 128 : i32
      %mul3A_89 = arith.muli %add3A_87, %mul3A_88 : i32
      %multiple_of3A_90 = tpu.assume_multiple %mul3A_89, 8 : i32
      %dma_start3A_91 = arith.constant 0 : i32
      %dma_start3A_92 = tpu.memref_slice %arg7[%multiple_of3A_90, %dma_start3A_91] : memref<65536x128xi32, #tpu.memory_space<hbm>> -> memref<128x128xi32, #tpu.memory_space<hbm>>
      %dma_start3A_93 = arith.constant 0 : i32
      %dma_start3A_94 = tpu.memref_slice %arg7[%multiple_of3A_90, %dma_start3A_93] : memref<65536x128xi32, #tpu.memory_space<hbm>> -> memref<128x128xi32, #tpu.memory_space<hbm>>
      tpu.enqueue_dma source(%arg13 : memref<128x128xi32, #tpu.memory_space<vmem>>) target(%dma_start3A_94 : memref<128x128xi32, #tpu.memory_space<hbm>>) target_semaphore(%arg19 : memref<!tpu.dma_semaphore, #tpu.memory_space<semaphore_mem>>)
      %add3A_95 = arith.addi %multiple_of3A, %mul3A_37 : i32
      %mul3A_96 = arith.constant 128 : i32
      %mul3A_97 = arith.muli %add3A_95, %mul3A_96 : i32
      %multiple_of3A_98 = tpu.assume_multiple %mul3A_97, 8 : i32
      %dma_wait3A_99 = arith.constant 0 : i32
      %dma_wait3A_100 = tpu.memref_slice %arg6[%multiple_of3A_98, %dma_wait3A_99] : memref<65536x128xi32, #tpu.memory_space<hbm>> -> memref<128x128xi32, #tpu.memory_space<hbm>>
      %dma_wait3A_101 = arith.constant 0 : i32
      %dma_wait3A_102 = tpu.memref_slice %arg6[%multiple_of3A_98, %dma_wait3A_101] : memref<65536x128xi32, #tpu.memory_space<hbm>> -> memref<128x128xi32, #tpu.memory_space<hbm>>
      tpu.wait_dma2 semaphore(%arg18 : memref<!tpu.dma_semaphore, #tpu.memory_space<semaphore_mem>>) src(%arg10 : memref<128x128xi32, #tpu.memory_space<vmem>>) dst(%dma_wait3A_102 : memref<128x128xi32, #tpu.memory_space<hbm>>)
      %add3A_103 = arith.addi %multiple_of3A, %mul3A_37 : i32
      %mul3A_104 = arith.constant 128 : i32
      %mul3A_105 = arith.muli %add3A_103, %mul3A_104 : i32
      %multiple_of3A_106 = tpu.assume_multiple %mul3A_105, 8 : i32
      %dma_wait3A_107 = arith.constant 0 : i32
      %dma_wait3A_108 = tpu.memref_slice %arg7[%multiple_of3A_106, %dma_wait3A_107] : memref<65536x128xi32, #tpu.memory_space<hbm>> -> memref<128x128xi32, #tpu.memory_space<hbm>>
      %dma_wait3A_109 = arith.constant 0 : i32
      %dma_wait3A_110 = tpu.memref_slice %arg7[%multiple_of3A_106, %dma_wait3A_109] : memref<65536x128xi32, #tpu.memory_space<hbm>> -> memref<128x128xi32, #tpu.memory_space<hbm>>
      tpu.wait_dma2 semaphore(%arg18 : memref<!tpu.dma_semaphore, #tpu.memory_space<semaphore_mem>>) src(%arg11 : memref<128x128xi32, #tpu.memory_space<vmem>>) dst(%dma_wait3A_110 : memref<128x128xi32, #tpu.memory_space<hbm>>)
      %add3A_111 = arith.constant 1 : i32
      %add3A_112 = arith.addi %scan3A_35, %add3A_111 : i32
      %lt3A = arith.constant 8 : i32
      %lt3A_113 = arith.cmpi slt, %add3A_112, %lt3A : i32
      %convert_element_type3A = arith.extui %lt3A_113 : i1 to i32
      %cond3A = arith.constant 0 : i32
      %cond3A_114 = arith.cmpi ne, %convert_element_type3A, %cond3A : i32
      scf.if %cond3A_114 {
        %add3A_138 = arith.constant 2 : i32
        %add3A_139 = arith.addi %mul3A_37, %add3A_138 : i32
        %dma_start3A_140 = arith.constant 0 : i32
        %dma_start3A_141 = tpu.memref_slice %arg8[%add3A_139, %dma_start3A_140] : memref<16x128xi32, #tpu.memory_space<vmem>> -> memref<1x128xi32, #tpu.memory_space<vmem>>
        %dma_start3A_142 = tpu.memref_squeeze %dma_start3A_141 : memref<1x128xi32, #tpu.memory_space<vmem>> -> memref<128xi32, #tpu.memory_space<vmem>>
        %dma_start3A_143 = arith.constant 0 : i32
        %dma_start3A_144 = arith.constant 0 : i32
        %dma_start3A_145 = tpu.memref_slice %arg2[%dma_start3A_143, %dma_start3A_144] : memref<10240x128xi32, #tpu.memory_space<hbm>> -> memref<10240x128xi32, #tpu.memory_space<hbm>>
        tpu.enqueue_indirect_dma source(%dma_start3A_145 : memref<10240x128xi32, #tpu.memory_space<hbm>>) target(%arg10 : memref<128x128xi32, #tpu.memory_space<vmem>>) offsets(%dma_start3A_142 : memref<128xi32, #tpu.memory_space<vmem>>) semaphore(%arg14 : memref<!tpu.dma_semaphore, #tpu.memory_space<semaphore_mem>>)
        %dma_start3A_146 = arith.constant 0 : i32
        %dma_start3A_147 = tpu.memref_slice %arg9[%add3A_139, %dma_start3A_146] : memref<16x128xi32, #tpu.memory_space<vmem>> -> memref<1x128xi32, #tpu.memory_space<vmem>>
        %dma_start3A_148 = tpu.memref_squeeze %dma_start3A_147 : memref<1x128xi32, #tpu.memory_space<vmem>> -> memref<128xi32, #tpu.memory_space<vmem>>
        %dma_start3A_149 = arith.constant 0 : i32
        %dma_start3A_150 = arith.constant 0 : i32
        %dma_start3A_151 = tpu.memref_slice %arg3[%dma_start3A_149, %dma_start3A_150] : memref<10240x128xi32, #tpu.memory_space<hbm>> -> memref<10240x128xi32, #tpu.memory_space<hbm>>
        tpu.enqueue_indirect_dma source(%dma_start3A_151 : memref<10240x128xi32, #tpu.memory_space<hbm>>) target(%arg11 : memref<128x128xi32, #tpu.memory_space<vmem>>) offsets(%dma_start3A_148 : memref<128xi32, #tpu.memory_space<vmem>>) semaphore(%arg15 : memref<!tpu.dma_semaphore, #tpu.memory_space<semaphore_mem>>)
      } else {
      }
      %add3A_115 = arith.addi %multiple_of3A, %add3A_39 : i32
      %mul3A_116 = arith.constant 128 : i32
      %mul3A_117 = arith.muli %add3A_115, %mul3A_116 : i32
      %multiple_of3A_118 = tpu.assume_multiple %mul3A_117, 8 : i32
      %dma_wait3A_119 = arith.constant 0 : i32
      %dma_wait3A_120 = tpu.memref_slice %arg6[%multiple_of3A_118, %dma_wait3A_119] : memref<65536x128xi32, #tpu.memory_space<hbm>> -> memref<128x128xi32, #tpu.memory_space<hbm>>
      %dma_wait3A_121 = arith.constant 0 : i32
      %dma_wait3A_122 = tpu.memref_slice %arg6[%multiple_of3A_118, %dma_wait3A_121] : memref<65536x128xi32, #tpu.memory_space<hbm>> -> memref<128x128xi32, #tpu.memory_space<hbm>>
      tpu.wait_dma2 semaphore(%arg19 : memref<!tpu.dma_semaphore, #tpu.memory_space<semaphore_mem>>) src(%arg12 : memref<128x128xi32, #tpu.memory_space<vmem>>) dst(%dma_wait3A_122 : memref<128x128xi32, #tpu.memory_space<hbm>>)
      %add3A_123 = arith.addi %multiple_of3A, %add3A_39 : i32
      %mul3A_124 = arith.constant 128 : i32
      %mul3A_125 = arith.muli %add3A_123, %mul3A_124 : i32
      %multiple_of3A_126 = tpu.assume_multiple %mul3A_125, 8 : i32
      %dma_wait3A_127 = arith.constant 0 : i32
      %dma_wait3A_128 = tpu.memref_slice %arg7[%multiple_of3A_126, %dma_wait3A_127] : memref<65536x128xi32, #tpu.memory_space<hbm>> -> memref<128x128xi32, #tpu.memory_space<hbm>>
      %dma_wait3A_129 = arith.constant 0 : i32
      %dma_wait3A_130 = tpu.memref_slice %arg7[%multiple_of3A_126, %dma_wait3A_129] : memref<65536x128xi32, #tpu.memory_space<hbm>> -> memref<128x128xi32, #tpu.memory_space<hbm>>
      tpu.wait_dma2 semaphore(%arg19 : memref<!tpu.dma_semaphore, #tpu.memory_space<semaphore_mem>>) src(%arg13 : memref<128x128xi32, #tpu.memory_space<vmem>>) dst(%dma_wait3A_130 : memref<128x128xi32, #tpu.memory_space<hbm>>)
      %add3A_131 = arith.constant 1 : i32
      %add3A_132 = arith.addi %scan3A_35, %add3A_131 : i32
      %lt3A_133 = arith.constant 8 : i32
      %lt3A_134 = arith.cmpi slt, %add3A_132, %lt3A_133 : i32
      %convert_element_type3A_135 = arith.extui %lt3A_134 : i1 to i32
      %cond3A_136 = arith.constant 0 : i32
      %cond3A_137 = arith.cmpi ne, %convert_element_type3A_135, %cond3A_136 : i32
      scf.if %cond3A_137 {
        %add3A_138 = arith.constant 2 : i32
        %add3A_139 = arith.addi %add3A_39, %add3A_138 : i32
        %dma_start3A_140 = arith.constant 0 : i32
        %dma_start3A_141 = tpu.memref_slice %arg8[%add3A_139, %dma_start3A_140] : memref<16x128xi32, #tpu.memory_space<vmem>> -> memref<1x128xi32, #tpu.memory_space<vmem>>
        %dma_start3A_142 = tpu.memref_squeeze %dma_start3A_141 : memref<1x128xi32, #tpu.memory_space<vmem>> -> memref<128xi32, #tpu.memory_space<vmem>>
        %dma_start3A_143 = arith.constant 0 : i32
        %dma_start3A_144 = arith.constant 0 : i32
        %dma_start3A_145 = tpu.memref_slice %arg2[%dma_start3A_143, %dma_start3A_144] : memref<10240x128xi32, #tpu.memory_space<hbm>> -> memref<10240x128xi32, #tpu.memory_space<hbm>>
        tpu.enqueue_indirect_dma source(%dma_start3A_145 : memref<10240x128xi32, #tpu.memory_space<hbm>>) target(%arg12 : memref<128x128xi32, #tpu.memory_space<vmem>>) offsets(%dma_start3A_142 : memref<128xi32, #tpu.memory_space<vmem>>) semaphore(%arg16 : memref<!tpu.dma_semaphore, #tpu.memory_space<semaphore_mem>>)
        %dma_start3A_146 = arith.constant 0 : i32
        %dma_start3A_147 = tpu.memref_slice %arg9[%add3A_139, %dma_start3A_146] : memref<16x128xi32, #tpu.memory_space<vmem>> -> memref<1x128xi32, #tpu.memory_space<vmem>>
        %dma_start3A_148 = tpu.memref_squeeze %dma_start3A_147 : memref<1x128xi32, #tpu.memory_space<vmem>> -> memref<128xi32, #tpu.memory_space<vmem>>
        %dma_start3A_149 = arith.constant 0 : i32
        %dma_start3A_150 = arith.constant 0 : i32
        %dma_start3A_151 = tpu.memref_slice %arg3[%dma_start3A_149, %dma_start3A_150] : memref<10240x128xi32, #tpu.memory_space<hbm>> -> memref<10240x128xi32, #tpu.memory_space<hbm>>
        tpu.enqueue_indirect_dma source(%dma_start3A_151 : memref<10240x128xi32, #tpu.memory_space<hbm>>) target(%arg13 : memref<128x128xi32, #tpu.memory_space<vmem>>) offsets(%dma_start3A_148 : memref<128xi32, #tpu.memory_space<vmem>>) semaphore(%arg17 : memref<!tpu.dma_semaphore, #tpu.memory_space<semaphore_mem>>)
      } else {
      }
    }
    %scan3A_34 = arith.constant 8 : i32
    return
  }
}

#map = affine_map<(d0, d1) -> (0, 0)>
#map1 = affine_map<(d0, d1) -> (0, 0, 0)>
module attributes {stable_mosaic.version = 14 : i64} {
  func.func @_scatter_body(%arg0: i32, %arg1: i32, %arg2: memref<327680x128xf32, #tpu.memory_space<hbm>>, %arg3: memref<2560x128xi32, #tpu.memory_space<hbm>>, %arg4: memref<2x10240x128xf32, #tpu.memory_space<hbm>>, %arg5: memref<80x128xi32, #tpu.memory_space<vmem>>, %arg6: memref<128x128xf32, #tpu.memory_space<vmem>>, %arg7: memref<128x128xf32, #tpu.memory_space<vmem>>, %arg8: memref<10240x128xf32, #tpu.memory_space<vmem_shared>>, %arg9: memref<!tpu.dma_semaphore, #tpu.memory_space<semaphore_mem>>, %arg10: memref<!tpu.dma_semaphore, #tpu.memory_space<semaphore_mem>>, %arg11: memref<!tpu.dma_semaphore, #tpu.memory_space<semaphore_mem>>, %arg12: memref<!tpu.dma_semaphore, #tpu.memory_space<semaphore_mem>>) attributes {dimension_semantics = [#tpu.dimension_semantics<core_parallel>, #tpu.dimension_semantics<subcore_parallel>], iteration_bounds = array<i64: 2, 16>, scalar_prefetch = 0 : i64, scratch_operands = 8 : i64, tpu.core_type = #tpu.core_type<sc_vector_subcore>, window_params = [{transform_indices = #map}, {transform_indices = #map}, {transform_indices = #map1}]} {
    %mul3A = arith.constant 2 : i32
    %mul3A_0 = arith.muli %arg1, %mul3A : i32
    %add3A = arith.addi %mul3A_0, %arg0 : i32
    %scan3A = arith.constant 0 : i32
    %scan3A_1 = arith.constant 0 : i32
    %scan3A_2 = arith.constant 128 : i32
    %scan3A_3 = arith.addi %scan3A_1, %scan3A_2 : i32
    %scan3A_4 = arith.constant 1 : i32
    scf.for %scan3A_82 = %scan3A_1 to %scan3A_3 step %scan3A_4  : i32 {
      %broadcast_in_dim3A = arith.constant 0.000000e+00 : f32
      %broadcast_in_dim3A_83 = vector.broadcast %broadcast_in_dim3A : f32 to vector<16xf32>
      %swap3A = arith.index_cast %scan3A_82 : i32 to index
      %swap3A_84 = arith.constant 0 : index
      %swap3A_85 = tpu.vector_load %arg6[%swap3A, %swap3A_84] {strides = array<i32>} : memref<128x128xf32, #tpu.memory_space<vmem>>, vector<1x16xf32>,
      %swap3A_86 = vector.shape_cast %swap3A_85 : vector<1x16xf32> to vector<16xf32>
      %swap3A_87 = vector.shape_cast %broadcast_in_dim3A_83 : vector<16xf32> to vector<1x16xf32>
      tpu.vector_store %arg6[%swap3A, %swap3A_84], %swap3A_87 {strides = array<i32>} : memref<128x128xf32, #tpu.memory_space<vmem>>, vector<1x16xf32>,
      %broadcast_in_dim3A_88 = arith.constant 0.000000e+00 : f32
      %broadcast_in_dim3A_89 = vector.broadcast %broadcast_in_dim3A_88 : f32 to vector<16xf32>
      %swap3A_90 = arith.index_cast %scan3A_82 : i32 to index
      %swap3A_91 = arith.constant 16 : index
      %swap3A_92 = tpu.vector_load %arg6[%swap3A_90, %swap3A_91] {strides = array<i32>} : memref<128x128xf32, #tpu.memory_space<vmem>>, vector<1x16xf32>,
      %swap3A_93 = vector.shape_cast %swap3A_92 : vector<1x16xf32> to vector<16xf32>
      %swap3A_94 = vector.shape_cast %broadcast_in_dim3A_89 : vector<16xf32> to vector<1x16xf32>
      tpu.vector_store %arg6[%swap3A_90, %swap3A_91], %swap3A_94 {strides = array<i32>} : memref<128x128xf32, #tpu.memory_space<vmem>>, vector<1x16xf32>,
      %broadcast_in_dim3A_95 = arith.constant 0.000000e+00 : f32
      %broadcast_in_dim3A_96 = vector.broadcast %broadcast_in_dim3A_95 : f32 to vector<16xf32>
      %swap3A_97 = arith.index_cast %scan3A_82 : i32 to index
      %swap3A_98 = arith.constant 32 : index
      %swap3A_99 = tpu.vector_load %arg6[%swap3A_97, %swap3A_98] {strides = array<i32>} : memref<128x128xf32, #tpu.memory_space<vmem>>, vector<1x16xf32>,
      %swap3A_100 = vector.shape_cast %swap3A_99 : vector<1x16xf32> to vector<16xf32>
      %swap3A_101 = vector.shape_cast %broadcast_in_dim3A_96 : vector<16xf32> to vector<1x16xf32>
      tpu.vector_store %arg6[%swap3A_97, %swap3A_98], %swap3A_101 {strides = array<i32>} : memref<128x128xf32, #tpu.memory_space<vmem>>, vector<1x16xf32>,
      %broadcast_in_dim3A_102 = arith.constant 0.000000e+00 : f32
      %broadcast_in_dim3A_103 = vector.broadcast %broadcast_in_dim3A_102 : f32 to vector<16xf32>
      %swap3A_104 = arith.index_cast %scan3A_82 : i32 to index
      %swap3A_105 = arith.constant 48 : index
      %swap3A_106 = tpu.vector_load %arg6[%swap3A_104, %swap3A_105] {strides = array<i32>} : memref<128x128xf32, #tpu.memory_space<vmem>>, vector<1x16xf32>,
      %swap3A_107 = vector.shape_cast %swap3A_106 : vector<1x16xf32> to vector<16xf32>
      %swap3A_108 = vector.shape_cast %broadcast_in_dim3A_103 : vector<16xf32> to vector<1x16xf32>
      tpu.vector_store %arg6[%swap3A_104, %swap3A_105], %swap3A_108 {strides = array<i32>} : memref<128x128xf32, #tpu.memory_space<vmem>>, vector<1x16xf32>,
      %broadcast_in_dim3A_109 = arith.constant 0.000000e+00 : f32
      %broadcast_in_dim3A_110 = vector.broadcast %broadcast_in_dim3A_109 : f32 to vector<16xf32>
      %swap3A_111 = arith.index_cast %scan3A_82 : i32 to index
      %swap3A_112 = arith.constant 64 : index
      %swap3A_113 = tpu.vector_load %arg6[%swap3A_111, %swap3A_112] {strides = array<i32>} : memref<128x128xf32, #tpu.memory_space<vmem>>, vector<1x16xf32>,
      %swap3A_114 = vector.shape_cast %swap3A_113 : vector<1x16xf32> to vector<16xf32>
      %swap3A_115 = vector.shape_cast %broadcast_in_dim3A_110 : vector<16xf32> to vector<1x16xf32>
      tpu.vector_store %arg6[%swap3A_111, %swap3A_112], %swap3A_115 {strides = array<i32>} : memref<128x128xf32, #tpu.memory_space<vmem>>, vector<1x16xf32>,
      %broadcast_in_dim3A_116 = arith.constant 0.000000e+00 : f32
      %broadcast_in_dim3A_117 = vector.broadcast %broadcast_in_dim3A_116 : f32 to vector<16xf32>
      %swap3A_118 = arith.index_cast %scan3A_82 : i32 to index
      %swap3A_119 = arith.constant 80 : index
      %swap3A_120 = tpu.vector_load %arg6[%swap3A_118, %swap3A_119] {strides = array<i32>} : memref<128x128xf32, #tpu.memory_space<vmem>>, vector<1x16xf32>,
      %swap3A_121 = vector.shape_cast %swap3A_120 : vector<1x16xf32> to vector<16xf32>
      %swap3A_122 = vector.shape_cast %broadcast_in_dim3A_117 : vector<16xf32> to vector<1x16xf32>
      tpu.vector_store %arg6[%swap3A_118, %swap3A_119], %swap3A_122 {strides = array<i32>} : memref<128x128xf32, #tpu.memory_space<vmem>>, vector<1x16xf32>,
      %broadcast_in_dim3A_123 = arith.constant 0.000000e+00 : f32
      %broadcast_in_dim3A_124 = vector.broadcast %broadcast_in_dim3A_123 : f32 to vector<16xf32>
      %swap3A_125 = arith.index_cast %scan3A_82 : i32 to index
      %swap3A_126 = arith.constant 96 : index
      %swap3A_127 = tpu.vector_load %arg6[%swap3A_125, %swap3A_126] {strides = array<i32>} : memref<128x128xf32, #tpu.memory_space<vmem>>, vector<1x16xf32>,
      %swap3A_128 = vector.shape_cast %swap3A_127 : vector<1x16xf32> to vector<16xf32>
      %swap3A_129 = vector.shape_cast %broadcast_in_dim3A_124 : vector<16xf32> to vector<1x16xf32>
      tpu.vector_store %arg6[%swap3A_125, %swap3A_126], %swap3A_129 {strides = array<i32>} : memref<128x128xf32, #tpu.memory_space<vmem>>, vector<1x16xf32>,
      %broadcast_in_dim3A_130 = arith.constant 0.000000e+00 : f32
      %broadcast_in_dim3A_131 = vector.broadcast %broadcast_in_dim3A_130 : f32 to vector<16xf32>
      %swap3A_132 = arith.index_cast %scan3A_82 : i32 to index
      %swap3A_133 = arith.constant 112 : index
      %swap3A_134 = tpu.vector_load %arg6[%swap3A_132, %swap3A_133] {strides = array<i32>} : memref<128x128xf32, #tpu.memory_space<vmem>>, vector<1x16xf32>,
      %swap3A_135 = vector.shape_cast %swap3A_134 : vector<1x16xf32> to vector<16xf32>
      %swap3A_136 = vector.shape_cast %broadcast_in_dim3A_131 : vector<16xf32> to vector<1x16xf32>
      tpu.vector_store %arg6[%swap3A_132, %swap3A_133], %swap3A_136 {strides = array<i32>} : memref<128x128xf32, #tpu.memory_space<vmem>>, vector<1x16xf32>,
    }
    %scan3A_5 = arith.constant 128 : i32
    %mul3A_6 = arith.constant 640 : i32
    %mul3A_7 = arith.muli %arg1, %mul3A_6 : i32
    %add3A_8 = arith.constant 0 : i32
    %add3A_9 = arith.addi %mul3A_7, %add3A_8 : i32
    %multiple_of3A = tpu.assume_multiple %add3A_9, 8 : i32
    "tpu.region"() ({
      %run_scoped3A = tpu.sem_alloc : memref<!tpu.dma_semaphore, #tpu.memory_space<semaphore_mem>>
      %dma_start3A_82 = arith.constant 0 : i32
      %dma_start3A_83 = tpu.memref_slice %arg8[%multiple_of3A, %dma_start3A_82] : memref<10240x128xf32, #tpu.memory_space<vmem_shared>> -> memref<128x128xf32, #tpu.memory_space<vmem_shared>>
      %dma_start3A_84 = arith.constant 0 : i32
      %dma_start3A_85 = tpu.memref_slice %arg8[%multiple_of3A, %dma_start3A_84] : memref<10240x128xf32, #tpu.memory_space<vmem_shared>> -> memref<128x128xf32, #tpu.memory_space<vmem_shared>>
      tpu.enqueue_dma source(%arg6 : memref<128x128xf32, #tpu.memory_space<vmem>>) target(%dma_start3A_85 : memref<128x128xf32, #tpu.memory_space<vmem_shared>>) target_semaphore(%run_scoped3A : memref<!tpu.dma_semaphore, #tpu.memory_space<semaphore_mem>>)
      %dma_wait3A = arith.constant 0 : i32
      %dma_wait3A_86 = tpu.memref_slice %arg8[%multiple_of3A, %dma_wait3A] : memref<10240x128xf32, #tpu.memory_space<vmem_shared>> -> memref<128x128xf32, #tpu.memory_space<vmem_shared>>
      %dma_wait3A_87 = arith.constant 0 : i32
      %dma_wait3A_88 = tpu.memref_slice %arg8[%multiple_of3A, %dma_wait3A_87] : memref<10240x128xf32, #tpu.memory_space<vmem_shared>> -> memref<128x128xf32, #tpu.memory_space<vmem_shared>>
      tpu.wait_dma2 semaphore(%run_scoped3A : memref<!tpu.dma_semaphore, #tpu.memory_space<semaphore_mem>>) src(%arg6 : memref<128x128xf32, #tpu.memory_space<vmem>>) dst(%dma_wait3A_88 : memref<128x128xf32, #tpu.memory_space<vmem_shared>>)
      tpu.yield
    }) : () -> ()
    %mul3A_10 = arith.constant 640 : i32
    %mul3A_11 = arith.muli %arg1, %mul3A_10 : i32
    %add3A_12 = arith.constant 128 : i32
    %add3A_13 = arith.addi %mul3A_11, %add3A_12 : i32
    %multiple_of3A_14 = tpu.assume_multiple %add3A_13, 8 : i32
    "tpu.region"() ({
      %run_scoped3A = tpu.sem_alloc : memref<!tpu.dma_semaphore, #tpu.memory_space<semaphore_mem>>
      %dma_start3A_82 = arith.constant 0 : i32
      %dma_start3A_83 = tpu.memref_slice %arg8[%multiple_of3A_14, %dma_start3A_82] : memref<10240x128xf32, #tpu.memory_space<vmem_shared>> -> memref<128x128xf32, #tpu.memory_space<vmem_shared>>
      %dma_start3A_84 = arith.constant 0 : i32
      %dma_start3A_85 = tpu.memref_slice %arg8[%multiple_of3A_14, %dma_start3A_84] : memref<10240x128xf32, #tpu.memory_space<vmem_shared>> -> memref<128x128xf32, #tpu.memory_space<vmem_shared>>
      tpu.enqueue_dma source(%arg6 : memref<128x128xf32, #tpu.memory_space<vmem>>) target(%dma_start3A_85 : memref<128x128xf32, #tpu.memory_space<vmem_shared>>) target_semaphore(%run_scoped3A : memref<!tpu.dma_semaphore, #tpu.memory_space<semaphore_mem>>)
      %dma_wait3A = arith.constant 0 : i32
      %dma_wait3A_86 = tpu.memref_slice %arg8[%multiple_of3A_14, %dma_wait3A] : memref<10240x128xf32, #tpu.memory_space<vmem_shared>> -> memref<128x128xf32, #tpu.memory_space<vmem_shared>>
      %dma_wait3A_87 = arith.constant 0 : i32
      %dma_wait3A_88 = tpu.memref_slice %arg8[%multiple_of3A_14, %dma_wait3A_87] : memref<10240x128xf32, #tpu.memory_space<vmem_shared>> -> memref<128x128xf32, #tpu.memory_space<vmem_shared>>
      tpu.wait_dma2 semaphore(%run_scoped3A : memref<!tpu.dma_semaphore, #tpu.memory_space<semaphore_mem>>) src(%arg6 : memref<128x128xf32, #tpu.memory_space<vmem>>) dst(%dma_wait3A_88 : memref<128x128xf32, #tpu.memory_space<vmem_shared>>)
      tpu.yield
    }) : () -> ()
    %mul3A_15 = arith.constant 640 : i32
    %mul3A_16 = arith.muli %arg1, %mul3A_15 : i32
    %add3A_17 = arith.constant 256 : i32
    %add3A_18 = arith.addi %mul3A_16, %add3A_17 : i32
    %multiple_of3A_19 = tpu.assume_multiple %add3A_18, 8 : i32
    "tpu.region"() ({
      %run_scoped3A = tpu.sem_alloc : memref<!tpu.dma_semaphore, #tpu.memory_space<semaphore_mem>>
      %dma_start3A_82 = arith.constant 0 : i32
      %dma_start3A_83 = tpu.memref_slice %arg8[%multiple_of3A_19, %dma_start3A_82] : memref<10240x128xf32, #tpu.memory_space<vmem_shared>> -> memref<128x128xf32, #tpu.memory_space<vmem_shared>>
      %dma_start3A_84 = arith.constant 0 : i32
      %dma_start3A_85 = tpu.memref_slice %arg8[%multiple_of3A_19, %dma_start3A_84] : memref<10240x128xf32, #tpu.memory_space<vmem_shared>> -> memref<128x128xf32, #tpu.memory_space<vmem_shared>>
      tpu.enqueue_dma source(%arg6 : memref<128x128xf32, #tpu.memory_space<vmem>>) target(%dma_start3A_85 : memref<128x128xf32, #tpu.memory_space<vmem_shared>>) target_semaphore(%run_scoped3A : memref<!tpu.dma_semaphore, #tpu.memory_space<semaphore_mem>>)
      %dma_wait3A = arith.constant 0 : i32
      %dma_wait3A_86 = tpu.memref_slice %arg8[%multiple_of3A_19, %dma_wait3A] : memref<10240x128xf32, #tpu.memory_space<vmem_shared>> -> memref<128x128xf32, #tpu.memory_space<vmem_shared>>
      %dma_wait3A_87 = arith.constant 0 : i32
      %dma_wait3A_88 = tpu.memref_slice %arg8[%multiple_of3A_19, %dma_wait3A_87] : memref<10240x128xf32, #tpu.memory_space<vmem_shared>> -> memref<128x128xf32, #tpu.memory_space<vmem_shared>>
      tpu.wait_dma2 semaphore(%run_scoped3A : memref<!tpu.dma_semaphore, #tpu.memory_space<semaphore_mem>>) src(%arg6 : memref<128x128xf32, #tpu.memory_space<vmem>>) dst(%dma_wait3A_88 : memref<128x128xf32, #tpu.memory_space<vmem_shared>>)
      tpu.yield
    }) : () -> ()
    %mul3A_20 = arith.constant 640 : i32
    %mul3A_21 = arith.muli %arg1, %mul3A_20 : i32
    %add3A_22 = arith.constant 384 : i32
    %add3A_23 = arith.addi %mul3A_21, %add3A_22 : i32
    %multiple_of3A_24 = tpu.assume_multiple %add3A_23, 8 : i32
    "tpu.region"() ({
      %run_scoped3A = tpu.sem_alloc : memref<!tpu.dma_semaphore, #tpu.memory_space<semaphore_mem>>
      %dma_start3A_82 = arith.constant 0 : i32
      %dma_start3A_83 = tpu.memref_slice %arg8[%multiple_of3A_24, %dma_start3A_82] : memref<10240x128xf32, #tpu.memory_space<vmem_shared>> -> memref<128x128xf32, #tpu.memory_space<vmem_shared>>
      %dma_start3A_84 = arith.constant 0 : i32
      %dma_start3A_85 = tpu.memref_slice %arg8[%multiple_of3A_24, %dma_start3A_84] : memref<10240x128xf32, #tpu.memory_space<vmem_shared>> -> memref<128x128xf32, #tpu.memory_space<vmem_shared>>
      tpu.enqueue_dma source(%arg6 : memref<128x128xf32, #tpu.memory_space<vmem>>) target(%dma_start3A_85 : memref<128x128xf32, #tpu.memory_space<vmem_shared>>) target_semaphore(%run_scoped3A : memref<!tpu.dma_semaphore, #tpu.memory_space<semaphore_mem>>)
      %dma_wait3A = arith.constant 0 : i32
      %dma_wait3A_86 = tpu.memref_slice %arg8[%multiple_of3A_24, %dma_wait3A] : memref<10240x128xf32, #tpu.memory_space<vmem_shared>> -> memref<128x128xf32, #tpu.memory_space<vmem_shared>>
      %dma_wait3A_87 = arith.constant 0 : i32
      %dma_wait3A_88 = tpu.memref_slice %arg8[%multiple_of3A_24, %dma_wait3A_87] : memref<10240x128xf32, #tpu.memory_space<vmem_shared>> -> memref<128x128xf32, #tpu.memory_space<vmem_shared>>
      tpu.wait_dma2 semaphore(%run_scoped3A : memref<!tpu.dma_semaphore, #tpu.memory_space<semaphore_mem>>) src(%arg6 : memref<128x128xf32, #tpu.memory_space<vmem>>) dst(%dma_wait3A_88 : memref<128x128xf32, #tpu.memory_space<vmem_shared>>)
      tpu.yield
    }) : () -> ()
    %mul3A_25 = arith.constant 640 : i32
    %mul3A_26 = arith.muli %arg1, %mul3A_25 : i32
    %add3A_27 = arith.constant 512 : i32
    %add3A_28 = arith.addi %mul3A_26, %add3A_27 : i32
    %multiple_of3A_29 = tpu.assume_multiple %add3A_28, 8 : i32
    "tpu.region"() ({
      %run_scoped3A = tpu.sem_alloc : memref<!tpu.dma_semaphore, #tpu.memory_space<semaphore_mem>>
      %dma_start3A_82 = arith.constant 0 : i32
      %dma_start3A_83 = tpu.memref_slice %arg8[%multiple_of3A_29, %dma_start3A_82] : memref<10240x128xf32, #tpu.memory_space<vmem_shared>> -> memref<128x128xf32, #tpu.memory_space<vmem_shared>>
      %dma_start3A_84 = arith.constant 0 : i32
      %dma_start3A_85 = tpu.memref_slice %arg8[%multiple_of3A_29, %dma_start3A_84] : memref<10240x128xf32, #tpu.memory_space<vmem_shared>> -> memref<128x128xf32, #tpu.memory_space<vmem_shared>>
      tpu.enqueue_dma source(%arg6 : memref<128x128xf32, #tpu.memory_space<vmem>>) target(%dma_start3A_85 : memref<128x128xf32, #tpu.memory_space<vmem_shared>>) target_semaphore(%run_scoped3A : memref<!tpu.dma_semaphore, #tpu.memory_space<semaphore_mem>>)
      %dma_wait3A = arith.constant 0 : i32
      %dma_wait3A_86 = tpu.memref_slice %arg8[%multiple_of3A_29, %dma_wait3A] : memref<10240x128xf32, #tpu.memory_space<vmem_shared>> -> memref<128x128xf32, #tpu.memory_space<vmem_shared>>
      %dma_wait3A_87 = arith.constant 0 : i32
      %dma_wait3A_88 = tpu.memref_slice %arg8[%multiple_of3A_29, %dma_wait3A_87] : memref<10240x128xf32, #tpu.memory_space<vmem_shared>> -> memref<128x128xf32, #tpu.memory_space<vmem_shared>>
      tpu.wait_dma2 semaphore(%run_scoped3A : memref<!tpu.dma_semaphore, #tpu.memory_space<semaphore_mem>>) src(%arg6 : memref<128x128xf32, #tpu.memory_space<vmem>>) dst(%dma_wait3A_88 : memref<128x128xf32, #tpu.memory_space<vmem_shared>>)
      tpu.yield
    }) : () -> ()
    %mul3A_30 = arith.constant 80 : i32
    %mul3A_31 = arith.muli %add3A, %mul3A_30 : i32
    %multiple_of3A_32 = tpu.assume_multiple %mul3A_31, 8 : i32
    "tpu.region"() ({
      %run_scoped3A = tpu.sem_alloc : memref<!tpu.dma_semaphore, #tpu.memory_space<semaphore_mem>>
      %dma_start3A_82 = arith.constant 0 : i32
      %dma_start3A_83 = tpu.memref_slice %arg3[%multiple_of3A_32, %dma_start3A_82] : memref<2560x128xi32, #tpu.memory_space<hbm>> -> memref<80x128xi32, #tpu.memory_space<hbm>>
      %dma_start3A_84 = arith.constant 0 : i32
      %dma_start3A_85 = tpu.memref_slice %arg3[%multiple_of3A_32, %dma_start3A_84] : memref<2560x128xi32, #tpu.memory_space<hbm>> -> memref<80x128xi32, #tpu.memory_space<hbm>>
      tpu.enqueue_dma source(%dma_start3A_85 : memref<80x128xi32, #tpu.memory_space<hbm>>) target(%arg5 : memref<80x128xi32, #tpu.memory_space<vmem>>) target_semaphore(%run_scoped3A : memref<!tpu.dma_semaphore, #tpu.memory_space<semaphore_mem>>)
      %dma_wait3A = arith.constant 0 : i32
      %dma_wait3A_86 = tpu.memref_slice %arg3[%multiple_of3A_32, %dma_wait3A] : memref<2560x128xi32, #tpu.memory_space<hbm>> -> memref<80x128xi32, #tpu.memory_space<hbm>>
      %dma_wait3A_87 = arith.constant 0 : i32
      %dma_wait3A_88 = tpu.memref_slice %arg3[%multiple_of3A_32, %dma_wait3A_87] : memref<2560x128xi32, #tpu.memory_space<hbm>> -> memref<80x128xi32, #tpu.memory_space<hbm>>
      tpu.wait_dma2 semaphore(%run_scoped3A : memref<!tpu.dma_semaphore, #tpu.memory_space<semaphore_mem>>) src(%dma_wait3A_88 : memref<80x128xi32, #tpu.memory_space<hbm>>) dst(%arg5 : memref<80x128xi32, #tpu.memory_space<vmem>>)
      tpu.yield
    }) : () -> ()
    %barrier3A = arith.constant 0 : index
    tpu.barrier barrier_id(%barrier3A)
    %mul3A_33 = arith.constant 10240 : i32
    %mul3A_34 = arith.muli %add3A, %mul3A_33 : i32
    %add3A_35 = arith.constant 0 : i32
    %add3A_36 = arith.addi %mul3A_34, %add3A_35 : i32
    %multiple_of3A_37 = tpu.assume_multiple %add3A_36, 8 : i32
    %dma_start3A = arith.constant 0 : i32
    %dma_start3A_38 = tpu.memref_slice %arg2[%multiple_of3A_37, %dma_start3A] : memref<327680x128xf32, #tpu.memory_space<hbm>> -> memref<128x128xf32, #tpu.memory_space<hbm>>
    %dma_start3A_39 = arith.constant 0 : i32
    %dma_start3A_40 = tpu.memref_slice %arg2[%multiple_of3A_37, %dma_start3A_39] : memref<327680x128xf32, #tpu.memory_space<hbm>> -> memref<128x128xf32, #tpu.memory_space<hbm>>
    tpu.enqueue_dma source(%dma_start3A_40 : memref<128x128xf32, #tpu.memory_space<hbm>>) target(%arg6 : memref<128x128xf32, #tpu.memory_space<vmem>>) target_semaphore(%arg9 : memref<!tpu.dma_semaphore, #tpu.memory_space<semaphore_mem>>)
    %mul3A_41 = arith.constant 10240 : i32
    %mul3A_42 = arith.muli %add3A, %mul3A_41 : i32
    %add3A_43 = arith.constant 128 : i32
    %add3A_44 = arith.addi %mul3A_42, %add3A_43 : i32
    %multiple_of3A_45 = tpu.assume_multiple %add3A_44, 8 : i32
    %dma_start3A_46 = arith.constant 0 : i32
    %dma_start3A_47 = tpu.memref_slice %arg2[%multiple_of3A_45, %dma_start3A_46] : memref<327680x128xf32, #tpu.memory_space<hbm>> -> memref<128x128xf32, #tpu.memory_space<hbm>>
    %dma_start3A_48 = arith.constant 0 : i32
    %dma_start3A_49 = tpu.memref_slice %arg2[%multiple_of3A_45, %dma_start3A_48] : memref<327680x128xf32, #tpu.memory_space<hbm>> -> memref<128x128xf32, #tpu.memory_space<hbm>>
    tpu.enqueue_dma source(%dma_start3A_49 : memref<128x128xf32, #tpu.memory_space<hbm>>) target(%arg7 : memref<128x128xf32, #tpu.memory_space<vmem>>) target_semaphore(%arg10 : memref<!tpu.dma_semaphore, #tpu.memory_space<semaphore_mem>>)
    %scan3A_50 = arith.constant 0 : i32
    %scan3A_51 = arith.constant 0 : i32
    %scan3A_52 = arith.constant 40 : i32
    %scan3A_53 = arith.addi %scan3A_51, %scan3A_52 : i32
    %scan3A_54 = arith.constant 1 : i32
    scf.for %scan3A_82 = %scan3A_51 to %scan3A_53 step %scan3A_54  : i32 {
      %mul3A_83 = arith.constant 2 : i32
      %mul3A_84 = arith.muli %scan3A_82, %mul3A_83 : i32
      %add3A_85 = arith.constant 1 : i32
      %add3A_86 = arith.addi %mul3A_84, %add3A_85 : i32
      %mul3A_87 = arith.constant 10240 : i32
      %mul3A_88 = arith.muli %add3A, %mul3A_87 : i32
      %mul3A_89 = arith.constant 128 : i32
      %mul3A_90 = arith.muli %mul3A_84, %mul3A_89 : i32
      %add3A_91 = arith.addi %mul3A_88, %mul3A_90 : i32
      %multiple_of3A_92 = tpu.assume_multiple %add3A_91, 8 : i32
      %dma_wait3A = arith.constant 0 : i32
      %dma_wait3A_93 = tpu.memref_slice %arg2[%multiple_of3A_92, %dma_wait3A] : memref<327680x128xf32, #tpu.memory_space<hbm>> -> memref<128x128xf32, #tpu.memory_space<hbm>>
      %dma_wait3A_94 = arith.constant 0 : i32
      %dma_wait3A_95 = tpu.memref_slice %arg2[%multiple_of3A_92, %dma_wait3A_94] : memref<327680x128xf32, #tpu.memory_space<hbm>> -> memref<128x128xf32, #tpu.memory_space<hbm>>
      tpu.wait_dma2 semaphore(%arg9 : memref<!tpu.dma_semaphore, #tpu.memory_space<semaphore_mem>>) src(%dma_wait3A_95 : memref<128x128xf32, #tpu.memory_space<hbm>>) dst(%arg6 : memref<128x128xf32, #tpu.memory_space<vmem>>)
      %dma_start3A_96 = arith.constant 0 : i32
      %dma_start3A_97 = tpu.memref_slice %arg5[%mul3A_84, %dma_start3A_96] : memref<80x128xi32, #tpu.memory_space<vmem>> -> memref<1x128xi32, #tpu.memory_space<vmem>>
      %dma_start3A_98 = tpu.memref_squeeze %dma_start3A_97 : memref<1x128xi32, #tpu.memory_space<vmem>> -> memref<128xi32, #tpu.memory_space<vmem>>
      %dma_start3A_99 = arith.constant 0 : i32
      %dma_start3A_100 = arith.constant 0 : i32
      %dma_start3A_101 = tpu.memref_slice %arg8[%dma_start3A_99, %dma_start3A_100] : memref<10240x128xf32, #tpu.memory_space<vmem_shared>> -> memref<10240x128xf32, #tpu.memory_space<vmem_shared>>
      tpu.enqueue_indirect_dma source(%arg6 : memref<128x128xf32, #tpu.memory_space<vmem>>) target(%dma_start3A_101 : memref<10240x128xf32, #tpu.memory_space<vmem_shared>>) offsets(%dma_start3A_98 : memref<128xi32, #tpu.memory_space<vmem>>) semaphore(%arg11 : memref<!tpu.dma_semaphore, #tpu.memory_space<semaphore_mem>>) {add = true}
      %mul3A_102 = arith.constant 10240 : i32
      %mul3A_103 = arith.muli %add3A, %mul3A_102 : i32
      %mul3A_104 = arith.constant 128 : i32
      %mul3A_105 = arith.muli %add3A_86, %mul3A_104 : i32
      %add3A_106 = arith.addi %mul3A_103, %mul3A_105 : i32
      %multiple_of3A_107 = tpu.assume_multiple %add3A_106, 8 : i32
      %dma_wait3A_108 = arith.constant 0 : i32
      %dma_wait3A_109 = tpu.memref_slice %arg2[%multiple_of3A_107, %dma_wait3A_108] : memref<327680x128xf32, #tpu.memory_space<hbm>> -> memref<128x128xf32, #tpu.memory_space<hbm>>
      %dma_wait3A_110 = arith.constant 0 : i32
      %dma_wait3A_111 = tpu.memref_slice %arg2[%multiple_of3A_107, %dma_wait3A_110] : memref<327680x128xf32, #tpu.memory_space<hbm>> -> memref<128x128xf32, #tpu.memory_space<hbm>>
      tpu.wait_dma2 semaphore(%arg10 : memref<!tpu.dma_semaphore, #tpu.memory_space<semaphore_mem>>) src(%dma_wait3A_111 : memref<128x128xf32, #tpu.memory_space<hbm>>) dst(%arg7 : memref<128x128xf32, #tpu.memory_space<vmem>>)
      %dma_start3A_112 = arith.constant 0 : i32
      %dma_start3A_113 = tpu.memref_slice %arg5[%add3A_86, %dma_start3A_112] : memref<80x128xi32, #tpu.memory_space<vmem>> -> memref<1x128xi32, #tpu.memory_space<vmem>>
      %dma_start3A_114 = tpu.memref_squeeze %dma_start3A_113 : memref<1x128xi32, #tpu.memory_space<vmem>> -> memref<128xi32, #tpu.memory_space<vmem>>
      %dma_start3A_115 = arith.constant 0 : i32
      %dma_start3A_116 = arith.constant 0 : i32
      %dma_start3A_117 = tpu.memref_slice %arg8[%dma_start3A_115, %dma_start3A_116] : memref<10240x128xf32, #tpu.memory_space<vmem_shared>> -> memref<10240x128xf32, #tpu.memory_space<vmem_shared>>
      tpu.enqueue_indirect_dma source(%arg7 : memref<128x128xf32, #tpu.memory_space<vmem>>) target(%dma_start3A_117 : memref<10240x128xf32, #tpu.memory_space<vmem_shared>>) offsets(%dma_start3A_114 : memref<128xi32, #tpu.memory_space<vmem>>) semaphore(%arg12 : memref<!tpu.dma_semaphore, #tpu.memory_space<semaphore_mem>>) {add = true}
      %dma_wait3A_118 = arith.constant 0 : i32
      %dma_wait3A_119 = tpu.memref_slice %arg5[%mul3A_84, %dma_wait3A_118] : memref<80x128xi32, #tpu.memory_space<vmem>> -> memref<1x128xi32, #tpu.memory_space<vmem>>
      %dma_wait3A_120 = tpu.memref_squeeze %dma_wait3A_119 : memref<1x128xi32, #tpu.memory_space<vmem>> -> memref<128xi32, #tpu.memory_space<vmem>>
      %dma_wait3A_121 = arith.constant 0 : i32
      %dma_wait3A_122 = arith.constant 0 : i32
      %dma_wait3A_123 = tpu.memref_slice %arg8[%dma_wait3A_121, %dma_wait3A_122] : memref<10240x128xf32, #tpu.memory_space<vmem_shared>> -> memref<10240x128xf32, #tpu.memory_space<vmem_shared>>
      tpu.wait_indirect_dma semaphore(%arg11 : memref<!tpu.dma_semaphore, #tpu.memory_space<semaphore_mem>>) src(%arg6 : memref<128x128xf32, #tpu.memory_space<vmem>>) dst(%dma_wait3A_123 : memref<10240x128xf32, #tpu.memory_space<vmem_shared>>)
      %add3A_124 = arith.constant 1 : i32
      %add3A_125 = arith.addi %scan3A_82, %add3A_124 : i32
      %lt3A = arith.constant 40 : i32
      %lt3A_126 = arith.cmpi slt, %add3A_125, %lt3A : i32
      %convert_element_type3A = arith.extui %lt3A_126 : i1 to i32
      %cond3A = arith.constant 0 : i32
      %cond3A_127 = arith.cmpi ne, %convert_element_type3A, %cond3A : i32
      scf.if %cond3A_127 {
        %add3A_141 = arith.constant 2 : i32
        %add3A_142 = arith.addi %mul3A_84, %add3A_141 : i32
        %mul3A_143 = arith.constant 10240 : i32
        %mul3A_144 = arith.muli %add3A, %mul3A_143 : i32
        %mul3A_145 = arith.constant 128 : i32
        %mul3A_146 = arith.muli %add3A_142, %mul3A_145 : i32
        %add3A_147 = arith.addi %mul3A_144, %mul3A_146 : i32
        %multiple_of3A_148 = tpu.assume_multiple %add3A_147, 8 : i32
        %dma_start3A_149 = arith.constant 0 : i32
        %dma_start3A_150 = tpu.memref_slice %arg2[%multiple_of3A_148, %dma_start3A_149] : memref<327680x128xf32, #tpu.memory_space<hbm>> -> memref<128x128xf32, #tpu.memory_space<hbm>>
        %dma_start3A_151 = arith.constant 0 : i32
        %dma_start3A_152 = tpu.memref_slice %arg2[%multiple_of3A_148, %dma_start3A_151] : memref<327680x128xf32, #tpu.memory_space<hbm>> -> memref<128x128xf32, #tpu.memory_space<hbm>>
        tpu.enqueue_dma source(%dma_start3A_152 : memref<128x128xf32, #tpu.memory_space<hbm>>) target(%arg6 : memref<128x128xf32, #tpu.memory_space<vmem>>) target_semaphore(%arg9 : memref<!tpu.dma_semaphore, #tpu.memory_space<semaphore_mem>>)
      } else {
      }
      %dma_wait3A_128 = arith.constant 0 : i32
      %dma_wait3A_129 = tpu.memref_slice %arg5[%add3A_86, %dma_wait3A_128] : memref<80x128xi32, #tpu.memory_space<vmem>> -> memref<1x128xi32, #tpu.memory_space<vmem>>
      %dma_wait3A_130 = tpu.memref_squeeze %dma_wait3A_129 : memref<1x128xi32, #tpu.memory_space<vmem>> -> memref<128xi32, #tpu.memory_space<vmem>>
      %dma_wait3A_131 = arith.constant 0 : i32
      %dma_wait3A_132 = arith.constant 0 : i32
      %dma_wait3A_133 = tpu.memref_slice %arg8[%dma_wait3A_131, %dma_wait3A_132] : memref<10240x128xf32, #tpu.memory_space<vmem_shared>> -> memref<10240x128xf32, #tpu.memory_space<vmem_shared>>
      tpu.wait_indirect_dma semaphore(%arg12 : memref<!tpu.dma_semaphore, #tpu.memory_space<semaphore_mem>>) src(%arg7 : memref<128x128xf32, #tpu.memory_space<vmem>>) dst(%dma_wait3A_133 : memref<10240x128xf32, #tpu.memory_space<vmem_shared>>)
      %add3A_134 = arith.constant 1 : i32
      %add3A_135 = arith.addi %scan3A_82, %add3A_134 : i32
      %lt3A_136 = arith.constant 40 : i32
      %lt3A_137 = arith.cmpi slt, %add3A_135, %lt3A_136 : i32
      %convert_element_type3A_138 = arith.extui %lt3A_137 : i1 to i32
      %cond3A_139 = arith.constant 0 : i32
      %cond3A_140 = arith.cmpi ne, %convert_element_type3A_138, %cond3A_139 : i32
      scf.if %cond3A_140 {
        %add3A_141 = arith.constant 2 : i32
        %add3A_142 = arith.addi %add3A_86, %add3A_141 : i32
        %mul3A_143 = arith.constant 10240 : i32
        %mul3A_144 = arith.muli %add3A, %mul3A_143 : i32
        %mul3A_145 = arith.constant 128 : i32
        %mul3A_146 = arith.muli %add3A_142, %mul3A_145 : i32
        %add3A_147 = arith.addi %mul3A_144, %mul3A_146 : i32
        %multiple_of3A_148 = tpu.assume_multiple %add3A_147, 8 : i32
        %dma_start3A_149 = arith.constant 0 : i32
        %dma_start3A_150 = tpu.memref_slice %arg2[%multiple_of3A_148, %dma_start3A_149] : memref<327680x128xf32, #tpu.memory_space<hbm>> -> memref<128x128xf32, #tpu.memory_space<hbm>>
        %dma_start3A_151 = arith.constant 0 : i32
        %dma_start3A_152 = tpu.memref_slice %arg2[%multiple_of3A_148, %dma_start3A_151] : memref<327680x128xf32, #tpu.memory_space<hbm>> -> memref<128x128xf32, #tpu.memory_space<hbm>>
        tpu.enqueue_dma source(%dma_start3A_152 : memref<128x128xf32, #tpu.memory_space<hbm>>) target(%arg7 : memref<128x128xf32, #tpu.memory_space<vmem>>) target_semaphore(%arg10 : memref<!tpu.dma_semaphore, #tpu.memory_space<semaphore_mem>>)
      } else {
      }
    }
    %scan3A_55 = arith.constant 40 : i32
    %barrier3A_56 = arith.constant 0 : index
    tpu.barrier barrier_id(%barrier3A_56)
    %mul3A_57 = arith.constant 640 : i32
    %mul3A_58 = arith.muli %arg1, %mul3A_57 : i32
    %add3A_59 = arith.constant 0 : i32
    %add3A_60 = arith.addi %mul3A_58, %add3A_59 : i32
    %multiple_of3A_61 = tpu.assume_multiple %add3A_60, 8 : i32
    "tpu.region"() ({
      %run_scoped3A = tpu.sem_alloc : memref<!tpu.dma_semaphore, #tpu.memory_space<semaphore_mem>>
      %dma_start3A_82 = arith.constant 0 : i32
      %dma_start3A_83 = arith.constant 0 : i32
      %dma_start3A_84 = tpu.memref_slice %arg4[%arg0, %dma_start3A_82, %dma_start3A_83] : memref<2x10240x128xf32, #tpu.memory_space<hbm>> -> memref<1x10240x128xf32, #tpu.memory_space<hbm>>
      %dma_start3A_85 = tpu.memref_squeeze %dma_start3A_84 : memref<1x10240x128xf32, #tpu.memory_space<hbm>> -> memref<10240x128xf32, #tpu.memory_space<hbm>>
      %dma_start3A_86 = arith.constant 0 : i32
      %dma_start3A_87 = tpu.memref_slice %dma_start3A_85[%multiple_of3A_61, %dma_start3A_86] : memref<10240x128xf32, #tpu.memory_space<hbm>> -> memref<128x128xf32, #tpu.memory_space<hbm>>
      %dma_start3A_88 = arith.constant 0 : i32
      %dma_start3A_89 = tpu.memref_slice %arg8[%multiple_of3A_61, %dma_start3A_88] : memref<10240x128xf32, #tpu.memory_space<vmem_shared>> -> memref<128x128xf32, #tpu.memory_space<vmem_shared>>
      tpu.enqueue_dma source(%dma_start3A_89 : memref<128x128xf32, #tpu.memory_space<vmem_shared>>) target(%dma_start3A_87 : memref<128x128xf32, #tpu.memory_space<hbm>>) target_semaphore(%run_scoped3A : memref<!tpu.dma_semaphore, #tpu.memory_space<semaphore_mem>>)
      %dma_wait3A = arith.constant 0 : i32
      %dma_wait3A_90 = arith.constant 0 : i32
      %dma_wait3A_91 = tpu.memref_slice %arg4[%arg0, %dma_wait3A, %dma_wait3A_90] : memref<2x10240x128xf32, #tpu.memory_space<hbm>> -> memref<1x10240x128xf32, #tpu.memory_space<hbm>>
      %dma_wait3A_92 = tpu.memref_squeeze %dma_wait3A_91 : memref<1x10240x128xf32, #tpu.memory_space<hbm>> -> memref<10240x128xf32, #tpu.memory_space<hbm>>
      %dma_wait3A_93 = arith.constant 0 : i32
      %dma_wait3A_94 = tpu.memref_slice %dma_wait3A_92[%multiple_of3A_61, %dma_wait3A_93] : memref<10240x128xf32, #tpu.memory_space<hbm>> -> memref<128x128xf32, #tpu.memory_space<hbm>>
      %dma_wait3A_95 = arith.constant 0 : i32
      %dma_wait3A_96 = tpu.memref_slice %arg8[%multiple_of3A_61, %dma_wait3A_95] : memref<10240x128xf32, #tpu.memory_space<vmem_shared>> -> memref<128x128xf32, #tpu.memory_space<vmem_shared>>
      tpu.wait_dma2 semaphore(%run_scoped3A : memref<!tpu.dma_semaphore, #tpu.memory_space<semaphore_mem>>) src(%dma_wait3A_96 : memref<128x128xf32, #tpu.memory_space<vmem_shared>>) dst(%dma_wait3A_94 : memref<128x128xf32, #tpu.memory_space<hbm>>)
      tpu.yield
    }) : () -> ()
    %mul3A_62 = arith.constant 640 : i32
    %mul3A_63 = arith.muli %arg1, %mul3A_62 : i32
    %add3A_64 = arith.constant 128 : i32
    %add3A_65 = arith.addi %mul3A_63, %add3A_64 : i32
    %multiple_of3A_66 = tpu.assume_multiple %add3A_65, 8 : i32
    "tpu.region"() ({
      %run_scoped3A = tpu.sem_alloc : memref<!tpu.dma_semaphore, #tpu.memory_space<semaphore_mem>>
      %dma_start3A_82 = arith.constant 0 : i32
      %dma_start3A_83 = arith.constant 0 : i32
      %dma_start3A_84 = tpu.memref_slice %arg4[%arg0, %dma_start3A_82, %dma_start3A_83] : memref<2x10240x128xf32, #tpu.memory_space<hbm>> -> memref<1x10240x128xf32, #tpu.memory_space<hbm>>
      %dma_start3A_85 = tpu.memref_squeeze %dma_start3A_84 : memref<1x10240x128xf32, #tpu.memory_space<hbm>> -> memref<10240x128xf32, #tpu.memory_space<hbm>>
      %dma_start3A_86 = arith.constant 0 : i32
      %dma_start3A_87 = tpu.memref_slice %dma_start3A_85[%multiple_of3A_66, %dma_start3A_86] : memref<10240x128xf32, #tpu.memory_space<hbm>> -> memref<128x128xf32, #tpu.memory_space<hbm>>
      %dma_start3A_88 = arith.constant 0 : i32
      %dma_start3A_89 = tpu.memref_slice %arg8[%multiple_of3A_66, %dma_start3A_88] : memref<10240x128xf32, #tpu.memory_space<vmem_shared>> -> memref<128x128xf32, #tpu.memory_space<vmem_shared>>
      tpu.enqueue_dma source(%dma_start3A_89 : memref<128x128xf32, #tpu.memory_space<vmem_shared>>) target(%dma_start3A_87 : memref<128x128xf32, #tpu.memory_space<hbm>>) target_semaphore(%run_scoped3A : memref<!tpu.dma_semaphore, #tpu.memory_space<semaphore_mem>>)
      %dma_wait3A = arith.constant 0 : i32
      %dma_wait3A_90 = arith.constant 0 : i32
      %dma_wait3A_91 = tpu.memref_slice %arg4[%arg0, %dma_wait3A, %dma_wait3A_90] : memref<2x10240x128xf32, #tpu.memory_space<hbm>> -> memref<1x10240x128xf32, #tpu.memory_space<hbm>>
      %dma_wait3A_92 = tpu.memref_squeeze %dma_wait3A_91 : memref<1x10240x128xf32, #tpu.memory_space<hbm>> -> memref<10240x128xf32, #tpu.memory_space<hbm>>
      %dma_wait3A_93 = arith.constant 0 : i32
      %dma_wait3A_94 = tpu.memref_slice %dma_wait3A_92[%multiple_of3A_66, %dma_wait3A_93] : memref<10240x128xf32, #tpu.memory_space<hbm>> -> memref<128x128xf32, #tpu.memory_space<hbm>>
      %dma_wait3A_95 = arith.constant 0 : i32
      %dma_wait3A_96 = tpu.memref_slice %arg8[%multiple_of3A_66, %dma_wait3A_95] : memref<10240x128xf32, #tpu.memory_space<vmem_shared>> -> memref<128x128xf32, #tpu.memory_space<vmem_shared>>
      tpu.wait_dma2 semaphore(%run_scoped3A : memref<!tpu.dma_semaphore, #tpu.memory_space<semaphore_mem>>) src(%dma_wait3A_96 : memref<128x128xf32, #tpu.memory_space<vmem_shared>>) dst(%dma_wait3A_94 : memref<128x128xf32, #tpu.memory_space<hbm>>)
      tpu.yield
    }) : () -> ()
    %mul3A_67 = arith.constant 640 : i32
    %mul3A_68 = arith.muli %arg1, %mul3A_67 : i32
    %add3A_69 = arith.constant 256 : i32
    %add3A_70 = arith.addi %mul3A_68, %add3A_69 : i32
    %multiple_of3A_71 = tpu.assume_multiple %add3A_70, 8 : i32
    "tpu.region"() ({
      %run_scoped3A = tpu.sem_alloc : memref<!tpu.dma_semaphore, #tpu.memory_space<semaphore_mem>>
      %dma_start3A_82 = arith.constant 0 : i32
      %dma_start3A_83 = arith.constant 0 : i32
      %dma_start3A_84 = tpu.memref_slice %arg4[%arg0, %dma_start3A_82, %dma_start3A_83] : memref<2x10240x128xf32, #tpu.memory_space<hbm>> -> memref<1x10240x128xf32, #tpu.memory_space<hbm>>
      %dma_start3A_85 = tpu.memref_squeeze %dma_start3A_84 : memref<1x10240x128xf32, #tpu.memory_space<hbm>> -> memref<10240x128xf32, #tpu.memory_space<hbm>>
      %dma_start3A_86 = arith.constant 0 : i32
      %dma_start3A_87 = tpu.memref_slice %dma_start3A_85[%multiple_of3A_71, %dma_start3A_86] : memref<10240x128xf32, #tpu.memory_space<hbm>> -> memref<128x128xf32, #tpu.memory_space<hbm>>
      %dma_start3A_88 = arith.constant 0 : i32
      %dma_start3A_89 = tpu.memref_slice %arg8[%multiple_of3A_71, %dma_start3A_88] : memref<10240x128xf32, #tpu.memory_space<vmem_shared>> -> memref<128x128xf32, #tpu.memory_space<vmem_shared>>
      tpu.enqueue_dma source(%dma_start3A_89 : memref<128x128xf32, #tpu.memory_space<vmem_shared>>) target(%dma_start3A_87 : memref<128x128xf32, #tpu.memory_space<hbm>>) target_semaphore(%run_scoped3A : memref<!tpu.dma_semaphore, #tpu.memory_space<semaphore_mem>>)
      %dma_wait3A = arith.constant 0 : i32
      %dma_wait3A_90 = arith.constant 0 : i32
      %dma_wait3A_91 = tpu.memref_slice %arg4[%arg0, %dma_wait3A, %dma_wait3A_90] : memref<2x10240x128xf32, #tpu.memory_space<hbm>> -> memref<1x10240x128xf32, #tpu.memory_space<hbm>>
      %dma_wait3A_92 = tpu.memref_squeeze %dma_wait3A_91 : memref<1x10240x128xf32, #tpu.memory_space<hbm>> -> memref<10240x128xf32, #tpu.memory_space<hbm>>
      %dma_wait3A_93 = arith.constant 0 : i32
      %dma_wait3A_94 = tpu.memref_slice %dma_wait3A_92[%multiple_of3A_71, %dma_wait3A_93] : memref<10240x128xf32, #tpu.memory_space<hbm>> -> memref<128x128xf32, #tpu.memory_space<hbm>>
      %dma_wait3A_95 = arith.constant 0 : i32
      %dma_wait3A_96 = tpu.memref_slice %arg8[%multiple_of3A_71, %dma_wait3A_95] : memref<10240x128xf32, #tpu.memory_space<vmem_shared>> -> memref<128x128xf32, #tpu.memory_space<vmem_shared>>
      tpu.wait_dma2 semaphore(%run_scoped3A : memref<!tpu.dma_semaphore, #tpu.memory_space<semaphore_mem>>) src(%dma_wait3A_96 : memref<128x128xf32, #tpu.memory_space<vmem_shared>>) dst(%dma_wait3A_94 : memref<128x128xf32, #tpu.memory_space<hbm>>)
      tpu.yield
    }) : () -> ()
    %mul3A_72 = arith.constant 640 : i32
    %mul3A_73 = arith.muli %arg1, %mul3A_72 : i32
    %add3A_74 = arith.constant 384 : i32
    %add3A_75 = arith.addi %mul3A_73, %add3A_74 : i32
    %multiple_of3A_76 = tpu.assume_multiple %add3A_75, 8 : i32
    "tpu.region"() ({
      %run_scoped3A = tpu.sem_alloc : memref<!tpu.dma_semaphore, #tpu.memory_space<semaphore_mem>>
      %dma_start3A_82 = arith.constant 0 : i32
      %dma_start3A_83 = arith.constant 0 : i32
      %dma_start3A_84 = tpu.memref_slice %arg4[%arg0, %dma_start3A_82, %dma_start3A_83] : memref<2x10240x128xf32, #tpu.memory_space<hbm>> -> memref<1x10240x128xf32, #tpu.memory_space<hbm>>
      %dma_start3A_85 = tpu.memref_squeeze %dma_start3A_84 : memref<1x10240x128xf32, #tpu.memory_space<hbm>> -> memref<10240x128xf32, #tpu.memory_space<hbm>>
      %dma_start3A_86 = arith.constant 0 : i32
      %dma_start3A_87 = tpu.memref_slice %dma_start3A_85[%multiple_of3A_76, %dma_start3A_86] : memref<10240x128xf32, #tpu.memory_space<hbm>> -> memref<128x128xf32, #tpu.memory_space<hbm>>
      %dma_start3A_88 = arith.constant 0 : i32
      %dma_start3A_89 = tpu.memref_slice %arg8[%multiple_of3A_76, %dma_start3A_88] : memref<10240x128xf32, #tpu.memory_space<vmem_shared>> -> memref<128x128xf32, #tpu.memory_space<vmem_shared>>
      tpu.enqueue_dma source(%dma_start3A_89 : memref<128x128xf32, #tpu.memory_space<vmem_shared>>) target(%dma_start3A_87 : memref<128x128xf32, #tpu.memory_space<hbm>>) target_semaphore(%run_scoped3A : memref<!tpu.dma_semaphore, #tpu.memory_space<semaphore_mem>>)
      %dma_wait3A = arith.constant 0 : i32
      %dma_wait3A_90 = arith.constant 0 : i32
      %dma_wait3A_91 = tpu.memref_slice %arg4[%arg0, %dma_wait3A, %dma_wait3A_90] : memref<2x10240x128xf32, #tpu.memory_space<hbm>> -> memref<1x10240x128xf32, #tpu.memory_space<hbm>>
      %dma_wait3A_92 = tpu.memref_squeeze %dma_wait3A_91 : memref<1x10240x128xf32, #tpu.memory_space<hbm>> -> memref<10240x128xf32, #tpu.memory_space<hbm>>
      %dma_wait3A_93 = arith.constant 0 : i32
      %dma_wait3A_94 = tpu.memref_slice %dma_wait3A_92[%multiple_of3A_76, %dma_wait3A_93] : memref<10240x128xf32, #tpu.memory_space<hbm>> -> memref<128x128xf32, #tpu.memory_space<hbm>>
      %dma_wait3A_95 = arith.constant 0 : i32
      %dma_wait3A_96 = tpu.memref_slice %arg8[%multiple_of3A_76, %dma_wait3A_95] : memref<10240x128xf32, #tpu.memory_space<vmem_shared>> -> memref<128x128xf32, #tpu.memory_space<vmem_shared>>
      tpu.wait_dma2 semaphore(%run_scoped3A : memref<!tpu.dma_semaphore, #tpu.memory_space<semaphore_mem>>) src(%dma_wait3A_96 : memref<128x128xf32, #tpu.memory_space<vmem_shared>>) dst(%dma_wait3A_94 : memref<128x128xf32, #tpu.memory_space<hbm>>)
      tpu.yield
    }) : () -> ()
    %mul3A_77 = arith.constant 640 : i32
    %mul3A_78 = arith.muli %arg1, %mul3A_77 : i32
    %add3A_79 = arith.constant 512 : i32
    %add3A_80 = arith.addi %mul3A_78, %add3A_79 : i32
    %multiple_of3A_81 = tpu.assume_multiple %add3A_80, 8 : i32
    "tpu.region"() ({
      %run_scoped3A = tpu.sem_alloc : memref<!tpu.dma_semaphore, #tpu.memory_space<semaphore_mem>>
      %dma_start3A_82 = arith.constant 0 : i32
      %dma_start3A_83 = arith.constant 0 : i32
      %dma_start3A_84 = tpu.memref_slice %arg4[%arg0, %dma_start3A_82, %dma_start3A_83] : memref<2x10240x128xf32, #tpu.memory_space<hbm>> -> memref<1x10240x128xf32, #tpu.memory_space<hbm>>
      %dma_start3A_85 = tpu.memref_squeeze %dma_start3A_84 : memref<1x10240x128xf32, #tpu.memory_space<hbm>> -> memref<10240x128xf32, #tpu.memory_space<hbm>>
      %dma_start3A_86 = arith.constant 0 : i32
      %dma_start3A_87 = tpu.memref_slice %dma_start3A_85[%multiple_of3A_81, %dma_start3A_86] : memref<10240x128xf32, #tpu.memory_space<hbm>> -> memref<128x128xf32, #tpu.memory_space<hbm>>
      %dma_start3A_88 = arith.constant 0 : i32
      %dma_start3A_89 = tpu.memref_slice %arg8[%multiple_of3A_81, %dma_start3A_88] : memref<10240x128xf32, #tpu.memory_space<vmem_shared>> -> memref<128x128xf32, #tpu.memory_space<vmem_shared>>
      tpu.enqueue_dma source(%dma_start3A_89 : memref<128x128xf32, #tpu.memory_space<vmem_shared>>) target(%dma_start3A_87 : memref<128x128xf32, #tpu.memory_space<hbm>>) target_semaphore(%run_scoped3A : memref<!tpu.dma_semaphore, #tpu.memory_space<semaphore_mem>>)
      %dma_wait3A = arith.constant 0 : i32
      %dma_wait3A_90 = arith.constant 0 : i32
      %dma_wait3A_91 = tpu.memref_slice %arg4[%arg0, %dma_wait3A, %dma_wait3A_90] : memref<2x10240x128xf32, #tpu.memory_space<hbm>> -> memref<1x10240x128xf32, #tpu.memory_space<hbm>>
      %dma_wait3A_92 = tpu.memref_squeeze %dma_wait3A_91 : memref<1x10240x128xf32, #tpu.memory_space<hbm>> -> memref<10240x128xf32, #tpu.memory_space<hbm>>
      %dma_wait3A_93 = arith.constant 0 : i32
      %dma_wait3A_94 = tpu.memref_slice %dma_wait3A_92[%multiple_of3A_81, %dma_wait3A_93] : memref<10240x128xf32, #tpu.memory_space<hbm>> -> memref<128x128xf32, #tpu.memory_space<hbm>>
      %dma_wait3A_95 = arith.constant 0 : i32
      %dma_wait3A_96 = tpu.memref_slice %arg8[%multiple_of3A_81, %dma_wait3A_95] : memref<10240x128xf32, #tpu.memory_space<vmem_shared>> -> memref<128x128xf32, #tpu.memory_space<vmem_shared>>
      tpu.wait_dma2 semaphore(%run_scoped3A : memref<!tpu.dma_semaphore, #tpu.memory_space<semaphore_mem>>) src(%dma_wait3A_96 : memref<128x128xf32, #tpu.memory_space<vmem_shared>>) dst(%dma_wait3A_94 : memref<128x128xf32, #tpu.memory_space<hbm>>)
      tpu.yield
    }) : () -> ()
    return
  }
}

module attributes {stable_mosaic.version = 14 : i64} {
  func.func @_proj_body(%arg0: i32, %arg1: memref<1024x128xf32, #tpu.memory_space<vmem>>, %arg2: memref<128x256xf32, #tpu.memory_space<vmem>>, %arg3: memref<128x256xf32, #tpu.memory_space<vmem>>, %arg4: memref<128x256xf32, #tpu.memory_space<vmem>>, %arg5: memref<1024x128xi32, #tpu.memory_space<vmem>>, %arg6: memref<1024x128xi32, #tpu.memory_space<vmem>>, %arg7: memref<1024x256xf32, #tpu.memory_space<vmem>>) attributes {dimension_semantics = [#tpu.dimension_semantics<arbitrary>], iteration_bounds = array<i64: 10>, scalar_prefetch = 0 : i64, scratch_operands = 0 : i64, tpu.core_type = #tpu.core_type<tc>, window_params = [{transform_indices = @transform_0, window_bounds = array<i64: 1024, 128>}, {pipeline_mode = #tpu.pipeline_mode<synchronous>, transform_indices = @transform_1, window_bounds = array<i64: 128, 256>}, {pipeline_mode = #tpu.pipeline_mode<synchronous>, transform_indices = @transform_2, window_bounds = array<i64: 128, 256>}, {pipeline_mode = #tpu.pipeline_mode<synchronous>, transform_indices = @transform_3, window_bounds = array<i64: 128, 256>}, {transform_indices = @transform_4, window_bounds = array<i64: 1024, 128>}, {transform_indices = @transform_5, window_bounds = array<i64: 1024, 128>}, {transform_indices = @transform_6, window_bounds = array<i64: 1024, 256>}]} {
    %get3A = arith.constant 0 : index
    %get3A_0 = arith.constant 0 : index
    %get3A_1 = vector.load %arg1[%get3A, %get3A_0] : memref<1024x128xf32, #tpu.memory_space<vmem>>, vector<1024x128xf32>
    %get3A_2 = arith.constant 0 : index
    %get3A_3 = arith.constant 0 : index
    %get3A_4 = vector.load %arg2[%get3A_2, %get3A_3] : memref<128x256xf32, #tpu.memory_space<vmem>>, vector<128x256xf32>
    %dot_general3A = arith.constant dense<0.000000e+00> : vector<1024x256xf32>
    %dot_general3A_5 = tpu.matmul %get3A_1, %get3A_4, %dot_general3A {dimension_numbers = #tpu.dot_dimension_numbers<[1], [0], [0], [1], [0, 0, 1, 1], [], []>, transpose_lhs_hint = false} : vector<1024x128xf32>, vector<128x256xf32>, vector<1024x256xf32> -> vector<1024x256xf32>
    %get3A_6 = arith.constant 0 : index
    %get3A_7 = arith.constant 0 : index
    %get3A_8 = vector.load %arg3[%get3A_6, %get3A_7] : memref<128x256xf32, #tpu.memory_space<vmem>>, vector<128x256xf32>
    %dot_general3A_9 = arith.constant dense<0.000000e+00> : vector<1024x256xf32>
    %dot_general3A_10 = tpu.matmul %get3A_1, %get3A_8, %dot_general3A_9 {dimension_numbers = #tpu.dot_dimension_numbers<[1], [0], [0], [1], [0, 0, 1, 1], [], []>, transpose_lhs_hint = false} : vector<1024x128xf32>, vector<128x256xf32>, vector<1024x256xf32> -> vector<1024x256xf32>
    %slice3A = vector.extract_strided_slice %dot_general3A_5 {offsets = [0, 0], sizes = [1024, 128], strides = [1, 1]} : vector<1024x256xf32> to vector<1024x128xf32>
    %convert_element_type3A = arith.truncf %slice3A : vector<1024x128xf32> to vector<1024x128xbf16>
    %bitcast_convert_type3A = tpu.bitcast %convert_element_type3A : vector<1024x128xbf16> -> vector<1024x128xi16>
    %slice3A_11 = vector.extract_strided_slice %dot_general3A_5 {offsets = [0, 128], sizes = [1024, 128], strides = [1, 1]} : vector<1024x256xf32> to vector<1024x128xf32>
    %convert_element_type3A_12 = arith.truncf %slice3A_11 : vector<1024x128xf32> to vector<1024x128xbf16>
    %bitcast_convert_type3A_13 = tpu.bitcast %convert_element_type3A_12 : vector<1024x128xbf16> -> vector<1024x128xi16>
    %convert_element_type3A_14 = arith.extui %bitcast_convert_type3A_13 : vector<1024x128xi16> to vector<1024x128xi32>
    %shift_left3A = arith.constant 16 : i32
    %shift_left3A_15 = vector.broadcast %shift_left3A : i32 to vector<1024x128xi32>
    %shift_left3A_16 = arith.shli %convert_element_type3A_14, %shift_left3A_15 : vector<1024x128xi32>
    %convert_element_type3A_17 = arith.extui %bitcast_convert_type3A : vector<1024x128xi16> to vector<1024x128xi32>
    %or3A = arith.ori %shift_left3A_16, %convert_element_type3A_17 : vector<1024x128xi32>
    %bitcast_convert_type3A_18 = tpu.bitcast %or3A : vector<1024x128xi32> -> vector<1024x128xi32>
    %swap3A = arith.constant 0 : index
    %swap3A_19 = arith.constant 0 : index
    %swap3A_20 = vector.load %arg5[%swap3A, %swap3A_19] : memref<1024x128xi32, #tpu.memory_space<vmem>>, vector<1024x128xi32>
    tpu.vector_store %arg5[%swap3A, %swap3A_19], %bitcast_convert_type3A_18 {strides = array<i32>} : memref<1024x128xi32, #tpu.memory_space<vmem>>, vector<1024x128xi32>,
    %slice3A_21 = vector.extract_strided_slice %dot_general3A_10 {offsets = [0, 0], sizes = [1024, 128], strides = [1, 1]} : vector<1024x256xf32> to vector<1024x128xf32>
    %convert_element_type3A_22 = arith.truncf %slice3A_21 : vector<1024x128xf32> to vector<1024x128xbf16>
    %bitcast_convert_type3A_23 = tpu.bitcast %convert_element_type3A_22 : vector<1024x128xbf16> -> vector<1024x128xi16>
    %slice3A_24 = vector.extract_strided_slice %dot_general3A_10 {offsets = [0, 128], sizes = [1024, 128], strides = [1, 1]} : vector<1024x256xf32> to vector<1024x128xf32>
    %convert_element_type3A_25 = arith.truncf %slice3A_24 : vector<1024x128xf32> to vector<1024x128xbf16>
    %bitcast_convert_type3A_26 = tpu.bitcast %convert_element_type3A_25 : vector<1024x128xbf16> -> vector<1024x128xi16>
    %convert_element_type3A_27 = arith.extui %bitcast_convert_type3A_26 : vector<1024x128xi16> to vector<1024x128xi32>
    %shift_left3A_28 = arith.constant 16 : i32
    %shift_left3A_29 = vector.broadcast %shift_left3A_28 : i32 to vector<1024x128xi32>
    %shift_left3A_30 = arith.shli %convert_element_type3A_27, %shift_left3A_29 : vector<1024x128xi32>
    %convert_element_type3A_31 = arith.extui %bitcast_convert_type3A_23 : vector<1024x128xi16> to vector<1024x128xi32>
    %or3A_32 = arith.ori %shift_left3A_30, %convert_element_type3A_31 : vector<1024x128xi32>
    %bitcast_convert_type3A_33 = tpu.bitcast %or3A_32 : vector<1024x128xi32> -> vector<1024x128xi32>
    %swap3A_34 = arith.constant 0 : index
    %swap3A_35 = arith.constant 0 : index
    %swap3A_36 = vector.load %arg6[%swap3A_34, %swap3A_35] : memref<1024x128xi32, #tpu.memory_space<vmem>>, vector<1024x128xi32>
    tpu.vector_store %arg6[%swap3A_34, %swap3A_35], %bitcast_convert_type3A_33 {strides = array<i32>} : memref<1024x128xi32, #tpu.memory_space<vmem>>, vector<1024x128xi32>,
    %get3A_37 = arith.constant 0 : index
    %get3A_38 = arith.constant 0 : index
    %get3A_39 = vector.load %arg4[%get3A_37, %get3A_38] : memref<128x256xf32, #tpu.memory_space<vmem>>, vector<128x256xf32>
    %dot_general3A_40 = arith.constant dense<0.000000e+00> : vector<1024x256xf32>
    %dot_general3A_41 = tpu.matmul %get3A_1, %get3A_39, %dot_general3A_40 {dimension_numbers = #tpu.dot_dimension_numbers<[1], [0], [0], [1], [0, 0, 1, 1], [], []>, transpose_lhs_hint = false} : vector<1024x128xf32>, vector<128x256xf32>, vector<1024x256xf32> -> vector<1024x256xf32>
    %swap3A_42 = arith.constant 0 : index
    %swap3A_43 = arith.constant 0 : index
    %swap3A_44 = vector.load %arg7[%swap3A_42, %swap3A_43] : memref<1024x256xf32, #tpu.memory_space<vmem>>, vector<1024x256xf32>
    tpu.vector_store %arg7[%swap3A_42, %swap3A_43], %dot_general3A_41 {strides = array<i32>} : memref<1024x256xf32, #tpu.memory_space<vmem>>, vector<1024x256xf32>,
    return
  }
  func.func @transform_0(%arg0: i32) -> (i32, i32) {
    %c0_i32 = arith.constant 0 : i32
    %c0_i32_0 = arith.constant 0 : i32
    return %arg0, %c0_i32 : i32, i32
  }
  func.func @transform_1(%arg0: i32) -> (i32, i32) {
    %c0_i32 = arith.constant 0 : i32
    %c0_i32_0 = arith.constant 0 : i32
    %c0_i32_1 = arith.constant 0 : i32
    return %c0_i32, %c0_i32_0 : i32, i32
  }
  func.func @transform_2(%arg0: i32) -> (i32, i32) {
    %c0_i32 = arith.constant 0 : i32
    %c0_i32_0 = arith.constant 0 : i32
    %c0_i32_1 = arith.constant 0 : i32
    return %c0_i32, %c0_i32_0 : i32, i32
  }
  func.func @transform_3(%arg0: i32) -> (i32, i32) {
    %c0_i32 = arith.constant 0 : i32
    %c0_i32_0 = arith.constant 0 : i32
    %c0_i32_1 = arith.constant 0 : i32
    return %c0_i32, %c0_i32_0 : i32, i32
  }
  func.func @transform_4(%arg0: i32) -> (i32, i32) {
    %c0_i32 = arith.constant 0 : i32
    %c0_i32_0 = arith.constant 0 : i32
    return %arg0, %c0_i32 : i32, i32
  }
  func.func @transform_5(%arg0: i32) -> (i32, i32) {
    %c0_i32 = arith.constant 0 : i32
    %c0_i32_0 = arith.constant 0 : i32
    return %arg0, %c0_i32 : i32, i32
  }
  func.func @transform_6(%arg0: i32) -> (i32, i32) {
    %c0_i32 = arith.constant 0 : i32
    %c0_i32_0 = arith.constant 0 : i32
    return %arg0, %c0_i32 : i32, i32
  }
}

module attributes {stable_mosaic.version = 14 : i64} {
  func.func @_edge_body(%arg0: i32, %arg1: memref<2048x128xi32, #tpu.memory_space<vmem>>, %arg2: memref<2048x128xi32, #tpu.memory_space<vmem>>, %arg3: memref<2048x16xf32, #tpu.memory_space<vmem>>, %arg4: memref<16x256xf32, #tpu.memory_space<vmem>>, %arg5: memref<1x256xf32, #tpu.memory_space<vmem>>, %arg6: memref<128x256xf32, #tpu.memory_space<vmem>>, %arg7: memref<128x256xf32, #tpu.memory_space<vmem>>, %arg8: memref<1x256xf32, #tpu.memory_space<vmem>>, %arg9: memref<256x128xf32, #tpu.memory_space<vmem>>, %arg10: memref<1x128xf32, #tpu.memory_space<vmem>>, %arg11: memref<2048x128xf32, #tpu.memory_space<vmem>>) attributes {dimension_semantics = [#tpu.dimension_semantics<arbitrary>], iteration_bounds = array<i64: 32>, scalar_prefetch = 0 : i64, scratch_operands = 0 : i64, tpu.core_type = #tpu.core_type<tc>, window_params = [{transform_indices = @transform_0, window_bounds = array<i64: 2048, 128>}, {transform_indices = @transform_1, window_bounds = array<i64: 2048, 128>}, {transform_indices = @transform_2, window_bounds = array<i64: 2048, 16>}, {pipeline_mode = #tpu.pipeline_mode<synchronous>, transform_indices = @transform_3, window_bounds = array<i64: 16, 256>}, {pipeline_mode = #tpu.pipeline_mode<synchronous>, transform_indices = @transform_4, window_bounds = array<i64: 1, 256>}, {pipeline_mode = #tpu.pipeline_mode<synchronous>, transform_indices = @transform_5, window_bounds = array<i64: 128, 256>}, {pipeline_mode = #tpu.pipeline_mode<synchronous>, transform_indices = @transform_6, window_bounds = array<i64: 128, 256>}, {pipeline_mode = #tpu.pipeline_mode<synchronous>, transform_indices = @transform_7, window_bounds = array<i64: 1, 256>}, {pipeline_mode = #tpu.pipeline_mode<synchronous>, transform_indices = @transform_8, window_bounds = array<i64: 256, 128>}, {pipeline_mode = #tpu.pipeline_mode<synchronous>, transform_indices = @transform_9, window_bounds = array<i64: 1, 128>}, {transform_indices = @transform_10, window_bounds = array<i64: 2048, 128>}]} {
    %get3A = arith.constant 0 : index
    %get3A_0 = arith.constant 0 : index
    %get3A_1 = vector.load %arg3[%get3A, %get3A_0] : memref<2048x16xf32, #tpu.memory_space<vmem>>, vector<2048x16xf32>
    %get3A_2 = arith.constant 0 : index
    %get3A_3 = arith.constant 0 : index
    %get3A_4 = vector.load %arg4[%get3A_2, %get3A_3] : memref<16x256xf32, #tpu.memory_space<vmem>>, vector<16x256xf32>
    %dot_general3A = arith.constant dense<0.000000e+00> : vector<2048x256xf32>
    %dot_general3A_5 = tpu.matmul %get3A_1, %get3A_4, %dot_general3A {dimension_numbers = #tpu.dot_dimension_numbers<[1], [0], [0], [1], [0, 0, 1, 1], [], []>, transpose_lhs_hint = false} : vector<2048x16xf32>, vector<16x256xf32>, vector<2048x256xf32> -> vector<2048x256xf32>
    %get3A_6 = arith.constant 0 : index
    %get3A_7 = arith.constant 0 : index
    %get3A_8 = vector.load %arg5[%get3A_6, %get3A_7] : memref<1x256xf32, #tpu.memory_space<vmem>>, vector<1x256xf32>
    %add3A = vector.broadcast %get3A_8 : vector<1x256xf32> to vector<2048x256xf32>
    %add3A_9 = arith.addf %dot_general3A_5, %add3A : vector<2048x256xf32>
    %get3A_10 = arith.constant 0 : index
    %get3A_11 = arith.constant 0 : index
    %get3A_12 = vector.load %arg1[%get3A_10, %get3A_11] : memref<2048x128xi32, #tpu.memory_space<vmem>>, vector<2048x128xi32>
    %and3A = arith.constant 65535 : i32
    %and3A_13 = vector.broadcast %and3A : i32 to vector<2048x128xi32>
    %and3A_14 = arith.andi %get3A_12, %and3A_13 : vector<2048x128xi32>
    %convert_element_type3A = arith.trunci %and3A_14 : vector<2048x128xi32> to vector<2048x128xi16>
    %shift_right_arithmetic3A = arith.constant 16 : i32
    %shift_right_arithmetic3A_15 = vector.broadcast %shift_right_arithmetic3A : i32 to vector<2048x128xi32>
    %shift_right_arithmetic3A_16 = arith.shrsi %get3A_12, %shift_right_arithmetic3A_15 : vector<2048x128xi32>
    %and3A_17 = arith.constant 65535 : i32
    %and3A_18 = vector.broadcast %and3A_17 : i32 to vector<2048x128xi32>
    %and3A_19 = arith.andi %shift_right_arithmetic3A_16, %and3A_18 : vector<2048x128xi32>
    %convert_element_type3A_20 = arith.trunci %and3A_19 : vector<2048x128xi32> to vector<2048x128xi16>
    %bitcast_convert_type3A = tpu.bitcast %convert_element_type3A : vector<2048x128xi16> -> vector<2048x128xbf16>
    %convert_element_type3A_21 = arith.extf %bitcast_convert_type3A : vector<2048x128xbf16> to vector<2048x128xf32>
    %bitcast_convert_type3A_22 = tpu.bitcast %convert_element_type3A_20 : vector<2048x128xi16> -> vector<2048x128xbf16>
    %convert_element_type3A_23 = arith.extf %bitcast_convert_type3A_22 : vector<2048x128xbf16> to vector<2048x128xf32>
    %get3A_24 = arith.constant 0 : index
    %get3A_25 = arith.constant 0 : index
    %get3A_26 = vector.load %arg2[%get3A_24, %get3A_25] : memref<2048x128xi32, #tpu.memory_space<vmem>>, vector<2048x128xi32>
    %and3A_27 = arith.constant 65535 : i32
    %and3A_28 = vector.broadcast %and3A_27 : i32 to vector<2048x128xi32>
    %and3A_29 = arith.andi %get3A_26, %and3A_28 : vector<2048x128xi32>
    %convert_element_type3A_30 = arith.trunci %and3A_29 : vector<2048x128xi32> to vector<2048x128xi16>
    %shift_right_arithmetic3A_31 = arith.constant 16 : i32
    %shift_right_arithmetic3A_32 = vector.broadcast %shift_right_arithmetic3A_31 : i32 to vector<2048x128xi32>
    %shift_right_arithmetic3A_33 = arith.shrsi %get3A_26, %shift_right_arithmetic3A_32 : vector<2048x128xi32>
    %and3A_34 = arith.constant 65535 : i32
    %and3A_35 = vector.broadcast %and3A_34 : i32 to vector<2048x128xi32>
    %and3A_36 = arith.andi %shift_right_arithmetic3A_33, %and3A_35 : vector<2048x128xi32>
    %convert_element_type3A_37 = arith.trunci %and3A_36 : vector<2048x128xi32> to vector<2048x128xi16>
    %bitcast_convert_type3A_38 = tpu.bitcast %convert_element_type3A_30 : vector<2048x128xi16> -> vector<2048x128xbf16>
    %convert_element_type3A_39 = arith.extf %bitcast_convert_type3A_38 : vector<2048x128xbf16> to vector<2048x128xf32>
    %bitcast_convert_type3A_40 = tpu.bitcast %convert_element_type3A_37 : vector<2048x128xi16> -> vector<2048x128xbf16>
    %convert_element_type3A_41 = arith.extf %bitcast_convert_type3A_40 : vector<2048x128xbf16> to vector<2048x128xf32>
    %add3A_42 = arith.addf %convert_element_type3A_21, %convert_element_type3A_39 : vector<2048x128xf32>
    %slice3A = vector.extract_strided_slice %add3A_9 {offsets = [0, 0], sizes = [2048, 128], strides = [1, 1]} : vector<2048x256xf32> to vector<2048x128xf32>
    %add3A_43 = arith.addf %add3A_42, %slice3A : vector<2048x128xf32>
    %max3A = arith.constant 0.000000e+00 : f32
    %max3A_44 = vector.broadcast %max3A : f32 to vector<2048x128xf32>
    %max3A_45 = arith.maximumf %add3A_43, %max3A_44 : vector<2048x128xf32>
    %add3A_46 = arith.addf %convert_element_type3A_23, %convert_element_type3A_41 : vector<2048x128xf32>
    %slice3A_47 = vector.extract_strided_slice %add3A_9 {offsets = [0, 128], sizes = [2048, 128], strides = [1, 1]} : vector<2048x256xf32> to vector<2048x128xf32>
    %add3A_48 = arith.addf %add3A_46, %slice3A_47 : vector<2048x128xf32>
    %max3A_49 = arith.constant 0.000000e+00 : f32
    %max3A_50 = vector.broadcast %max3A_49 : f32 to vector<2048x128xf32>
    %max3A_51 = arith.maximumf %add3A_48, %max3A_50 : vector<2048x128xf32>
    %get3A_52 = arith.constant 0 : index
    %get3A_53 = arith.constant 0 : index
    %get3A_54 = vector.load %arg6[%get3A_52, %get3A_53] : memref<128x256xf32, #tpu.memory_space<vmem>>, vector<128x256xf32>
    %dot_general3A_55 = arith.constant dense<0.000000e+00> : vector<2048x256xf32>
    %dot_general3A_56 = tpu.matmul %max3A_45, %get3A_54, %dot_general3A_55 {dimension_numbers = #tpu.dot_dimension_numbers<[1], [0], [0], [1], [0, 0, 1, 1], [], []>, transpose_lhs_hint = false} : vector<2048x128xf32>, vector<128x256xf32>, vector<2048x256xf32> -> vector<2048x256xf32>
    %get3A_57 = arith.constant 0 : index
    %get3A_58 = arith.constant 0 : index
    %get3A_59 = vector.load %arg7[%get3A_57, %get3A_58] : memref<128x256xf32, #tpu.memory_space<vmem>>, vector<128x256xf32>
    %dot_general3A_60 = arith.constant dense<0.000000e+00> : vector<2048x256xf32>
    %dot_general3A_61 = tpu.matmul %max3A_51, %get3A_59, %dot_general3A_60 {dimension_numbers = #tpu.dot_dimension_numbers<[1], [0], [0], [1], [0, 0, 1, 1], [], []>, transpose_lhs_hint = false} : vector<2048x128xf32>, vector<128x256xf32>, vector<2048x256xf32> -> vector<2048x256xf32>
    %add3A_62 = arith.addf %dot_general3A_56, %dot_general3A_61 : vector<2048x256xf32>
    %get3A_63 = arith.constant 0 : index
    %get3A_64 = arith.constant 0 : index
    %get3A_65 = vector.load %arg8[%get3A_63, %get3A_64] : memref<1x256xf32, #tpu.memory_space<vmem>>, vector<1x256xf32>
    %add3A_66 = vector.broadcast %get3A_65 : vector<1x256xf32> to vector<2048x256xf32>
    %add3A_67 = arith.addf %add3A_62, %add3A_66 : vector<2048x256xf32>
    %max3A_68 = arith.constant 0.000000e+00 : f32
    %max3A_69 = vector.broadcast %max3A_68 : f32 to vector<2048x256xf32>
    %max3A_70 = arith.maximumf %add3A_67, %max3A_69 : vector<2048x256xf32>
    %get3A_71 = arith.constant 0 : index
    %get3A_72 = arith.constant 0 : index
    %get3A_73 = vector.load %arg9[%get3A_71, %get3A_72] : memref<256x128xf32, #tpu.memory_space<vmem>>, vector<256x128xf32>
    %dot_general3A_74 = arith.constant dense<0.000000e+00> : vector<2048x128xf32>
    %dot_general3A_75 = tpu.matmul %max3A_70, %get3A_73, %dot_general3A_74 {dimension_numbers = #tpu.dot_dimension_numbers<[1], [0], [0], [1], [0, 0, 1, 1], [], []>, transpose_lhs_hint = false} : vector<2048x256xf32>, vector<256x128xf32>, vector<2048x128xf32> -> vector<2048x128xf32>
    %get3A_76 = arith.constant 0 : index
    %get3A_77 = arith.constant 0 : index
    %get3A_78 = vector.load %arg10[%get3A_76, %get3A_77] : memref<1x128xf32, #tpu.memory_space<vmem>>, vector<1x128xf32>
    %add3A_79 = vector.broadcast %get3A_78 : vector<1x128xf32> to vector<2048x128xf32>
    %add3A_80 = arith.addf %dot_general3A_75, %add3A_79 : vector<2048x128xf32>
    %swap3A = arith.constant 0 : index
    %swap3A_81 = arith.constant 0 : index
    %swap3A_82 = vector.load %arg11[%swap3A, %swap3A_81] : memref<2048x128xf32, #tpu.memory_space<vmem>>, vector<2048x128xf32>
    tpu.vector_store %arg11[%swap3A, %swap3A_81], %add3A_80 {strides = array<i32>} : memref<2048x128xf32, #tpu.memory_space<vmem>>, vector<2048x128xf32>,
    return
  }
  func.func @transform_0(%arg0: i32) -> (i32, i32) {
    %c0_i32 = arith.constant 0 : i32
    %c0_i32_0 = arith.constant 0 : i32
    return %arg0, %c0_i32 : i32, i32
  }
  func.func @transform_1(%arg0: i32) -> (i32, i32) {
    %c0_i32 = arith.constant 0 : i32
    %c0_i32_0 = arith.constant 0 : i32
    return %arg0, %c0_i32 : i32, i32
  }
  func.func @transform_2(%arg0: i32) -> (i32, i32) {
    %add3A = arith.constant 0 : i32
    %add3A_0 = arith.addi %arg0, %add3A : i32
    %c0_i32 = arith.constant 0 : i32
    %c0_i32_1 = arith.constant 0 : i32
    return %add3A_0, %c0_i32 : i32, i32
  }
  func.func @transform_3(%arg0: i32) -> (i32, i32) {
    %c0_i32 = arith.constant 0 : i32
    %c0_i32_0 = arith.constant 0 : i32
    %c0_i32_1 = arith.constant 0 : i32
    return %c0_i32, %c0_i32_0 : i32, i32
  }
  func.func @transform_4(%arg0: i32) -> (i32, i32) {
    %c0_i32 = arith.constant 0 : i32
    %c0_i32_0 = arith.constant 0 : i32
    %c0_i32_1 = arith.constant 0 : i32
    return %c0_i32, %c0_i32_0 : i32, i32
  }
  func.func @transform_5(%arg0: i32) -> (i32, i32) {
    %c0_i32 = arith.constant 0 : i32
    %c0_i32_0 = arith.constant 0 : i32
    %c0_i32_1 = arith.constant 0 : i32
    return %c0_i32, %c0_i32_0 : i32, i32
  }
  func.func @transform_6(%arg0: i32) -> (i32, i32) {
    %c0_i32 = arith.constant 0 : i32
    %c0_i32_0 = arith.constant 0 : i32
    %c0_i32_1 = arith.constant 0 : i32
    return %c0_i32, %c0_i32_0 : i32, i32
  }
  func.func @transform_7(%arg0: i32) -> (i32, i32) {
    %c0_i32 = arith.constant 0 : i32
    %c0_i32_0 = arith.constant 0 : i32
    %c0_i32_1 = arith.constant 0 : i32
    return %c0_i32, %c0_i32_0 : i32, i32
  }
  func.func @transform_8(%arg0: i32) -> (i32, i32) {
    %c0_i32 = arith.constant 0 : i32
    %c0_i32_0 = arith.constant 0 : i32
    %c0_i32_1 = arith.constant 0 : i32
    return %c0_i32, %c0_i32_0 : i32, i32
  }
  func.func @transform_9(%arg0: i32) -> (i32, i32) {
    %c0_i32 = arith.constant 0 : i32
    %c0_i32_0 = arith.constant 0 : i32
    %c0_i32_1 = arith.constant 0 : i32
    return %c0_i32, %c0_i32_0 : i32, i32
  }
  func.func @transform_10(%arg0: i32) -> (i32, i32) {
    %add3A = arith.constant 0 : i32
    %add3A_0 = arith.addi %arg0, %add3A : i32
    %c0_i32 = arith.constant 0 : i32
    %c0_i32_1 = arith.constant 0 : i32
    return %add3A_0, %c0_i32 : i32, i32
  }
}

module attributes {stable_mosaic.version = 14 : i64} {
  func.func @_edge_body(%arg0: i32, %arg1: memref<2048x128xi32, #tpu.memory_space<vmem>>, %arg2: memref<2048x128xi32, #tpu.memory_space<vmem>>, %arg3: memref<2048x16xf32, #tpu.memory_space<vmem>>, %arg4: memref<16x256xf32, #tpu.memory_space<vmem>>, %arg5: memref<1x256xf32, #tpu.memory_space<vmem>>, %arg6: memref<128x256xf32, #tpu.memory_space<vmem>>, %arg7: memref<128x256xf32, #tpu.memory_space<vmem>>, %arg8: memref<1x256xf32, #tpu.memory_space<vmem>>, %arg9: memref<256x128xf32, #tpu.memory_space<vmem>>, %arg10: memref<1x128xf32, #tpu.memory_space<vmem>>, %arg11: memref<8x128xf32, #tpu.memory_space<vmem>>, %arg12: memref<2048x128xf32, #tpu.memory_space<vmem>>) attributes {dimension_semantics = [#tpu.dimension_semantics<arbitrary>], iteration_bounds = array<i64: 32>, scalar_prefetch = 0 : i64, scratch_operands = 0 : i64, tpu.core_type = #tpu.core_type<tc>, window_params = [{transform_indices = @transform_0, window_bounds = array<i64: 2048, 128>}, {transform_indices = @transform_1, window_bounds = array<i64: 2048, 128>}, {transform_indices = @transform_2, window_bounds = array<i64: 2048, 16>}, {pipeline_mode = #tpu.pipeline_mode<synchronous>, transform_indices = @transform_3, window_bounds = array<i64: 16, 256>}, {pipeline_mode = #tpu.pipeline_mode<synchronous>, transform_indices = @transform_4, window_bounds = array<i64: 1, 256>}, {pipeline_mode = #tpu.pipeline_mode<synchronous>, transform_indices = @transform_5, window_bounds = array<i64: 128, 256>}, {pipeline_mode = #tpu.pipeline_mode<synchronous>, transform_indices = @transform_6, window_bounds = array<i64: 128, 256>}, {pipeline_mode = #tpu.pipeline_mode<synchronous>, transform_indices = @transform_7, window_bounds = array<i64: 1, 256>}, {pipeline_mode = #tpu.pipeline_mode<synchronous>, transform_indices = @transform_8, window_bounds = array<i64: 256, 128>}, {pipeline_mode = #tpu.pipeline_mode<synchronous>, transform_indices = @transform_9, window_bounds = array<i64: 1, 128>}, {transform_indices = @transform_10, window_bounds = array<i64: 8, 128>}, {transform_indices = @transform_11, window_bounds = array<i64: 2048, 128>}]} {
    %get3A = arith.constant 0 : index
    %get3A_0 = arith.constant 0 : index
    %get3A_1 = vector.load %arg3[%get3A, %get3A_0] : memref<2048x16xf32, #tpu.memory_space<vmem>>, vector<2048x16xf32>
    %get3A_2 = arith.constant 0 : index
    %get3A_3 = arith.constant 0 : index
    %get3A_4 = vector.load %arg4[%get3A_2, %get3A_3] : memref<16x256xf32, #tpu.memory_space<vmem>>, vector<16x256xf32>
    %dot_general3A = arith.constant dense<0.000000e+00> : vector<2048x256xf32>
    %dot_general3A_5 = tpu.matmul %get3A_1, %get3A_4, %dot_general3A {dimension_numbers = #tpu.dot_dimension_numbers<[1], [0], [0], [1], [0, 0, 1, 1], [], []>, transpose_lhs_hint = false} : vector<2048x16xf32>, vector<16x256xf32>, vector<2048x256xf32> -> vector<2048x256xf32>
    %get3A_6 = arith.constant 0 : index
    %get3A_7 = arith.constant 0 : index
    %get3A_8 = vector.load %arg5[%get3A_6, %get3A_7] : memref<1x256xf32, #tpu.memory_space<vmem>>, vector<1x256xf32>
    %add3A = vector.broadcast %get3A_8 : vector<1x256xf32> to vector<2048x256xf32>
    %add3A_9 = arith.addf %dot_general3A_5, %add3A : vector<2048x256xf32>
    %get3A_10 = arith.constant 0 : index
    %get3A_11 = arith.constant 0 : index
    %get3A_12 = vector.load %arg1[%get3A_10, %get3A_11] : memref<2048x128xi32, #tpu.memory_space<vmem>>, vector<2048x128xi32>
    %and3A = arith.constant 65535 : i32
    %and3A_13 = vector.broadcast %and3A : i32 to vector<2048x128xi32>
    %and3A_14 = arith.andi %get3A_12, %and3A_13 : vector<2048x128xi32>
    %convert_element_type3A = arith.trunci %and3A_14 : vector<2048x128xi32> to vector<2048x128xi16>
    %shift_right_arithmetic3A = arith.constant 16 : i32
    %shift_right_arithmetic3A_15 = vector.broadcast %shift_right_arithmetic3A : i32 to vector<2048x128xi32>
    %shift_right_arithmetic3A_16 = arith.shrsi %get3A_12, %shift_right_arithmetic3A_15 : vector<2048x128xi32>
    %and3A_17 = arith.constant 65535 : i32
    %and3A_18 = vector.broadcast %and3A_17 : i32 to vector<2048x128xi32>
    %and3A_19 = arith.andi %shift_right_arithmetic3A_16, %and3A_18 : vector<2048x128xi32>
    %convert_element_type3A_20 = arith.trunci %and3A_19 : vector<2048x128xi32> to vector<2048x128xi16>
    %bitcast_convert_type3A = tpu.bitcast %convert_element_type3A : vector<2048x128xi16> -> vector<2048x128xbf16>
    %convert_element_type3A_21 = arith.extf %bitcast_convert_type3A : vector<2048x128xbf16> to vector<2048x128xf32>
    %bitcast_convert_type3A_22 = tpu.bitcast %convert_element_type3A_20 : vector<2048x128xi16> -> vector<2048x128xbf16>
    %convert_element_type3A_23 = arith.extf %bitcast_convert_type3A_22 : vector<2048x128xbf16> to vector<2048x128xf32>
    %get3A_24 = arith.constant 0 : index
    %get3A_25 = arith.constant 0 : index
    %get3A_26 = vector.load %arg2[%get3A_24, %get3A_25] : memref<2048x128xi32, #tpu.memory_space<vmem>>, vector<2048x128xi32>
    %and3A_27 = arith.constant 65535 : i32
    %and3A_28 = vector.broadcast %and3A_27 : i32 to vector<2048x128xi32>
    %and3A_29 = arith.andi %get3A_26, %and3A_28 : vector<2048x128xi32>
    %convert_element_type3A_30 = arith.trunci %and3A_29 : vector<2048x128xi32> to vector<2048x128xi16>
    %shift_right_arithmetic3A_31 = arith.constant 16 : i32
    %shift_right_arithmetic3A_32 = vector.broadcast %shift_right_arithmetic3A_31 : i32 to vector<2048x128xi32>
    %shift_right_arithmetic3A_33 = arith.shrsi %get3A_26, %shift_right_arithmetic3A_32 : vector<2048x128xi32>
    %and3A_34 = arith.constant 65535 : i32
    %and3A_35 = vector.broadcast %and3A_34 : i32 to vector<2048x128xi32>
    %and3A_36 = arith.andi %shift_right_arithmetic3A_33, %and3A_35 : vector<2048x128xi32>
    %convert_element_type3A_37 = arith.trunci %and3A_36 : vector<2048x128xi32> to vector<2048x128xi16>
    %bitcast_convert_type3A_38 = tpu.bitcast %convert_element_type3A_30 : vector<2048x128xi16> -> vector<2048x128xbf16>
    %convert_element_type3A_39 = arith.extf %bitcast_convert_type3A_38 : vector<2048x128xbf16> to vector<2048x128xf32>
    %bitcast_convert_type3A_40 = tpu.bitcast %convert_element_type3A_37 : vector<2048x128xi16> -> vector<2048x128xbf16>
    %convert_element_type3A_41 = arith.extf %bitcast_convert_type3A_40 : vector<2048x128xbf16> to vector<2048x128xf32>
    %add3A_42 = arith.addf %convert_element_type3A_21, %convert_element_type3A_39 : vector<2048x128xf32>
    %slice3A = vector.extract_strided_slice %add3A_9 {offsets = [0, 0], sizes = [2048, 128], strides = [1, 1]} : vector<2048x256xf32> to vector<2048x128xf32>
    %add3A_43 = arith.addf %add3A_42, %slice3A : vector<2048x128xf32>
    %max3A = arith.constant 0.000000e+00 : f32
    %max3A_44 = vector.broadcast %max3A : f32 to vector<2048x128xf32>
    %max3A_45 = arith.maximumf %add3A_43, %max3A_44 : vector<2048x128xf32>
    %add3A_46 = arith.addf %convert_element_type3A_23, %convert_element_type3A_41 : vector<2048x128xf32>
    %slice3A_47 = vector.extract_strided_slice %add3A_9 {offsets = [0, 128], sizes = [2048, 128], strides = [1, 1]} : vector<2048x256xf32> to vector<2048x128xf32>
    %add3A_48 = arith.addf %add3A_46, %slice3A_47 : vector<2048x128xf32>
    %max3A_49 = arith.constant 0.000000e+00 : f32
    %max3A_50 = vector.broadcast %max3A_49 : f32 to vector<2048x128xf32>
    %max3A_51 = arith.maximumf %add3A_48, %max3A_50 : vector<2048x128xf32>
    %get3A_52 = arith.constant 0 : index
    %get3A_53 = arith.constant 0 : index
    %get3A_54 = vector.load %arg6[%get3A_52, %get3A_53] : memref<128x256xf32, #tpu.memory_space<vmem>>, vector<128x256xf32>
    %dot_general3A_55 = arith.constant dense<0.000000e+00> : vector<2048x256xf32>
    %dot_general3A_56 = tpu.matmul %max3A_45, %get3A_54, %dot_general3A_55 {dimension_numbers = #tpu.dot_dimension_numbers<[1], [0], [0], [1], [0, 0, 1, 1], [], []>, transpose_lhs_hint = false} : vector<2048x128xf32>, vector<128x256xf32>, vector<2048x256xf32> -> vector<2048x256xf32>
    %get3A_57 = arith.constant 0 : index
    %get3A_58 = arith.constant 0 : index
    %get3A_59 = vector.load %arg7[%get3A_57, %get3A_58] : memref<128x256xf32, #tpu.memory_space<vmem>>, vector<128x256xf32>
    %dot_general3A_60 = arith.constant dense<0.000000e+00> : vector<2048x256xf32>
    %dot_general3A_61 = tpu.matmul %max3A_51, %get3A_59, %dot_general3A_60 {dimension_numbers = #tpu.dot_dimension_numbers<[1], [0], [0], [1], [0, 0, 1, 1], [], []>, transpose_lhs_hint = false} : vector<2048x128xf32>, vector<128x256xf32>, vector<2048x256xf32> -> vector<2048x256xf32>
    %add3A_62 = arith.addf %dot_general3A_56, %dot_general3A_61 : vector<2048x256xf32>
    %get3A_63 = arith.constant 0 : index
    %get3A_64 = arith.constant 0 : index
    %get3A_65 = vector.load %arg8[%get3A_63, %get3A_64] : memref<1x256xf32, #tpu.memory_space<vmem>>, vector<1x256xf32>
    %add3A_66 = vector.broadcast %get3A_65 : vector<1x256xf32> to vector<2048x256xf32>
    %add3A_67 = arith.addf %add3A_62, %add3A_66 : vector<2048x256xf32>
    %max3A_68 = arith.constant 0.000000e+00 : f32
    %max3A_69 = vector.broadcast %max3A_68 : f32 to vector<2048x256xf32>
    %max3A_70 = arith.maximumf %add3A_67, %max3A_69 : vector<2048x256xf32>
    %get3A_71 = arith.constant 0 : index
    %get3A_72 = arith.constant 0 : index
    %get3A_73 = vector.load %arg9[%get3A_71, %get3A_72] : memref<256x128xf32, #tpu.memory_space<vmem>>, vector<256x128xf32>
    %dot_general3A_74 = arith.constant dense<0.000000e+00> : vector<2048x128xf32>
    %dot_general3A_75 = tpu.matmul %max3A_70, %get3A_73, %dot_general3A_74 {dimension_numbers = #tpu.dot_dimension_numbers<[1], [0], [0], [1], [0, 0, 1, 1], [], []>, transpose_lhs_hint = false} : vector<2048x256xf32>, vector<256x128xf32>, vector<2048x128xf32> -> vector<2048x128xf32>
    %get3A_76 = arith.constant 0 : index
    %get3A_77 = arith.constant 0 : index
    %get3A_78 = vector.load %arg10[%get3A_76, %get3A_77] : memref<1x128xf32, #tpu.memory_space<vmem>>, vector<1x128xf32>
    %add3A_79 = vector.broadcast %get3A_78 : vector<1x128xf32> to vector<2048x128xf32>
    %add3A_80 = arith.addf %dot_general3A_75, %add3A_79 : vector<2048x128xf32>
    %swap3A = arith.constant 0 : index
    %swap3A_81 = arith.constant 0 : index
    %swap3A_82 = vector.load %arg12[%swap3A, %swap3A_81] : memref<2048x128xf32, #tpu.memory_space<vmem>>, vector<2048x128xf32>
    tpu.vector_store %arg12[%swap3A, %swap3A_81], %add3A_80 {strides = array<i32>} : memref<2048x128xf32, #tpu.memory_space<vmem>>, vector<2048x128xf32>,
    return
  }
  func.func @transform_0(%arg0: i32) -> (i32, i32) {
    %c0_i32 = arith.constant 0 : i32
    %c0_i32_0 = arith.constant 0 : i32
    return %arg0, %c0_i32 : i32, i32
  }
  func.func @transform_1(%arg0: i32) -> (i32, i32) {
    %c0_i32 = arith.constant 0 : i32
    %c0_i32_0 = arith.constant 0 : i32
    return %arg0, %c0_i32 : i32, i32
  }
  func.func @transform_2(%arg0: i32) -> (i32, i32) {
    %add3A = arith.constant 32 : i32
    %add3A_0 = arith.addi %arg0, %add3A : i32
    %c0_i32 = arith.constant 0 : i32
    %c0_i32_1 = arith.constant 0 : i32
    return %add3A_0, %c0_i32 : i32, i32
  }
  func.func @transform_3(%arg0: i32) -> (i32, i32) {
    %c0_i32 = arith.constant 0 : i32
    %c0_i32_0 = arith.constant 0 : i32
    %c0_i32_1 = arith.constant 0 : i32
    return %c0_i32, %c0_i32_0 : i32, i32
  }
  func.func @transform_4(%arg0: i32) -> (i32, i32) {
    %c0_i32 = arith.constant 0 : i32
    %c0_i32_0 = arith.constant 0 : i32
    %c0_i32_1 = arith.constant 0 : i32
    return %c0_i32, %c0_i32_0 : i32, i32
  }
  func.func @transform_5(%arg0: i32) -> (i32, i32) {
    %c0_i32 = arith.constant 0 : i32
    %c0_i32_0 = arith.constant 0 : i32
    %c0_i32_1 = arith.constant 0 : i32
    return %c0_i32, %c0_i32_0 : i32, i32
  }
  func.func @transform_6(%arg0: i32) -> (i32, i32) {
    %c0_i32 = arith.constant 0 : i32
    %c0_i32_0 = arith.constant 0 : i32
    %c0_i32_1 = arith.constant 0 : i32
    return %c0_i32, %c0_i32_0 : i32, i32
  }
  func.func @transform_7(%arg0: i32) -> (i32, i32) {
    %c0_i32 = arith.constant 0 : i32
    %c0_i32_0 = arith.constant 0 : i32
    %c0_i32_1 = arith.constant 0 : i32
    return %c0_i32, %c0_i32_0 : i32, i32
  }
  func.func @transform_8(%arg0: i32) -> (i32, i32) {
    %c0_i32 = arith.constant 0 : i32
    %c0_i32_0 = arith.constant 0 : i32
    %c0_i32_1 = arith.constant 0 : i32
    return %c0_i32, %c0_i32_0 : i32, i32
  }
  func.func @transform_9(%arg0: i32) -> (i32, i32) {
    %c0_i32 = arith.constant 0 : i32
    %c0_i32_0 = arith.constant 0 : i32
    %c0_i32_1 = arith.constant 0 : i32
    return %c0_i32, %c0_i32_0 : i32, i32
  }
  func.func @transform_10(%arg0: i32) -> (i32, i32) {
    %c0_i32 = arith.constant 0 : i32
    %c0_i32_0 = arith.constant 0 : i32
    %c0_i32_1 = arith.constant 0 : i32
    return %c0_i32, %c0_i32_0 : i32, i32
  }
  func.func @transform_11(%arg0: i32) -> (i32, i32) {
    %add3A = arith.constant 32 : i32
    %add3A_0 = arith.addi %arg0, %add3A : i32
    %c0_i32 = arith.constant 0 : i32
    %c0_i32_1 = arith.constant 0 : i32
    return %add3A_0, %c0_i32 : i32, i32
  }
}

module attributes {stable_mosaic.version = 14 : i64} {
  func.func @_edge_body(%arg0: i32, %arg1: memref<2048x128xi32, #tpu.memory_space<vmem>>, %arg2: memref<2048x128xi32, #tpu.memory_space<vmem>>, %arg3: memref<2048x16xf32, #tpu.memory_space<vmem>>, %arg4: memref<16x256xf32, #tpu.memory_space<vmem>>, %arg5: memref<1x256xf32, #tpu.memory_space<vmem>>, %arg6: memref<128x256xf32, #tpu.memory_space<vmem>>, %arg7: memref<128x256xf32, #tpu.memory_space<vmem>>, %arg8: memref<1x256xf32, #tpu.memory_space<vmem>>, %arg9: memref<256x128xf32, #tpu.memory_space<vmem>>, %arg10: memref<1x128xf32, #tpu.memory_space<vmem>>, %arg11: memref<8x128xf32, #tpu.memory_space<vmem>>, %arg12: memref<2048x128xf32, #tpu.memory_space<vmem>>) attributes {dimension_semantics = [#tpu.dimension_semantics<arbitrary>], iteration_bounds = array<i64: 32>, scalar_prefetch = 0 : i64, scratch_operands = 0 : i64, tpu.core_type = #tpu.core_type<tc>, window_params = [{transform_indices = @transform_0, window_bounds = array<i64: 2048, 128>}, {transform_indices = @transform_1, window_bounds = array<i64: 2048, 128>}, {transform_indices = @transform_2, window_bounds = array<i64: 2048, 16>}, {pipeline_mode = #tpu.pipeline_mode<synchronous>, transform_indices = @transform_3, window_bounds = array<i64: 16, 256>}, {pipeline_mode = #tpu.pipeline_mode<synchronous>, transform_indices = @transform_4, window_bounds = array<i64: 1, 256>}, {pipeline_mode = #tpu.pipeline_mode<synchronous>, transform_indices = @transform_5, window_bounds = array<i64: 128, 256>}, {pipeline_mode = #tpu.pipeline_mode<synchronous>, transform_indices = @transform_6, window_bounds = array<i64: 128, 256>}, {pipeline_mode = #tpu.pipeline_mode<synchronous>, transform_indices = @transform_7, window_bounds = array<i64: 1, 256>}, {pipeline_mode = #tpu.pipeline_mode<synchronous>, transform_indices = @transform_8, window_bounds = array<i64: 256, 128>}, {pipeline_mode = #tpu.pipeline_mode<synchronous>, transform_indices = @transform_9, window_bounds = array<i64: 1, 128>}, {transform_indices = @transform_10, window_bounds = array<i64: 8, 128>}, {transform_indices = @transform_11, window_bounds = array<i64: 2048, 128>}]} {
    %get3A = arith.constant 0 : index
    %get3A_0 = arith.constant 0 : index
    %get3A_1 = vector.load %arg3[%get3A, %get3A_0] : memref<2048x16xf32, #tpu.memory_space<vmem>>, vector<2048x16xf32>
    %get3A_2 = arith.constant 0 : index
    %get3A_3 = arith.constant 0 : index
    %get3A_4 = vector.load %arg4[%get3A_2, %get3A_3] : memref<16x256xf32, #tpu.memory_space<vmem>>, vector<16x256xf32>
    %dot_general3A = arith.constant dense<0.000000e+00> : vector<2048x256xf32>
    %dot_general3A_5 = tpu.matmul %get3A_1, %get3A_4, %dot_general3A {dimension_numbers = #tpu.dot_dimension_numbers<[1], [0], [0], [1], [0, 0, 1, 1], [], []>, transpose_lhs_hint = false} : vector<2048x16xf32>, vector<16x256xf32>, vector<2048x256xf32> -> vector<2048x256xf32>
    %get3A_6 = arith.constant 0 : index
    %get3A_7 = arith.constant 0 : index
    %get3A_8 = vector.load %arg5[%get3A_6, %get3A_7] : memref<1x256xf32, #tpu.memory_space<vmem>>, vector<1x256xf32>
    %add3A = vector.broadcast %get3A_8 : vector<1x256xf32> to vector<2048x256xf32>
    %add3A_9 = arith.addf %dot_general3A_5, %add3A : vector<2048x256xf32>
    %get3A_10 = arith.constant 0 : index
    %get3A_11 = arith.constant 0 : index
    %get3A_12 = vector.load %arg1[%get3A_10, %get3A_11] : memref<2048x128xi32, #tpu.memory_space<vmem>>, vector<2048x128xi32>
    %and3A = arith.constant 65535 : i32
    %and3A_13 = vector.broadcast %and3A : i32 to vector<2048x128xi32>
    %and3A_14 = arith.andi %get3A_12, %and3A_13 : vector<2048x128xi32>
    %convert_element_type3A = arith.trunci %and3A_14 : vector<2048x128xi32> to vector<2048x128xi16>
    %shift_right_arithmetic3A = arith.constant 16 : i32
    %shift_right_arithmetic3A_15 = vector.broadcast %shift_right_arithmetic3A : i32 to vector<2048x128xi32>
    %shift_right_arithmetic3A_16 = arith.shrsi %get3A_12, %shift_right_arithmetic3A_15 : vector<2048x128xi32>
    %and3A_17 = arith.constant 65535 : i32
    %and3A_18 = vector.broadcast %and3A_17 : i32 to vector<2048x128xi32>
    %and3A_19 = arith.andi %shift_right_arithmetic3A_16, %and3A_18 : vector<2048x128xi32>
    %convert_element_type3A_20 = arith.trunci %and3A_19 : vector<2048x128xi32> to vector<2048x128xi16>
    %bitcast_convert_type3A = tpu.bitcast %convert_element_type3A : vector<2048x128xi16> -> vector<2048x128xbf16>
    %convert_element_type3A_21 = arith.extf %bitcast_convert_type3A : vector<2048x128xbf16> to vector<2048x128xf32>
    %bitcast_convert_type3A_22 = tpu.bitcast %convert_element_type3A_20 : vector<2048x128xi16> -> vector<2048x128xbf16>
    %convert_element_type3A_23 = arith.extf %bitcast_convert_type3A_22 : vector<2048x128xbf16> to vector<2048x128xf32>
    %get3A_24 = arith.constant 0 : index
    %get3A_25 = arith.constant 0 : index
    %get3A_26 = vector.load %arg2[%get3A_24, %get3A_25] : memref<2048x128xi32, #tpu.memory_space<vmem>>, vector<2048x128xi32>
    %and3A_27 = arith.constant 65535 : i32
    %and3A_28 = vector.broadcast %and3A_27 : i32 to vector<2048x128xi32>
    %and3A_29 = arith.andi %get3A_26, %and3A_28 : vector<2048x128xi32>
    %convert_element_type3A_30 = arith.trunci %and3A_29 : vector<2048x128xi32> to vector<2048x128xi16>
    %shift_right_arithmetic3A_31 = arith.constant 16 : i32
    %shift_right_arithmetic3A_32 = vector.broadcast %shift_right_arithmetic3A_31 : i32 to vector<2048x128xi32>
    %shift_right_arithmetic3A_33 = arith.shrsi %get3A_26, %shift_right_arithmetic3A_32 : vector<2048x128xi32>
    %and3A_34 = arith.constant 65535 : i32
    %and3A_35 = vector.broadcast %and3A_34 : i32 to vector<2048x128xi32>
    %and3A_36 = arith.andi %shift_right_arithmetic3A_33, %and3A_35 : vector<2048x128xi32>
    %convert_element_type3A_37 = arith.trunci %and3A_36 : vector<2048x128xi32> to vector<2048x128xi16>
    %bitcast_convert_type3A_38 = tpu.bitcast %convert_element_type3A_30 : vector<2048x128xi16> -> vector<2048x128xbf16>
    %convert_element_type3A_39 = arith.extf %bitcast_convert_type3A_38 : vector<2048x128xbf16> to vector<2048x128xf32>
    %bitcast_convert_type3A_40 = tpu.bitcast %convert_element_type3A_37 : vector<2048x128xi16> -> vector<2048x128xbf16>
    %convert_element_type3A_41 = arith.extf %bitcast_convert_type3A_40 : vector<2048x128xbf16> to vector<2048x128xf32>
    %add3A_42 = arith.addf %convert_element_type3A_21, %convert_element_type3A_39 : vector<2048x128xf32>
    %slice3A = vector.extract_strided_slice %add3A_9 {offsets = [0, 0], sizes = [2048, 128], strides = [1, 1]} : vector<2048x256xf32> to vector<2048x128xf32>
    %add3A_43 = arith.addf %add3A_42, %slice3A : vector<2048x128xf32>
    %max3A = arith.constant 0.000000e+00 : f32
    %max3A_44 = vector.broadcast %max3A : f32 to vector<2048x128xf32>
    %max3A_45 = arith.maximumf %add3A_43, %max3A_44 : vector<2048x128xf32>
    %add3A_46 = arith.addf %convert_element_type3A_23, %convert_element_type3A_41 : vector<2048x128xf32>
    %slice3A_47 = vector.extract_strided_slice %add3A_9 {offsets = [0, 128], sizes = [2048, 128], strides = [1, 1]} : vector<2048x256xf32> to vector<2048x128xf32>
    %add3A_48 = arith.addf %add3A_46, %slice3A_47 : vector<2048x128xf32>
    %max3A_49 = arith.constant 0.000000e+00 : f32
    %max3A_50 = vector.broadcast %max3A_49 : f32 to vector<2048x128xf32>
    %max3A_51 = arith.maximumf %add3A_48, %max3A_50 : vector<2048x128xf32>
    %get3A_52 = arith.constant 0 : index
    %get3A_53 = arith.constant 0 : index
    %get3A_54 = vector.load %arg6[%get3A_52, %get3A_53] : memref<128x256xf32, #tpu.memory_space<vmem>>, vector<128x256xf32>
    %dot_general3A_55 = arith.constant dense<0.000000e+00> : vector<2048x256xf32>
    %dot_general3A_56 = tpu.matmul %max3A_45, %get3A_54, %dot_general3A_55 {dimension_numbers = #tpu.dot_dimension_numbers<[1], [0], [0], [1], [0, 0, 1, 1], [], []>, transpose_lhs_hint = false} : vector<2048x128xf32>, vector<128x256xf32>, vector<2048x256xf32> -> vector<2048x256xf32>
    %get3A_57 = arith.constant 0 : index
    %get3A_58 = arith.constant 0 : index
    %get3A_59 = vector.load %arg7[%get3A_57, %get3A_58] : memref<128x256xf32, #tpu.memory_space<vmem>>, vector<128x256xf32>
    %dot_general3A_60 = arith.constant dense<0.000000e+00> : vector<2048x256xf32>
    %dot_general3A_61 = tpu.matmul %max3A_51, %get3A_59, %dot_general3A_60 {dimension_numbers = #tpu.dot_dimension_numbers<[1], [0], [0], [1], [0, 0, 1, 1], [], []>, transpose_lhs_hint = false} : vector<2048x128xf32>, vector<128x256xf32>, vector<2048x256xf32> -> vector<2048x256xf32>
    %add3A_62 = arith.addf %dot_general3A_56, %dot_general3A_61 : vector<2048x256xf32>
    %get3A_63 = arith.constant 0 : index
    %get3A_64 = arith.constant 0 : index
    %get3A_65 = vector.load %arg8[%get3A_63, %get3A_64] : memref<1x256xf32, #tpu.memory_space<vmem>>, vector<1x256xf32>
    %add3A_66 = vector.broadcast %get3A_65 : vector<1x256xf32> to vector<2048x256xf32>
    %add3A_67 = arith.addf %add3A_62, %add3A_66 : vector<2048x256xf32>
    %max3A_68 = arith.constant 0.000000e+00 : f32
    %max3A_69 = vector.broadcast %max3A_68 : f32 to vector<2048x256xf32>
    %max3A_70 = arith.maximumf %add3A_67, %max3A_69 : vector<2048x256xf32>
    %get3A_71 = arith.constant 0 : index
    %get3A_72 = arith.constant 0 : index
    %get3A_73 = vector.load %arg9[%get3A_71, %get3A_72] : memref<256x128xf32, #tpu.memory_space<vmem>>, vector<256x128xf32>
    %dot_general3A_74 = arith.constant dense<0.000000e+00> : vector<2048x128xf32>
    %dot_general3A_75 = tpu.matmul %max3A_70, %get3A_73, %dot_general3A_74 {dimension_numbers = #tpu.dot_dimension_numbers<[1], [0], [0], [1], [0, 0, 1, 1], [], []>, transpose_lhs_hint = false} : vector<2048x256xf32>, vector<256x128xf32>, vector<2048x128xf32> -> vector<2048x128xf32>
    %get3A_76 = arith.constant 0 : index
    %get3A_77 = arith.constant 0 : index
    %get3A_78 = vector.load %arg10[%get3A_76, %get3A_77] : memref<1x128xf32, #tpu.memory_space<vmem>>, vector<1x128xf32>
    %add3A_79 = vector.broadcast %get3A_78 : vector<1x128xf32> to vector<2048x128xf32>
    %add3A_80 = arith.addf %dot_general3A_75, %add3A_79 : vector<2048x128xf32>
    %swap3A = arith.constant 0 : index
    %swap3A_81 = arith.constant 0 : index
    %swap3A_82 = vector.load %arg12[%swap3A, %swap3A_81] : memref<2048x128xf32, #tpu.memory_space<vmem>>, vector<2048x128xf32>
    tpu.vector_store %arg12[%swap3A, %swap3A_81], %add3A_80 {strides = array<i32>} : memref<2048x128xf32, #tpu.memory_space<vmem>>, vector<2048x128xf32>,
    return
  }
  func.func @transform_0(%arg0: i32) -> (i32, i32) {
    %c0_i32 = arith.constant 0 : i32
    %c0_i32_0 = arith.constant 0 : i32
    return %arg0, %c0_i32 : i32, i32
  }
  func.func @transform_1(%arg0: i32) -> (i32, i32) {
    %c0_i32 = arith.constant 0 : i32
    %c0_i32_0 = arith.constant 0 : i32
    return %arg0, %c0_i32 : i32, i32
  }
  func.func @transform_2(%arg0: i32) -> (i32, i32) {
    %add3A = arith.constant 64 : i32
    %add3A_0 = arith.addi %arg0, %add3A : i32
    %c0_i32 = arith.constant 0 : i32
    %c0_i32_1 = arith.constant 0 : i32
    return %add3A_0, %c0_i32 : i32, i32
  }
  func.func @transform_3(%arg0: i32) -> (i32, i32) {
    %c0_i32 = arith.constant 0 : i32
    %c0_i32_0 = arith.constant 0 : i32
    %c0_i32_1 = arith.constant 0 : i32
    return %c0_i32, %c0_i32_0 : i32, i32
  }
  func.func @transform_4(%arg0: i32) -> (i32, i32) {
    %c0_i32 = arith.constant 0 : i32
    %c0_i32_0 = arith.constant 0 : i32
    %c0_i32_1 = arith.constant 0 : i32
    return %c0_i32, %c0_i32_0 : i32, i32
  }
  func.func @transform_5(%arg0: i32) -> (i32, i32) {
    %c0_i32 = arith.constant 0 : i32
    %c0_i32_0 = arith.constant 0 : i32
    %c0_i32_1 = arith.constant 0 : i32
    return %c0_i32, %c0_i32_0 : i32, i32
  }
  func.func @transform_6(%arg0: i32) -> (i32, i32) {
    %c0_i32 = arith.constant 0 : i32
    %c0_i32_0 = arith.constant 0 : i32
    %c0_i32_1 = arith.constant 0 : i32
    return %c0_i32, %c0_i32_0 : i32, i32
  }
  func.func @transform_7(%arg0: i32) -> (i32, i32) {
    %c0_i32 = arith.constant 0 : i32
    %c0_i32_0 = arith.constant 0 : i32
    %c0_i32_1 = arith.constant 0 : i32
    return %c0_i32, %c0_i32_0 : i32, i32
  }
  func.func @transform_8(%arg0: i32) -> (i32, i32) {
    %c0_i32 = arith.constant 0 : i32
    %c0_i32_0 = arith.constant 0 : i32
    %c0_i32_1 = arith.constant 0 : i32
    return %c0_i32, %c0_i32_0 : i32, i32
  }
  func.func @transform_9(%arg0: i32) -> (i32, i32) {
    %c0_i32 = arith.constant 0 : i32
    %c0_i32_0 = arith.constant 0 : i32
    %c0_i32_1 = arith.constant 0 : i32
    return %c0_i32, %c0_i32_0 : i32, i32
  }
  func.func @transform_10(%arg0: i32) -> (i32, i32) {
    %c0_i32 = arith.constant 0 : i32
    %c0_i32_0 = arith.constant 0 : i32
    %c0_i32_1 = arith.constant 0 : i32
    return %c0_i32, %c0_i32_0 : i32, i32
  }
  func.func @transform_11(%arg0: i32) -> (i32, i32) {
    %add3A = arith.constant 64 : i32
    %add3A_0 = arith.addi %arg0, %add3A : i32
    %c0_i32 = arith.constant 0 : i32
    %c0_i32_1 = arith.constant 0 : i32
    return %add3A_0, %c0_i32 : i32, i32
  }
}

module attributes {stable_mosaic.version = 14 : i64} {
  func.func @_edge_body(%arg0: i32, %arg1: memref<2048x128xi32, #tpu.memory_space<vmem>>, %arg2: memref<2048x128xi32, #tpu.memory_space<vmem>>, %arg3: memref<2048x16xf32, #tpu.memory_space<vmem>>, %arg4: memref<16x256xf32, #tpu.memory_space<vmem>>, %arg5: memref<1x256xf32, #tpu.memory_space<vmem>>, %arg6: memref<128x256xf32, #tpu.memory_space<vmem>>, %arg7: memref<128x256xf32, #tpu.memory_space<vmem>>, %arg8: memref<1x256xf32, #tpu.memory_space<vmem>>, %arg9: memref<256x128xf32, #tpu.memory_space<vmem>>, %arg10: memref<1x128xf32, #tpu.memory_space<vmem>>, %arg11: memref<8x128xf32, #tpu.memory_space<vmem>>, %arg12: memref<2048x128xf32, #tpu.memory_space<vmem>>) attributes {dimension_semantics = [#tpu.dimension_semantics<arbitrary>], iteration_bounds = array<i64: 32>, scalar_prefetch = 0 : i64, scratch_operands = 0 : i64, tpu.core_type = #tpu.core_type<tc>, window_params = [{transform_indices = @transform_0, window_bounds = array<i64: 2048, 128>}, {transform_indices = @transform_1, window_bounds = array<i64: 2048, 128>}, {transform_indices = @transform_2, window_bounds = array<i64: 2048, 16>}, {pipeline_mode = #tpu.pipeline_mode<synchronous>, transform_indices = @transform_3, window_bounds = array<i64: 16, 256>}, {pipeline_mode = #tpu.pipeline_mode<synchronous>, transform_indices = @transform_4, window_bounds = array<i64: 1, 256>}, {pipeline_mode = #tpu.pipeline_mode<synchronous>, transform_indices = @transform_5, window_bounds = array<i64: 128, 256>}, {pipeline_mode = #tpu.pipeline_mode<synchronous>, transform_indices = @transform_6, window_bounds = array<i64: 128, 256>}, {pipeline_mode = #tpu.pipeline_mode<synchronous>, transform_indices = @transform_7, window_bounds = array<i64: 1, 256>}, {pipeline_mode = #tpu.pipeline_mode<synchronous>, transform_indices = @transform_8, window_bounds = array<i64: 256, 128>}, {pipeline_mode = #tpu.pipeline_mode<synchronous>, transform_indices = @transform_9, window_bounds = array<i64: 1, 128>}, {transform_indices = @transform_10, window_bounds = array<i64: 8, 128>}, {transform_indices = @transform_11, window_bounds = array<i64: 2048, 128>}]} {
    %get3A = arith.constant 0 : index
    %get3A_0 = arith.constant 0 : index
    %get3A_1 = vector.load %arg3[%get3A, %get3A_0] : memref<2048x16xf32, #tpu.memory_space<vmem>>, vector<2048x16xf32>
    %get3A_2 = arith.constant 0 : index
    %get3A_3 = arith.constant 0 : index
    %get3A_4 = vector.load %arg4[%get3A_2, %get3A_3] : memref<16x256xf32, #tpu.memory_space<vmem>>, vector<16x256xf32>
    %dot_general3A = arith.constant dense<0.000000e+00> : vector<2048x256xf32>
    %dot_general3A_5 = tpu.matmul %get3A_1, %get3A_4, %dot_general3A {dimension_numbers = #tpu.dot_dimension_numbers<[1], [0], [0], [1], [0, 0, 1, 1], [], []>, transpose_lhs_hint = false} : vector<2048x16xf32>, vector<16x256xf32>, vector<2048x256xf32> -> vector<2048x256xf32>
    %get3A_6 = arith.constant 0 : index
    %get3A_7 = arith.constant 0 : index
    %get3A_8 = vector.load %arg5[%get3A_6, %get3A_7] : memref<1x256xf32, #tpu.memory_space<vmem>>, vector<1x256xf32>
    %add3A = vector.broadcast %get3A_8 : vector<1x256xf32> to vector<2048x256xf32>
    %add3A_9 = arith.addf %dot_general3A_5, %add3A : vector<2048x256xf32>
    %get3A_10 = arith.constant 0 : index
    %get3A_11 = arith.constant 0 : index
    %get3A_12 = vector.load %arg1[%get3A_10, %get3A_11] : memref<2048x128xi32, #tpu.memory_space<vmem>>, vector<2048x128xi32>
    %and3A = arith.constant 65535 : i32
    %and3A_13 = vector.broadcast %and3A : i32 to vector<2048x128xi32>
    %and3A_14 = arith.andi %get3A_12, %and3A_13 : vector<2048x128xi32>
    %convert_element_type3A = arith.trunci %and3A_14 : vector<2048x128xi32> to vector<2048x128xi16>
    %shift_right_arithmetic3A = arith.constant 16 : i32
    %shift_right_arithmetic3A_15 = vector.broadcast %shift_right_arithmetic3A : i32 to vector<2048x128xi32>
    %shift_right_arithmetic3A_16 = arith.shrsi %get3A_12, %shift_right_arithmetic3A_15 : vector<2048x128xi32>
    %and3A_17 = arith.constant 65535 : i32
    %and3A_18 = vector.broadcast %and3A_17 : i32 to vector<2048x128xi32>
    %and3A_19 = arith.andi %shift_right_arithmetic3A_16, %and3A_18 : vector<2048x128xi32>
    %convert_element_type3A_20 = arith.trunci %and3A_19 : vector<2048x128xi32> to vector<2048x128xi16>
    %bitcast_convert_type3A = tpu.bitcast %convert_element_type3A : vector<2048x128xi16> -> vector<2048x128xbf16>
    %convert_element_type3A_21 = arith.extf %bitcast_convert_type3A : vector<2048x128xbf16> to vector<2048x128xf32>
    %bitcast_convert_type3A_22 = tpu.bitcast %convert_element_type3A_20 : vector<2048x128xi16> -> vector<2048x128xbf16>
    %convert_element_type3A_23 = arith.extf %bitcast_convert_type3A_22 : vector<2048x128xbf16> to vector<2048x128xf32>
    %get3A_24 = arith.constant 0 : index
    %get3A_25 = arith.constant 0 : index
    %get3A_26 = vector.load %arg2[%get3A_24, %get3A_25] : memref<2048x128xi32, #tpu.memory_space<vmem>>, vector<2048x128xi32>
    %and3A_27 = arith.constant 65535 : i32
    %and3A_28 = vector.broadcast %and3A_27 : i32 to vector<2048x128xi32>
    %and3A_29 = arith.andi %get3A_26, %and3A_28 : vector<2048x128xi32>
    %convert_element_type3A_30 = arith.trunci %and3A_29 : vector<2048x128xi32> to vector<2048x128xi16>
    %shift_right_arithmetic3A_31 = arith.constant 16 : i32
    %shift_right_arithmetic3A_32 = vector.broadcast %shift_right_arithmetic3A_31 : i32 to vector<2048x128xi32>
    %shift_right_arithmetic3A_33 = arith.shrsi %get3A_26, %shift_right_arithmetic3A_32 : vector<2048x128xi32>
    %and3A_34 = arith.constant 65535 : i32
    %and3A_35 = vector.broadcast %and3A_34 : i32 to vector<2048x128xi32>
    %and3A_36 = arith.andi %shift_right_arithmetic3A_33, %and3A_35 : vector<2048x128xi32>
    %convert_element_type3A_37 = arith.trunci %and3A_36 : vector<2048x128xi32> to vector<2048x128xi16>
    %bitcast_convert_type3A_38 = tpu.bitcast %convert_element_type3A_30 : vector<2048x128xi16> -> vector<2048x128xbf16>
    %convert_element_type3A_39 = arith.extf %bitcast_convert_type3A_38 : vector<2048x128xbf16> to vector<2048x128xf32>
    %bitcast_convert_type3A_40 = tpu.bitcast %convert_element_type3A_37 : vector<2048x128xi16> -> vector<2048x128xbf16>
    %convert_element_type3A_41 = arith.extf %bitcast_convert_type3A_40 : vector<2048x128xbf16> to vector<2048x128xf32>
    %add3A_42 = arith.addf %convert_element_type3A_21, %convert_element_type3A_39 : vector<2048x128xf32>
    %slice3A = vector.extract_strided_slice %add3A_9 {offsets = [0, 0], sizes = [2048, 128], strides = [1, 1]} : vector<2048x256xf32> to vector<2048x128xf32>
    %add3A_43 = arith.addf %add3A_42, %slice3A : vector<2048x128xf32>
    %max3A = arith.constant 0.000000e+00 : f32
    %max3A_44 = vector.broadcast %max3A : f32 to vector<2048x128xf32>
    %max3A_45 = arith.maximumf %add3A_43, %max3A_44 : vector<2048x128xf32>
    %add3A_46 = arith.addf %convert_element_type3A_23, %convert_element_type3A_41 : vector<2048x128xf32>
    %slice3A_47 = vector.extract_strided_slice %add3A_9 {offsets = [0, 128], sizes = [2048, 128], strides = [1, 1]} : vector<2048x256xf32> to vector<2048x128xf32>
    %add3A_48 = arith.addf %add3A_46, %slice3A_47 : vector<2048x128xf32>
    %max3A_49 = arith.constant 0.000000e+00 : f32
    %max3A_50 = vector.broadcast %max3A_49 : f32 to vector<2048x128xf32>
    %max3A_51 = arith.maximumf %add3A_48, %max3A_50 : vector<2048x128xf32>
    %get3A_52 = arith.constant 0 : index
    %get3A_53 = arith.constant 0 : index
    %get3A_54 = vector.load %arg6[%get3A_52, %get3A_53] : memref<128x256xf32, #tpu.memory_space<vmem>>, vector<128x256xf32>
    %dot_general3A_55 = arith.constant dense<0.000000e+00> : vector<2048x256xf32>
    %dot_general3A_56 = tpu.matmul %max3A_45, %get3A_54, %dot_general3A_55 {dimension_numbers = #tpu.dot_dimension_numbers<[1], [0], [0], [1], [0, 0, 1, 1], [], []>, transpose_lhs_hint = false} : vector<2048x128xf32>, vector<128x256xf32>, vector<2048x256xf32> -> vector<2048x256xf32>
    %get3A_57 = arith.constant 0 : index
    %get3A_58 = arith.constant 0 : index
    %get3A_59 = vector.load %arg7[%get3A_57, %get3A_58] : memref<128x256xf32, #tpu.memory_space<vmem>>, vector<128x256xf32>
    %dot_general3A_60 = arith.constant dense<0.000000e+00> : vector<2048x256xf32>
    %dot_general3A_61 = tpu.matmul %max3A_51, %get3A_59, %dot_general3A_60 {dimension_numbers = #tpu.dot_dimension_numbers<[1], [0], [0], [1], [0, 0, 1, 1], [], []>, transpose_lhs_hint = false} : vector<2048x128xf32>, vector<128x256xf32>, vector<2048x256xf32> -> vector<2048x256xf32>
    %add3A_62 = arith.addf %dot_general3A_56, %dot_general3A_61 : vector<2048x256xf32>
    %get3A_63 = arith.constant 0 : index
    %get3A_64 = arith.constant 0 : index
    %get3A_65 = vector.load %arg8[%get3A_63, %get3A_64] : memref<1x256xf32, #tpu.memory_space<vmem>>, vector<1x256xf32>
    %add3A_66 = vector.broadcast %get3A_65 : vector<1x256xf32> to vector<2048x256xf32>
    %add3A_67 = arith.addf %add3A_62, %add3A_66 : vector<2048x256xf32>
    %max3A_68 = arith.constant 0.000000e+00 : f32
    %max3A_69 = vector.broadcast %max3A_68 : f32 to vector<2048x256xf32>
    %max3A_70 = arith.maximumf %add3A_67, %max3A_69 : vector<2048x256xf32>
    %get3A_71 = arith.constant 0 : index
    %get3A_72 = arith.constant 0 : index
    %get3A_73 = vector.load %arg9[%get3A_71, %get3A_72] : memref<256x128xf32, #tpu.memory_space<vmem>>, vector<256x128xf32>
    %dot_general3A_74 = arith.constant dense<0.000000e+00> : vector<2048x128xf32>
    %dot_general3A_75 = tpu.matmul %max3A_70, %get3A_73, %dot_general3A_74 {dimension_numbers = #tpu.dot_dimension_numbers<[1], [0], [0], [1], [0, 0, 1, 1], [], []>, transpose_lhs_hint = false} : vector<2048x256xf32>, vector<256x128xf32>, vector<2048x128xf32> -> vector<2048x128xf32>
    %get3A_76 = arith.constant 0 : index
    %get3A_77 = arith.constant 0 : index
    %get3A_78 = vector.load %arg10[%get3A_76, %get3A_77] : memref<1x128xf32, #tpu.memory_space<vmem>>, vector<1x128xf32>
    %add3A_79 = vector.broadcast %get3A_78 : vector<1x128xf32> to vector<2048x128xf32>
    %add3A_80 = arith.addf %dot_general3A_75, %add3A_79 : vector<2048x128xf32>
    %swap3A = arith.constant 0 : index
    %swap3A_81 = arith.constant 0 : index
    %swap3A_82 = vector.load %arg12[%swap3A, %swap3A_81] : memref<2048x128xf32, #tpu.memory_space<vmem>>, vector<2048x128xf32>
    tpu.vector_store %arg12[%swap3A, %swap3A_81], %add3A_80 {strides = array<i32>} : memref<2048x128xf32, #tpu.memory_space<vmem>>, vector<2048x128xf32>,
    return
  }
  func.func @transform_0(%arg0: i32) -> (i32, i32) {
    %c0_i32 = arith.constant 0 : i32
    %c0_i32_0 = arith.constant 0 : i32
    return %arg0, %c0_i32 : i32, i32
  }
  func.func @transform_1(%arg0: i32) -> (i32, i32) {
    %c0_i32 = arith.constant 0 : i32
    %c0_i32_0 = arith.constant 0 : i32
    return %arg0, %c0_i32 : i32, i32
  }
  func.func @transform_2(%arg0: i32) -> (i32, i32) {
    %add3A = arith.constant 96 : i32
    %add3A_0 = arith.addi %arg0, %add3A : i32
    %c0_i32 = arith.constant 0 : i32
    %c0_i32_1 = arith.constant 0 : i32
    return %add3A_0, %c0_i32 : i32, i32
  }
  func.func @transform_3(%arg0: i32) -> (i32, i32) {
    %c0_i32 = arith.constant 0 : i32
    %c0_i32_0 = arith.constant 0 : i32
    %c0_i32_1 = arith.constant 0 : i32
    return %c0_i32, %c0_i32_0 : i32, i32
  }
  func.func @transform_4(%arg0: i32) -> (i32, i32) {
    %c0_i32 = arith.constant 0 : i32
    %c0_i32_0 = arith.constant 0 : i32
    %c0_i32_1 = arith.constant 0 : i32
    return %c0_i32, %c0_i32_0 : i32, i32
  }
  func.func @transform_5(%arg0: i32) -> (i32, i32) {
    %c0_i32 = arith.constant 0 : i32
    %c0_i32_0 = arith.constant 0 : i32
    %c0_i32_1 = arith.constant 0 : i32
    return %c0_i32, %c0_i32_0 : i32, i32
  }
  func.func @transform_6(%arg0: i32) -> (i32, i32) {
    %c0_i32 = arith.constant 0 : i32
    %c0_i32_0 = arith.constant 0 : i32
    %c0_i32_1 = arith.constant 0 : i32
    return %c0_i32, %c0_i32_0 : i32, i32
  }
  func.func @transform_7(%arg0: i32) -> (i32, i32) {
    %c0_i32 = arith.constant 0 : i32
    %c0_i32_0 = arith.constant 0 : i32
    %c0_i32_1 = arith.constant 0 : i32
    return %c0_i32, %c0_i32_0 : i32, i32
  }
  func.func @transform_8(%arg0: i32) -> (i32, i32) {
    %c0_i32 = arith.constant 0 : i32
    %c0_i32_0 = arith.constant 0 : i32
    %c0_i32_1 = arith.constant 0 : i32
    return %c0_i32, %c0_i32_0 : i32, i32
  }
  func.func @transform_9(%arg0: i32) -> (i32, i32) {
    %c0_i32 = arith.constant 0 : i32
    %c0_i32_0 = arith.constant 0 : i32
    %c0_i32_1 = arith.constant 0 : i32
    return %c0_i32, %c0_i32_0 : i32, i32
  }
  func.func @transform_10(%arg0: i32) -> (i32, i32) {
    %c0_i32 = arith.constant 0 : i32
    %c0_i32_0 = arith.constant 0 : i32
    %c0_i32_1 = arith.constant 0 : i32
    return %c0_i32, %c0_i32_0 : i32, i32
  }
  func.func @transform_11(%arg0: i32) -> (i32, i32) {
    %add3A = arith.constant 96 : i32
    %add3A_0 = arith.addi %arg0, %add3A : i32
    %c0_i32 = arith.constant 0 : i32
    %c0_i32_1 = arith.constant 0 : i32
    return %add3A_0, %c0_i32 : i32, i32
  }
}

module attributes {stable_mosaic.version = 14 : i64} {
  func.func @_edge_body(%arg0: i32, %arg1: memref<2048x128xi32, #tpu.memory_space<vmem>>, %arg2: memref<2048x128xi32, #tpu.memory_space<vmem>>, %arg3: memref<2048x16xf32, #tpu.memory_space<vmem>>, %arg4: memref<16x256xf32, #tpu.memory_space<vmem>>, %arg5: memref<1x256xf32, #tpu.memory_space<vmem>>, %arg6: memref<128x256xf32, #tpu.memory_space<vmem>>, %arg7: memref<128x256xf32, #tpu.memory_space<vmem>>, %arg8: memref<1x256xf32, #tpu.memory_space<vmem>>, %arg9: memref<256x128xf32, #tpu.memory_space<vmem>>, %arg10: memref<1x128xf32, #tpu.memory_space<vmem>>, %arg11: memref<8x128xf32, #tpu.memory_space<vmem>>, %arg12: memref<2048x128xf32, #tpu.memory_space<vmem>>) attributes {dimension_semantics = [#tpu.dimension_semantics<arbitrary>], iteration_bounds = array<i64: 32>, scalar_prefetch = 0 : i64, scratch_operands = 0 : i64, tpu.core_type = #tpu.core_type<tc>, window_params = [{transform_indices = @transform_0, window_bounds = array<i64: 2048, 128>}, {transform_indices = @transform_1, window_bounds = array<i64: 2048, 128>}, {transform_indices = @transform_2, window_bounds = array<i64: 2048, 16>}, {pipeline_mode = #tpu.pipeline_mode<synchronous>, transform_indices = @transform_3, window_bounds = array<i64: 16, 256>}, {pipeline_mode = #tpu.pipeline_mode<synchronous>, transform_indices = @transform_4, window_bounds = array<i64: 1, 256>}, {pipeline_mode = #tpu.pipeline_mode<synchronous>, transform_indices = @transform_5, window_bounds = array<i64: 128, 256>}, {pipeline_mode = #tpu.pipeline_mode<synchronous>, transform_indices = @transform_6, window_bounds = array<i64: 128, 256>}, {pipeline_mode = #tpu.pipeline_mode<synchronous>, transform_indices = @transform_7, window_bounds = array<i64: 1, 256>}, {pipeline_mode = #tpu.pipeline_mode<synchronous>, transform_indices = @transform_8, window_bounds = array<i64: 256, 128>}, {pipeline_mode = #tpu.pipeline_mode<synchronous>, transform_indices = @transform_9, window_bounds = array<i64: 1, 128>}, {transform_indices = @transform_10, window_bounds = array<i64: 8, 128>}, {transform_indices = @transform_11, window_bounds = array<i64: 2048, 128>}]} {
    %get3A = arith.constant 0 : index
    %get3A_0 = arith.constant 0 : index
    %get3A_1 = vector.load %arg3[%get3A, %get3A_0] : memref<2048x16xf32, #tpu.memory_space<vmem>>, vector<2048x16xf32>
    %get3A_2 = arith.constant 0 : index
    %get3A_3 = arith.constant 0 : index
    %get3A_4 = vector.load %arg4[%get3A_2, %get3A_3] : memref<16x256xf32, #tpu.memory_space<vmem>>, vector<16x256xf32>
    %dot_general3A = arith.constant dense<0.000000e+00> : vector<2048x256xf32>
    %dot_general3A_5 = tpu.matmul %get3A_1, %get3A_4, %dot_general3A {dimension_numbers = #tpu.dot_dimension_numbers<[1], [0], [0], [1], [0, 0, 1, 1], [], []>, transpose_lhs_hint = false} : vector<2048x16xf32>, vector<16x256xf32>, vector<2048x256xf32> -> vector<2048x256xf32>
    %get3A_6 = arith.constant 0 : index
    %get3A_7 = arith.constant 0 : index
    %get3A_8 = vector.load %arg5[%get3A_6, %get3A_7] : memref<1x256xf32, #tpu.memory_space<vmem>>, vector<1x256xf32>
    %add3A = vector.broadcast %get3A_8 : vector<1x256xf32> to vector<2048x256xf32>
    %add3A_9 = arith.addf %dot_general3A_5, %add3A : vector<2048x256xf32>
    %get3A_10 = arith.constant 0 : index
    %get3A_11 = arith.constant 0 : index
    %get3A_12 = vector.load %arg1[%get3A_10, %get3A_11] : memref<2048x128xi32, #tpu.memory_space<vmem>>, vector<2048x128xi32>
    %and3A = arith.constant 65535 : i32
    %and3A_13 = vector.broadcast %and3A : i32 to vector<2048x128xi32>
    %and3A_14 = arith.andi %get3A_12, %and3A_13 : vector<2048x128xi32>
    %convert_element_type3A = arith.trunci %and3A_14 : vector<2048x128xi32> to vector<2048x128xi16>
    %shift_right_arithmetic3A = arith.constant 16 : i32
    %shift_right_arithmetic3A_15 = vector.broadcast %shift_right_arithmetic3A : i32 to vector<2048x128xi32>
    %shift_right_arithmetic3A_16 = arith.shrsi %get3A_12, %shift_right_arithmetic3A_15 : vector<2048x128xi32>
    %and3A_17 = arith.constant 65535 : i32
    %and3A_18 = vector.broadcast %and3A_17 : i32 to vector<2048x128xi32>
    %and3A_19 = arith.andi %shift_right_arithmetic3A_16, %and3A_18 : vector<2048x128xi32>
    %convert_element_type3A_20 = arith.trunci %and3A_19 : vector<2048x128xi32> to vector<2048x128xi16>
    %bitcast_convert_type3A = tpu.bitcast %convert_element_type3A : vector<2048x128xi16> -> vector<2048x128xbf16>
    %convert_element_type3A_21 = arith.extf %bitcast_convert_type3A : vector<2048x128xbf16> to vector<2048x128xf32>
    %bitcast_convert_type3A_22 = tpu.bitcast %convert_element_type3A_20 : vector<2048x128xi16> -> vector<2048x128xbf16>
    %convert_element_type3A_23 = arith.extf %bitcast_convert_type3A_22 : vector<2048x128xbf16> to vector<2048x128xf32>
    %get3A_24 = arith.constant 0 : index
    %get3A_25 = arith.constant 0 : index
    %get3A_26 = vector.load %arg2[%get3A_24, %get3A_25] : memref<2048x128xi32, #tpu.memory_space<vmem>>, vector<2048x128xi32>
    %and3A_27 = arith.constant 65535 : i32
    %and3A_28 = vector.broadcast %and3A_27 : i32 to vector<2048x128xi32>
    %and3A_29 = arith.andi %get3A_26, %and3A_28 : vector<2048x128xi32>
    %convert_element_type3A_30 = arith.trunci %and3A_29 : vector<2048x128xi32> to vector<2048x128xi16>
    %shift_right_arithmetic3A_31 = arith.constant 16 : i32
    %shift_right_arithmetic3A_32 = vector.broadcast %shift_right_arithmetic3A_31 : i32 to vector<2048x128xi32>
    %shift_right_arithmetic3A_33 = arith.shrsi %get3A_26, %shift_right_arithmetic3A_32 : vector<2048x128xi32>
    %and3A_34 = arith.constant 65535 : i32
    %and3A_35 = vector.broadcast %and3A_34 : i32 to vector<2048x128xi32>
    %and3A_36 = arith.andi %shift_right_arithmetic3A_33, %and3A_35 : vector<2048x128xi32>
    %convert_element_type3A_37 = arith.trunci %and3A_36 : vector<2048x128xi32> to vector<2048x128xi16>
    %bitcast_convert_type3A_38 = tpu.bitcast %convert_element_type3A_30 : vector<2048x128xi16> -> vector<2048x128xbf16>
    %convert_element_type3A_39 = arith.extf %bitcast_convert_type3A_38 : vector<2048x128xbf16> to vector<2048x128xf32>
    %bitcast_convert_type3A_40 = tpu.bitcast %convert_element_type3A_37 : vector<2048x128xi16> -> vector<2048x128xbf16>
    %convert_element_type3A_41 = arith.extf %bitcast_convert_type3A_40 : vector<2048x128xbf16> to vector<2048x128xf32>
    %add3A_42 = arith.addf %convert_element_type3A_21, %convert_element_type3A_39 : vector<2048x128xf32>
    %slice3A = vector.extract_strided_slice %add3A_9 {offsets = [0, 0], sizes = [2048, 128], strides = [1, 1]} : vector<2048x256xf32> to vector<2048x128xf32>
    %add3A_43 = arith.addf %add3A_42, %slice3A : vector<2048x128xf32>
    %max3A = arith.constant 0.000000e+00 : f32
    %max3A_44 = vector.broadcast %max3A : f32 to vector<2048x128xf32>
    %max3A_45 = arith.maximumf %add3A_43, %max3A_44 : vector<2048x128xf32>
    %add3A_46 = arith.addf %convert_element_type3A_23, %convert_element_type3A_41 : vector<2048x128xf32>
    %slice3A_47 = vector.extract_strided_slice %add3A_9 {offsets = [0, 128], sizes = [2048, 128], strides = [1, 1]} : vector<2048x256xf32> to vector<2048x128xf32>
    %add3A_48 = arith.addf %add3A_46, %slice3A_47 : vector<2048x128xf32>
    %max3A_49 = arith.constant 0.000000e+00 : f32
    %max3A_50 = vector.broadcast %max3A_49 : f32 to vector<2048x128xf32>
    %max3A_51 = arith.maximumf %add3A_48, %max3A_50 : vector<2048x128xf32>
    %get3A_52 = arith.constant 0 : index
    %get3A_53 = arith.constant 0 : index
    %get3A_54 = vector.load %arg6[%get3A_52, %get3A_53] : memref<128x256xf32, #tpu.memory_space<vmem>>, vector<128x256xf32>
    %dot_general3A_55 = arith.constant dense<0.000000e+00> : vector<2048x256xf32>
    %dot_general3A_56 = tpu.matmul %max3A_45, %get3A_54, %dot_general3A_55 {dimension_numbers = #tpu.dot_dimension_numbers<[1], [0], [0], [1], [0, 0, 1, 1], [], []>, transpose_lhs_hint = false} : vector<2048x128xf32>, vector<128x256xf32>, vector<2048x256xf32> -> vector<2048x256xf32>
    %get3A_57 = arith.constant 0 : index
    %get3A_58 = arith.constant 0 : index
    %get3A_59 = vector.load %arg7[%get3A_57, %get3A_58] : memref<128x256xf32, #tpu.memory_space<vmem>>, vector<128x256xf32>
    %dot_general3A_60 = arith.constant dense<0.000000e+00> : vector<2048x256xf32>
    %dot_general3A_61 = tpu.matmul %max3A_51, %get3A_59, %dot_general3A_60 {dimension_numbers = #tpu.dot_dimension_numbers<[1], [0], [0], [1], [0, 0, 1, 1], [], []>, transpose_lhs_hint = false} : vector<2048x128xf32>, vector<128x256xf32>, vector<2048x256xf32> -> vector<2048x256xf32>
    %add3A_62 = arith.addf %dot_general3A_56, %dot_general3A_61 : vector<2048x256xf32>
    %get3A_63 = arith.constant 0 : index
    %get3A_64 = arith.constant 0 : index
    %get3A_65 = vector.load %arg8[%get3A_63, %get3A_64] : memref<1x256xf32, #tpu.memory_space<vmem>>, vector<1x256xf32>
    %add3A_66 = vector.broadcast %get3A_65 : vector<1x256xf32> to vector<2048x256xf32>
    %add3A_67 = arith.addf %add3A_62, %add3A_66 : vector<2048x256xf32>
    %max3A_68 = arith.constant 0.000000e+00 : f32
    %max3A_69 = vector.broadcast %max3A_68 : f32 to vector<2048x256xf32>
    %max3A_70 = arith.maximumf %add3A_67, %max3A_69 : vector<2048x256xf32>
    %get3A_71 = arith.constant 0 : index
    %get3A_72 = arith.constant 0 : index
    %get3A_73 = vector.load %arg9[%get3A_71, %get3A_72] : memref<256x128xf32, #tpu.memory_space<vmem>>, vector<256x128xf32>
    %dot_general3A_74 = arith.constant dense<0.000000e+00> : vector<2048x128xf32>
    %dot_general3A_75 = tpu.matmul %max3A_70, %get3A_73, %dot_general3A_74 {dimension_numbers = #tpu.dot_dimension_numbers<[1], [0], [0], [1], [0, 0, 1, 1], [], []>, transpose_lhs_hint = false} : vector<2048x256xf32>, vector<256x128xf32>, vector<2048x128xf32> -> vector<2048x128xf32>
    %get3A_76 = arith.constant 0 : index
    %get3A_77 = arith.constant 0 : index
    %get3A_78 = vector.load %arg10[%get3A_76, %get3A_77] : memref<1x128xf32, #tpu.memory_space<vmem>>, vector<1x128xf32>
    %add3A_79 = vector.broadcast %get3A_78 : vector<1x128xf32> to vector<2048x128xf32>
    %add3A_80 = arith.addf %dot_general3A_75, %add3A_79 : vector<2048x128xf32>
    %swap3A = arith.constant 0 : index
    %swap3A_81 = arith.constant 0 : index
    %swap3A_82 = vector.load %arg12[%swap3A, %swap3A_81] : memref<2048x128xf32, #tpu.memory_space<vmem>>, vector<2048x128xf32>
    tpu.vector_store %arg12[%swap3A, %swap3A_81], %add3A_80 {strides = array<i32>} : memref<2048x128xf32, #tpu.memory_space<vmem>>, vector<2048x128xf32>,
    return
  }
  func.func @transform_0(%arg0: i32) -> (i32, i32) {
    %c0_i32 = arith.constant 0 : i32
    %c0_i32_0 = arith.constant 0 : i32
    return %arg0, %c0_i32 : i32, i32
  }
  func.func @transform_1(%arg0: i32) -> (i32, i32) {
    %c0_i32 = arith.constant 0 : i32
    %c0_i32_0 = arith.constant 0 : i32
    return %arg0, %c0_i32 : i32, i32
  }
  func.func @transform_2(%arg0: i32) -> (i32, i32) {
    %add3A = arith.constant 128 : i32
    %add3A_0 = arith.addi %arg0, %add3A : i32
    %c0_i32 = arith.constant 0 : i32
    %c0_i32_1 = arith.constant 0 : i32
    return %add3A_0, %c0_i32 : i32, i32
  }
  func.func @transform_3(%arg0: i32) -> (i32, i32) {
    %c0_i32 = arith.constant 0 : i32
    %c0_i32_0 = arith.constant 0 : i32
    %c0_i32_1 = arith.constant 0 : i32
    return %c0_i32, %c0_i32_0 : i32, i32
  }
  func.func @transform_4(%arg0: i32) -> (i32, i32) {
    %c0_i32 = arith.constant 0 : i32
    %c0_i32_0 = arith.constant 0 : i32
    %c0_i32_1 = arith.constant 0 : i32
    return %c0_i32, %c0_i32_0 : i32, i32
  }
  func.func @transform_5(%arg0: i32) -> (i32, i32) {
    %c0_i32 = arith.constant 0 : i32
    %c0_i32_0 = arith.constant 0 : i32
    %c0_i32_1 = arith.constant 0 : i32
    return %c0_i32, %c0_i32_0 : i32, i32
  }
  func.func @transform_6(%arg0: i32) -> (i32, i32) {
    %c0_i32 = arith.constant 0 : i32
    %c0_i32_0 = arith.constant 0 : i32
    %c0_i32_1 = arith.constant 0 : i32
    return %c0_i32, %c0_i32_0 : i32, i32
  }
  func.func @transform_7(%arg0: i32) -> (i32, i32) {
    %c0_i32 = arith.constant 0 : i32
    %c0_i32_0 = arith.constant 0 : i32
    %c0_i32_1 = arith.constant 0 : i32
    return %c0_i32, %c0_i32_0 : i32, i32
  }
  func.func @transform_8(%arg0: i32) -> (i32, i32) {
    %c0_i32 = arith.constant 0 : i32
    %c0_i32_0 = arith.constant 0 : i32
    %c0_i32_1 = arith.constant 0 : i32
    return %c0_i32, %c0_i32_0 : i32, i32
  }
  func.func @transform_9(%arg0: i32) -> (i32, i32) {
    %c0_i32 = arith.constant 0 : i32
    %c0_i32_0 = arith.constant 0 : i32
    %c0_i32_1 = arith.constant 0 : i32
    return %c0_i32, %c0_i32_0 : i32, i32
  }
  func.func @transform_10(%arg0: i32) -> (i32, i32) {
    %c0_i32 = arith.constant 0 : i32
    %c0_i32_0 = arith.constant 0 : i32
    %c0_i32_1 = arith.constant 0 : i32
    return %c0_i32, %c0_i32_0 : i32, i32
  }
  func.func @transform_11(%arg0: i32) -> (i32, i32) {
    %add3A = arith.constant 128 : i32
    %add3A_0 = arith.addi %arg0, %add3A : i32
    %c0_i32 = arith.constant 0 : i32
    %c0_i32_1 = arith.constant 0 : i32
    return %add3A_0, %c0_i32 : i32, i32
  }
}

module attributes {stable_mosaic.version = 14 : i64} {
  func.func @_node_body(%arg0: i32, %arg1: memref<1024x128xf32, #tpu.memory_space<vmem>>, %arg2: memref<1024x128xf32, #tpu.memory_space<vmem>>, %arg3: memref<1024x256xf32, #tpu.memory_space<vmem>>, %arg4: memref<128x256xf32, #tpu.memory_space<vmem>>, %arg5: memref<1x256xf32, #tpu.memory_space<vmem>>, %arg6: memref<256x256xf32, #tpu.memory_space<vmem>>, %arg7: memref<1x256xf32, #tpu.memory_space<vmem>>, %arg8: memref<256x128xf32, #tpu.memory_space<vmem>>, %arg9: memref<1x128xf32, #tpu.memory_space<vmem>>, %arg10: memref<1024x128xf32, #tpu.memory_space<vmem>>) attributes {dimension_semantics = [#tpu.dimension_semantics<arbitrary>], iteration_bounds = array<i64: 10>, scalar_prefetch = 0 : i64, scratch_operands = 0 : i64, tpu.core_type = #tpu.core_type<tc>, window_params = [{transform_indices = @transform_0, window_bounds = array<i64: 1024, 128>}, {transform_indices = @transform_1, window_bounds = array<i64: 1024, 128>}, {transform_indices = @transform_2, window_bounds = array<i64: 1024, 256>}, {pipeline_mode = #tpu.pipeline_mode<synchronous>, transform_indices = @transform_3, window_bounds = array<i64: 128, 256>}, {pipeline_mode = #tpu.pipeline_mode<synchronous>, transform_indices = @transform_4, window_bounds = array<i64: 1, 256>}, {pipeline_mode = #tpu.pipeline_mode<synchronous>, transform_indices = @transform_5, window_bounds = array<i64: 256, 256>}, {pipeline_mode = #tpu.pipeline_mode<synchronous>, transform_indices = @transform_6, window_bounds = array<i64: 1, 256>}, {pipeline_mode = #tpu.pipeline_mode<synchronous>, transform_indices = @transform_7, window_bounds = array<i64: 256, 128>}, {pipeline_mode = #tpu.pipeline_mode<synchronous>, transform_indices = @transform_8, window_bounds = array<i64: 1, 128>}, {transform_indices = @transform_9, window_bounds = array<i64: 1024, 128>}]} {
    %get3A = arith.constant 0 : index
    %get3A_0 = arith.constant 0 : index
    %get3A_1 = vector.load %arg1[%get3A, %get3A_0] : memref<1024x128xf32, #tpu.memory_space<vmem>>, vector<1024x128xf32>
    %get3A_2 = arith.constant 0 : index
    %get3A_3 = arith.constant 0 : index
    %get3A_4 = vector.load %arg2[%get3A_2, %get3A_3] : memref<1024x128xf32, #tpu.memory_space<vmem>>, vector<1024x128xf32>
    %add3A = arith.addf %get3A_1, %get3A_4 : vector<1024x128xf32>
    %get3A_5 = arith.constant 0 : index
    %get3A_6 = arith.constant 0 : index
    %get3A_7 = vector.load %arg3[%get3A_5, %get3A_6] : memref<1024x256xf32, #tpu.memory_space<vmem>>, vector<1024x256xf32>
    %get3A_8 = arith.constant 0 : index
    %get3A_9 = arith.constant 0 : index
    %get3A_10 = vector.load %arg4[%get3A_8, %get3A_9] : memref<128x256xf32, #tpu.memory_space<vmem>>, vector<128x256xf32>
    %dot_general3A = arith.constant dense<0.000000e+00> : vector<1024x256xf32>
    %dot_general3A_11 = tpu.matmul %add3A, %get3A_10, %dot_general3A {dimension_numbers = #tpu.dot_dimension_numbers<[1], [0], [0], [1], [0, 0, 1, 1], [], []>, transpose_lhs_hint = false} : vector<1024x128xf32>, vector<128x256xf32>, vector<1024x256xf32> -> vector<1024x256xf32>
    %add3A_12 = arith.addf %get3A_7, %dot_general3A_11 : vector<1024x256xf32>
    %get3A_13 = arith.constant 0 : index
    %get3A_14 = arith.constant 0 : index
    %get3A_15 = vector.load %arg5[%get3A_13, %get3A_14] : memref<1x256xf32, #tpu.memory_space<vmem>>, vector<1x256xf32>
    %add3A_16 = vector.broadcast %get3A_15 : vector<1x256xf32> to vector<1024x256xf32>
    %add3A_17 = arith.addf %add3A_12, %add3A_16 : vector<1024x256xf32>
    %max3A = arith.constant 0.000000e+00 : f32
    %max3A_18 = vector.broadcast %max3A : f32 to vector<1024x256xf32>
    %max3A_19 = arith.maximumf %add3A_17, %max3A_18 : vector<1024x256xf32>
    %get3A_20 = arith.constant 0 : index
    %get3A_21 = arith.constant 0 : index
    %get3A_22 = vector.load %arg6[%get3A_20, %get3A_21] : memref<256x256xf32, #tpu.memory_space<vmem>>, vector<256x256xf32>
    %dot_general3A_23 = arith.constant dense<0.000000e+00> : vector<1024x256xf32>
    %dot_general3A_24 = tpu.matmul %max3A_19, %get3A_22, %dot_general3A_23 {dimension_numbers = #tpu.dot_dimension_numbers<[1], [0], [0], [1], [0, 0, 1, 1], [], []>, transpose_lhs_hint = false} : vector<1024x256xf32>, vector<256x256xf32>, vector<1024x256xf32> -> vector<1024x256xf32>
    %get3A_25 = arith.constant 0 : index
    %get3A_26 = arith.constant 0 : index
    %get3A_27 = vector.load %arg7[%get3A_25, %get3A_26] : memref<1x256xf32, #tpu.memory_space<vmem>>, vector<1x256xf32>
    %add3A_28 = vector.broadcast %get3A_27 : vector<1x256xf32> to vector<1024x256xf32>
    %add3A_29 = arith.addf %dot_general3A_24, %add3A_28 : vector<1024x256xf32>
    %max3A_30 = arith.constant 0.000000e+00 : f32
    %max3A_31 = vector.broadcast %max3A_30 : f32 to vector<1024x256xf32>
    %max3A_32 = arith.maximumf %add3A_29, %max3A_31 : vector<1024x256xf32>
    %get3A_33 = arith.constant 0 : index
    %get3A_34 = arith.constant 0 : index
    %get3A_35 = vector.load %arg8[%get3A_33, %get3A_34] : memref<256x128xf32, #tpu.memory_space<vmem>>, vector<256x128xf32>
    %dot_general3A_36 = arith.constant dense<0.000000e+00> : vector<1024x128xf32>
    %dot_general3A_37 = tpu.matmul %max3A_32, %get3A_35, %dot_general3A_36 {dimension_numbers = #tpu.dot_dimension_numbers<[1], [0], [0], [1], [0, 0, 1, 1], [], []>, transpose_lhs_hint = false} : vector<1024x256xf32>, vector<256x128xf32>, vector<1024x128xf32> -> vector<1024x128xf32>
    %get3A_38 = arith.constant 0 : index
    %get3A_39 = arith.constant 0 : index
    %get3A_40 = vector.load %arg9[%get3A_38, %get3A_39] : memref<1x128xf32, #tpu.memory_space<vmem>>, vector<1x128xf32>
    %add3A_41 = vector.broadcast %get3A_40 : vector<1x128xf32> to vector<1024x128xf32>
    %add3A_42 = arith.addf %dot_general3A_37, %add3A_41 : vector<1024x128xf32>
    %swap3A = arith.constant 0 : index
    %swap3A_43 = arith.constant 0 : index
    %swap3A_44 = vector.load %arg10[%swap3A, %swap3A_43] : memref<1024x128xf32, #tpu.memory_space<vmem>>, vector<1024x128xf32>
    tpu.vector_store %arg10[%swap3A, %swap3A_43], %add3A_42 {strides = array<i32>} : memref<1024x128xf32, #tpu.memory_space<vmem>>, vector<1024x128xf32>,
    return
  }
  func.func @transform_0(%arg0: i32) -> (i32, i32) {
    %c0_i32 = arith.constant 0 : i32
    %c0_i32_0 = arith.constant 0 : i32
    return %arg0, %c0_i32 : i32, i32
  }
  func.func @transform_1(%arg0: i32) -> (i32, i32) {
    %c0_i32 = arith.constant 0 : i32
    %c0_i32_0 = arith.constant 0 : i32
    return %arg0, %c0_i32 : i32, i32
  }
  func.func @transform_2(%arg0: i32) -> (i32, i32) {
    %c0_i32 = arith.constant 0 : i32
    %c0_i32_0 = arith.constant 0 : i32
    return %arg0, %c0_i32 : i32, i32
  }
  func.func @transform_3(%arg0: i32) -> (i32, i32) {
    %c0_i32 = arith.constant 0 : i32
    %c0_i32_0 = arith.constant 0 : i32
    %c0_i32_1 = arith.constant 0 : i32
    return %c0_i32, %c0_i32_0 : i32, i32
  }
  func.func @transform_4(%arg0: i32) -> (i32, i32) {
    %c0_i32 = arith.constant 0 : i32
    %c0_i32_0 = arith.constant 0 : i32
    %c0_i32_1 = arith.constant 0 : i32
    return %c0_i32, %c0_i32_0 : i32, i32
  }
  func.func @transform_5(%arg0: i32) -> (i32, i32) {
    %c0_i32 = arith.constant 0 : i32
    %c0_i32_0 = arith.constant 0 : i32
    %c0_i32_1 = arith.constant 0 : i32
    return %c0_i32, %c0_i32_0 : i32, i32
  }
  func.func @transform_6(%arg0: i32) -> (i32, i32) {
    %c0_i32 = arith.constant 0 : i32
    %c0_i32_0 = arith.constant 0 : i32
    %c0_i32_1 = arith.constant 0 : i32
    return %c0_i32, %c0_i32_0 : i32, i32
  }
  func.func @transform_7(%arg0: i32) -> (i32, i32) {
    %c0_i32 = arith.constant 0 : i32
    %c0_i32_0 = arith.constant 0 : i32
    %c0_i32_1 = arith.constant 0 : i32
    return %c0_i32, %c0_i32_0 : i32, i32
  }
  func.func @transform_8(%arg0: i32) -> (i32, i32) {
    %c0_i32 = arith.constant 0 : i32
    %c0_i32_0 = arith.constant 0 : i32
    %c0_i32_1 = arith.constant 0 : i32
    return %c0_i32, %c0_i32_0 : i32, i32
  }
  func.func @transform_9(%arg0: i32) -> (i32, i32) {
    %c0_i32 = arith.constant 0 : i32
    %c0_i32_0 = arith.constant 0 : i32
    return %arg0, %c0_i32 : i32, i32
  }
}

</mosaic_0001>

<sc_bundles>
// kernel: kernel.15.cloned.1.call-start
scs
__scs_entry_jumppad:
0x0: {  	(pc) =	sbr.rel $0x88, $3  }
0x1: {  	(tag) =	ssettag $0x0;
	lr =	simm.s32 $0x1  }
0x2: {  	[smem:$0x3F92] =	sst lr;
	_ =	strace $0xD0000000  }
0x3: {  	_ = 	snop  }
0x4: {  	_ = 	snop  }
0x5: {  	_ = 	snop  }
0x6: {  	_ = 	snop  }
0x7: {  	_ = 	snop  }
__scs_overlays_trampoline_lowered:
0x8: {  	[smem:$0x3FA1] =	sst s0  }
0x9: {  	[smem:$0x3FA2] =	sst s1  }
0xa: {  	[smem:$0x3FA3] =	sst s2  }
0xb: {  	[smem:$0x3FA4] =	sst s3  }
0xc: {  	[smem:$0x3FA5] =	sst s4  }
0xd: {  	[smem:$0x3FA6] =	sst s5  }
0xe: {  	[smem:$0x3FA7] =	sst s6  }
0xf: {  	[smem:$0x3FA8] =	sst s7  }
0x10: {  	[smem:$0x3FA9] =	sst s8  }
0x11: {  	[smem:$0x3FAA] =	sst s9;
	s0 =	simm.s32 @!p0 $0x0  }
0x12: {  	s1 =	sld [smem:$0x3F90];
	s0 =	simm.s32 @p0 $0x1  }
0x13: {  	[smem:$0x3FAB] =	sst s0;
	s0 =	simm.s32 @!p1 $0x0  }
0x14: {  	s2 =	sld [smem:$0x3F8F];
	s0 =	simm.s32 @p1 $0x1  }
0x15: {  	[smem:$0x3FAC] =	sst s0;
	s0 =	simm.s32 @!p2 $0x0  }
0x16: {  	s3 =	sld [smem:$0x3FDB];
	s0 =	simm.s32 @p2 $0x1  }
0x17: {  	s4 =	simm.s32 $0x1BF5;
	[smem:$0x3FAE] =	sst s0  }
0x18: {  	s0 =	sld [smem:$0x3F91];
	_ =	swait.ge [sflag:s4], $0x0  }
0x19: {  	s7 =	sld [smem:$0x3F92]  }
0x1a: {  	s8 =	sadd.s32 $0xFFFFE003, lr  }
0x1b: {  	s9 =	sadd.s32 $0xFFFFFEF7, lr;
	s5 =	simm.s32 $0xFFFFFFFF;
	p2 =	slt.u32 s8, $0xFFFFF086  }
0x1c: {  	p1 =	slt.u32 s9, $0xF7A;
	s5 =	simm.s32 @!p2 $0x0  }
0x1d: {  	s5 =	simm.s32 @p1 $0x1;
	p0 =	seq.s32 s7, s2  }
0x1e: {  	s7 =	smul.u32 @!p0 $0xF7A, s2;
	p2 =	seq.s32 @!p0 s5, $0x0  }
0x1f: {  	s9 =	smul.u32 $0xF7A, s1;
	s8 =	simm.s32 @!p0 $0x1BF5;
	p2 =	por !p2, p0  }
0x20: {  	[sflag:s8] =	ssyncset.s32 @!p0 $0xFFFFF086;
	s6 =	sadd.s32 @!p0 s3, s7;
	s7 =	simm.s32 @!p0 $0x108  }
0x21: {  	s3 =	sadd.s32 s3, s9;
	s6 =	sadd.s32 @!p0 $0x88, s6;
	s7 =	simm.s32 @p2 $0x1082  }
0x22: {  	[simem:s7], [sflag:s8] =	dma.local @!p0 [hbm:s6], $0xF7A  }
0x23: {  	s9 =	sor.u32 $0xD0000000, s2;
	s6 =	simm.s32 $0x108;
	_ =	swait.ge @!p0 [sflag:s8], $0x0  }
0x24: {  	s3 =	sadd.s32 $0x88, s3;
	s6 =	simm.s32 @!p1 $0x1082;
	[sflag:s4] =	ssyncset.s32 $0xFFFFF086  }
0x25: {  	[simem:s6], [sflag:s4] =	dma.local [hbm:s3], $0xF7A  }
0x26: {  	[smem:$0x3F92] =	sst s1;
	(tag) =	ssettag s2;
	_ =	strace s9  }
0x27: {  	s1 =	sld [smem:$0x3FA2]  }
0x28: {  	s2 =	sld [smem:$0x3FA3]  }
0x29: {  	s4 =	sld [smem:$0x3FA5]  }
0x2a: {  	p0 =	seq.s32 s5, $0x0;
	s5 =	sld [smem:$0x3FA6]  }
0x2b: {  	s6 =	sld [smem:$0x3FA7]  }
0x2c: {  	s7 =	sld [smem:$0x3FA8]  }
0x2d: {  	s3 =	simm.s32 $0x108;
	s8 =	sld [smem:$0x3FA9]  }
0x2e: {  	s3 =	simm.s32 @!p0 $0x1082;
	s9 =	sld [smem:$0x3FAA]  }
0x2f: {  	lr =	sadd.s32 s0, s3;
	s0 =	sld [smem:$0x3FA1]  }
0x30: {  	s3 =	sld [smem:$0x3FA4]  }
0x31: {  	[smem:$0x3FAD] =	sst s10  }
0x32: {  	s10 =	sld [smem:$0x3FAB];
	_ =	sdelay $0x3  }
0x33: {  	p0 =	seq.s32 s10, $0x1;
	s10 =	sld [smem:$0x3FAD];
	_ =	sdelay $0x3  }
0x34: {  	[smem:$0x3FAD] =	sst s10  }
0x35: {  	s10 =	sld [smem:$0x3FAC];
	_ =	sdelay $0x3  }
0x36: {  	p1 =	seq.s32 s10, $0x1;
	s10 =	sld [smem:$0x3FAD];
	_ =	sdelay $0x3  }
0x37: {  	[smem:$0x3FAD] =	sst s10  }
0x38: {  	s10 =	sld [smem:$0x3FAE]  }
0x39: {  	_ = 	snop;
	(pc) =	sbr.ind lr, $3  }
0x3a: {  	_ = 	snop  }
0x3b: {  	_ = 	snop  }
0x3c: {  	p2 =	seq.s32 s10, $0x1;
	s10 =	sld [smem:$0x3FAD]  }
0x3d: {  	_ =	shalt  }
0x3e: {  	_ =	shalt  }
0x3f: {  	_ =	shalt  }
0x40: {  	_ =	shalt  }
0x41: {  	_ =	shalt  }
0x42: {  	_ =	shalt  }
0x43: {  	_ =	shalt  }
0x44: {  	_ =	shalt  }
0x45: {  	_ =	shalt  }
0x46: {  	_ =	shalt  }
0x47: {  	_ =	shalt  }
0x48: {  	_ =	shalt  }
0x49: {  	_ =	shalt  }
0x4a: {  	_ =	shalt  }
0x4b: {  	_ =	shalt  }
0x4c: {  	_ =	shalt  }
0x4d: {  	_ =	shalt  }
0x4e: {  	_ =	shalt  }
0x4f: {  	_ =	shalt  }
0x50: {  	_ =	shalt  }
0x51: {  	_ =	shalt  }
0x52: {  	_ =	shalt  }
0x53: {  	_ =	shalt  }
0x54: {  	_ =	shalt  }
0x55: {  	_ =	shalt  }
0x56: {  	_ =	shalt  }
0x57: {  	_ =	shalt  }
0x58: {  	_ =	shalt  }
0x59: {  	_ =	shalt  }
0x5a: {  	_ =	shalt  }
0x5b: {  	_ =	shalt  }
0x5c: {  	_ =	shalt  }
0x5d: {  	_ =	shalt  }
0x5e: {  	_ =	shalt  }
0x5f: {  	_ =	shalt  }
0x60: {  	_ =	shalt  }
0x61: {  	_ =	shalt  }
0x62: {  	_ =	shalt  }
0x63: {  	_ =	shalt  }
0x64: {  	_ =	shalt  }
0x65: {  	_ =	shalt  }
0x66: {  	_ =	shalt  }
0x67: {  	_ =	shalt  }
0x68: {  	_ =	shalt  }
0x69: {  	_ =	shalt  }
0x6a: {  	_ =	shalt  }
0x6b: {  	_ =	shalt  }
0x6c: {  	_ =	shalt  }
0x6d: {  	_ =	shalt  }
0x6e: {  	_ =	shalt  }
0x6f: {  	_ =	shalt  }
0x70: {  	_ =	shalt  }
0x71: {  	_ =	shalt  }
0x72: {  	_ =	shalt  }
0x73: {  	_ =	shalt  }
0x74: {  	_ =	shalt  }
0x75: {  	_ =	shalt  }
0x76: {  	_ =	shalt  }
0x77: {  	_ =	shalt  }
0x78: {  	_ =	shalt  }
0x79: {  	_ =	shalt  }
0x7a: {  	_ =	shalt  }
0x7b: {  	_ =	shalt  }
0x7c: {  	_ =	shalt  }
0x7d: {  	_ =	shalt  }
0x7e: {  	_ =	shalt  }
0x7f: {  	_ =	shalt  }
0x80: {  	_ =	shalt  }
0x81: {  	_ =	shalt  }
0x82: {  	_ =	shalt  }
0x83: {  	_ =	shalt  }
0x84: {  	_ =	shalt  }
0x85: {  	_ =	shalt  }
0x86: {  	_ =	shalt  }
0x87: {  	_ =	shalt  }
.Lfunc_end0:
.L_simem_size_0:
called_computation_lowered:
.L_overlay_start_0:
0x88: {  	s2 =	sld [smem:$0x3FD9]  }
0x89: {  	s3 =	sld [smem:$0x3FFE];
	_ =	sdelay $0x1  }
0x8a: {  	s1 =	srdreg.scid  }
0x8b: {  	s0 =	sand.u32 $0x1, s1  }
0x8c: {  	s16 =	sshll.u32 s0, $0xA;
	s2 =	sadd.s32 s3, s2  }
0x8d: {  	s2 =	sadd.s32 s2, s16  }
0x8e: {  	[smem:$0x3FB9] =	sst s2  }
0x8f: {  	_ = 	snop  }
0x90: {  	(tm) =	ssettm $0x1  }
0x91: {  	s17 =	sld [smem:$0x3FFB];
	_ =	sdelay $0x3  }
0x92: {  	_ =	strace s17  }
0x93: {  	s2 =	sld [smem:$0x3FFC];
	_ =	sdelay $0x3  }
0x94: {  	_ =	strace s2  }
0x95: {  	s2 =	sld [smem:$0x3FFD];
	_ =	sdelay $0x3  }
0x96: {  	_ =	strace s2  }
0x97: {  	_ =	strace $0x8FFFFFFF  }
0x98: {  	s18 =	sld [smem:$0x3FDB];
	_ =	sdelay $0x1  }
0x99: {  	s19 =	simm.s32 $_scs_section_size  }
0x9a: {  	s4 =	simm.s32 $_size__tile_overlayer_lowered;
	s5 =	simm.s32 $_tile_overlayer_lowered  }
0x9b: {  	s22 =	simm.s32 $0x1BFF;
	s21 =	sshll.u32 s5, $0x1;
	s2 =	sadd.s32 s19, s18  }
0x9c: {  	s6 =	simm.s32 $0x0;
	s20 =	sshll.u32 s4, $0x1;
	s4 =	sadd.s32 s21, s2  }
0x9d: {  	[timem:s6], [sflag:s22] =	dma.local [hbm:s4], s20  }
0x9e: {  	_ =	swait.ge [sflag:s22], s20  }
0x9f: {  	s3 =	ssub.s32 $0x0, s20;
	[sflag:s22] =	ssyncset.done $0x0  }
0xa0: {  	[sflag:s22] =	ssyncadd.s32 s3;
	_ =	sdelay $0x1  }
0xa1: {  	s23 =	simm.s32 $0x1B8B  }
0xa2: {  	_ =	swait.ge [sflag:s23], $0x1  }
0xa3: {  	[sflag:s23] =	ssyncset.done $0x0  }
0xa4: {  	s25 =	simm.s32 $0x1B8E;
	s24 =	sld [smem:$0x3FFE];
	[sflag:s23] =	ssyncadd.s32 $0xFFFFFFFF  }
0xa5: {  	s26 =	simm.s32 $execute0_lowered;
	[smem:$0x3FD2] =	sst s25  }
0xa6: {  	s4 =	sshll.u32 s26, $0x1;
	_ =	strace $0x80000046;
	[dreg:$0x1] =	wrdreg $0xFFFFFFFF  }
0xa7: {  	s28 =	simm.s32 $_size_execute0_lowered;
	s2 =	sadd.s32 s2, s4;
	[dreg:$0x0] =	wrdreg $0x0  }
0xa8: {  	s4 =	sshll.u32 s28, $0x1;
	[dreg:$0x2] =	wrdreg s2  }
0xa9: {  	[dreg:$0x3] =	wrdreg s4  }
0xaa: {  	[dreg:$0x4] =	wrdreg $0xC0  }
0xab: {  	_ =	task [dreg:s6], $0x5FFFF  }
0xac: {  	[dreg:$0x1] =	wrdreg $0xFFFFFFFF  }
0xad: {  	[dreg:$0x0] =	wrdreg $0x60  }
0xae: {  	[dreg:$0x2] =	wrdreg s24  }
0xaf: {  	[dreg:$0x3] =	wrdreg $0x9  }
0xb0: {  	_ =	task.clear_ibuf [dreg:s6], $0x4FFFF;
	_ =	strace $0x90000046  }
0xb1: {  	s29 =	simm.s32 $0x9;
	_ =	strace $0x80000048  }
0xb2: {  	_ =	swait.ge [sflag:s29], $0x1  }
0xb3: {  	[sflag:s29] =	ssyncadd.s32 $0xFFFFFFFF  }
0xb4: {  	_ =	strace $0x90000048  }
0xb5: {  	_ =	sfence  }
0xb6: {  	s30 =	sld [smem:$0x0];
	_ =	sdelay $0x2  }
0xb7: {  	s31 =	sshll.u32 s1, $0xD;
	s1 =	sshrl.u32 s1, $0x2  }
0xb8: {  	s3 =	sand.u32 $0x4000, s31;
	s1 =	sadd.s32 s1, s30  }
0xb9: {  	s0 =	sor.u32 s3, s0;
	s1 =	sshll.u32 s1, $0x11  }
0xba: {  	s0 =	sor.u32 s1, s0  }
0xbb: {  	s0 =	sadd.s32 $0x8F2B, s0  }
0xbc: {  	[sflag:s0] =	ssyncadd.remote.s32 $0x1  }
0xbd: {  	_ =	sfence.sel $0xFFFF  }
0xbe: {  	[dreg:$0x0] =	wrdreg $0xFFFFFFFF;
	(pc) =	sbr.abs _section_cstart, $3  }
0xbf: {  	[dreg:$0x1] =	wrdreg $0xFFFFFFFF  }
0xc0: {  	_ =	task.clear_ibuf [dreg:s6], $0x2FFFF;
	_ =	strace $0x9FFFFFFF  }
0xc1: {  	(tm) =	ssettm $0x7FFFFFFF  }
tec
execute0_lowered:
.L_overlay_start_1:
0x0: {  	(tag) =	ssettag $0x1  }
0x1: {  	s0 =	rddreg [dreg:$0x0]  }
0x2: {  	s1 =	srdreg.scid;
	s2 =	simm.s32 $0x0;
	s3 =	stileid.u32  }
0x3: {  	s15 =	simm.s32 $0x7;
	s16 =	simm.s32 $0x800;
	s17 =	simm.s32 $0x80  }
0x4: {  	s18 =	simm.s32 $0x1000;
	s19 =	simm.s32 $0x5000;
	s20 =	simm.s32 $0x9000  }
0x5: {  	s22 =	simm.s32 $0xD000;
	s28 =	simm.s32 $0x5;
	s29 =	simm.s32 $0x6  }
0x6: {  	s30 =	simm.s32 $0x0;
	s1 =	sand.u32 $0x1, s1;
	[smem:$0x7FF] =	sst s2  }
0x7: {  	s4 =	sshll.u32 s3, $0x5;
	s3 =	sadd.s32 $0x5B200, s0;
	s6 =	sadd.s32 $0x1AB200, s0  }
0x8: {  	s5 =	sshll.u32 s1, $0x4;
	_ =	strace $0x80000047;
	s1 =	ssub.s32 $0x2, s1  }
0x9: {  	s7 =	sor.u32 s5, s4;
	s4 =	sadd.s32 $0x83200, s0;
	s8 =	sshrl.u32 s1, $0x1  }
0xa: {  	s5 =	sshll.u32 s7, $0x4;
	s23 =	ssub.s32 s1, s8;
	s7 =	sshll.u32 s7, $0xB  }
0xb: {  	s9 =	sadd.s32 s5, s0;
	s5 =	sadd.s32 $0xAB200, s0;
	s26 =	sor.u32 $0x7000, s7  }
0xc: {  	s0 =	smax.u32 s23, $0x1;
	s31 =	sor.u32 $0x7800, s7;
	s23 =	simm.s32 $0x1  }
0xd: {  	s24 =	sadd.s32 $0x8200, s9;
	s25 =	sadd.s32 $0x6200, s9;
	[dreg:$0x4] =	wrdreg s0  }
0xe: {  	s11 =	sadd.s32 s5, s26;
	s12 =	sadd.s32 s6, s26;
	s13 =	sadd.s32 s5, s31  }
0xf: {  	s14 =	sadd.s32 s6, s31;
	s26 =	simm.s32 $0x4;
	[dreg:$0x2] =	wrdreg s24  }
0x10: {  	[dreg:$0x3] =	wrdreg s25;
	s24 =	simm.s32 $0x2;
	s25 =	simm.s32 $0x3  }
.LBB2_1:
0x11: {  	s0 =	rddreg [dreg:$0x2]  }
0x12: {  	[tilespmem:s2], [sflag:$0x7] =	stream.linear.gather [hbm4b:s0+s2], $0x800, $0x38;
	[tilespmem:$0x11000] =	vst v63  }
0x13: {  	_ =	swait.ge [sflag:s15], $0x800  }
0x14: {  	[sflag:s15] =	ssyncset.done $0x0  }
0x15: {  	s8 =	rddreg [dreg:$0x3];
	[sflag:s15] =	ssyncadd.s32 $0xFFFFF800  }
0x16: {  	[tilespmem:s16], [sflag:$0x7] =	stream.linear.gather [hbm4b:s8+s2], $0x800, $0x38;
	[tilespmem:$0x11000] =	vst v63  }
0x17: {  	_ =	swait.ge [sflag:s15], $0x800  }
0x18: {  	[sflag:s15] =	ssyncset.done $0x0  }
0x19: {  	[sflag:s15] =	ssyncadd.s32 $0xFFFFF800  }
0x1a: {  	[tilespmem:s18], [sflag:$0x1] =	stream.indirect.gather [hbm4b:s3+s17], $0x80, s2, s17, $0xb8;
	[tilespmem:$0x11000] =	vst v63  }
0x1b: {  	_ = 	snop  }
0x1c: {  	[tilespmem:s19], [sflag:$0x2] =	stream.indirect.gather [hbm4b:s4+s17], $0x80, s16, s17, $0xb8;
	[tilespmem:$0x11000] =	vst v63  }
0x1d: {  	_ = 	snop  }
0x1e: {  	[tilespmem:s20], [sflag:$0x3] =	stream.indirect.gather [hbm4b:s3+s17], $0x80, s17, s17, $0xb8;
	[tilespmem:$0x11000] =	vst v63  }
0x1f: {  	s9 =	simm.s32 $0x880  }
0x20: {  	[tilespmem:s22], [sflag:$0x4] =	stream.indirect.gather [hbm4b:s4+s17], $0x80, s9, s17, $0xb8;
	[tilespmem:$0x11000] =	vst v63  }
0x21: {  	_ =	swait.ge [sflag:s23], $0x4000  }
0x22: {  	[sflag:s23] =	ssyncset.done $0x0  }
0x23: {  	[sflag:s23] =	ssyncadd.s32 $0xFFFFC000  }
0x24: {  	_ =	swait.ge [sflag:s24], $0x4000  }
0x25: {  	s10 =	sor.u32 s7, s2;
	[sflag:s24] =	ssyncset.done $0x0  }
0x26: {  	s1 =	sadd.s32 s5, s10;
	[sflag:s24] =	ssyncadd.s32 $0xFFFFC000  }
0x27: {  	[hbm4b:s1+s2] =	stream.linear.scatter [tilespmem:s18], [sflag:$0x5], $0x4000, $0x38;
	[tilespmem:$0x11000] =	vst v63  }
0x28: {  	s21 =	sadd.s32 s6, s10  }
0x29: {  	[hbm4b:s21+s2] =	stream.linear.scatter [tilespmem:s19], [sflag:$0x5], $0x4000, $0x38;
	[tilespmem:$0x11000] =	vst v63  }
0x2a: {  	_ =	swait.ge [sflag:s25], $0x4000  }
0x2b: {  	[sflag:s25] =	ssyncset.done $0x0  }
0x2c: {  	[sflag:s25] =	ssyncadd.s32 $0xFFFFC000  }
0x2d: {  	_ =	swait.ge [sflag:s26], $0x4000  }
0x2e: {  	s0 =	sor.u32 $0x800, s10;
	[sflag:s26] =	ssyncset.done $0x0  }
0x2f: {  	s8 =	sadd.s32 s5, s0;
	[sflag:s26] =	ssyncadd.s32 $0xFFFFC000  }
0x30: {  	[hbm4b:s8+s2] =	stream.linear.scatter [tilespmem:s20], [sflag:$0x6], $0x4000, $0x38;
	[tilespmem:$0x11000] =	vst v63  }
0x31: {  	s0 =	sadd.s32 s6, s0  }
0x32: {  	[hbm4b:s0+s2] =	stream.linear.scatter [tilespmem:s22], [sflag:$0x6], $0x4000, $0x38;
	[tilespmem:$0x11000] =	vst v63  }
0x33: {  	_ =	swait.ge [sflag:s28], $0x4000  }
0x34: {  	[sflag:s28] =	ssyncset.done $0x0  }
0x35: {  	[sflag:s28] =	ssyncadd.s32 $0xFFFFC000  }
0x36: {  	_ =	swait.ge [sflag:s28], $0x4000  }
0x37: {  	[sflag:s28] =	ssyncset.done $0x0  }
0x38: {  	s9 =	simm.s32 $0x100;
	[sflag:s28] =	ssyncadd.s32 $0xFFFFC000  }
0x39: {  	[tilespmem:s18], [sflag:$0x1] =	stream.indirect.gather [hbm4b:s3+s17], $0x80, s9, s17, $0xb8;
	[tilespmem:$0x11000] =	vst v63  }
0x3a: {  	s10 =	simm.s32 $0x900  }
0x3b: {  	[tilespmem:s19], [sflag:$0x2] =	stream.indirect.gather [hbm4b:s4+s17], $0x80, s10, s17, $0xb8;
	[tilespmem:$0x11000] =	vst v63  }
0x3c: {  	_ =	swait.ge [sflag:s29], $0x4000  }
0x3d: {  	[sflag:s29] =	ssyncset.done $0x0  }
0x3e: {  	[sflag:s29] =	ssyncadd.s32 $0xFFFFC000  }
0x3f: {  	_ =	swait.ge [sflag:s29], $0x4000  }
0x40: {  	[sflag:s29] =	ssyncset.done $0x0  }
0x41: {  	s31 =	simm.s32 $0x980;
	s21 =	simm.s32 $0x180;
	[sflag:s29] =	ssyncadd.s32 $0xFFFFC000  }
0x42: {  	[tilespmem:s20], [sflag:$0x3] =	stream.indirect.gather [hbm4b:s3+s17], $0x80, s21, s17, $0xb8;
	[tilespmem:$0x11000] =	vst v63  }
0x43: {  	s1 =	simm.s32 $0xA80;
	s0 =	simm.s32 $0x1000;
	s21 =	simm.s32 $0x280  }
.LBB2_2:
0x44: {  	[tilespmem:s22], [sflag:$0x4] =	stream.indirect.gather [hbm4b:s4+s17], $0x80, s31, s17, $0xb8;
	[tilespmem:$0x11000] =	vst v63  }
0x45: {  	s8 =	smov.u32 s0;
	s31 =	smov.u32 s1  }
0x46: {  	p0 =	sne.s32 s0, $0x6000;
	s0 =	sadd.s32 $0x1000, s0;
	_ =	swait.ge [sflag:s23], $0x4000  }
0x47: {  	[sflag:s23] =	ssyncset.done $0x0  }
0x48: {  	[sflag:s23] =	ssyncadd.s32 $0xFFFFC000  }
0x49: {  	_ =	swait.ge [sflag:s24], $0x4000  }
0x4a: {  	s8 =	sor.u32 s7, s8;
	[sflag:s24] =	ssyncset.done $0x0  }
0x4b: {  	s9 =	sadd.s32 s5, s8;
	s10 =	sor.u32 $0x800, s8;
	[sflag:s24] =	ssyncadd.s32 $0xFFFFC000  }
0x4c: {  	[hbm4b:s9+s2] =	stream.linear.scatter [tilespmem:s18], [sflag:$0x5], $0x4000, $0x38;
	[tilespmem:$0x11000] =	vst v63  }
0x4d: {  	s8 =	sadd.s32 s6, s8  }
0x4e: {  	[hbm4b:s8+s2] =	stream.linear.scatter [tilespmem:s19], [sflag:$0x5], $0x4000, $0x38;
	[tilespmem:$0x11000] =	vst v63  }
0x4f: {  	_ =	swait.ge [sflag:s25], $0x4000  }
0x50: {  	[sflag:s25] =	ssyncset.done $0x0  }
0x51: {  	[sflag:s25] =	ssyncadd.s32 $0xFFFFC000  }
0x52: {  	_ =	swait.ge [sflag:s26], $0x4000  }
0x53: {  	[sflag:s26] =	ssyncset.done $0x0  }
0x54: {  	s8 =	sadd.s32 s5, s10;
	[sflag:s26] =	ssyncadd.s32 $0xFFFFC000  }
0x55: {  	[hbm4b:s8+s2] =	stream.linear.scatter [tilespmem:s20], [sflag:$0x6], $0x4000, $0x38;
	[tilespmem:$0x11000] =	vst v63  }
0x56: {  	s8 =	sadd.s32 s6, s10  }
0x57: {  	[hbm4b:s8+s2] =	stream.linear.scatter [tilespmem:s22], [sflag:$0x6], $0x4000, $0x38;
	[tilespmem:$0x11000] =	vst v63  }
0x58: {  	_ =	swait.ge [sflag:s28], $0x4000  }
0x59: {  	[sflag:s28] =	ssyncset.done $0x0  }
0x5a: {  	[sflag:s28] =	ssyncadd.s32 $0xFFFFC000  }
0x5b: {  	_ =	swait.ge [sflag:s28], $0x4000  }
0x5c: {  	[sflag:s28] =	ssyncset.done $0x0  }
0x5d: {  	s8 =	sadd.s32 $0xFFFFFF80, s21;
	[sflag:s28] =	ssyncadd.s32 $0xFFFFC000  }
0x5e: {  	[tilespmem:s18], [sflag:$0x1] =	stream.indirect.gather [hbm4b:s3+s17], $0x80, s8, s17, $0xb8;
	[tilespmem:$0x11000] =	vst v63  }
0x5f: {  	s8 =	sadd.s32 $0xFFFFFF80, s1  }
0x60: {  	[tilespmem:s19], [sflag:$0x2] =	stream.indirect.gather [hbm4b:s4+s17], $0x80, s8, s17, $0xb8;
	[tilespmem:$0x11000] =	vst v63  }
0x61: {  	_ =	swait.ge [sflag:s29], $0x4000  }
0x62: {  	[sflag:s29] =	ssyncset.done $0x0  }
0x63: {  	[sflag:s29] =	ssyncadd.s32 $0xFFFFC000  }
.Ltmp0:
0x64: {  	_ =	swait.ge [sflag:s29], $0x4000;
	(pc) =	sbr.rel @p0 .LBB2_2-.Ltmp0, $4  }
0x65: {  	[sflag:s29] =	ssyncset.done $0x0  }
0x66: {  	[sflag:s29] =	ssyncadd.s32 $0xFFFFC000  }
0x67: {  	[tilespmem:s20], [sflag:$0x3] =	stream.indirect.gather [hbm4b:s3+s17], $0x80, s21, s17, $0xb8;
	[tilespmem:$0x11000] =	vst v63  }
0x68: {  	s1 =	sadd.s32 $0x100, s1;
	s21 =	sadd.s32 $0x100, s21  }
0x69: {  	[tilespmem:s22], [sflag:$0x4] =	stream.indirect.gather [hbm4b:s4+s17], $0x80, s31, s17, $0xb8;
	[tilespmem:$0x11000] =	vst v63  }
0x6a: {  	_ =	swait.ge [sflag:s23], $0x4000  }
0x6b: {  	[sflag:s23] =	ssyncset.done $0x0  }
0x6c: {  	[sflag:s23] =	ssyncadd.s32 $0xFFFFC000  }
0x6d: {  	_ =	swait.ge [sflag:s24], $0x4000  }
0x6e: {  	[sflag:s24] =	ssyncset.done $0x0  }
0x6f: {  	[sflag:s24] =	ssyncadd.s32 $0xFFFFC000  }
0x70: {  	[hbm4b:s11+s2] =	stream.linear.scatter [tilespmem:s18], [sflag:$0x5], $0x4000, $0x38;
	[tilespmem:$0x11000] =	vst v63  }
0x71: {  	_ = 	snop  }
0x72: {  	[hbm4b:s12+s2] =	stream.linear.scatter [tilespmem:s19], [sflag:$0x5], $0x4000, $0x38;
	[tilespmem:$0x11000] =	vst v63  }
0x73: {  	_ =	swait.ge [sflag:s25], $0x4000  }
0x74: {  	[sflag:s25] =	ssyncset.done $0x0  }
0x75: {  	[sflag:s25] =	ssyncadd.s32 $0xFFFFC000  }
0x76: {  	_ =	swait.ge [sflag:s26], $0x4000  }
0x77: {  	[sflag:s26] =	ssyncset.done $0x0  }
0x78: {  	[sflag:s26] =	ssyncadd.s32 $0xFFFFC000  }
0x79: {  	[hbm4b:s13+s2] =	stream.linear.scatter [tilespmem:s20], [sflag:$0x6], $0x4000, $0x38;
	[tilespmem:$0x11000] =	vst v63  }
0x7a: {  	_ = 	snop  }
0x7b: {  	[hbm4b:s14+s2] =	stream.linear.scatter [tilespmem:s22], [sflag:$0x6], $0x4000, $0x38;
	[tilespmem:$0x11000] =	vst v63  }
0x7c: {  	_ =	swait.ge [sflag:s28], $0x4000  }
0x7d: {  	[sflag:s28] =	ssyncset.done $0x0  }
0x7e: {  	[sflag:s28] =	ssyncadd.s32 $0xFFFFC000  }
0x7f: {  	_ =	swait.ge [sflag:s28], $0x4000  }
0x80: {  	[sflag:s28] =	ssyncset.done $0x0  }
0x81: {  	[sflag:s28] =	ssyncadd.s32 $0xFFFFC000  }
0x82: {  	_ =	swait.ge [sflag:s29], $0x4000  }
0x83: {  	[sflag:s29] =	ssyncset.done $0x0  }
0x84: {  	[sflag:s29] =	ssyncadd.s32 $0xFFFFC000  }
0x85: {  	_ =	swait.ge [sflag:s29], $0x4000  }
0x86: {  	s30 =	sadd.s32 $0x1, s30;
	s0 =	rddreg [dreg:$0x4]  }
0x87: {  	p0 =	sne.s32 s30, s0  }
.Ltmp1:
0x88: {  	_ = 	snop;
	(pc) =	sbr.rel @p0 .LBB2_1-.Ltmp1, $3  }
0x89: {  	_ =	sdelay $0x1  }
0x8a: {  	[sflag:s29] =	ssyncset.done $0x0  }
0x8b: {  	[sflag:s29] =	ssyncadd.s32 $0xFFFFC000  }
0x8c: {  	_ =	sfence.sel $0x180000  }
0x8d: {  	[bflag:$0x0] =	sbarrier.arrive $0xFFFF  }
0x8e: {  	_ =	strace $0x90000047  }
0x8f: {  	s0 =	stileid.u32;
	[bflag:$0x2] =	sbarrier.arrive $0xFFFF  }
0x90: {  	p0 =	sne.s32 s0, $0x0;
	s0 =	rddreg [dreg:$0x1]  }
0x91: {  	s0 =	sadd.s32 @!p0 $0x100000, s0  }
0x92: {  	[sflag:s0] =	ssyncadd.tile.s32 @!p0 $0x1;
	_ =	shalt  }
.Lfunc_end2:
_tile_overlayer_lowered:
.L_overlay_start_2:
0x93: {  	(tag) =	ssettag $0x2  }
0x94: {  	s0 =	rddreg [dreg:$0x0];
	s2 =	stileid.u32  }
0x95: {  	s1 =	rddreg [dreg:$0x1];
	p0 =	sne.s32 s2, $0x0  }
0x96: {  	s3 =	rddreg [dreg:$0x2];
	[bflag:$0x3] =	sbarrier.arrive $0xFFFF;
	s2 =	simm.s32 @!p0 $0x1C07  }
0x97: {  	[timem:s3], [sflag:s2] =	dma.local @!p0 [hbm:s0], s1  }
0x98: {  	s0 =	simm.s32 @!p0 $0x7  }
0x99: {  	_ =	swait.ge @!p0 [sflag:s0], s1  }
0x9a: {  	s1 =	ssub.s32 @!p0 $0x0, s1;
	[sflag:s0] =	ssyncset.done @!p0 $0x0  }
0x9b: {  	[sflag:s0] =	ssyncadd.s32 @!p0 s1  }
0x9c: {  	[bflag:$0x3] =	sbarrier.arrive $0xFFFF  }
0x9d: {  	_ =	shalt  }

// kernel: kernel.18.cloned.1.call-start
scs
__scs_entry_jumppad:
0x0: {  	(pc) =	sbr.rel $0x88, $3  }
0x1: {  	(tag) =	ssettag $0x0;
	lr =	simm.s32 $0x1  }
0x2: {  	[smem:$0x3F92] =	sst lr;
	_ =	strace $0xD0000000  }
0x3: {  	_ = 	snop  }
0x4: {  	_ = 	snop  }
0x5: {  	_ = 	snop  }
0x6: {  	_ = 	snop  }
0x7: {  	_ = 	snop  }
__scs_overlays_trampoline_lowered:
0x8: {  	[smem:$0x3FA1] =	sst s0  }
0x9: {  	[smem:$0x3FA2] =	sst s1  }
0xa: {  	[smem:$0x3FA3] =	sst s2  }
0xb: {  	[smem:$0x3FA4] =	sst s3  }
0xc: {  	[smem:$0x3FA5] =	sst s4  }
0xd: {  	[smem:$0x3FA6] =	sst s5  }
0xe: {  	[smem:$0x3FA7] =	sst s6  }
0xf: {  	[smem:$0x3FA8] =	sst s7  }
0x10: {  	[smem:$0x3FA9] =	sst s8  }
0x11: {  	[smem:$0x3FAA] =	sst s9;
	s0 =	simm.s32 @!p0 $0x0  }
0x12: {  	s1 =	sld [smem:$0x3F90];
	s0 =	simm.s32 @p0 $0x1  }
0x13: {  	[smem:$0x3FAB] =	sst s0;
	s0 =	simm.s32 @!p1 $0x0  }
0x14: {  	s2 =	sld [smem:$0x3F8F];
	s0 =	simm.s32 @p1 $0x1  }
0x15: {  	[smem:$0x3FAC] =	sst s0;
	s0 =	simm.s32 @!p2 $0x0  }
0x16: {  	s3 =	sld [smem:$0x3FDB];
	s0 =	simm.s32 @p2 $0x1  }
0x17: {  	s4 =	simm.s32 $0x1BF5;
	[smem:$0x3FAE] =	sst s0  }
0x18: {  	s0 =	sld [smem:$0x3F91];
	_ =	swait.ge [sflag:s4], $0x0  }
0x19: {  	s7 =	sld [smem:$0x3F92]  }
0x1a: {  	s8 =	sadd.s32 $0xFFFFE003, lr  }
0x1b: {  	s9 =	sadd.s32 $0xFFFFFEF7, lr;
	s5 =	simm.s32 $0xFFFFFFFF;
	p2 =	slt.u32 s8, $0xFFFFF086  }
0x1c: {  	p1 =	slt.u32 s9, $0xF7A;
	s5 =	simm.s32 @!p2 $0x0  }
0x1d: {  	s5 =	simm.s32 @p1 $0x1;
	p0 =	seq.s32 s7, s2  }
0x1e: {  	s7 =	smul.u32 @!p0 $0xF7A, s2;
	p2 =	seq.s32 @!p0 s5, $0x0  }
0x1f: {  	s9 =	smul.u32 $0xF7A, s1;
	s8 =	simm.s32 @!p0 $0x1BF5;
	p2 =	por !p2, p0  }
0x20: {  	[sflag:s8] =	ssyncset.s32 @!p0 $0xFFFFF086;
	s6 =	sadd.s32 @!p0 s3, s7;
	s7 =	simm.s32 @!p0 $0x108  }
0x21: {  	s3 =	sadd.s32 s3, s9;
	s6 =	sadd.s32 @!p0 $0x88, s6;
	s7 =	simm.s32 @p2 $0x1082  }
0x22: {  	[simem:s7], [sflag:s8] =	dma.local @!p0 [hbm:s6], $0xF7A  }
0x23: {  	s9 =	sor.u32 $0xD0000000, s2;
	s6 =	simm.s32 $0x108;
	_ =	swait.ge @!p0 [sflag:s8], $0x0  }
0x24: {  	s3 =	sadd.s32 $0x88, s3;
	s6 =	simm.s32 @!p1 $0x1082;
	[sflag:s4] =	ssyncset.s32 $0xFFFFF086  }
0x25: {  	[simem:s6], [sflag:s4] =	dma.local [hbm:s3], $0xF7A  }
0x26: {  	[smem:$0x3F92] =	sst s1;
	(tag) =	ssettag s2;
	_ =	strace s9  }
0x27: {  	s1 =	sld [smem:$0x3FA2]  }
0x28: {  	s2 =	sld [smem:$0x3FA3]  }
0x29: {  	s4 =	sld [smem:$0x3FA5]  }
0x2a: {  	p0 =	seq.s32 s5, $0x0;
	s5 =	sld [smem:$0x3FA6]  }
0x2b: {  	s6 =	sld [smem:$0x3FA7]  }
0x2c: {  	s7 =	sld [smem:$0x3FA8]  }
0x2d: {  	s3 =	simm.s32 $0x108;
	s8 =	sld [smem:$0x3FA9]  }
0x2e: {  	s3 =	simm.s32 @!p0 $0x1082;
	s9 =	sld [smem:$0x3FAA]  }
0x2f: {  	lr =	sadd.s32 s0, s3;
	s0 =	sld [smem:$0x3FA1]  }
0x30: {  	s3 =	sld [smem:$0x3FA4]  }
0x31: {  	[smem:$0x3FAD] =	sst s10  }
0x32: {  	s10 =	sld [smem:$0x3FAB];
	_ =	sdelay $0x3  }
0x33: {  	p0 =	seq.s32 s10, $0x1;
	s10 =	sld [smem:$0x3FAD];
	_ =	sdelay $0x3  }
0x34: {  	[smem:$0x3FAD] =	sst s10  }
0x35: {  	s10 =	sld [smem:$0x3FAC];
	_ =	sdelay $0x3  }
0x36: {  	p1 =	seq.s32 s10, $0x1;
	s10 =	sld [smem:$0x3FAD];
	_ =	sdelay $0x3  }
0x37: {  	[smem:$0x3FAD] =	sst s10  }
0x38: {  	s10 =	sld [smem:$0x3FAE]  }
0x39: {  	_ = 	snop;
	(pc) =	sbr.ind lr, $3  }
0x3a: {  	_ = 	snop  }
0x3b: {  	_ = 	snop  }
0x3c: {  	p2 =	seq.s32 s10, $0x1;
	s10 =	sld [smem:$0x3FAD]  }
0x3d: {  	_ =	shalt  }
0x3e: {  	_ =	shalt  }
0x3f: {  	_ =	shalt  }
0x40: {  	_ =	shalt  }
0x41: {  	_ =	shalt  }
0x42: {  	_ =	shalt  }
0x43: {  	_ =	shalt  }
0x44: {  	_ =	shalt  }
0x45: {  	_ =	shalt  }
0x46: {  	_ =	shalt  }
0x47: {  	_ =	shalt  }
0x48: {  	_ =	shalt  }
0x49: {  	_ =	shalt  }
0x4a: {  	_ =	shalt  }
0x4b: {  	_ =	shalt  }
0x4c: {  	_ =	shalt  }
0x4d: {  	_ =	shalt  }
0x4e: {  	_ =	shalt  }
0x4f: {  	_ =	shalt  }
0x50: {  	_ =	shalt  }
0x51: {  	_ =	shalt  }
0x52: {  	_ =	shalt  }
0x53: {  	_ =	shalt  }
0x54: {  	_ =	shalt  }
0x55: {  	_ =	shalt  }
0x56: {  	_ =	shalt  }
0x57: {  	_ =	shalt  }
0x58: {  	_ =	shalt  }
0x59: {  	_ =	shalt  }
0x5a: {  	_ =	shalt  }
0x5b: {  	_ =	shalt  }
0x5c: {  	_ =	shalt  }
0x5d: {  	_ =	shalt  }
0x5e: {  	_ =	shalt  }
0x5f: {  	_ =	shalt  }
0x60: {  	_ =	shalt  }
0x61: {  	_ =	shalt  }
0x62: {  	_ =	shalt  }
0x63: {  	_ =	shalt  }
0x64: {  	_ =	shalt  }
0x65: {  	_ =	shalt  }
0x66: {  	_ =	shalt  }
0x67: {  	_ =	shalt  }
0x68: {  	_ =	shalt  }
0x69: {  	_ =	shalt  }
0x6a: {  	_ =	shalt  }
0x6b: {  	_ =	shalt  }
0x6c: {  	_ =	shalt  }
0x6d: {  	_ =	shalt  }
0x6e: {  	_ =	shalt  }
0x6f: {  	_ =	shalt  }
0x70: {  	_ =	shalt  }
0x71: {  	_ =	shalt  }
0x72: {  	_ =	shalt  }
0x73: {  	_ =	shalt  }
0x74: {  	_ =	shalt  }
0x75: {  	_ =	shalt  }
0x76: {  	_ =	shalt  }
0x77: {  	_ =	shalt  }
0x78: {  	_ =	shalt  }
0x79: {  	_ =	shalt  }
0x7a: {  	_ =	shalt  }
0x7b: {  	_ =	shalt  }
0x7c: {  	_ =	shalt  }
0x7d: {  	_ =	shalt  }
0x7e: {  	_ =	shalt  }
0x7f: {  	_ =	shalt  }
0x80: {  	_ =	shalt  }
0x81: {  	_ =	shalt  }
0x82: {  	_ =	shalt  }
0x83: {  	_ =	shalt  }
0x84: {  	_ =	shalt  }
0x85: {  	_ =	shalt  }
0x86: {  	_ =	shalt  }
0x87: {  	_ =	shalt  }
.Lfunc_end0:
.L_simem_size_0:
called_computation.1_lowered:
.L_overlay_start_0:
0x88: {  	s2 =	sld [smem:$0x3FD9]  }
0x89: {  	s3 =	sld [smem:$0x3FFE];
	_ =	sdelay $0x1  }
0x8a: {  	s1 =	srdreg.scid  }
0x8b: {  	s0 =	sand.u32 $0x1, s1  }
0x8c: {  	s17 =	sshll.u32 s0, $0xA;
	s2 =	sadd.s32 s3, s2  }
0x8d: {  	s2 =	sadd.s32 s2, s17  }
0x8e: {  	[smem:$0x3FB9] =	sst s2  }
0x8f: {  	_ = 	snop  }
0x90: {  	(tm) =	ssettm $0x1  }
0x91: {  	s18 =	sld [smem:$0x3FFB];
	_ =	sdelay $0x3  }
0x92: {  	_ =	strace s18  }
0x93: {  	s2 =	sld [smem:$0x3FFC];
	_ =	sdelay $0x3  }
0x94: {  	_ =	strace s2  }
0x95: {  	s2 =	sld [smem:$0x3FFD];
	_ =	sdelay $0x3  }
0x96: {  	_ =	strace s2  }
0x97: {  	_ =	strace $0x8FFFFFFF  }
0x98: {  	s19 =	sld [smem:$0x3FDB];
	_ =	sdelay $0x1  }
0x99: {  	s20 =	simm.s32 $_scs_section_size  }
0x9a: {  	s4 =	simm.s32 $_size__tile_overlayer_lowered;
	s5 =	simm.s32 $_tile_overlayer_lowered  }
0x9b: {  	s6 =	simm.s32 $0x1BFF;
	s21 =	sshll.u32 s5, $0x1;
	s3 =	sadd.s32 s20, s19  }
0x9c: {  	s22 =	simm.s32 $0x0;
	s4 =	sshll.u32 s4, $0x1;
	s5 =	sadd.s32 s21, s3  }
0x9d: {  	[timem:s22], [sflag:s6] =	dma.local [hbm:s5], s4  }
0x9e: {  	_ =	swait.ge [sflag:s6], s4  }
0x9f: {  	s4 =	ssub.s32 $0x0, s4;
	[sflag:s6] =	ssyncset.done $0x0  }
0xa0: {  	[sflag:s6] =	ssyncadd.s32 s4;
	_ =	sdelay $0x1  }
0xa1: {  	s23 =	simm.s32 $0x1B8B  }
0xa2: {  	_ =	swait.ge [sflag:s23], $0x1  }
0xa3: {  	[sflag:s23] =	ssyncset.done $0x0  }
0xa4: {  	[sflag:s23] =	ssyncadd.s32 $0xFFFFFFFF  }
0xa5: {  	s4 =	sld [smem:$0x0]  }
0xa6: {  	s5 =	sand.u32 $0xFFFFFFFE, s1  }
0xa7: {  	p0 =	sne.s32 s1, s5  }
0xa8: {  	s5 =	sshll.u32 @p0 s5, $0xE  }
0xa9: {  	s5 =	sadd.s32 @p0 $0x11B8D, s5;
	s6 =	sshll.u32 @p0 s4, $0x11  }
0xaa: {  	s5 =	sor.u32 @p0 s6, s5  }
0xab: {  	[sflag:s5] =	ssyncadd.remote.s32 @p0 $0x1;
	_ =	sdelay $0x1  }
0xac: {  	s5 =	simm.s32 @p0 $0x1B8D  }
0xad: {  	_ =	swait.eq @p0 [sflag:s5], $0x1  }
0xae: {  	[sflag:s5] =	ssyncadd.s32 @p0 $0xFFFFFFFF  }
0xaf: {  	s6 =	sshll.u32 @!p0 s1, $0xE  }
0xb0: {  	s6 =	sor.u32 @!p0 $0x4000, s6;
	s5 =	simm.s32 @!p0 $0x1B8D  }
0xb1: {  	s4 =	sshll.u32 @!p0 s4, $0x11;
	s6 =	sadd.s32 @!p0 $0x11B8D, s6;
	_ =	swait.eq @!p0 [sflag:s5], $0x1  }
0xb2: {  	s4 =	sor.u32 @!p0 s4, s6;
	[sflag:s5] =	ssyncadd.s32 @!p0 $0xFFFFFFFF  }
0xb3: {  	s25 =	simm.s32 $0x1B8E;
	s24 =	sld [smem:$0x3FFE];
	[sflag:s4] =	ssyncadd.remote.s32 @!p0 $0x1  }
0xb4: {  	s26 =	simm.s32 $execute0_lowered;
	[smem:$0x3FD2] =	sst s25  }
0xb5: {  	s5 =	sshll.u32 s26, $0x1;
	_ =	strace $0x80000049;
	[dreg:$0x1] =	wrdreg $0xFFFFFFFF  }
0xb6: {  	s28 =	simm.s32 $_size_execute0_lowered;
	s3 =	sadd.s32 s3, s5;
	[dreg:$0x0] =	wrdreg $0x0  }
0xb7: {  	s5 =	sshll.u32 s28, $0x1;
	[dreg:$0x2] =	wrdreg s3  }
0xb8: {  	[dreg:$0x3] =	wrdreg s5  }
0xb9: {  	[dreg:$0x4] =	wrdreg $0xC0  }
0xba: {  	_ =	task [dreg:s22], $0x5FFFF  }
0xbb: {  	[dreg:$0x1] =	wrdreg $0xFFFFFFFF  }
0xbc: {  	[dreg:$0x0] =	wrdreg $0x60  }
0xbd: {  	[dreg:$0x2] =	wrdreg s24  }
0xbe: {  	[dreg:$0x3] =	wrdreg $0xA  }
0xbf: {  	_ =	task.clear_ibuf [dreg:s22], $0x4FFFF;
	_ =	strace $0x90000049  }
0xc0: {  	s29 =	simm.s32 $0xA;
	_ =	strace $0x8000004B  }
0xc1: {  	_ =	swait.ge [sflag:s29], $0x1  }
0xc2: {  	[sflag:s29] =	ssyncadd.s32 $0xFFFFFFFF  }
0xc3: {  	_ =	strace $0x9000004B  }
0xc4: {  	_ =	sfence  }
0xc5: {  	s30 =	sld [smem:$0x0];
	_ =	sdelay $0x2  }
0xc6: {  	s31 =	sshll.u32 s1, $0xD;
	s1 =	sshrl.u32 s1, $0x2  }
0xc7: {  	s4 =	sand.u32 $0x4000, s31;
	s1 =	sadd.s32 s1, s30  }
0xc8: {  	s0 =	sor.u32 s4, s0;
	s1 =	sshll.u32 s1, $0x11  }
0xc9: {  	s0 =	sor.u32 s1, s0  }
0xca: {  	s0 =	sadd.s32 $0x8F2B, s0  }
0xcb: {  	[sflag:s0] =	ssyncadd.remote.s32 $0x1  }
0xcc: {  	_ =	sfence.sel $0xFFFF  }
0xcd: {  	[dreg:$0x0] =	wrdreg $0xFFFFFFFF;
	(pc) =	sbr.abs _section_cstart, $3  }
0xce: {  	[dreg:$0x1] =	wrdreg $0xFFFFFFFF  }
0xcf: {  	_ =	task.clear_ibuf [dreg:s22], $0x2FFFF;
	_ =	strace $0x9FFFFFFF  }
0xd0: {  	(tm) =	ssettm $0x7FFFFFFF  }
0xd1: {  	_ =	shalt  }
tec
execute0_lowered:
.L_overlay_start_1:
0x0: {  	(tag) =	ssettag $0x1  }
0x1: {  	s0 =	rddreg [dreg:$0x0]  }
0x2: {  	s1 =	srdreg.scid;
	s3 =	stileid.u32;
	s2 =	simm.s32 $0x0  }
0x3: {  	s15 =	simm.s32 $0x7;
	s16 =	simm.s32 $0x800;
	s17 =	simm.s32 $0x80  }
0x4: {  	s18 =	simm.s32 $0x1000;
	s19 =	simm.s32 $0x5000;
	s20 =	simm.s32 $0x9000  }
0x5: {  	s22 =	simm.s32 $0xD000;
	s23 =	simm.s32 $0x1;
	s28 =	simm.s32 $0x5  }
0x6: {  	s29 =	simm.s32 $0x6;
	s30 =	simm.s32 $0x0;
	s1 =	sand.u32 $0x1, s1  }
0x7: {  	s3 =	sshll.u32 s3, $0x5;
	[smem:$0x7FF] =	sst s2;
	s6 =	sadd.s32 $0x3BB200, s0  }
0x8: {  	s4 =	sshll.u32 s1, $0x4;
	_ =	strace $0x8000004A;
	s24 =	ssub.s32 $0x2, s1  }
0x9: {  	s8 =	sor.u32 s4, s3;
	s3 =	sadd.s32 $0x5B200, s0;
	s4 =	sadd.s32 $0x83200, s0  }
0xa: {  	s1 =	sshrl.u32 s24, $0x1;
	s5 =	sshll.u32 s8, $0x4;
	s8 =	sshll.u32 s8, $0xB  }
0xb: {  	s9 =	sadd.s32 s5, s0;
	s5 =	sadd.s32 $0x2BB200, s0;
	s0 =	ssub.s32 s24, s1  }
0xc: {  	s26 =	sor.u32 $0x7000, s8;
	s31 =	sor.u32 $0x7800, s8;
	s24 =	simm.s32 $0x2  }
0xd: {  	s7 =	sadd.s32 $0x2AD200, s9;
	s25 =	sadd.s32 $0x2AB200, s9;
	s0 =	smax.u32 s0, $0x1  }
0xe: {  	s11 =	sadd.s32 s5, s26;
	s12 =	sadd.s32 s6, s26;
	[dreg:$0x2] =	wrdreg s7  }
0xf: {  	s13 =	sadd.s32 s5, s31;
	s14 =	sadd.s32 s6, s31;
	[dreg:$0x3] =	wrdreg s25  }
0x10: {  	s26 =	simm.s32 $0x4;
	[dreg:$0x4] =	wrdreg s0;
	s25 =	simm.s32 $0x3  }
.LBB2_1:
0x11: {  	s0 =	rddreg [dreg:$0x2]  }
0x12: {  	[tilespmem:s2], [sflag:$0x7] =	stream.linear.gather [hbm4b:s0+s2], $0x800, $0x38;
	[tilespmem:$0x11000] =	vst v63  }
0x13: {  	_ =	swait.ge [sflag:s15], $0x800  }
0x14: {  	[sflag:s15] =	ssyncset.done $0x0  }
0x15: {  	s7 =	rddreg [dreg:$0x3];
	[sflag:s15] =	ssyncadd.s32 $0xFFFFF800  }
0x16: {  	[tilespmem:s16], [sflag:$0x7] =	stream.linear.gather [hbm4b:s7+s2], $0x800, $0x38;
	[tilespmem:$0x11000] =	vst v63  }
0x17: {  	_ =	swait.ge [sflag:s15], $0x800  }
0x18: {  	[sflag:s15] =	ssyncset.done $0x0  }
0x19: {  	[sflag:s15] =	ssyncadd.s32 $0xFFFFF800  }
0x1a: {  	[tilespmem:s18], [sflag:$0x1] =	stream.indirect.gather [hbm4b:s3+s17], $0x80, s2, s17, $0xb8;
	[tilespmem:$0x11000] =	vst v63  }
0x1b: {  	_ = 	snop  }
0x1c: {  	[tilespmem:s19], [sflag:$0x2] =	stream.indirect.gather [hbm4b:s4+s17], $0x80, s16, s17, $0xb8;
	[tilespmem:$0x11000] =	vst v63  }
0x1d: {  	_ = 	snop  }
0x1e: {  	[tilespmem:s20], [sflag:$0x3] =	stream.indirect.gather [hbm4b:s3+s17], $0x80, s17, s17, $0xb8;
	[tilespmem:$0x11000] =	vst v63  }
0x1f: {  	s9 =	simm.s32 $0x880  }
0x20: {  	[tilespmem:s22], [sflag:$0x4] =	stream.indirect.gather [hbm4b:s4+s17], $0x80, s9, s17, $0xb8;
	[tilespmem:$0x11000] =	vst v63  }
0x21: {  	_ =	swait.ge [sflag:s23], $0x4000  }
0x22: {  	[sflag:s23] =	ssyncset.done $0x0  }
0x23: {  	[sflag:s23] =	ssyncadd.s32 $0xFFFFC000  }
0x24: {  	_ =	swait.ge [sflag:s24], $0x4000  }
0x25: {  	s10 =	sor.u32 s8, s2;
	[sflag:s24] =	ssyncset.done $0x0  }
0x26: {  	s1 =	sadd.s32 s5, s10;
	[sflag:s24] =	ssyncadd.s32 $0xFFFFC000  }
0x27: {  	[hbm4b:s1+s2] =	stream.linear.scatter [tilespmem:s18], [sflag:$0x5], $0x4000, $0x38;
	[tilespmem:$0x11000] =	vst v63  }
0x28: {  	s21 =	sadd.s32 s6, s10  }
0x29: {  	[hbm4b:s21+s2] =	stream.linear.scatter [tilespmem:s19], [sflag:$0x5], $0x4000, $0x38;
	[tilespmem:$0x11000] =	vst v63  }
0x2a: {  	_ =	swait.ge [sflag:s25], $0x4000  }
0x2b: {  	[sflag:s25] =	ssyncset.done $0x0  }
0x2c: {  	[sflag:s25] =	ssyncadd.s32 $0xFFFFC000  }
0x2d: {  	_ =	swait.ge [sflag:s26], $0x4000  }
0x2e: {  	s0 =	sor.u32 $0x800, s10;
	[sflag:s26] =	ssyncset.done $0x0  }
0x2f: {  	s7 =	sadd.s32 s5, s0;
	[sflag:s26] =	ssyncadd.s32 $0xFFFFC000  }
0x30: {  	[hbm4b:s7+s2] =	stream.linear.scatter [tilespmem:s20], [sflag:$0x6], $0x4000, $0x38;
	[tilespmem:$0x11000] =	vst v63  }
0x31: {  	s0 =	sadd.s32 s6, s0  }
0x32: {  	[hbm4b:s0+s2] =	stream.linear.scatter [tilespmem:s22], [sflag:$0x6], $0x4000, $0x38;
	[tilespmem:$0x11000] =	vst v63  }
0x33: {  	_ =	swait.ge [sflag:s28], $0x4000  }
0x34: {  	[sflag:s28] =	ssyncset.done $0x0  }
0x35: {  	[sflag:s28] =	ssyncadd.s32 $0xFFFFC000  }
0x36: {  	_ =	swait.ge [sflag:s28], $0x4000  }
0x37: {  	[sflag:s28] =	ssyncset.done $0x0  }
0x38: {  	s9 =	simm.s32 $0x100;
	[sflag:s28] =	ssyncadd.s32 $0xFFFFC000  }
0x39: {  	[tilespmem:s18], [sflag:$0x1] =	stream.indirect.gather [hbm4b:s3+s17], $0x80, s9, s17, $0xb8;
	[tilespmem:$0x11000] =	vst v63  }
0x3a: {  	s10 =	simm.s32 $0x900  }
0x3b: {  	[tilespmem:s19], [sflag:$0x2] =	stream.indirect.gather [hbm4b:s4+s17], $0x80, s10, s17, $0xb8;
	[tilespmem:$0x11000] =	vst v63  }
0x3c: {  	_ =	swait.ge [sflag:s29], $0x4000  }
0x3d: {  	[sflag:s29] =	ssyncset.done $0x0  }
0x3e: {  	[sflag:s29] =	ssyncadd.s32 $0xFFFFC000  }
0x3f: {  	_ =	swait.ge [sflag:s29], $0x4000  }
0x40: {  	[sflag:s29] =	ssyncset.done $0x0  }
0x41: {  	s31 =	simm.s32 $0x980;
	s21 =	simm.s32 $0x180;
	[sflag:s29] =	ssyncadd.s32 $0xFFFFC000  }
0x42: {  	[tilespmem:s20], [sflag:$0x3] =	stream.indirect.gather [hbm4b:s3+s17], $0x80, s21, s17, $0xb8;
	[tilespmem:$0x11000] =	vst v63  }
0x43: {  	s1 =	simm.s32 $0xA80;
	s0 =	simm.s32 $0x1000;
	s21 =	simm.s32 $0x280  }
.LBB2_2:
0x44: {  	[tilespmem:s22], [sflag:$0x4] =	stream.indirect.gather [hbm4b:s4+s17], $0x80, s31, s17, $0xb8;
	[tilespmem:$0x11000] =	vst v63  }
0x45: {  	s7 =	smov.u32 s0;
	s31 =	smov.u32 s1  }
0x46: {  	p0 =	sne.s32 s0, $0x6000;
	s0 =	sadd.s32 $0x1000, s0;
	_ =	swait.ge [sflag:s23], $0x4000  }
0x47: {  	[sflag:s23] =	ssyncset.done $0x0  }
0x48: {  	[sflag:s23] =	ssyncadd.s32 $0xFFFFC000  }
0x49: {  	_ =	swait.ge [sflag:s24], $0x4000  }
0x4a: {  	s7 =	sor.u32 s8, s7;
	[sflag:s24] =	ssyncset.done $0x0  }
0x4b: {  	s9 =	sadd.s32 s5, s7;
	s10 =	sor.u32 $0x800, s7;
	[sflag:s24] =	ssyncadd.s32 $0xFFFFC000  }
0x4c: {  	[hbm4b:s9+s2] =	stream.linear.scatter [tilespmem:s18], [sflag:$0x5], $0x4000, $0x38;
	[tilespmem:$0x11000] =	vst v63  }
0x4d: {  	s7 =	sadd.s32 s6, s7  }
0x4e: {  	[hbm4b:s7+s2] =	stream.linear.scatter [tilespmem:s19], [sflag:$0x5], $0x4000, $0x38;
	[tilespmem:$0x11000] =	vst v63  }
0x4f: {  	_ =	swait.ge [sflag:s25], $0x4000  }
0x50: {  	[sflag:s25] =	ssyncset.done $0x0  }
0x51: {  	[sflag:s25] =	ssyncadd.s32 $0xFFFFC000  }
0x52: {  	_ =	swait.ge [sflag:s26], $0x4000  }
0x53: {  	[sflag:s26] =	ssyncset.done $0x0  }
0x54: {  	s7 =	sadd.s32 s5, s10;
	[sflag:s26] =	ssyncadd.s32 $0xFFFFC000  }
0x55: {  	[hbm4b:s7+s2] =	stream.linear.scatter [tilespmem:s20], [sflag:$0x6], $0x4000, $0x38;
	[tilespmem:$0x11000] =	vst v63  }
0x56: {  	s7 =	sadd.s32 s6, s10  }
0x57: {  	[hbm4b:s7+s2] =	stream.linear.scatter [tilespmem:s22], [sflag:$0x6], $0x4000, $0x38;
	[tilespmem:$0x11000] =	vst v63  }
0x58: {  	_ =	swait.ge [sflag:s28], $0x4000  }
0x59: {  	[sflag:s28] =	ssyncset.done $0x0  }
0x5a: {  	[sflag:s28] =	ssyncadd.s32 $0xFFFFC000  }
0x5b: {  	_ =	swait.ge [sflag:s28], $0x4000  }
0x5c: {  	[sflag:s28] =	ssyncset.done $0x0  }
0x5d: {  	s7 =	sadd.s32 $0xFFFFFF80, s21;
	[sflag:s28] =	ssyncadd.s32 $0xFFFFC000  }
0x5e: {  	[tilespmem:s18], [sflag:$0x1] =	stream.indirect.gather [hbm4b:s3+s17], $0x80, s7, s17, $0xb8;
	[tilespmem:$0x11000] =	vst v63  }
0x5f: {  	s7 =	sadd.s32 $0xFFFFFF80, s1  }
0x60: {  	[tilespmem:s19], [sflag:$0x2] =	stream.indirect.gather [hbm4b:s4+s17], $0x80, s7, s17, $0xb8;
	[tilespmem:$0x11000] =	vst v63  }
0x61: {  	_ =	swait.ge [sflag:s29], $0x4000  }
0x62: {  	[sflag:s29] =	ssyncset.done $0x0  }
0x63: {  	[sflag:s29] =	ssyncadd.s32 $0xFFFFC000  }
.Ltmp0:
0x64: {  	_ =	swait.ge [sflag:s29], $0x4000;
	(pc) =	sbr.rel @p0 .LBB2_2-.Ltmp0, $4  }
0x65: {  	[sflag:s29] =	ssyncset.done $0x0  }
0x66: {  	[sflag:s29] =	ssyncadd.s32 $0xFFFFC000  }
0x67: {  	[tilespmem:s20], [sflag:$0x3] =	stream.indirect.gather [hbm4b:s3+s17], $0x80, s21, s17, $0xb8;
	[tilespmem:$0x11000] =	vst v63  }
0x68: {  	s1 =	sadd.s32 $0x100, s1;
	s21 =	sadd.s32 $0x100, s21  }
0x69: {  	[tilespmem:s22], [sflag:$0x4] =	stream.indirect.gather [hbm4b:s4+s17], $0x80, s31, s17, $0xb8;
	[tilespmem:$0x11000] =	vst v63  }
0x6a: {  	_ =	swait.ge [sflag:s23], $0x4000  }
0x6b: {  	[sflag:s23] =	ssyncset.done $0x0  }
0x6c: {  	[sflag:s23] =	ssyncadd.s32 $0xFFFFC000  }
0x6d: {  	_ =	swait.ge [sflag:s24], $0x4000  }
0x6e: {  	[sflag:s24] =	ssyncset.done $0x0  }
0x6f: {  	[sflag:s24] =	ssyncadd.s32 $0xFFFFC000  }
0x70: {  	[hbm4b:s11+s2] =	stream.linear.scatter [tilespmem:s18], [sflag:$0x5], $0x4000, $0x38;
	[tilespmem:$0x11000] =	vst v63  }
0x71: {  	_ = 	snop  }
0x72: {  	[hbm4b:s12+s2] =	stream.linear.scatter [tilespmem:s19], [sflag:$0x5], $0x4000, $0x38;
	[tilespmem:$0x11000] =	vst v63  }
0x73: {  	_ =	swait.ge [sflag:s25], $0x4000  }
0x74: {  	[sflag:s25] =	ssyncset.done $0x0  }
0x75: {  	[sflag:s25] =	ssyncadd.s32 $0xFFFFC000  }
0x76: {  	_ =	swait.ge [sflag:s26], $0x4000  }
0x77: {  	[sflag:s26] =	ssyncset.done $0x0  }
0x78: {  	[sflag:s26] =	ssyncadd.s32 $0xFFFFC000  }
0x79: {  	[hbm4b:s13+s2] =	stream.linear.scatter [tilespmem:s20], [sflag:$0x6], $0x4000, $0x38;
	[tilespmem:$0x11000] =	vst v63  }
0x7a: {  	_ = 	snop  }
0x7b: {  	[hbm4b:s14+s2] =	stream.linear.scatter [tilespmem:s22], [sflag:$0x6], $0x4000, $0x38;
	[tilespmem:$0x11000] =	vst v63  }
0x7c: {  	_ =	swait.ge [sflag:s28], $0x4000  }
0x7d: {  	[sflag:s28] =	ssyncset.done $0x0  }
0x7e: {  	[sflag:s28] =	ssyncadd.s32 $0xFFFFC000  }
0x7f: {  	_ =	swait.ge [sflag:s28], $0x4000  }
0x80: {  	[sflag:s28] =	ssyncset.done $0x0  }
0x81: {  	[sflag:s28] =	ssyncadd.s32 $0xFFFFC000  }
0x82: {  	_ =	swait.ge [sflag:s29], $0x4000  }
0x83: {  	[sflag:s29] =	ssyncset.done $0x0  }
0x84: {  	[sflag:s29] =	ssyncadd.s32 $0xFFFFC000  }
0x85: {  	_ =	swait.ge [sflag:s29], $0x4000  }
0x86: {  	s30 =	sadd.s32 $0x1, s30;
	s0 =	rddreg [dreg:$0x4]  }
0x87: {  	p0 =	sne.s32 s30, s0  }
.Ltmp1:
0x88: {  	_ = 	snop;
	(pc) =	sbr.rel @p0 .LBB2_1-.Ltmp1, $3  }
0x89: {  	_ =	sdelay $0x1  }
0x8a: {  	[sflag:s29] =	ssyncset.done $0x0  }
0x8b: {  	[sflag:s29] =	ssyncadd.s32 $0xFFFFC000  }
0x8c: {  	_ =	sfence.sel $0x180000  }
0x8d: {  	[bflag:$0x0] =	sbarrier.arrive $0xFFFF  }
0x8e: {  	_ =	strace $0x9000004A  }
0x8f: {  	s0 =	stileid.u32;
	[bflag:$0x2] =	sbarrier.arrive $0xFFFF  }
0x90: {  	p0 =	sne.s32 s0, $0x0;
	s0 =	rddreg [dreg:$0x1]  }
0x91: {  	s0 =	sadd.s32 @!p0 $0x100000, s0  }
0x92: {  	[sflag:s0] =	ssyncadd.tile.s32 @!p0 $0x1;
	_ =	shalt  }
.Lfunc_end2:
_tile_overlayer_lowered:
.L_overlay_start_2:
0x93: {  	(tag) =	ssettag $0x2  }
0x94: {  	s0 =	rddreg [dreg:$0x0];
	s2 =	stileid.u32  }
0x95: {  	s1 =	rddreg [dreg:$0x1];
	p0 =	sne.s32 s2, $0x0  }
0x96: {  	s3 =	rddreg [dreg:$0x2];
	[bflag:$0x3] =	sbarrier.arrive $0xFFFF;
	s2 =	simm.s32 @!p0 $0x1C07  }
0x97: {  	[timem:s3], [sflag:s2] =	dma.local @!p0 [hbm:s0], s1  }
0x98: {  	s0 =	simm.s32 @!p0 $0x7  }
0x99: {  	_ =	swait.ge @!p0 [sflag:s0], s1  }
0x9a: {  	s1 =	ssub.s32 @!p0 $0x0, s1;
	[sflag:s0] =	ssyncset.done @!p0 $0x0  }
0x9b: {  	[sflag:s0] =	ssyncadd.s32 @!p0 s1  }
0x9c: {  	[bflag:$0x3] =	sbarrier.arrive $0xFFFF  }
0x9d: {  	_ =	shalt  }

// kernel: kernel.21.cloned.1.call-start
scs
__scs_entry_jumppad:
0x0: {  	(pc) =	sbr.rel $0x88, $3  }
0x1: {  	(tag) =	ssettag $0x0;
	lr =	simm.s32 $0x1  }
0x2: {  	[smem:$0x3F92] =	sst lr;
	_ =	strace $0xD0000000  }
0x3: {  	_ = 	snop  }
0x4: {  	_ = 	snop  }
0x5: {  	_ = 	snop  }
0x6: {  	_ = 	snop  }
0x7: {  	_ = 	snop  }
__scs_overlays_trampoline_lowered:
0x8: {  	[smem:$0x3FA1] =	sst s0  }
0x9: {  	[smem:$0x3FA2] =	sst s1  }
0xa: {  	[smem:$0x3FA3] =	sst s2  }
0xb: {  	[smem:$0x3FA4] =	sst s3  }
0xc: {  	[smem:$0x3FA5] =	sst s4  }
0xd: {  	[smem:$0x3FA6] =	sst s5  }
0xe: {  	[smem:$0x3FA7] =	sst s6  }
0xf: {  	[smem:$0x3FA8] =	sst s7  }
0x10: {  	[smem:$0x3FA9] =	sst s8  }
0x11: {  	[smem:$0x3FAA] =	sst s9;
	s0 =	simm.s32 @!p0 $0x0  }
0x12: {  	s1 =	sld [smem:$0x3F90];
	s0 =	simm.s32 @p0 $0x1  }
0x13: {  	[smem:$0x3FAB] =	sst s0;
	s0 =	simm.s32 @!p1 $0x0  }
0x14: {  	s2 =	sld [smem:$0x3F8F];
	s0 =	simm.s32 @p1 $0x1  }
0x15: {  	[smem:$0x3FAC] =	sst s0;
	s0 =	simm.s32 @!p2 $0x0  }
0x16: {  	s3 =	sld [smem:$0x3FDB];
	s0 =	simm.s32 @p2 $0x1  }
0x17: {  	s4 =	simm.s32 $0x1BF5;
	[smem:$0x3FAE] =	sst s0  }
0x18: {  	s0 =	sld [smem:$0x3F91];
	_ =	swait.ge [sflag:s4], $0x0  }
0x19: {  	s7 =	sld [smem:$0x3F92]  }
0x1a: {  	s8 =	sadd.s32 $0xFFFFE003, lr  }
0x1b: {  	s9 =	sadd.s32 $0xFFFFFEF7, lr;
	s5 =	simm.s32 $0xFFFFFFFF;
	p2 =	slt.u32 s8, $0xFFFFF086  }
0x1c: {  	p1 =	slt.u32 s9, $0xF7A;
	s5 =	simm.s32 @!p2 $0x0  }
0x1d: {  	s5 =	simm.s32 @p1 $0x1;
	p0 =	seq.s32 s7, s2  }
0x1e: {  	s7 =	smul.u32 @!p0 $0xF7A, s2;
	p2 =	seq.s32 @!p0 s5, $0x0  }
0x1f: {  	s9 =	smul.u32 $0xF7A, s1;
	s8 =	simm.s32 @!p0 $0x1BF5;
	p2 =	por !p2, p0  }
0x20: {  	[sflag:s8] =	ssyncset.s32 @!p0 $0xFFFFF086;
	s6 =	sadd.s32 @!p0 s3, s7;
	s7 =	simm.s32 @!p0 $0x108  }
0x21: {  	s3 =	sadd.s32 s3, s9;
	s6 =	sadd.s32 @!p0 $0x88, s6;
	s7 =	simm.s32 @p2 $0x1082  }
0x22: {  	[simem:s7], [sflag:s8] =	dma.local @!p0 [hbm:s6], $0xF7A  }
0x23: {  	s9 =	sor.u32 $0xD0000000, s2;
	s6 =	simm.s32 $0x108;
	_ =	swait.ge @!p0 [sflag:s8], $0x0  }
0x24: {  	s3 =	sadd.s32 $0x88, s3;
	s6 =	simm.s32 @!p1 $0x1082;
	[sflag:s4] =	ssyncset.s32 $0xFFFFF086  }
0x25: {  	[simem:s6], [sflag:s4] =	dma.local [hbm:s3], $0xF7A  }
0x26: {  	[smem:$0x3F92] =	sst s1;
	(tag) =	ssettag s2;
	_ =	strace s9  }
0x27: {  	s1 =	sld [smem:$0x3FA2]  }
0x28: {  	s2 =	sld [smem:$0x3FA3]  }
0x29: {  	s4 =	sld [smem:$0x3FA5]  }
0x2a: {  	p0 =	seq.s32 s5, $0x0;
	s5 =	sld [smem:$0x3FA6]  }
0x2b: {  	s6 =	sld [smem:$0x3FA7]  }
0x2c: {  	s7 =	sld [smem:$0x3FA8]  }
0x2d: {  	s3 =	simm.s32 $0x108;
	s8 =	sld [smem:$0x3FA9]  }
0x2e: {  	s3 =	simm.s32 @!p0 $0x1082;
	s9 =	sld [smem:$0x3FAA]  }
0x2f: {  	lr =	sadd.s32 s0, s3;
	s0 =	sld [smem:$0x3FA1]  }
0x30: {  	s3 =	sld [smem:$0x3FA4]  }
0x31: {  	[smem:$0x3FAD] =	sst s10  }
0x32: {  	s10 =	sld [smem:$0x3FAB];
	_ =	sdelay $0x3  }
0x33: {  	p0 =	seq.s32 s10, $0x1;
	s10 =	sld [smem:$0x3FAD];
	_ =	sdelay $0x3  }
0x34: {  	[smem:$0x3FAD] =	sst s10  }
0x35: {  	s10 =	sld [smem:$0x3FAC];
	_ =	sdelay $0x3  }
0x36: {  	p1 =	seq.s32 s10, $0x1;
	s10 =	sld [smem:$0x3FAD];
	_ =	sdelay $0x3  }
0x37: {  	[smem:$0x3FAD] =	sst s10  }
0x38: {  	s10 =	sld [smem:$0x3FAE]  }
0x39: {  	_ = 	snop;
	(pc) =	sbr.ind lr, $3  }
0x3a: {  	_ = 	snop  }
0x3b: {  	_ = 	snop  }
0x3c: {  	p2 =	seq.s32 s10, $0x1;
	s10 =	sld [smem:$0x3FAD]  }
0x3d: {  	_ =	shalt  }
0x3e: {  	_ =	shalt  }
0x3f: {  	_ =	shalt  }
0x40: {  	_ =	shalt  }
0x41: {  	_ =	shalt  }
0x42: {  	_ =	shalt  }
0x43: {  	_ =	shalt  }
0x44: {  	_ =	shalt  }
0x45: {  	_ =	shalt  }
0x46: {  	_ =	shalt  }
0x47: {  	_ =	shalt  }
0x48: {  	_ =	shalt  }
0x49: {  	_ =	shalt  }
0x4a: {  	_ =	shalt  }
0x4b: {  	_ =	shalt  }
0x4c: {  	_ =	shalt  }
0x4d: {  	_ =	shalt  }
0x4e: {  	_ =	shalt  }
0x4f: {  	_ =	shalt  }
0x50: {  	_ =	shalt  }
0x51: {  	_ =	shalt  }
0x52: {  	_ =	shalt  }
0x53: {  	_ =	shalt  }
0x54: {  	_ =	shalt  }
0x55: {  	_ =	shalt  }
0x56: {  	_ =	shalt  }
0x57: {  	_ =	shalt  }
0x58: {  	_ =	shalt  }
0x59: {  	_ =	shalt  }
0x5a: {  	_ =	shalt  }
0x5b: {  	_ =	shalt  }
0x5c: {  	_ =	shalt  }
0x5d: {  	_ =	shalt  }
0x5e: {  	_ =	shalt  }
0x5f: {  	_ =	shalt  }
0x60: {  	_ =	shalt  }
0x61: {  	_ =	shalt  }
0x62: {  	_ =	shalt  }
0x63: {  	_ =	shalt  }
0x64: {  	_ =	shalt  }
0x65: {  	_ =	shalt  }
0x66: {  	_ =	shalt  }
0x67: {  	_ =	shalt  }
0x68: {  	_ =	shalt  }
0x69: {  	_ =	shalt  }
0x6a: {  	_ =	shalt  }
0x6b: {  	_ =	shalt  }
0x6c: {  	_ =	shalt  }
0x6d: {  	_ =	shalt  }
0x6e: {  	_ =	shalt  }
0x6f: {  	_ =	shalt  }
0x70: {  	_ =	shalt  }
0x71: {  	_ =	shalt  }
0x72: {  	_ =	shalt  }
0x73: {  	_ =	shalt  }
0x74: {  	_ =	shalt  }
0x75: {  	_ =	shalt  }
0x76: {  	_ =	shalt  }
0x77: {  	_ =	shalt  }
0x78: {  	_ =	shalt  }
0x79: {  	_ =	shalt  }
0x7a: {  	_ =	shalt  }
0x7b: {  	_ =	shalt  }
0x7c: {  	_ =	shalt  }
0x7d: {  	_ =	shalt  }
0x7e: {  	_ =	shalt  }
0x7f: {  	_ =	shalt  }
0x80: {  	_ =	shalt  }
0x81: {  	_ =	shalt  }
0x82: {  	_ =	shalt  }
0x83: {  	_ =	shalt  }
0x84: {  	_ =	shalt  }
0x85: {  	_ =	shalt  }
0x86: {  	_ =	shalt  }
0x87: {  	_ =	shalt  }
.Lfunc_end0:
.L_simem_size_0:
called_computation.2_lowered:
.L_overlay_start_0:
0x88: {  	s2 =	sld [smem:$0x3FD9]  }
0x89: {  	s3 =	sld [smem:$0x3FFE];
	_ =	sdelay $0x1  }
0x8a: {  	s1 =	srdreg.scid  }
0x8b: {  	s0 =	sand.u32 $0x1, s1  }
0x8c: {  	s17 =	sshll.u32 s0, $0xA;
	s2 =	sadd.s32 s3, s2  }
0x8d: {  	s2 =	sadd.s32 s2, s17  }
0x8e: {  	[smem:$0x3FB9] =	sst s2  }
0x8f: {  	_ = 	snop  }
0x90: {  	(tm) =	ssettm $0x1  }
0x91: {  	s18 =	sld [smem:$0x3FFB];
	_ =	sdelay $0x3  }
0x92: {  	_ =	strace s18  }
0x93: {  	s2 =	sld [smem:$0x3FFC];
	_ =	sdelay $0x3  }
0x94: {  	_ =	strace s2  }
0x95: {  	s2 =	sld [smem:$0x3FFD];
	_ =	sdelay $0x3  }
0x96: {  	_ =	strace s2  }
0x97: {  	_ =	strace $0x8FFFFFFF  }
0x98: {  	s19 =	sld [smem:$0x3FDB];
	_ =	sdelay $0x1  }
0x99: {  	s20 =	simm.s32 $_scs_section_size  }
0x9a: {  	s4 =	simm.s32 $_size__tile_overlayer_lowered;
	s5 =	simm.s32 $_tile_overlayer_lowered  }
0x9b: {  	s6 =	simm.s32 $0x1BFF;
	s21 =	sshll.u32 s5, $0x1;
	s3 =	sadd.s32 s20, s19  }
0x9c: {  	s22 =	simm.s32 $0x0;
	s4 =	sshll.u32 s4, $0x1;
	s5 =	sadd.s32 s21, s3  }
0x9d: {  	[timem:s22], [sflag:s6] =	dma.local [hbm:s5], s4  }
0x9e: {  	_ =	swait.ge [sflag:s6], s4  }
0x9f: {  	s4 =	ssub.s32 $0x0, s4;
	[sflag:s6] =	ssyncset.done $0x0  }
0xa0: {  	[sflag:s6] =	ssyncadd.s32 s4;
	_ =	sdelay $0x1  }
0xa1: {  	s23 =	simm.s32 $0x1B8B  }
0xa2: {  	_ =	swait.ge [sflag:s23], $0x1  }
0xa3: {  	[sflag:s23] =	ssyncset.done $0x0  }
0xa4: {  	[sflag:s23] =	ssyncadd.s32 $0xFFFFFFFF  }
0xa5: {  	s4 =	sld [smem:$0x0]  }
0xa6: {  	s5 =	sand.u32 $0xFFFFFFFE, s1  }
0xa7: {  	p0 =	sne.s32 s1, s5  }
0xa8: {  	s5 =	sshll.u32 @p0 s5, $0xE  }
0xa9: {  	s5 =	sadd.s32 @p0 $0x11B8D, s5;
	s6 =	sshll.u32 @p0 s4, $0x11  }
0xaa: {  	s5 =	sor.u32 @p0 s6, s5  }
0xab: {  	[sflag:s5] =	ssyncadd.remote.s32 @p0 $0x1;
	_ =	sdelay $0x1  }
0xac: {  	s5 =	simm.s32 @p0 $0x1B8D  }
0xad: {  	_ =	swait.eq @p0 [sflag:s5], $0x1  }
0xae: {  	[sflag:s5] =	ssyncadd.s32 @p0 $0xFFFFFFFF  }
0xaf: {  	s6 =	sshll.u32 @!p0 s1, $0xE  }
0xb0: {  	s6 =	sor.u32 @!p0 $0x4000, s6;
	s5 =	simm.s32 @!p0 $0x1B8D  }
0xb1: {  	s4 =	sshll.u32 @!p0 s4, $0x11;
	s6 =	sadd.s32 @!p0 $0x11B8D, s6;
	_ =	swait.eq @!p0 [sflag:s5], $0x1  }
0xb2: {  	s4 =	sor.u32 @!p0 s4, s6;
	[sflag:s5] =	ssyncadd.s32 @!p0 $0xFFFFFFFF  }
0xb3: {  	s25 =	simm.s32 $0x1B8E;
	s24 =	sld [smem:$0x3FFE];
	[sflag:s4] =	ssyncadd.remote.s32 @!p0 $0x1  }
0xb4: {  	s26 =	simm.s32 $execute0_lowered;
	[smem:$0x3FD2] =	sst s25  }
0xb5: {  	s5 =	sshll.u32 s26, $0x1;
	_ =	strace $0x8000004C;
	[dreg:$0x1] =	wrdreg $0xFFFFFFFF  }
0xb6: {  	s28 =	simm.s32 $_size_execute0_lowered;
	s3 =	sadd.s32 s3, s5;
	[dreg:$0x0] =	wrdreg $0x0  }
0xb7: {  	s5 =	sshll.u32 s28, $0x1;
	[dreg:$0x2] =	wrdreg s3  }
0xb8: {  	[dreg:$0x3] =	wrdreg s5  }
0xb9: {  	[dreg:$0x4] =	wrdreg $0xC0  }
0xba: {  	_ =	task [dreg:s22], $0x5FFFF  }
0xbb: {  	[dreg:$0x1] =	wrdreg $0xFFFFFFFF  }
0xbc: {  	[dreg:$0x0] =	wrdreg $0x60  }
0xbd: {  	[dreg:$0x2] =	wrdreg s24  }
0xbe: {  	[dreg:$0x3] =	wrdreg $0xB  }
0xbf: {  	_ =	task.clear_ibuf [dreg:s22], $0x4FFFF;
	_ =	strace $0x9000004C  }
0xc0: {  	s29 =	simm.s32 $0xB;
	_ =	strace $0x8000004E  }
0xc1: {  	_ =	swait.ge [sflag:s29], $0x1  }
0xc2: {  	[sflag:s29] =	ssyncadd.s32 $0xFFFFFFFF  }
0xc3: {  	_ =	strace $0x9000004E  }
0xc4: {  	_ =	sfence  }
0xc5: {  	s30 =	sld [smem:$0x0];
	_ =	sdelay $0x2  }
0xc6: {  	s31 =	sshll.u32 s1, $0xD;
	s1 =	sshrl.u32 s1, $0x2  }
0xc7: {  	s4 =	sand.u32 $0x4000, s31;
	s1 =	sadd.s32 s1, s30  }
0xc8: {  	s0 =	sor.u32 s4, s0;
	s1 =	sshll.u32 s1, $0x11  }
0xc9: {  	s0 =	sor.u32 s1, s0  }
0xca: {  	s0 =	sadd.s32 $0x8F2B, s0  }
0xcb: {  	[sflag:s0] =	ssyncadd.remote.s32 $0x1  }
0xcc: {  	_ =	sfence.sel $0xFFFF  }
0xcd: {  	[dreg:$0x0] =	wrdreg $0xFFFFFFFF;
	(pc) =	sbr.abs _section_cstart, $3  }
0xce: {  	[dreg:$0x1] =	wrdreg $0xFFFFFFFF  }
0xcf: {  	_ =	task.clear_ibuf [dreg:s22], $0x2FFFF;
	_ =	strace $0x9FFFFFFF  }
0xd0: {  	(tm) =	ssettm $0x7FFFFFFF  }
0xd1: {  	_ =	shalt  }
tec
execute0_lowered:
.L_overlay_start_1:
0x0: {  	(tag) =	ssettag $0x1  }
0x1: {  	s0 =	rddreg [dreg:$0x0]  }
0x2: {  	s1 =	srdreg.scid;
	s3 =	stileid.u32;
	s2 =	simm.s32 $0x0  }
0x3: {  	s15 =	simm.s32 $0x7;
	s16 =	simm.s32 $0x800;
	s17 =	simm.s32 $0x80  }
0x4: {  	s18 =	simm.s32 $0x1000;
	s19 =	simm.s32 $0x5000;
	s20 =	simm.s32 $0x9000  }
0x5: {  	s22 =	simm.s32 $0xD000;
	s23 =	simm.s32 $0x1;
	s28 =	simm.s32 $0x5  }
0x6: {  	s29 =	simm.s32 $0x6;
	s30 =	simm.s32 $0x0;
	s1 =	sand.u32 $0x1, s1  }
0x7: {  	s3 =	sshll.u32 s3, $0x5;
	[smem:$0x7FF] =	sst s2;
	s6 =	sadd.s32 $0x5BB200, s0  }
0x8: {  	s4 =	sshll.u32 s1, $0x4;
	_ =	strace $0x8000004D;
	s24 =	ssub.s32 $0x2, s1  }
0x9: {  	s8 =	sor.u32 s4, s3;
	s3 =	sadd.s32 $0x5B200, s0;
	s4 =	sadd.s32 $0x83200, s0  }
0xa: {  	s1 =	sshrl.u32 s24, $0x1;
	s5 =	sshll.u32 s8, $0x4;
	s8 =	sshll.u32 s8, $0xB  }
0xb: {  	s9 =	sadd.s32 s5, s0;
	s5 =	sadd.s32 $0x4BB200, s0;
	s0 =	ssub.s32 s24, s1  }
0xc: {  	s26 =	sor.u32 $0x7000, s8;
	s31 =	sor.u32 $0x7800, s8;
	s24 =	simm.s32 $0x2  }
0xd: {  	s7 =	sadd.s32 $0x2B1200, s9;
	s25 =	sadd.s32 $0x2AF200, s9;
	s0 =	smax.u32 s0, $0x1  }
0xe: {  	s11 =	sadd.s32 s5, s26;
	s12 =	sadd.s32 s6, s26;
	[dreg:$0x2] =	wrdreg s7  }
0xf: {  	s13 =	sadd.s32 s5, s31;
	s14 =	sadd.s32 s6, s31;
	[dreg:$0x3] =	wrdreg s25  }
0x10: {  	s26 =	simm.s32 $0x4;
	[dreg:$0x4] =	wrdreg s0;
	s25 =	simm.s32 $0x3  }
.LBB2_1:
0x11: {  	s0 =	rddreg [dreg:$0x2]  }
0x12: {  	[tilespmem:s2], [sflag:$0x7] =	stream.linear.gather [hbm4b:s0+s2], $0x800, $0x38;
	[tilespmem:$0x11000] =	vst v63  }
0x13: {  	_ =	swait.ge [sflag:s15], $0x800  }
0x14: {  	[sflag:s15] =	ssyncset.done $0x0  }
0x15: {  	s7 =	rddreg [dreg:$0x3];
	[sflag:s15] =	ssyncadd.s32 $0xFFFFF800  }
0x16: {  	[tilespmem:s16], [sflag:$0x7] =	stream.linear.gather [hbm4b:s7+s2], $0x800, $0x38;
	[tilespmem:$0x11000] =	vst v63  }
0x17: {  	_ =	swait.ge [sflag:s15], $0x800  }
0x18: {  	[sflag:s15] =	ssyncset.done $0x0  }
0x19: {  	[sflag:s15] =	ssyncadd.s32 $0xFFFFF800  }
0x1a: {  	[tilespmem:s18], [sflag:$0x1] =	stream.indirect.gather [hbm4b:s3+s17], $0x80, s2, s17, $0xb8;
	[tilespmem:$0x11000] =	vst v63  }
0x1b: {  	_ = 	snop  }
0x1c: {  	[tilespmem:s19], [sflag:$0x2] =	stream.indirect.gather [hbm4b:s4+s17], $0x80, s16, s17, $0xb8;
	[tilespmem:$0x11000] =	vst v63  }
0x1d: {  	_ = 	snop  }
0x1e: {  	[tilespmem:s20], [sflag:$0x3] =	stream.indirect.gather [hbm4b:s3+s17], $0x80, s17, s17, $0xb8;
	[tilespmem:$0x11000] =	vst v63  }
0x1f: {  	s9 =	simm.s32 $0x880  }
0x20: {  	[tilespmem:s22], [sflag:$0x4] =	stream.indirect.gather [hbm4b:s4+s17], $0x80, s9, s17, $0xb8;
	[tilespmem:$0x11000] =	vst v63  }
0x21: {  	_ =	swait.ge [sflag:s23], $0x4000  }
0x22: {  	[sflag:s23] =	ssyncset.done $0x0  }
0x23: {  	[sflag:s23] =	ssyncadd.s32 $0xFFFFC000  }
0x24: {  	_ =	swait.ge [sflag:s24], $0x4000  }
0x25: {  	s10 =	sor.u32 s8, s2;
	[sflag:s24] =	ssyncset.done $0x0  }
0x26: {  	s1 =	sadd.s32 s5, s10;
	[sflag:s24] =	ssyncadd.s32 $0xFFFFC000  }
0x27: {  	[hbm4b:s1+s2] =	stream.linear.scatter [tilespmem:s18], [sflag:$0x5], $0x4000, $0x38;
	[tilespmem:$0x11000] =	vst v63  }
0x28: {  	s21 =	sadd.s32 s6, s10  }
0x29: {  	[hbm4b:s21+s2] =	stream.linear.scatter [tilespmem:s19], [sflag:$0x5], $0x4000, $0x38;
	[tilespmem:$0x11000] =	vst v63  }
0x2a: {  	_ =	swait.ge [sflag:s25], $0x4000  }
0x2b: {  	[sflag:s25] =	ssyncset.done $0x0  }
0x2c: {  	[sflag:s25] =	ssyncadd.s32 $0xFFFFC000  }
0x2d: {  	_ =	swait.ge [sflag:s26], $0x4000  }
0x2e: {  	s0 =	sor.u32 $0x800, s10;
	[sflag:s26] =	ssyncset.done $0x0  }
0x2f: {  	s7 =	sadd.s32 s5, s0;
	[sflag:s26] =	ssyncadd.s32 $0xFFFFC000  }
0x30: {  	[hbm4b:s7+s2] =	stream.linear.scatter [tilespmem:s20], [sflag:$0x6], $0x4000, $0x38;
	[tilespmem:$0x11000] =	vst v63  }
0x31: {  	s0 =	sadd.s32 s6, s0  }
0x32: {  	[hbm4b:s0+s2] =	stream.linear.scatter [tilespmem:s22], [sflag:$0x6], $0x4000, $0x38;
	[tilespmem:$0x11000] =	vst v63  }
0x33: {  	_ =	swait.ge [sflag:s28], $0x4000  }
0x34: {  	[sflag:s28] =	ssyncset.done $0x0  }
0x35: {  	[sflag:s28] =	ssyncadd.s32 $0xFFFFC000  }
0x36: {  	_ =	swait.ge [sflag:s28], $0x4000  }
0x37: {  	[sflag:s28] =	ssyncset.done $0x0  }
0x38: {  	s9 =	simm.s32 $0x100;
	[sflag:s28] =	ssyncadd.s32 $0xFFFFC000  }
0x39: {  	[tilespmem:s18], [sflag:$0x1] =	stream.indirect.gather [hbm4b:s3+s17], $0x80, s9, s17, $0xb8;
	[tilespmem:$0x11000] =	vst v63  }
0x3a: {  	s10 =	simm.s32 $0x900  }
0x3b: {  	[tilespmem:s19], [sflag:$0x2] =	stream.indirect.gather [hbm4b:s4+s17], $0x80, s10, s17, $0xb8;
	[tilespmem:$0x11000] =	vst v63  }
0x3c: {  	_ =	swait.ge [sflag:s29], $0x4000  }
0x3d: {  	[sflag:s29] =	ssyncset.done $0x0  }
0x3e: {  	[sflag:s29] =	ssyncadd.s32 $0xFFFFC000  }
0x3f: {  	_ =	swait.ge [sflag:s29], $0x4000  }
0x40: {  	[sflag:s29] =	ssyncset.done $0x0  }
0x41: {  	s31 =	simm.s32 $0x980;
	s21 =	simm.s32 $0x180;
	[sflag:s29] =	ssyncadd.s32 $0xFFFFC000  }
0x42: {  	[tilespmem:s20], [sflag:$0x3] =	stream.indirect.gather [hbm4b:s3+s17], $0x80, s21, s17, $0xb8;
	[tilespmem:$0x11000] =	vst v63  }
0x43: {  	s1 =	simm.s32 $0xA80;
	s0 =	simm.s32 $0x1000;
	s21 =	simm.s32 $0x280  }
.LBB2_2:
0x44: {  	[tilespmem:s22], [sflag:$0x4] =	stream.indirect.gather [hbm4b:s4+s17], $0x80, s31, s17, $0xb8;
	[tilespmem:$0x11000] =	vst v63  }
0x45: {  	s7 =	smov.u32 s0;
	s31 =	smov.u32 s1  }
0x46: {  	p0 =	sne.s32 s0, $0x6000;
	s0 =	sadd.s32 $0x1000, s0;
	_ =	swait.ge [sflag:s23], $0x4000  }
0x47: {  	[sflag:s23] =	ssyncset.done $0x0  }
0x48: {  	[sflag:s23] =	ssyncadd.s32 $0xFFFFC000  }
0x49: {  	_ =	swait.ge [sflag:s24], $0x4000  }
0x4a: {  	s7 =	sor.u32 s8, s7;
	[sflag:s24] =	ssyncset.done $0x0  }
0x4b: {  	s9 =	sadd.s32 s5, s7;
	s10 =	sor.u32 $0x800, s7;
	[sflag:s24] =	ssyncadd.s32 $0xFFFFC000  }
0x4c: {  	[hbm4b:s9+s2] =	stream.linear.scatter [tilespmem:s18], [sflag:$0x5], $0x4000, $0x38;
	[tilespmem:$0x11000] =	vst v63  }
0x4d: {  	s7 =	sadd.s32 s6, s7  }
0x4e: {  	[hbm4b:s7+s2] =	stream.linear.scatter [tilespmem:s19], [sflag:$0x5], $0x4000, $0x38;
	[tilespmem:$0x11000] =	vst v63  }
0x4f: {  	_ =	swait.ge [sflag:s25], $0x4000  }
0x50: {  	[sflag:s25] =	ssyncset.done $0x0  }
0x51: {  	[sflag:s25] =	ssyncadd.s32 $0xFFFFC000  }
0x52: {  	_ =	swait.ge [sflag:s26], $0x4000  }
0x53: {  	[sflag:s26] =	ssyncset.done $0x0  }
0x54: {  	s7 =	sadd.s32 s5, s10;
	[sflag:s26] =	ssyncadd.s32 $0xFFFFC000  }
0x55: {  	[hbm4b:s7+s2] =	stream.linear.scatter [tilespmem:s20], [sflag:$0x6], $0x4000, $0x38;
	[tilespmem:$0x11000] =	vst v63  }
0x56: {  	s7 =	sadd.s32 s6, s10  }
0x57: {  	[hbm4b:s7+s2] =	stream.linear.scatter [tilespmem:s22], [sflag:$0x6], $0x4000, $0x38;
	[tilespmem:$0x11000] =	vst v63  }
0x58: {  	_ =	swait.ge [sflag:s28], $0x4000  }
0x59: {  	[sflag:s28] =	ssyncset.done $0x0  }
0x5a: {  	[sflag:s28] =	ssyncadd.s32 $0xFFFFC000  }
0x5b: {  	_ =	swait.ge [sflag:s28], $0x4000  }
0x5c: {  	[sflag:s28] =	ssyncset.done $0x0  }
0x5d: {  	s7 =	sadd.s32 $0xFFFFFF80, s21;
	[sflag:s28] =	ssyncadd.s32 $0xFFFFC000  }
0x5e: {  	[tilespmem:s18], [sflag:$0x1] =	stream.indirect.gather [hbm4b:s3+s17], $0x80, s7, s17, $0xb8;
	[tilespmem:$0x11000] =	vst v63  }
0x5f: {  	s7 =	sadd.s32 $0xFFFFFF80, s1  }
0x60: {  	[tilespmem:s19], [sflag:$0x2] =	stream.indirect.gather [hbm4b:s4+s17], $0x80, s7, s17, $0xb8;
	[tilespmem:$0x11000] =	vst v63  }
0x61: {  	_ =	swait.ge [sflag:s29], $0x4000  }
0x62: {  	[sflag:s29] =	ssyncset.done $0x0  }
0x63: {  	[sflag:s29] =	ssyncadd.s32 $0xFFFFC000  }
.Ltmp0:
0x64: {  	_ =	swait.ge [sflag:s29], $0x4000;
	(pc) =	sbr.rel @p0 .LBB2_2-.Ltmp0, $4  }
0x65: {  	[sflag:s29] =	ssyncset.done $0x0  }
0x66: {  	[sflag:s29] =	ssyncadd.s32 $0xFFFFC000  }
0x67: {  	[tilespmem:s20], [sflag:$0x3] =	stream.indirect.gather [hbm4b:s3+s17], $0x80, s21, s17, $0xb8;
	[tilespmem:$0x11000] =	vst v63  }
0x68: {  	s1 =	sadd.s32 $0x100, s1;
	s21 =	sadd.s32 $0x100, s21  }
0x69: {  	[tilespmem:s22], [sflag:$0x4] =	stream.indirect.gather [hbm4b:s4+s17], $0x80, s31, s17, $0xb8;
	[tilespmem:$0x11000] =	vst v63  }
0x6a: {  	_ =	swait.ge [sflag:s23], $0x4000  }
0x6b: {  	[sflag:s23] =	ssyncset.done $0x0  }
0x6c: {  	[sflag:s23] =	ssyncadd.s32 $0xFFFFC000  }
0x6d: {  	_ =	swait.ge [sflag:s24], $0x4000  }
0x6e: {  	[sflag:s24] =	ssyncset.done $0x0  }
0x6f: {  	[sflag:s24] =	ssyncadd.s32 $0xFFFFC000  }
0x70: {  	[hbm4b:s11+s2] =	stream.linear.scatter [tilespmem:s18], [sflag:$0x5], $0x4000, $0x38;
	[tilespmem:$0x11000] =	vst v63  }
0x71: {  	_ = 	snop  }
0x72: {  	[hbm4b:s12+s2] =	stream.linear.scatter [tilespmem:s19], [sflag:$0x5], $0x4000, $0x38;
	[tilespmem:$0x11000] =	vst v63  }
0x73: {  	_ =	swait.ge [sflag:s25], $0x4000  }
0x74: {  	[sflag:s25] =	ssyncset.done $0x0  }
0x75: {  	[sflag:s25] =	ssyncadd.s32 $0xFFFFC000  }
0x76: {  	_ =	swait.ge [sflag:s26], $0x4000  }
0x77: {  	[sflag:s26] =	ssyncset.done $0x0  }
0x78: {  	[sflag:s26] =	ssyncadd.s32 $0xFFFFC000  }
0x79: {  	[hbm4b:s13+s2] =	stream.linear.scatter [tilespmem:s20], [sflag:$0x6], $0x4000, $0x38;
	[tilespmem:$0x11000] =	vst v63  }
0x7a: {  	_ = 	snop  }
0x7b: {  	[hbm4b:s14+s2] =	stream.linear.scatter [tilespmem:s22], [sflag:$0x6], $0x4000, $0x38;
	[tilespmem:$0x11000] =	vst v63  }
0x7c: {  	_ =	swait.ge [sflag:s28], $0x4000  }
0x7d: {  	[sflag:s28] =	ssyncset.done $0x0  }
0x7e: {  	[sflag:s28] =	ssyncadd.s32 $0xFFFFC000  }
0x7f: {  	_ =	swait.ge [sflag:s28], $0x4000  }
0x80: {  	[sflag:s28] =	ssyncset.done $0x0  }
0x81: {  	[sflag:s28] =	ssyncadd.s32 $0xFFFFC000  }
0x82: {  	_ =	swait.ge [sflag:s29], $0x4000  }
0x83: {  	[sflag:s29] =	ssyncset.done $0x0  }
0x84: {  	[sflag:s29] =	ssyncadd.s32 $0xFFFFC000  }
0x85: {  	_ =	swait.ge [sflag:s29], $0x4000  }
0x86: {  	s30 =	sadd.s32 $0x1, s30;
	s0 =	rddreg [dreg:$0x4]  }
0x87: {  	p0 =	sne.s32 s30, s0  }
.Ltmp1:
0x88: {  	_ = 	snop;
	(pc) =	sbr.rel @p0 .LBB2_1-.Ltmp1, $3  }
0x89: {  	_ =	sdelay $0x1  }
0x8a: {  	[sflag:s29] =	ssyncset.done $0x0  }
0x8b: {  	[sflag:s29] =	ssyncadd.s32 $0xFFFFC000  }
0x8c: {  	_ =	sfence.sel $0x180000  }
0x8d: {  	[bflag:$0x0] =	sbarrier.arrive $0xFFFF  }
0x8e: {  	_ =	strace $0x9000004D  }
0x8f: {  	s0 =	stileid.u32;
	[bflag:$0x2] =	sbarrier.arrive $0xFFFF  }
0x90: {  	p0 =	sne.s32 s0, $0x0;
	s0 =	rddreg [dreg:$0x1]  }
0x91: {  	s0 =	sadd.s32 @!p0 $0x100000, s0  }
0x92: {  	[sflag:s0] =	ssyncadd.tile.s32 @!p0 $0x1;
	_ =	shalt  }
.Lfunc_end2:
_tile_overlayer_lowered:
.L_overlay_start_2:
0x93: {  	(tag) =	ssettag $0x2  }
0x94: {  	s0 =	rddreg [dreg:$0x0];
	s2 =	stileid.u32  }
0x95: {  	s1 =	rddreg [dreg:$0x1];
	p0 =	sne.s32 s2, $0x0  }
0x96: {  	s3 =	rddreg [dreg:$0x2];
	[bflag:$0x3] =	sbarrier.arrive $0xFFFF;
	s2 =	simm.s32 @!p0 $0x1C07  }
0x97: {  	[timem:s3], [sflag:s2] =	dma.local @!p0 [hbm:s0], s1  }
0x98: {  	s0 =	simm.s32 @!p0 $0x7  }
0x99: {  	_ =	swait.ge @!p0 [sflag:s0], s1  }
0x9a: {  	s1 =	ssub.s32 @!p0 $0x0, s1;
	[sflag:s0] =	ssyncset.done @!p0 $0x0  }
0x9b: {  	[sflag:s0] =	ssyncadd.s32 @!p0 s1  }
0x9c: {  	[bflag:$0x3] =	sbarrier.arrive $0xFFFF  }
0x9d: {  	_ =	shalt  }

// kernel: kernel.24.cloned.1.call-start
scs
__scs_entry_jumppad:
0x0: {  	(pc) =	sbr.rel $0x88, $3  }
0x1: {  	(tag) =	ssettag $0x0;
	lr =	simm.s32 $0x1  }
0x2: {  	[smem:$0x3F92] =	sst lr;
	_ =	strace $0xD0000000  }
0x3: {  	_ = 	snop  }
0x4: {  	_ = 	snop  }
0x5: {  	_ = 	snop  }
0x6: {  	_ = 	snop  }
0x7: {  	_ = 	snop  }
__scs_overlays_trampoline_lowered:
0x8: {  	[smem:$0x3FA1] =	sst s0  }
0x9: {  	[smem:$0x3FA2] =	sst s1  }
0xa: {  	[smem:$0x3FA3] =	sst s2  }
0xb: {  	[smem:$0x3FA4] =	sst s3  }
0xc: {  	[smem:$0x3FA5] =	sst s4  }
0xd: {  	[smem:$0x3FA6] =	sst s5  }
0xe: {  	[smem:$0x3FA7] =	sst s6  }
0xf: {  	[smem:$0x3FA8] =	sst s7  }
0x10: {  	[smem:$0x3FA9] =	sst s8  }
0x11: {  	[smem:$0x3FAA] =	sst s9;
	s0 =	simm.s32 @!p0 $0x0  }
0x12: {  	s1 =	sld [smem:$0x3F90];
	s0 =	simm.s32 @p0 $0x1  }
0x13: {  	[smem:$0x3FAB] =	sst s0;
	s0 =	simm.s32 @!p1 $0x0  }
0x14: {  	s2 =	sld [smem:$0x3F8F];
	s0 =	simm.s32 @p1 $0x1  }
0x15: {  	[smem:$0x3FAC] =	sst s0;
	s0 =	simm.s32 @!p2 $0x0  }
0x16: {  	s3 =	sld [smem:$0x3FDB];
	s0 =	simm.s32 @p2 $0x1  }
0x17: {  	s4 =	simm.s32 $0x1BF5;
	[smem:$0x3FAE] =	sst s0  }
0x18: {  	s0 =	sld [smem:$0x3F91];
	_ =	swait.ge [sflag:s4], $0x0  }
0x19: {  	s7 =	sld [smem:$0x3F92]  }
0x1a: {  	s8 =	sadd.s32 $0xFFFFE003, lr  }
0x1b: {  	s9 =	sadd.s32 $0xFFFFFEF7, lr;
	s5 =	simm.s32 $0xFFFFFFFF;
	p2 =	slt.u32 s8, $0xFFFFF086  }
0x1c: {  	p1 =	slt.u32 s9, $0xF7A;
	s5 =	simm.s32 @!p2 $0x0  }
0x1d: {  	s5 =	simm.s32 @p1 $0x1;
	p0 =	seq.s32 s7, s2  }
0x1e: {  	s7 =	smul.u32 @!p0 $0xF7A, s2;
	p2 =	seq.s32 @!p0 s5, $0x0  }
0x1f: {  	s9 =	smul.u32 $0xF7A, s1;
	s8 =	simm.s32 @!p0 $0x1BF5;
	p2 =	por !p2, p0  }
0x20: {  	[sflag:s8] =	ssyncset.s32 @!p0 $0xFFFFF086;
	s6 =	sadd.s32 @!p0 s3, s7;
	s7 =	simm.s32 @!p0 $0x108  }
0x21: {  	s3 =	sadd.s32 s3, s9;
	s6 =	sadd.s32 @!p0 $0x88, s6;
	s7 =	simm.s32 @p2 $0x1082  }
0x22: {  	[simem:s7], [sflag:s8] =	dma.local @!p0 [hbm:s6], $0xF7A  }
0x23: {  	s9 =	sor.u32 $0xD0000000, s2;
	s6 =	simm.s32 $0x108;
	_ =	swait.ge @!p0 [sflag:s8], $0x0  }
0x24: {  	s3 =	sadd.s32 $0x88, s3;
	s6 =	simm.s32 @!p1 $0x1082;
	[sflag:s4] =	ssyncset.s32 $0xFFFFF086  }
0x25: {  	[simem:s6], [sflag:s4] =	dma.local [hbm:s3], $0xF7A  }
0x26: {  	[smem:$0x3F92] =	sst s1;
	(tag) =	ssettag s2;
	_ =	strace s9  }
0x27: {  	s1 =	sld [smem:$0x3FA2]  }
0x28: {  	s2 =	sld [smem:$0x3FA3]  }
0x29: {  	s4 =	sld [smem:$0x3FA5]  }
0x2a: {  	p0 =	seq.s32 s5, $0x0;
	s5 =	sld [smem:$0x3FA6]  }
0x2b: {  	s6 =	sld [smem:$0x3FA7]  }
0x2c: {  	s7 =	sld [smem:$0x3FA8]  }
0x2d: {  	s3 =	simm.s32 $0x108;
	s8 =	sld [smem:$0x3FA9]  }
0x2e: {  	s3 =	simm.s32 @!p0 $0x1082;
	s9 =	sld [smem:$0x3FAA]  }
0x2f: {  	lr =	sadd.s32 s0, s3;
	s0 =	sld [smem:$0x3FA1]  }
0x30: {  	s3 =	sld [smem:$0x3FA4]  }
0x31: {  	[smem:$0x3FAD] =	sst s10  }
0x32: {  	s10 =	sld [smem:$0x3FAB];
	_ =	sdelay $0x3  }
0x33: {  	p0 =	seq.s32 s10, $0x1;
	s10 =	sld [smem:$0x3FAD];
	_ =	sdelay $0x3  }
0x34: {  	[smem:$0x3FAD] =	sst s10  }
0x35: {  	s10 =	sld [smem:$0x3FAC];
	_ =	sdelay $0x3  }
0x36: {  	p1 =	seq.s32 s10, $0x1;
	s10 =	sld [smem:$0x3FAD];
	_ =	sdelay $0x3  }
0x37: {  	[smem:$0x3FAD] =	sst s10  }
0x38: {  	s10 =	sld [smem:$0x3FAE]  }
0x39: {  	_ = 	snop;
	(pc) =	sbr.ind lr, $3  }
0x3a: {  	_ = 	snop  }
0x3b: {  	_ = 	snop  }
0x3c: {  	p2 =	seq.s32 s10, $0x1;
	s10 =	sld [smem:$0x3FAD]  }
0x3d: {  	_ =	shalt  }
0x3e: {  	_ =	shalt  }
0x3f: {  	_ =	shalt  }
0x40: {  	_ =	shalt  }
0x41: {  	_ =	shalt  }
0x42: {  	_ =	shalt  }
0x43: {  	_ =	shalt  }
0x44: {  	_ =	shalt  }
0x45: {  	_ =	shalt  }
0x46: {  	_ =	shalt  }
0x47: {  	_ =	shalt  }
0x48: {  	_ =	shalt  }
0x49: {  	_ =	shalt  }
0x4a: {  	_ =	shalt  }
0x4b: {  	_ =	shalt  }
0x4c: {  	_ =	shalt  }
0x4d: {  	_ =	shalt  }
0x4e: {  	_ =	shalt  }
0x4f: {  	_ =	shalt  }
0x50: {  	_ =	shalt  }
0x51: {  	_ =	shalt  }
0x52: {  	_ =	shalt  }
0x53: {  	_ =	shalt  }
0x54: {  	_ =	shalt  }
0x55: {  	_ =	shalt  }
0x56: {  	_ =	shalt  }
0x57: {  	_ =	shalt  }
0x58: {  	_ =	shalt  }
0x59: {  	_ =	shalt  }
0x5a: {  	_ =	shalt  }
0x5b: {  	_ =	shalt  }
0x5c: {  	_ =	shalt  }
0x5d: {  	_ =	shalt  }
0x5e: {  	_ =	shalt  }
0x5f: {  	_ =	shalt  }
0x60: {  	_ =	shalt  }
0x61: {  	_ =	shalt  }
0x62: {  	_ =	shalt  }
0x63: {  	_ =	shalt  }
0x64: {  	_ =	shalt  }
0x65: {  	_ =	shalt  }
0x66: {  	_ =	shalt  }
0x67: {  	_ =	shalt  }
0x68: {  	_ =	shalt  }
0x69: {  	_ =	shalt  }
0x6a: {  	_ =	shalt  }
0x6b: {  	_ =	shalt  }
0x6c: {  	_ =	shalt  }
0x6d: {  	_ =	shalt  }
0x6e: {  	_ =	shalt  }
0x6f: {  	_ =	shalt  }
0x70: {  	_ =	shalt  }
0x71: {  	_ =	shalt  }
0x72: {  	_ =	shalt  }
0x73: {  	_ =	shalt  }
0x74: {  	_ =	shalt  }
0x75: {  	_ =	shalt  }
0x76: {  	_ =	shalt  }
0x77: {  	_ =	shalt  }
0x78: {  	_ =	shalt  }
0x79: {  	_ =	shalt  }
0x7a: {  	_ =	shalt  }
0x7b: {  	_ =	shalt  }
0x7c: {  	_ =	shalt  }
0x7d: {  	_ =	shalt  }
0x7e: {  	_ =	shalt  }
0x7f: {  	_ =	shalt  }
0x80: {  	_ =	shalt  }
0x81: {  	_ =	shalt  }
0x82: {  	_ =	shalt  }
0x83: {  	_ =	shalt  }
0x84: {  	_ =	shalt  }
0x85: {  	_ =	shalt  }
0x86: {  	_ =	shalt  }
0x87: {  	_ =	shalt  }
.Lfunc_end0:
.L_simem_size_0:
called_computation.3_lowered:
.L_overlay_start_0:
0x88: {  	s2 =	sld [smem:$0x3FD9]  }
0x89: {  	s3 =	sld [smem:$0x3FFE];
	_ =	sdelay $0x1  }
0x8a: {  	s1 =	srdreg.scid  }
0x8b: {  	s0 =	sand.u32 $0x1, s1  }
0x8c: {  	s17 =	sshll.u32 s0, $0xA;
	s2 =	sadd.s32 s3, s2  }
0x8d: {  	s2 =	sadd.s32 s2, s17  }
0x8e: {  	[smem:$0x3FB9] =	sst s2  }
0x8f: {  	_ = 	snop  }
0x90: {  	(tm) =	ssettm $0x1  }
0x91: {  	s18 =	sld [smem:$0x3FFB];
	_ =	sdelay $0x3  }
0x92: {  	_ =	strace s18  }
0x93: {  	s2 =	sld [smem:$0x3FFC];
	_ =	sdelay $0x3  }
0x94: {  	_ =	strace s2  }
0x95: {  	s2 =	sld [smem:$0x3FFD];
	_ =	sdelay $0x3  }
0x96: {  	_ =	strace s2  }
0x97: {  	_ =	strace $0x8FFFFFFF  }
0x98: {  	s19 =	sld [smem:$0x3FDB];
	_ =	sdelay $0x1  }
0x99: {  	s20 =	simm.s32 $_scs_section_size  }
0x9a: {  	s4 =	simm.s32 $_size__tile_overlayer_lowered;
	s5 =	simm.s32 $_tile_overlayer_lowered  }
0x9b: {  	s6 =	simm.s32 $0x1BFF;
	s21 =	sshll.u32 s5, $0x1;
	s3 =	sadd.s32 s20, s19  }
0x9c: {  	s22 =	simm.s32 $0x0;
	s4 =	sshll.u32 s4, $0x1;
	s5 =	sadd.s32 s21, s3  }
0x9d: {  	[timem:s22], [sflag:s6] =	dma.local [hbm:s5], s4  }
0x9e: {  	_ =	swait.ge [sflag:s6], s4  }
0x9f: {  	s4 =	ssub.s32 $0x0, s4;
	[sflag:s6] =	ssyncset.done $0x0  }
0xa0: {  	[sflag:s6] =	ssyncadd.s32 s4;
	_ =	sdelay $0x1  }
0xa1: {  	s23 =	simm.s32 $0x1B8B  }
0xa2: {  	_ =	swait.ge [sflag:s23], $0x1  }
0xa3: {  	[sflag:s23] =	ssyncset.done $0x0  }
0xa4: {  	[sflag:s23] =	ssyncadd.s32 $0xFFFFFFFF  }
0xa5: {  	s4 =	sld [smem:$0x0]  }
0xa6: {  	s5 =	sand.u32 $0xFFFFFFFE, s1  }
0xa7: {  	p0 =	sne.s32 s1, s5  }
0xa8: {  	s5 =	sshll.u32 @p0 s5, $0xE  }
0xa9: {  	s5 =	sadd.s32 @p0 $0x11B8D, s5;
	s6 =	sshll.u32 @p0 s4, $0x11  }
0xaa: {  	s5 =	sor.u32 @p0 s6, s5  }
0xab: {  	[sflag:s5] =	ssyncadd.remote.s32 @p0 $0x1;
	_ =	sdelay $0x1  }
0xac: {  	s5 =	simm.s32 @p0 $0x1B8D  }
0xad: {  	_ =	swait.eq @p0 [sflag:s5], $0x1  }
0xae: {  	[sflag:s5] =	ssyncadd.s32 @p0 $0xFFFFFFFF  }
0xaf: {  	s6 =	sshll.u32 @!p0 s1, $0xE  }
0xb0: {  	s6 =	sor.u32 @!p0 $0x4000, s6;
	s5 =	simm.s32 @!p0 $0x1B8D  }
0xb1: {  	s4 =	sshll.u32 @!p0 s4, $0x11;
	s6 =	sadd.s32 @!p0 $0x11B8D, s6;
	_ =	swait.eq @!p0 [sflag:s5], $0x1  }
0xb2: {  	s4 =	sor.u32 @!p0 s4, s6;
	[sflag:s5] =	ssyncadd.s32 @!p0 $0xFFFFFFFF  }
0xb3: {  	s25 =	simm.s32 $0x1B8E;
	s24 =	sld [smem:$0x3FFE];
	[sflag:s4] =	ssyncadd.remote.s32 @!p0 $0x1  }
0xb4: {  	s26 =	simm.s32 $execute0_lowered;
	[smem:$0x3FD2] =	sst s25  }
0xb5: {  	s5 =	sshll.u32 s26, $0x1;
	_ =	strace $0x8000004F;
	[dreg:$0x1] =	wrdreg $0xFFFFFFFF  }
0xb6: {  	s28 =	simm.s32 $_size_execute0_lowered;
	s3 =	sadd.s32 s3, s5;
	[dreg:$0x0] =	wrdreg $0x0  }
0xb7: {  	s5 =	sshll.u32 s28, $0x1;
	[dreg:$0x2] =	wrdreg s3  }
0xb8: {  	[dreg:$0x3] =	wrdreg s5  }
0xb9: {  	[dreg:$0x4] =	wrdreg $0xC0  }
0xba: {  	_ =	task [dreg:s22], $0x5FFFF  }
0xbb: {  	[dreg:$0x1] =	wrdreg $0xFFFFFFFF  }
0xbc: {  	[dreg:$0x0] =	wrdreg $0x60  }
0xbd: {  	[dreg:$0x2] =	wrdreg s24  }
0xbe: {  	[dreg:$0x3] =	wrdreg $0xC  }
0xbf: {  	_ =	task.clear_ibuf [dreg:s22], $0x4FFFF;
	_ =	strace $0x9000004F  }
0xc0: {  	s29 =	simm.s32 $0xC;
	_ =	strace $0x80000051  }
0xc1: {  	_ =	swait.ge [sflag:s29], $0x1  }
0xc2: {  	[sflag:s29] =	ssyncadd.s32 $0xFFFFFFFF  }
0xc3: {  	_ =	strace $0x90000051  }
0xc4: {  	_ =	sfence  }
0xc5: {  	s30 =	sld [smem:$0x0];
	_ =	sdelay $0x2  }
0xc6: {  	s31 =	sshll.u32 s1, $0xD;
	s1 =	sshrl.u32 s1, $0x2  }
0xc7: {  	s4 =	sand.u32 $0x4000, s31;
	s1 =	sadd.s32 s1, s30  }
0xc8: {  	s0 =	sor.u32 s4, s0;
	s1 =	sshll.u32 s1, $0x11  }
0xc9: {  	s0 =	sor.u32 s1, s0  }
0xca: {  	s0 =	sadd.s32 $0x8F2B, s0  }
0xcb: {  	[sflag:s0] =	ssyncadd.remote.s32 $0x1  }
0xcc: {  	_ =	sfence.sel $0xFFFF  }
0xcd: {  	[dreg:$0x0] =	wrdreg $0xFFFFFFFF;
	(pc) =	sbr.abs _section_cstart, $3  }
0xce: {  	[dreg:$0x1] =	wrdreg $0xFFFFFFFF  }
0xcf: {  	_ =	task.clear_ibuf [dreg:s22], $0x2FFFF;
	_ =	strace $0x9FFFFFFF  }
0xd0: {  	(tm) =	ssettm $0x7FFFFFFF  }
0xd1: {  	_ =	shalt  }
tec
execute0_lowered:
.L_overlay_start_1:
0x0: {  	(tag) =	ssettag $0x1  }
0x1: {  	s0 =	rddreg [dreg:$0x0]  }
0x2: {  	s1 =	srdreg.scid;
	s3 =	stileid.u32;
	s2 =	simm.s32 $0x0  }
0x3: {  	s15 =	simm.s32 $0x7;
	s16 =	simm.s32 $0x800;
	s17 =	simm.s32 $0x80  }
0x4: {  	s18 =	simm.s32 $0x1000;
	s19 =	simm.s32 $0x5000;
	s20 =	simm.s32 $0x9000  }
0x5: {  	s22 =	simm.s32 $0xD000;
	s23 =	simm.s32 $0x1;
	s28 =	simm.s32 $0x5  }
0x6: {  	s29 =	simm.s32 $0x6;
	s30 =	simm.s32 $0x0;
	s1 =	sand.u32 $0x1, s1  }
0x7: {  	s3 =	sshll.u32 s3, $0x5;
	[smem:$0x7FF] =	sst s2;
	s6 =	sadd.s32 $0x7BB200, s0  }
0x8: {  	s4 =	sshll.u32 s1, $0x4;
	_ =	strace $0x80000050;
	s24 =	ssub.s32 $0x2, s1  }
0x9: {  	s8 =	sor.u32 s4, s3;
	s3 =	sadd.s32 $0x5B200, s0;
	s4 =	sadd.s32 $0x83200, s0  }
0xa: {  	s1 =	sshrl.u32 s24, $0x1;
	s5 =	sshll.u32 s8, $0x4;
	s8 =	sshll.u32 s8, $0xB  }
0xb: {  	s9 =	sadd.s32 s5, s0;
	s5 =	sadd.s32 $0x6BB200, s0;
	s0 =	ssub.s32 s24, s1  }
0xc: {  	s26 =	sor.u32 $0x7000, s8;
	s31 =	sor.u32 $0x7800, s8;
	s24 =	simm.s32 $0x2  }
0xd: {  	s7 =	sadd.s32 $0x2B5200, s9;
	s25 =	sadd.s32 $0x2B3200, s9;
	s0 =	smax.u32 s0, $0x1  }
0xe: {  	s11 =	sadd.s32 s5, s26;
	s12 =	sadd.s32 s6, s26;
	[dreg:$0x2] =	wrdreg s7  }
0xf: {  	s13 =	sadd.s32 s5, s31;
	s14 =	sadd.s32 s6, s31;
	[dreg:$0x3] =	wrdreg s25  }
0x10: {  	s26 =	simm.s32 $0x4;
	[dreg:$0x4] =	wrdreg s0;
	s25 =	simm.s32 $0x3  }
.LBB2_1:
0x11: {  	s0 =	rddreg [dreg:$0x2]  }
0x12: {  	[tilespmem:s2], [sflag:$0x7] =	stream.linear.gather [hbm4b:s0+s2], $0x800, $0x38;
	[tilespmem:$0x11000] =	vst v63  }
0x13: {  	_ =	swait.ge [sflag:s15], $0x800  }
0x14: {  	[sflag:s15] =	ssyncset.done $0x0  }
0x15: {  	s7 =	rddreg [dreg:$0x3];
	[sflag:s15] =	ssyncadd.s32 $0xFFFFF800  }
0x16: {  	[tilespmem:s16], [sflag:$0x7] =	stream.linear.gather [hbm4b:s7+s2], $0x800, $0x38;
	[tilespmem:$0x11000] =	vst v63  }
0x17: {  	_ =	swait.ge [sflag:s15], $0x800  }
0x18: {  	[sflag:s15] =	ssyncset.done $0x0  }
0x19: {  	[sflag:s15] =	ssyncadd.s32 $0xFFFFF800  }
0x1a: {  	[tilespmem:s18], [sflag:$0x1] =	stream.indirect.gather [hbm4b:s3+s17], $0x80, s2, s17, $0xb8;
	[tilespmem:$0x11000] =	vst v63  }
0x1b: {  	_ = 	snop  }
0x1c: {  	[tilespmem:s19], [sflag:$0x2] =	stream.indirect.gather [hbm4b:s4+s17], $0x80, s16, s17, $0xb8;
	[tilespmem:$0x11000] =	vst v63  }
0x1d: {  	_ = 	snop  }
0x1e: {  	[tilespmem:s20], [sflag:$0x3] =	stream.indirect.gather [hbm4b:s3+s17], $0x80, s17, s17, $0xb8;
	[tilespmem:$0x11000] =	vst v63  }
0x1f: {  	s9 =	simm.s32 $0x880  }
0x20: {  	[tilespmem:s22], [sflag:$0x4] =	stream.indirect.gather [hbm4b:s4+s17], $0x80, s9, s17, $0xb8;
	[tilespmem:$0x11000] =	vst v63  }
0x21: {  	_ =	swait.ge [sflag:s23], $0x4000  }
0x22: {  	[sflag:s23] =	ssyncset.done $0x0  }
0x23: {  	[sflag:s23] =	ssyncadd.s32 $0xFFFFC000  }
0x24: {  	_ =	swait.ge [sflag:s24], $0x4000  }
0x25: {  	s10 =	sor.u32 s8, s2;
	[sflag:s24] =	ssyncset.done $0x0  }
0x26: {  	s1 =	sadd.s32 s5, s10;
	[sflag:s24] =	ssyncadd.s32 $0xFFFFC000  }
0x27: {  	[hbm4b:s1+s2] =	stream.linear.scatter [tilespmem:s18], [sflag:$0x5], $0x4000, $0x38;
	[tilespmem:$0x11000] =	vst v63  }
0x28: {  	s21 =	sadd.s32 s6, s10  }
0x29: {  	[hbm4b:s21+s2] =	stream.linear.scatter [tilespmem:s19], [sflag:$0x5], $0x4000, $0x38;
	[tilespmem:$0x11000] =	vst v63  }
0x2a: {  	_ =	swait.ge [sflag:s25], $0x4000  }
0x2b: {  	[sflag:s25] =	ssyncset.done $0x0  }
0x2c: {  	[sflag:s25] =	ssyncadd.s32 $0xFFFFC000  }
0x2d: {  	_ =	swait.ge [sflag:s26], $0x4000  }
0x2e: {  	s0 =	sor.u32 $0x800, s10;
	[sflag:s26] =	ssyncset.done $0x0  }
0x2f: {  	s7 =	sadd.s32 s5, s0;
	[sflag:s26] =	ssyncadd.s32 $0xFFFFC000  }
0x30: {  	[hbm4b:s7+s2] =	stream.linear.scatter [tilespmem:s20], [sflag:$0x6], $0x4000, $0x38;
	[tilespmem:$0x11000] =	vst v63  }
0x31: {  	s0 =	sadd.s32 s6, s0  }
0x32: {  	[hbm4b:s0+s2] =	stream.linear.scatter [tilespmem:s22], [sflag:$0x6], $0x4000, $0x38;
	[tilespmem:$0x11000] =	vst v63  }
0x33: {  	_ =	swait.ge [sflag:s28], $0x4000  }
0x34: {  	[sflag:s28] =	ssyncset.done $0x0  }
0x35: {  	[sflag:s28] =	ssyncadd.s32 $0xFFFFC000  }
0x36: {  	_ =	swait.ge [sflag:s28], $0x4000  }
0x37: {  	[sflag:s28] =	ssyncset.done $0x0  }
0x38: {  	s9 =	simm.s32 $0x100;
	[sflag:s28] =	ssyncadd.s32 $0xFFFFC000  }
0x39: {  	[tilespmem:s18], [sflag:$0x1] =	stream.indirect.gather [hbm4b:s3+s17], $0x80, s9, s17, $0xb8;
	[tilespmem:$0x11000] =	vst v63  }
0x3a: {  	s10 =	simm.s32 $0x900  }
0x3b: {  	[tilespmem:s19], [sflag:$0x2] =	stream.indirect.gather [hbm4b:s4+s17], $0x80, s10, s17, $0xb8;
	[tilespmem:$0x11000] =	vst v63  }
0x3c: {  	_ =	swait.ge [sflag:s29], $0x4000  }
0x3d: {  	[sflag:s29] =	ssyncset.done $0x0  }
0x3e: {  	[sflag:s29] =	ssyncadd.s32 $0xFFFFC000  }
0x3f: {  	_ =	swait.ge [sflag:s29], $0x4000  }
0x40: {  	[sflag:s29] =	ssyncset.done $0x0  }
0x41: {  	s31 =	simm.s32 $0x980;
	s21 =	simm.s32 $0x180;
	[sflag:s29] =	ssyncadd.s32 $0xFFFFC000  }
0x42: {  	[tilespmem:s20], [sflag:$0x3] =	stream.indirect.gather [hbm4b:s3+s17], $0x80, s21, s17, $0xb8;
	[tilespmem:$0x11000] =	vst v63  }
0x43: {  	s1 =	simm.s32 $0xA80;
	s0 =	simm.s32 $0x1000;
	s21 =	simm.s32 $0x280  }
.LBB2_2:
0x44: {  	[tilespmem:s22], [sflag:$0x4] =	stream.indirect.gather [hbm4b:s4+s17], $0x80, s31, s17, $0xb8;
	[tilespmem:$0x11000] =	vst v63  }
0x45: {  	s7 =	smov.u32 s0;
	s31 =	smov.u32 s1  }
0x46: {  	p0 =	sne.s32 s0, $0x6000;
	s0 =	sadd.s32 $0x1000, s0;
	_ =	swait.ge [sflag:s23], $0x4000  }
0x47: {  	[sflag:s23] =	ssyncset.done $0x0  }
0x48: {  	[sflag:s23] =	ssyncadd.s32 $0xFFFFC000  }
0x49: {  	_ =	swait.ge [sflag:s24], $0x4000  }
0x4a: {  	s7 =	sor.u32 s8, s7;
	[sflag:s24] =	ssyncset.done $0x0  }
0x4b: {  	s9 =	sadd.s32 s5, s7;
	s10 =	sor.u32 $0x800, s7;
	[sflag:s24] =	ssyncadd.s32 $0xFFFFC000  }
0x4c: {  	[hbm4b:s9+s2] =	stream.linear.scatter [tilespmem:s18], [sflag:$0x5], $0x4000, $0x38;
	[tilespmem:$0x11000] =	vst v63  }
0x4d: {  	s7 =	sadd.s32 s6, s7  }
0x4e: {  	[hbm4b:s7+s2] =	stream.linear.scatter [tilespmem:s19], [sflag:$0x5], $0x4000, $0x38;
	[tilespmem:$0x11000] =	vst v63  }
0x4f: {  	_ =	swait.ge [sflag:s25], $0x4000  }
0x50: {  	[sflag:s25] =	ssyncset.done $0x0  }
0x51: {  	[sflag:s25] =	ssyncadd.s32 $0xFFFFC000  }
0x52: {  	_ =	swait.ge [sflag:s26], $0x4000  }
0x53: {  	[sflag:s26] =	ssyncset.done $0x0  }
0x54: {  	s7 =	sadd.s32 s5, s10;
	[sflag:s26] =	ssyncadd.s32 $0xFFFFC000  }
0x55: {  	[hbm4b:s7+s2] =	stream.linear.scatter [tilespmem:s20], [sflag:$0x6], $0x4000, $0x38;
	[tilespmem:$0x11000] =	vst v63  }
0x56: {  	s7 =	sadd.s32 s6, s10  }
0x57: {  	[hbm4b:s7+s2] =	stream.linear.scatter [tilespmem:s22], [sflag:$0x6], $0x4000, $0x38;
	[tilespmem:$0x11000] =	vst v63  }
0x58: {  	_ =	swait.ge [sflag:s28], $0x4000  }
0x59: {  	[sflag:s28] =	ssyncset.done $0x0  }
0x5a: {  	[sflag:s28] =	ssyncadd.s32 $0xFFFFC000  }
0x5b: {  	_ =	swait.ge [sflag:s28], $0x4000  }
0x5c: {  	[sflag:s28] =	ssyncset.done $0x0  }
0x5d: {  	s7 =	sadd.s32 $0xFFFFFF80, s21;
	[sflag:s28] =	ssyncadd.s32 $0xFFFFC000  }
0x5e: {  	[tilespmem:s18], [sflag:$0x1] =	stream.indirect.gather [hbm4b:s3+s17], $0x80, s7, s17, $0xb8;
	[tilespmem:$0x11000] =	vst v63  }
0x5f: {  	s7 =	sadd.s32 $0xFFFFFF80, s1  }
0x60: {  	[tilespmem:s19], [sflag:$0x2] =	stream.indirect.gather [hbm4b:s4+s17], $0x80, s7, s17, $0xb8;
	[tilespmem:$0x11000] =	vst v63  }
0x61: {  	_ =	swait.ge [sflag:s29], $0x4000  }
0x62: {  	[sflag:s29] =	ssyncset.done $0x0  }
0x63: {  	[sflag:s29] =	ssyncadd.s32 $0xFFFFC000  }
.Ltmp0:
0x64: {  	_ =	swait.ge [sflag:s29], $0x4000;
	(pc) =	sbr.rel @p0 .LBB2_2-.Ltmp0, $4  }
0x65: {  	[sflag:s29] =	ssyncset.done $0x0  }
0x66: {  	[sflag:s29] =	ssyncadd.s32 $0xFFFFC000  }
0x67: {  	[tilespmem:s20], [sflag:$0x3] =	stream.indirect.gather [hbm4b:s3+s17], $0x80, s21, s17, $0xb8;
	[tilespmem:$0x11000] =	vst v63  }
0x68: {  	s1 =	sadd.s32 $0x100, s1;
	s21 =	sadd.s32 $0x100, s21  }
0x69: {  	[tilespmem:s22], [sflag:$0x4] =	stream.indirect.gather [hbm4b:s4+s17], $0x80, s31, s17, $0xb8;
	[tilespmem:$0x11000] =	vst v63  }
0x6a: {  	_ =	swait.ge [sflag:s23], $0x4000  }
0x6b: {  	[sflag:s23] =	ssyncset.done $0x0  }
0x6c: {  	[sflag:s23] =	ssyncadd.s32 $0xFFFFC000  }
0x6d: {  	_ =	swait.ge [sflag:s24], $0x4000  }
0x6e: {  	[sflag:s24] =	ssyncset.done $0x0  }
0x6f: {  	[sflag:s24] =	ssyncadd.s32 $0xFFFFC000  }
0x70: {  	[hbm4b:s11+s2] =	stream.linear.scatter [tilespmem:s18], [sflag:$0x5], $0x4000, $0x38;
	[tilespmem:$0x11000] =	vst v63  }
0x71: {  	_ = 	snop  }
0x72: {  	[hbm4b:s12+s2] =	stream.linear.scatter [tilespmem:s19], [sflag:$0x5], $0x4000, $0x38;
	[tilespmem:$0x11000] =	vst v63  }
0x73: {  	_ =	swait.ge [sflag:s25], $0x4000  }
0x74: {  	[sflag:s25] =	ssyncset.done $0x0  }
0x75: {  	[sflag:s25] =	ssyncadd.s32 $0xFFFFC000  }
0x76: {  	_ =	swait.ge [sflag:s26], $0x4000  }
0x77: {  	[sflag:s26] =	ssyncset.done $0x0  }
0x78: {  	[sflag:s26] =	ssyncadd.s32 $0xFFFFC000  }
0x79: {  	[hbm4b:s13+s2] =	stream.linear.scatter [tilespmem:s20], [sflag:$0x6], $0x4000, $0x38;
	[tilespmem:$0x11000] =	vst v63  }
0x7a: {  	_ = 	snop  }
0x7b: {  	[hbm4b:s14+s2] =	stream.linear.scatter [tilespmem:s22], [sflag:$0x6], $0x4000, $0x38;
	[tilespmem:$0x11000] =	vst v63  }
0x7c: {  	_ =	swait.ge [sflag:s28], $0x4000  }
0x7d: {  	[sflag:s28] =	ssyncset.done $0x0  }
0x7e: {  	[sflag:s28] =	ssyncadd.s32 $0xFFFFC000  }
0x7f: {  	_ =	swait.ge [sflag:s28], $0x4000  }
0x80: {  	[sflag:s28] =	ssyncset.done $0x0  }
0x81: {  	[sflag:s28] =	ssyncadd.s32 $0xFFFFC000  }
0x82: {  	_ =	swait.ge [sflag:s29], $0x4000  }
0x83: {  	[sflag:s29] =	ssyncset.done $0x0  }
0x84: {  	[sflag:s29] =	ssyncadd.s32 $0xFFFFC000  }
0x85: {  	_ =	swait.ge [sflag:s29], $0x4000  }
0x86: {  	s30 =	sadd.s32 $0x1, s30;
	s0 =	rddreg [dreg:$0x4]  }
0x87: {  	p0 =	sne.s32 s30, s0  }
.Ltmp1:
0x88: {  	_ = 	snop;
	(pc) =	sbr.rel @p0 .LBB2_1-.Ltmp1, $3  }
0x89: {  	_ =	sdelay $0x1  }
0x8a: {  	[sflag:s29] =	ssyncset.done $0x0  }
0x8b: {  	[sflag:s29] =	ssyncadd.s32 $0xFFFFC000  }
0x8c: {  	_ =	sfence.sel $0x180000  }
0x8d: {  	[bflag:$0x0] =	sbarrier.arrive $0xFFFF  }
0x8e: {  	_ =	strace $0x90000050  }
0x8f: {  	s0 =	stileid.u32;
	[bflag:$0x2] =	sbarrier.arrive $0xFFFF  }
0x90: {  	p0 =	sne.s32 s0, $0x0;
	s0 =	rddreg [dreg:$0x1]  }
0x91: {  	s0 =	sadd.s32 @!p0 $0x100000, s0  }
0x92: {  	[sflag:s0] =	ssyncadd.tile.s32 @!p0 $0x1;
	_ =	shalt  }
.Lfunc_end2:
_tile_overlayer_lowered:
.L_overlay_start_2:
0x93: {  	(tag) =	ssettag $0x2  }
0x94: {  	s0 =	rddreg [dreg:$0x0];
	s2 =	stileid.u32  }
0x95: {  	s1 =	rddreg [dreg:$0x1];
	p0 =	sne.s32 s2, $0x0  }
0x96: {  	s3 =	rddreg [dreg:$0x2];
	[bflag:$0x3] =	sbarrier.arrive $0xFFFF;
	s2 =	simm.s32 @!p0 $0x1C07  }
0x97: {  	[timem:s3], [sflag:s2] =	dma.local @!p0 [hbm:s0], s1  }
0x98: {  	s0 =	simm.s32 @!p0 $0x7  }
0x99: {  	_ =	swait.ge @!p0 [sflag:s0], s1  }
0x9a: {  	s1 =	ssub.s32 @!p0 $0x0, s1;
	[sflag:s0] =	ssyncset.done @!p0 $0x0  }
0x9b: {  	[sflag:s0] =	ssyncadd.s32 @!p0 s1  }
0x9c: {  	[bflag:$0x3] =	sbarrier.arrive $0xFFFF  }
0x9d: {  	_ =	shalt  }

// kernel: kernel.27.cloned.1.call-start
scs
__scs_entry_jumppad:
0x0: {  	(pc) =	sbr.rel $0x88, $3  }
0x1: {  	(tag) =	ssettag $0x0;
	lr =	simm.s32 $0x1  }
0x2: {  	[smem:$0x3F92] =	sst lr;
	_ =	strace $0xD0000000  }
0x3: {  	_ = 	snop  }
0x4: {  	_ = 	snop  }
0x5: {  	_ = 	snop  }
0x6: {  	_ = 	snop  }
0x7: {  	_ = 	snop  }
__scs_overlays_trampoline_lowered:
0x8: {  	[smem:$0x3FA1] =	sst s0  }
0x9: {  	[smem:$0x3FA2] =	sst s1  }
0xa: {  	[smem:$0x3FA3] =	sst s2  }
0xb: {  	[smem:$0x3FA4] =	sst s3  }
0xc: {  	[smem:$0x3FA5] =	sst s4  }
0xd: {  	[smem:$0x3FA6] =	sst s5  }
0xe: {  	[smem:$0x3FA7] =	sst s6  }
0xf: {  	[smem:$0x3FA8] =	sst s7  }
0x10: {  	[smem:$0x3FA9] =	sst s8  }
0x11: {  	[smem:$0x3FAA] =	sst s9;
	s0 =	simm.s32 @!p0 $0x0  }
0x12: {  	s1 =	sld [smem:$0x3F90];
	s0 =	simm.s32 @p0 $0x1  }
0x13: {  	[smem:$0x3FAB] =	sst s0;
	s0 =	simm.s32 @!p1 $0x0  }
0x14: {  	s2 =	sld [smem:$0x3F8F];
	s0 =	simm.s32 @p1 $0x1  }
0x15: {  	[smem:$0x3FAC] =	sst s0;
	s0 =	simm.s32 @!p2 $0x0  }
0x16: {  	s3 =	sld [smem:$0x3FDB];
	s0 =	simm.s32 @p2 $0x1  }
0x17: {  	s4 =	simm.s32 $0x1BF5;
	[smem:$0x3FAE] =	sst s0  }
0x18: {  	s0 =	sld [smem:$0x3F91];
	_ =	swait.ge [sflag:s4], $0x0  }
0x19: {  	s7 =	sld [smem:$0x3F92]  }
0x1a: {  	s8 =	sadd.s32 $0xFFFFE003, lr  }
0x1b: {  	s9 =	sadd.s32 $0xFFFFFEF7, lr;
	s5 =	simm.s32 $0xFFFFFFFF;
	p2 =	slt.u32 s8, $0xFFFFF086  }
0x1c: {  	p1 =	slt.u32 s9, $0xF7A;
	s5 =	simm.s32 @!p2 $0x0  }
0x1d: {  	s5 =	simm.s32 @p1 $0x1;
	p0 =	seq.s32 s7, s2  }
0x1e: {  	s7 =	smul.u32 @!p0 $0xF7A, s2;
	p2 =	seq.s32 @!p0 s5, $0x0  }
0x1f: {  	s9 =	smul.u32 $0xF7A, s1;
	s8 =	simm.s32 @!p0 $0x1BF5;
	p2 =	por !p2, p0  }
0x20: {  	[sflag:s8] =	ssyncset.s32 @!p0 $0xFFFFF086;
	s6 =	sadd.s32 @!p0 s3, s7;
	s7 =	simm.s32 @!p0 $0x108  }
0x21: {  	s3 =	sadd.s32 s3, s9;
	s6 =	sadd.s32 @!p0 $0x88, s6;
	s7 =	simm.s32 @p2 $0x1082  }
0x22: {  	[simem:s7], [sflag:s8] =	dma.local @!p0 [hbm:s6], $0xF7A  }
0x23: {  	s9 =	sor.u32 $0xD0000000, s2;
	s6 =	simm.s32 $0x108;
	_ =	swait.ge @!p0 [sflag:s8], $0x0  }
0x24: {  	s3 =	sadd.s32 $0x88, s3;
	s6 =	simm.s32 @!p1 $0x1082;
	[sflag:s4] =	ssyncset.s32 $0xFFFFF086  }
0x25: {  	[simem:s6], [sflag:s4] =	dma.local [hbm:s3], $0xF7A  }
0x26: {  	[smem:$0x3F92] =	sst s1;
	(tag) =	ssettag s2;
	_ =	strace s9  }
0x27: {  	s1 =	sld [smem:$0x3FA2]  }
0x28: {  	s2 =	sld [smem:$0x3FA3]  }
0x29: {  	s4 =	sld [smem:$0x3FA5]  }
0x2a: {  	p0 =	seq.s32 s5, $0x0;
	s5 =	sld [smem:$0x3FA6]  }
0x2b: {  	s6 =	sld [smem:$0x3FA7]  }
0x2c: {  	s7 =	sld [smem:$0x3FA8]  }
0x2d: {  	s3 =	simm.s32 $0x108;
	s8 =	sld [smem:$0x3FA9]  }
0x2e: {  	s3 =	simm.s32 @!p0 $0x1082;
	s9 =	sld [smem:$0x3FAA]  }
0x2f: {  	lr =	sadd.s32 s0, s3;
	s0 =	sld [smem:$0x3FA1]  }
0x30: {  	s3 =	sld [smem:$0x3FA4]  }
0x31: {  	[smem:$0x3FAD] =	sst s10  }
0x32: {  	s10 =	sld [smem:$0x3FAB];
	_ =	sdelay $0x3  }
0x33: {  	p0 =	seq.s32 s10, $0x1;
	s10 =	sld [smem:$0x3FAD];
	_ =	sdelay $0x3  }
0x34: {  	[smem:$0x3FAD] =	sst s10  }
0x35: {  	s10 =	sld [smem:$0x3FAC];
	_ =	sdelay $0x3  }
0x36: {  	p1 =	seq.s32 s10, $0x1;
	s10 =	sld [smem:$0x3FAD];
	_ =	sdelay $0x3  }
0x37: {  	[smem:$0x3FAD] =	sst s10  }
0x38: {  	s10 =	sld [smem:$0x3FAE]  }
0x39: {  	_ = 	snop;
	(pc) =	sbr.ind lr, $3  }
0x3a: {  	_ = 	snop  }
0x3b: {  	_ = 	snop  }
0x3c: {  	p2 =	seq.s32 s10, $0x1;
	s10 =	sld [smem:$0x3FAD]  }
0x3d: {  	_ =	shalt  }
0x3e: {  	_ =	shalt  }
0x3f: {  	_ =	shalt  }
0x40: {  	_ =	shalt  }
0x41: {  	_ =	shalt  }
0x42: {  	_ =	shalt  }
0x43: {  	_ =	shalt  }
0x44: {  	_ =	shalt  }
0x45: {  	_ =	shalt  }
0x46: {  	_ =	shalt  }
0x47: {  	_ =	shalt  }
0x48: {  	_ =	shalt  }
0x49: {  	_ =	shalt  }
0x4a: {  	_ =	shalt  }
0x4b: {  	_ =	shalt  }
0x4c: {  	_ =	shalt  }
0x4d: {  	_ =	shalt  }
0x4e: {  	_ =	shalt  }
0x4f: {  	_ =	shalt  }
0x50: {  	_ =	shalt  }
0x51: {  	_ =	shalt  }
0x52: {  	_ =	shalt  }
0x53: {  	_ =	shalt  }
0x54: {  	_ =	shalt  }
0x55: {  	_ =	shalt  }
0x56: {  	_ =	shalt  }
0x57: {  	_ =	shalt  }
0x58: {  	_ =	shalt  }
0x59: {  	_ =	shalt  }
0x5a: {  	_ =	shalt  }
0x5b: {  	_ =	shalt  }
0x5c: {  	_ =	shalt  }
0x5d: {  	_ =	shalt  }
0x5e: {  	_ =	shalt  }
0x5f: {  	_ =	shalt  }
0x60: {  	_ =	shalt  }
0x61: {  	_ =	shalt  }
0x62: {  	_ =	shalt  }
0x63: {  	_ =	shalt  }
0x64: {  	_ =	shalt  }
0x65: {  	_ =	shalt  }
0x66: {  	_ =	shalt  }
0x67: {  	_ =	shalt  }
0x68: {  	_ =	shalt  }
0x69: {  	_ =	shalt  }
0x6a: {  	_ =	shalt  }
0x6b: {  	_ =	shalt  }
0x6c: {  	_ =	shalt  }
0x6d: {  	_ =	shalt  }
0x6e: {  	_ =	shalt  }
0x6f: {  	_ =	shalt  }
0x70: {  	_ =	shalt  }
0x71: {  	_ =	shalt  }
0x72: {  	_ =	shalt  }
0x73: {  	_ =	shalt  }
0x74: {  	_ =	shalt  }
0x75: {  	_ =	shalt  }
0x76: {  	_ =	shalt  }
0x77: {  	_ =	shalt  }
0x78: {  	_ =	shalt  }
0x79: {  	_ =	shalt  }
0x7a: {  	_ =	shalt  }
0x7b: {  	_ =	shalt  }
0x7c: {  	_ =	shalt  }
0x7d: {  	_ =	shalt  }
0x7e: {  	_ =	shalt  }
0x7f: {  	_ =	shalt  }
0x80: {  	_ =	shalt  }
0x81: {  	_ =	shalt  }
0x82: {  	_ =	shalt  }
0x83: {  	_ =	shalt  }
0x84: {  	_ =	shalt  }
0x85: {  	_ =	shalt  }
0x86: {  	_ =	shalt  }
0x87: {  	_ =	shalt  }
.Lfunc_end0:
.L_simem_size_0:
called_computation.4_lowered:
.L_overlay_start_0:
0x88: {  	s2 =	sld [smem:$0x3FD9]  }
0x89: {  	s3 =	sld [smem:$0x3FFE];
	_ =	sdelay $0x1  }
0x8a: {  	s1 =	srdreg.scid  }
0x8b: {  	s0 =	sand.u32 $0x1, s1  }
0x8c: {  	s17 =	sshll.u32 s0, $0xA;
	s2 =	sadd.s32 s3, s2  }
0x8d: {  	s2 =	sadd.s32 s2, s17  }
0x8e: {  	[smem:$0x3FB9] =	sst s2  }
0x8f: {  	_ = 	snop  }
0x90: {  	(tm) =	ssettm $0x1  }
0x91: {  	s18 =	sld [smem:$0x3FFB];
	_ =	sdelay $0x3  }
0x92: {  	_ =	strace s18  }
0x93: {  	s2 =	sld [smem:$0x3FFC];
	_ =	sdelay $0x3  }
0x94: {  	_ =	strace s2  }
0x95: {  	s2 =	sld [smem:$0x3FFD];
	_ =	sdelay $0x3  }
0x96: {  	_ =	strace s2  }
0x97: {  	_ =	strace $0x8FFFFFFF  }
0x98: {  	s19 =	sld [smem:$0x3FDB];
	_ =	sdelay $0x1  }
0x99: {  	s20 =	simm.s32 $_scs_section_size  }
0x9a: {  	s4 =	simm.s32 $_size__tile_overlayer_lowered;
	s5 =	simm.s32 $_tile_overlayer_lowered  }
0x9b: {  	s6 =	simm.s32 $0x1BFF;
	s21 =	sshll.u32 s5, $0x1;
	s3 =	sadd.s32 s20, s19  }
0x9c: {  	s22 =	simm.s32 $0x0;
	s4 =	sshll.u32 s4, $0x1;
	s5 =	sadd.s32 s21, s3  }
0x9d: {  	[timem:s22], [sflag:s6] =	dma.local [hbm:s5], s4  }
0x9e: {  	_ =	swait.ge [sflag:s6], s4  }
0x9f: {  	s4 =	ssub.s32 $0x0, s4;
	[sflag:s6] =	ssyncset.done $0x0  }
0xa0: {  	[sflag:s6] =	ssyncadd.s32 s4;
	_ =	sdelay $0x1  }
0xa1: {  	s23 =	simm.s32 $0x1B8B  }
0xa2: {  	_ =	swait.ge [sflag:s23], $0x1  }
0xa3: {  	[sflag:s23] =	ssyncset.done $0x0  }
0xa4: {  	[sflag:s23] =	ssyncadd.s32 $0xFFFFFFFF  }
0xa5: {  	s4 =	sld [smem:$0x0]  }
0xa6: {  	s5 =	sand.u32 $0xFFFFFFFE, s1  }
0xa7: {  	p0 =	sne.s32 s1, s5  }
0xa8: {  	s5 =	sshll.u32 @p0 s5, $0xE  }
0xa9: {  	s5 =	sadd.s32 @p0 $0x11B8D, s5;
	s6 =	sshll.u32 @p0 s4, $0x11  }
0xaa: {  	s5 =	sor.u32 @p0 s6, s5  }
0xab: {  	[sflag:s5] =	ssyncadd.remote.s32 @p0 $0x1;
	_ =	sdelay $0x1  }
0xac: {  	s5 =	simm.s32 @p0 $0x1B8D  }
0xad: {  	_ =	swait.eq @p0 [sflag:s5], $0x1  }
0xae: {  	[sflag:s5] =	ssyncadd.s32 @p0 $0xFFFFFFFF  }
0xaf: {  	s6 =	sshll.u32 @!p0 s1, $0xE  }
0xb0: {  	s6 =	sor.u32 @!p0 $0x4000, s6;
	s5 =	simm.s32 @!p0 $0x1B8D  }
0xb1: {  	s4 =	sshll.u32 @!p0 s4, $0x11;
	s6 =	sadd.s32 @!p0 $0x11B8D, s6;
	_ =	swait.eq @!p0 [sflag:s5], $0x1  }
0xb2: {  	s4 =	sor.u32 @!p0 s4, s6;
	[sflag:s5] =	ssyncadd.s32 @!p0 $0xFFFFFFFF  }
0xb3: {  	s25 =	simm.s32 $0x1B8E;
	s24 =	sld [smem:$0x3FFE];
	[sflag:s4] =	ssyncadd.remote.s32 @!p0 $0x1  }
0xb4: {  	s26 =	simm.s32 $execute0_lowered;
	[smem:$0x3FD2] =	sst s25  }
0xb5: {  	s5 =	sshll.u32 s26, $0x1;
	_ =	strace $0x80000052;
	[dreg:$0x1] =	wrdreg $0xFFFFFFFF  }
0xb6: {  	s28 =	simm.s32 $_size_execute0_lowered;
	s3 =	sadd.s32 s3, s5;
	[dreg:$0x0] =	wrdreg $0x0  }
0xb7: {  	s5 =	sshll.u32 s28, $0x1;
	[dreg:$0x2] =	wrdreg s3  }
0xb8: {  	[dreg:$0x3] =	wrdreg s5  }
0xb9: {  	[dreg:$0x4] =	wrdreg $0xC0  }
0xba: {  	_ =	task [dreg:s22], $0x5FFFF  }
0xbb: {  	[dreg:$0x1] =	wrdreg $0xFFFFFFFF  }
0xbc: {  	[dreg:$0x0] =	wrdreg $0x60  }
0xbd: {  	[dreg:$0x2] =	wrdreg s24  }
0xbe: {  	[dreg:$0x3] =	wrdreg $0xD  }
0xbf: {  	_ =	task.clear_ibuf [dreg:s22], $0x4FFFF;
	_ =	strace $0x90000052  }
0xc0: {  	s29 =	simm.s32 $0xD;
	_ =	strace $0x80000054  }
0xc1: {  	_ =	swait.ge [sflag:s29], $0x1  }
0xc2: {  	[sflag:s29] =	ssyncadd.s32 $0xFFFFFFFF  }
0xc3: {  	_ =	strace $0x90000054  }
0xc4: {  	_ =	sfence  }
0xc5: {  	s30 =	sld [smem:$0x0];
	_ =	sdelay $0x2  }
0xc6: {  	s31 =	sshll.u32 s1, $0xD;
	s1 =	sshrl.u32 s1, $0x2  }
0xc7: {  	s4 =	sand.u32 $0x4000, s31;
	s1 =	sadd.s32 s1, s30  }
0xc8: {  	s0 =	sor.u32 s4, s0;
	s1 =	sshll.u32 s1, $0x11  }
0xc9: {  	s0 =	sor.u32 s1, s0  }
0xca: {  	s0 =	sadd.s32 $0x8F2B, s0  }
0xcb: {  	[sflag:s0] =	ssyncadd.remote.s32 $0x1  }
0xcc: {  	_ =	sfence.sel $0xFFFF  }
0xcd: {  	[dreg:$0x0] =	wrdreg $0xFFFFFFFF;
	(pc) =	sbr.abs _section_cstart, $3  }
0xce: {  	[dreg:$0x1] =	wrdreg $0xFFFFFFFF  }
0xcf: {  	_ =	task.clear_ibuf [dreg:s22], $0x2FFFF;
	_ =	strace $0x9FFFFFFF  }
0xd0: {  	(tm) =	ssettm $0x7FFFFFFF  }
0xd1: {  	_ =	shalt  }
tec
execute0_lowered:
.L_overlay_start_1:
0x0: {  	(tag) =	ssettag $0x1  }
0x1: {  	s0 =	rddreg [dreg:$0x0]  }
0x2: {  	s1 =	srdreg.scid;
	s3 =	stileid.u32;
	s2 =	simm.s32 $0x0  }
0x3: {  	s15 =	simm.s32 $0x7;
	s16 =	simm.s32 $0x800;
	s17 =	simm.s32 $0x80  }
0x4: {  	s18 =	simm.s32 $0x1000;
	s19 =	simm.s32 $0x5000;
	s20 =	simm.s32 $0x9000  }
0x5: {  	s22 =	simm.s32 $0xD000;
	s23 =	simm.s32 $0x1;
	s28 =	simm.s32 $0x5  }
0x6: {  	s29 =	simm.s32 $0x6;
	s30 =	simm.s32 $0x0;
	s1 =	sand.u32 $0x1, s1  }
0x7: {  	s3 =	sshll.u32 s3, $0x5;
	[smem:$0x7FF] =	sst s2;
	s6 =	sadd.s32 $0x9BB200, s0  }
0x8: {  	s4 =	sshll.u32 s1, $0x4;
	_ =	strace $0x80000053;
	s24 =	ssub.s32 $0x2, s1  }
0x9: {  	s8 =	sor.u32 s4, s3;
	s3 =	sadd.s32 $0x5B200, s0;
	s4 =	sadd.s32 $0x83200, s0  }
0xa: {  	s1 =	sshrl.u32 s24, $0x1;
	s5 =	sshll.u32 s8, $0x4;
	s8 =	sshll.u32 s8, $0xB  }
0xb: {  	s9 =	sadd.s32 s5, s0;
	s5 =	sadd.s32 $0x8BB200, s0;
	s0 =	ssub.s32 s24, s1  }
0xc: {  	s26 =	sor.u32 $0x7000, s8;
	s31 =	sor.u32 $0x7800, s8;
	s24 =	simm.s32 $0x2  }
0xd: {  	s7 =	sadd.s32 $0x2B9200, s9;
	s25 =	sadd.s32 $0x2B7200, s9;
	s0 =	smax.u32 s0, $0x1  }
0xe: {  	s11 =	sadd.s32 s5, s26;
	s12 =	sadd.s32 s6, s26;
	[dreg:$0x2] =	wrdreg s7  }
0xf: {  	s13 =	sadd.s32 s5, s31;
	s14 =	sadd.s32 s6, s31;
	[dreg:$0x3] =	wrdreg s25  }
0x10: {  	s26 =	simm.s32 $0x4;
	[dreg:$0x4] =	wrdreg s0;
	s25 =	simm.s32 $0x3  }
.LBB2_1:
0x11: {  	s0 =	rddreg [dreg:$0x2]  }
0x12: {  	[tilespmem:s2], [sflag:$0x7] =	stream.linear.gather [hbm4b:s0+s2], $0x800, $0x38;
	[tilespmem:$0x11000] =	vst v63  }
0x13: {  	_ =	swait.ge [sflag:s15], $0x800  }
0x14: {  	[sflag:s15] =	ssyncset.done $0x0  }
0x15: {  	s7 =	rddreg [dreg:$0x3];
	[sflag:s15] =	ssyncadd.s32 $0xFFFFF800  }
0x16: {  	[tilespmem:s16], [sflag:$0x7] =	stream.linear.gather [hbm4b:s7+s2], $0x800, $0x38;
	[tilespmem:$0x11000] =	vst v63  }
0x17: {  	_ =	swait.ge [sflag:s15], $0x800  }
0x18: {  	[sflag:s15] =	ssyncset.done $0x0  }
0x19: {  	[sflag:s15] =	ssyncadd.s32 $0xFFFFF800  }
0x1a: {  	[tilespmem:s18], [sflag:$0x1] =	stream.indirect.gather [hbm4b:s3+s17], $0x80, s2, s17, $0xb8;
	[tilespmem:$0x11000] =	vst v63  }
0x1b: {  	_ = 	snop  }
0x1c: {  	[tilespmem:s19], [sflag:$0x2] =	stream.indirect.gather [hbm4b:s4+s17], $0x80, s16, s17, $0xb8;
	[tilespmem:$0x11000] =	vst v63  }
0x1d: {  	_ = 	snop  }
0x1e: {  	[tilespmem:s20], [sflag:$0x3] =	stream.indirect.gather [hbm4b:s3+s17], $0x80, s17, s17, $0xb8;
	[tilespmem:$0x11000] =	vst v63  }
0x1f: {  	s9 =	simm.s32 $0x880  }
0x20: {  	[tilespmem:s22], [sflag:$0x4] =	stream.indirect.gather [hbm4b:s4+s17], $0x80, s9, s17, $0xb8;
	[tilespmem:$0x11000] =	vst v63  }
0x21: {  	_ =	swait.ge [sflag:s23], $0x4000  }
0x22: {  	[sflag:s23] =	ssyncset.done $0x0  }
0x23: {  	[sflag:s23] =	ssyncadd.s32 $0xFFFFC000  }
0x24: {  	_ =	swait.ge [sflag:s24], $0x4000  }
0x25: {  	s10 =	sor.u32 s8, s2;
	[sflag:s24] =	ssyncset.done $0x0  }
0x26: {  	s1 =	sadd.s32 s5, s10;
	[sflag:s24] =	ssyncadd.s32 $0xFFFFC000  }
0x27: {  	[hbm4b:s1+s2] =	stream.linear.scatter [tilespmem:s18], [sflag:$0x5], $0x4000, $0x38;
	[tilespmem:$0x11000] =	vst v63  }
0x28: {  	s21 =	sadd.s32 s6, s10  }
0x29: {  	[hbm4b:s21+s2] =	stream.linear.scatter [tilespmem:s19], [sflag:$0x5], $0x4000, $0x38;
	[tilespmem:$0x11000] =	vst v63  }
0x2a: {  	_ =	swait.ge [sflag:s25], $0x4000  }
0x2b: {  	[sflag:s25] =	ssyncset.done $0x0  }
0x2c: {  	[sflag:s25] =	ssyncadd.s32 $0xFFFFC000  }
0x2d: {  	_ =	swait.ge [sflag:s26], $0x4000  }
0x2e: {  	s0 =	sor.u32 $0x800, s10;
	[sflag:s26] =	ssyncset.done $0x0  }
0x2f: {  	s7 =	sadd.s32 s5, s0;
	[sflag:s26] =	ssyncadd.s32 $0xFFFFC000  }
0x30: {  	[hbm4b:s7+s2] =	stream.linear.scatter [tilespmem:s20], [sflag:$0x6], $0x4000, $0x38;
	[tilespmem:$0x11000] =	vst v63  }
0x31: {  	s0 =	sadd.s32 s6, s0  }
0x32: {  	[hbm4b:s0+s2] =	stream.linear.scatter [tilespmem:s22], [sflag:$0x6], $0x4000, $0x38;
	[tilespmem:$0x11000] =	vst v63  }
0x33: {  	_ =	swait.ge [sflag:s28], $0x4000  }
0x34: {  	[sflag:s28] =	ssyncset.done $0x0  }
0x35: {  	[sflag:s28] =	ssyncadd.s32 $0xFFFFC000  }
0x36: {  	_ =	swait.ge [sflag:s28], $0x4000  }
0x37: {  	[sflag:s28] =	ssyncset.done $0x0  }
0x38: {  	s9 =	simm.s32 $0x100;
	[sflag:s28] =	ssyncadd.s32 $0xFFFFC000  }
0x39: {  	[tilespmem:s18], [sflag:$0x1] =	stream.indirect.gather [hbm4b:s3+s17], $0x80, s9, s17, $0xb8;
	[tilespmem:$0x11000] =	vst v63  }
0x3a: {  	s10 =	simm.s32 $0x900  }
0x3b: {  	[tilespmem:s19], [sflag:$0x2] =	stream.indirect.gather [hbm4b:s4+s17], $0x80, s10, s17, $0xb8;
	[tilespmem:$0x11000] =	vst v63  }
0x3c: {  	_ =	swait.ge [sflag:s29], $0x4000  }
0x3d: {  	[sflag:s29] =	ssyncset.done $0x0  }
0x3e: {  	[sflag:s29] =	ssyncadd.s32 $0xFFFFC000  }
0x3f: {  	_ =	swait.ge [sflag:s29], $0x4000  }
0x40: {  	[sflag:s29] =	ssyncset.done $0x0  }
0x41: {  	s31 =	simm.s32 $0x980;
	s21 =	simm.s32 $0x180;
	[sflag:s29] =	ssyncadd.s32 $0xFFFFC000  }
0x42: {  	[tilespmem:s20], [sflag:$0x3] =	stream.indirect.gather [hbm4b:s3+s17], $0x80, s21, s17, $0xb8;
	[tilespmem:$0x11000] =	vst v63  }
0x43: {  	s1 =	simm.s32 $0xA80;
	s0 =	simm.s32 $0x1000;
	s21 =	simm.s32 $0x280  }
.LBB2_2:
0x44: {  	[tilespmem:s22], [sflag:$0x4] =	stream.indirect.gather [hbm4b:s4+s17], $0x80, s31, s17, $0xb8;
	[tilespmem:$0x11000] =	vst v63  }
0x45: {  	s7 =	smov.u32 s0;
	s31 =	smov.u32 s1  }
0x46: {  	p0 =	sne.s32 s0, $0x6000;
	s0 =	sadd.s32 $0x1000, s0;
	_ =	swait.ge [sflag:s23], $0x4000  }
0x47: {  	[sflag:s23] =	ssyncset.done $0x0  }
0x48: {  	[sflag:s23] =	ssyncadd.s32 $0xFFFFC000  }
0x49: {  	_ =	swait.ge [sflag:s24], $0x4000  }
0x4a: {  	s7 =	sor.u32 s8, s7;
	[sflag:s24] =	ssyncset.done $0x0  }
0x4b: {  	s9 =	sadd.s32 s5, s7;
	s10 =	sor.u32 $0x800, s7;
	[sflag:s24] =	ssyncadd.s32 $0xFFFFC000  }
0x4c: {  	[hbm4b:s9+s2] =	stream.linear.scatter [tilespmem:s18], [sflag:$0x5], $0x4000, $0x38;
	[tilespmem:$0x11000] =	vst v63  }
0x4d: {  	s7 =	sadd.s32 s6, s7  }
0x4e: {  	[hbm4b:s7+s2] =	stream.linear.scatter [tilespmem:s19], [sflag:$0x5], $0x4000, $0x38;
	[tilespmem:$0x11000] =	vst v63  }
0x4f: {  	_ =	swait.ge [sflag:s25], $0x4000  }
0x50: {  	[sflag:s25] =	ssyncset.done $0x0  }
0x51: {  	[sflag:s25] =	ssyncadd.s32 $0xFFFFC000  }
0x52: {  	_ =	swait.ge [sflag:s26], $0x4000  }
0x53: {  	[sflag:s26] =	ssyncset.done $0x0  }
0x54: {  	s7 =	sadd.s32 s5, s10;
	[sflag:s26] =	ssyncadd.s32 $0xFFFFC000  }
0x55: {  	[hbm4b:s7+s2] =	stream.linear.scatter [tilespmem:s20], [sflag:$0x6], $0x4000, $0x38;
	[tilespmem:$0x11000] =	vst v63  }
0x56: {  	s7 =	sadd.s32 s6, s10  }
0x57: {  	[hbm4b:s7+s2] =	stream.linear.scatter [tilespmem:s22], [sflag:$0x6], $0x4000, $0x38;
	[tilespmem:$0x11000] =	vst v63  }
0x58: {  	_ =	swait.ge [sflag:s28], $0x4000  }
0x59: {  	[sflag:s28] =	ssyncset.done $0x0  }
0x5a: {  	[sflag:s28] =	ssyncadd.s32 $0xFFFFC000  }
0x5b: {  	_ =	swait.ge [sflag:s28], $0x4000  }
0x5c: {  	[sflag:s28] =	ssyncset.done $0x0  }
0x5d: {  	s7 =	sadd.s32 $0xFFFFFF80, s21;
	[sflag:s28] =	ssyncadd.s32 $0xFFFFC000  }
0x5e: {  	[tilespmem:s18], [sflag:$0x1] =	stream.indirect.gather [hbm4b:s3+s17], $0x80, s7, s17, $0xb8;
	[tilespmem:$0x11000] =	vst v63  }
0x5f: {  	s7 =	sadd.s32 $0xFFFFFF80, s1  }
0x60: {  	[tilespmem:s19], [sflag:$0x2] =	stream.indirect.gather [hbm4b:s4+s17], $0x80, s7, s17, $0xb8;
	[tilespmem:$0x11000] =	vst v63  }
0x61: {  	_ =	swait.ge [sflag:s29], $0x4000  }
0x62: {  	[sflag:s29] =	ssyncset.done $0x0  }
0x63: {  	[sflag:s29] =	ssyncadd.s32 $0xFFFFC000  }
.Ltmp0:
0x64: {  	_ =	swait.ge [sflag:s29], $0x4000;
	(pc) =	sbr.rel @p0 .LBB2_2-.Ltmp0, $4  }
0x65: {  	[sflag:s29] =	ssyncset.done $0x0  }
0x66: {  	[sflag:s29] =	ssyncadd.s32 $0xFFFFC000  }
0x67: {  	[tilespmem:s20], [sflag:$0x3] =	stream.indirect.gather [hbm4b:s3+s17], $0x80, s21, s17, $0xb8;
	[tilespmem:$0x11000] =	vst v63  }
0x68: {  	s1 =	sadd.s32 $0x100, s1;
	s21 =	sadd.s32 $0x100, s21  }
0x69: {  	[tilespmem:s22], [sflag:$0x4] =	stream.indirect.gather [hbm4b:s4+s17], $0x80, s31, s17, $0xb8;
	[tilespmem:$0x11000] =	vst v63  }
0x6a: {  	_ =	swait.ge [sflag:s23], $0x4000  }
0x6b: {  	[sflag:s23] =	ssyncset.done $0x0  }
0x6c: {  	[sflag:s23] =	ssyncadd.s32 $0xFFFFC000  }
0x6d: {  	_ =	swait.ge [sflag:s24], $0x4000  }
0x6e: {  	[sflag:s24] =	ssyncset.done $0x0  }
0x6f: {  	[sflag:s24] =	ssyncadd.s32 $0xFFFFC000  }
0x70: {  	[hbm4b:s11+s2] =	stream.linear.scatter [tilespmem:s18], [sflag:$0x5], $0x4000, $0x38;
	[tilespmem:$0x11000] =	vst v63  }
0x71: {  	_ = 	snop  }
0x72: {  	[hbm4b:s12+s2] =	stream.linear.scatter [tilespmem:s19], [sflag:$0x5], $0x4000, $0x38;
	[tilespmem:$0x11000] =	vst v63  }
0x73: {  	_ =	swait.ge [sflag:s25], $0x4000  }
0x74: {  	[sflag:s25] =	ssyncset.done $0x0  }
0x75: {  	[sflag:s25] =	ssyncadd.s32 $0xFFFFC000  }
0x76: {  	_ =	swait.ge [sflag:s26], $0x4000  }
0x77: {  	[sflag:s26] =	ssyncset.done $0x0  }
0x78: {  	[sflag:s26] =	ssyncadd.s32 $0xFFFFC000  }
0x79: {  	[hbm4b:s13+s2] =	stream.linear.scatter [tilespmem:s20], [sflag:$0x6], $0x4000, $0x38;
	[tilespmem:$0x11000] =	vst v63  }
0x7a: {  	_ = 	snop  }
0x7b: {  	[hbm4b:s14+s2] =	stream.linear.scatter [tilespmem:s22], [sflag:$0x6], $0x4000, $0x38;
	[tilespmem:$0x11000] =	vst v63  }
0x7c: {  	_ =	swait.ge [sflag:s28], $0x4000  }
0x7d: {  	[sflag:s28] =	ssyncset.done $0x0  }
0x7e: {  	[sflag:s28] =	ssyncadd.s32 $0xFFFFC000  }
0x7f: {  	_ =	swait.ge [sflag:s28], $0x4000  }
0x80: {  	[sflag:s28] =	ssyncset.done $0x0  }
0x81: {  	[sflag:s28] =	ssyncadd.s32 $0xFFFFC000  }
0x82: {  	_ =	swait.ge [sflag:s29], $0x4000  }
0x83: {  	[sflag:s29] =	ssyncset.done $0x0  }
0x84: {  	[sflag:s29] =	ssyncadd.s32 $0xFFFFC000  }
0x85: {  	_ =	swait.ge [sflag:s29], $0x4000  }
0x86: {  	s30 =	sadd.s32 $0x1, s30;
	s0 =	rddreg [dreg:$0x4]  }
0x87: {  	p0 =	sne.s32 s30, s0  }
.Ltmp1:
0x88: {  	_ = 	snop;
	(pc) =	sbr.rel @p0 .LBB2_1-.Ltmp1, $3  }
0x89: {  	_ =	sdelay $0x1  }
0x8a: {  	[sflag:s29] =	ssyncset.done $0x0  }
0x8b: {  	[sflag:s29] =	ssyncadd.s32 $0xFFFFC000  }
0x8c: {  	_ =	sfence.sel $0x180000  }
0x8d: {  	[bflag:$0x0] =	sbarrier.arrive $0xFFFF  }
0x8e: {  	_ =	strace $0x90000053  }
0x8f: {  	s0 =	stileid.u32;
	[bflag:$0x2] =	sbarrier.arrive $0xFFFF  }
0x90: {  	p0 =	sne.s32 s0, $0x0;
	s0 =	rddreg [dreg:$0x1]  }
0x91: {  	s0 =	sadd.s32 @!p0 $0x100000, s0  }
0x92: {  	[sflag:s0] =	ssyncadd.tile.s32 @!p0 $0x1;
	_ =	shalt  }
.Lfunc_end2:
_tile_overlayer_lowered:
.L_overlay_start_2:
0x93: {  	(tag) =	ssettag $0x2  }
0x94: {  	s0 =	rddreg [dreg:$0x0];
	s2 =	stileid.u32  }
0x95: {  	s1 =	rddreg [dreg:$0x1];
	p0 =	sne.s32 s2, $0x0  }
0x96: {  	s3 =	rddreg [dreg:$0x2];
	[bflag:$0x3] =	sbarrier.arrive $0xFFFF;
	s2 =	simm.s32 @!p0 $0x1C07  }
0x97: {  	[timem:s3], [sflag:s2] =	dma.local @!p0 [hbm:s0], s1  }
0x98: {  	s0 =	simm.s32 @!p0 $0x7  }
0x99: {  	_ =	swait.ge @!p0 [sflag:s0], s1  }
0x9a: {  	s1 =	ssub.s32 @!p0 $0x0, s1;
	[sflag:s0] =	ssyncset.done @!p0 $0x0  }
0x9b: {  	[sflag:s0] =	ssyncadd.s32 @!p0 s1  }
0x9c: {  	[bflag:$0x3] =	sbarrier.arrive $0xFFFF  }
0x9d: {  	_ =	shalt  }

// kernel: kernel.30.cloned.1.call-start
scs
__scs_entry_jumppad:
0x0: {  	(pc) =	sbr.rel $0x88, $3  }
0x1: {  	(tag) =	ssettag $0x0;
	lr =	simm.s32 $0x1  }
0x2: {  	[smem:$0x3F92] =	sst lr;
	_ =	strace $0xD0000000  }
0x3: {  	_ = 	snop  }
0x4: {  	_ = 	snop  }
0x5: {  	_ = 	snop  }
0x6: {  	_ = 	snop  }
0x7: {  	_ = 	snop  }
__scs_overlays_trampoline_lowered:
0x8: {  	[smem:$0x3FA1] =	sst s0  }
0x9: {  	[smem:$0x3FA2] =	sst s1  }
0xa: {  	[smem:$0x3FA3] =	sst s2  }
0xb: {  	[smem:$0x3FA4] =	sst s3  }
0xc: {  	[smem:$0x3FA5] =	sst s4  }
0xd: {  	[smem:$0x3FA6] =	sst s5  }
0xe: {  	[smem:$0x3FA7] =	sst s6  }
0xf: {  	[smem:$0x3FA8] =	sst s7  }
0x10: {  	[smem:$0x3FA9] =	sst s8  }
0x11: {  	[smem:$0x3FAA] =	sst s9;
	s0 =	simm.s32 @!p0 $0x0  }
0x12: {  	s1 =	sld [smem:$0x3F90];
	s0 =	simm.s32 @p0 $0x1  }
0x13: {  	[smem:$0x3FAB] =	sst s0;
	s0 =	simm.s32 @!p1 $0x0  }
0x14: {  	s2 =	sld [smem:$0x3F8F];
	s0 =	simm.s32 @p1 $0x1  }
0x15: {  	[smem:$0x3FAC] =	sst s0;
	s0 =	simm.s32 @!p2 $0x0  }
0x16: {  	s3 =	sld [smem:$0x3FDB];
	s0 =	simm.s32 @p2 $0x1  }
0x17: {  	s4 =	simm.s32 $0x1BF5;
	[smem:$0x3FAE] =	sst s0  }
0x18: {  	s0 =	sld [smem:$0x3F91];
	_ =	swait.ge [sflag:s4], $0x0  }
0x19: {  	s7 =	sld [smem:$0x3F92]  }
0x1a: {  	s8 =	sadd.s32 $0xFFFFE003, lr  }
0x1b: {  	s9 =	sadd.s32 $0xFFFFFEF7, lr;
	s5 =	simm.s32 $0xFFFFFFFF;
	p2 =	slt.u32 s8, $0xFFFFF086  }
0x1c: {  	p1 =	slt.u32 s9, $0xF7A;
	s5 =	simm.s32 @!p2 $0x0  }
0x1d: {  	s5 =	simm.s32 @p1 $0x1;
	p0 =	seq.s32 s7, s2  }
0x1e: {  	s7 =	smul.u32 @!p0 $0xF7A, s2;
	p2 =	seq.s32 @!p0 s5, $0x0  }
0x1f: {  	s9 =	smul.u32 $0xF7A, s1;
	s8 =	simm.s32 @!p0 $0x1BF5;
	p2 =	por !p2, p0  }
0x20: {  	[sflag:s8] =	ssyncset.s32 @!p0 $0xFFFFF086;
	s6 =	sadd.s32 @!p0 s3, s7;
	s7 =	simm.s32 @!p0 $0x108  }
0x21: {  	s3 =	sadd.s32 s3, s9;
	s6 =	sadd.s32 @!p0 $0x88, s6;
	s7 =	simm.s32 @p2 $0x1082  }
0x22: {  	[simem:s7], [sflag:s8] =	dma.local @!p0 [hbm:s6], $0xF7A  }
0x23: {  	s9 =	sor.u32 $0xD0000000, s2;
	s6 =	simm.s32 $0x108;
	_ =	swait.ge @!p0 [sflag:s8], $0x0  }
0x24: {  	s3 =	sadd.s32 $0x88, s3;
	s6 =	simm.s32 @!p1 $0x1082;
	[sflag:s4] =	ssyncset.s32 $0xFFFFF086  }
0x25: {  	[simem:s6], [sflag:s4] =	dma.local [hbm:s3], $0xF7A  }
0x26: {  	[smem:$0x3F92] =	sst s1;
	(tag) =	ssettag s2;
	_ =	strace s9  }
0x27: {  	s1 =	sld [smem:$0x3FA2]  }
0x28: {  	s2 =	sld [smem:$0x3FA3]  }
0x29: {  	s4 =	sld [smem:$0x3FA5]  }
0x2a: {  	p0 =	seq.s32 s5, $0x0;
	s5 =	sld [smem:$0x3FA6]  }
0x2b: {  	s6 =	sld [smem:$0x3FA7]  }
0x2c: {  	s7 =	sld [smem:$0x3FA8]  }
0x2d: {  	s3 =	simm.s32 $0x108;
	s8 =	sld [smem:$0x3FA9]  }
0x2e: {  	s3 =	simm.s32 @!p0 $0x1082;
	s9 =	sld [smem:$0x3FAA]  }
0x2f: {  	lr =	sadd.s32 s0, s3;
	s0 =	sld [smem:$0x3FA1]  }
0x30: {  	s3 =	sld [smem:$0x3FA4]  }
0x31: {  	[smem:$0x3FAD] =	sst s10  }
0x32: {  	s10 =	sld [smem:$0x3FAB];
	_ =	sdelay $0x3  }
0x33: {  	p0 =	seq.s32 s10, $0x1;
	s10 =	sld [smem:$0x3FAD];
	_ =	sdelay $0x3  }
0x34: {  	[smem:$0x3FAD] =	sst s10  }
0x35: {  	s10 =	sld [smem:$0x3FAC];
	_ =	sdelay $0x3  }
0x36: {  	p1 =	seq.s32 s10, $0x1;
	s10 =	sld [smem:$0x3FAD];
	_ =	sdelay $0x3  }
0x37: {  	[smem:$0x3FAD] =	sst s10  }
0x38: {  	s10 =	sld [smem:$0x3FAE]  }
0x39: {  	_ = 	snop;
	(pc) =	sbr.ind lr, $3  }
0x3a: {  	_ = 	snop  }
0x3b: {  	_ = 	snop  }
0x3c: {  	p2 =	seq.s32 s10, $0x1;
	s10 =	sld [smem:$0x3FAD]  }
0x3d: {  	_ =	shalt  }
0x3e: {  	_ =	shalt  }
0x3f: {  	_ =	shalt  }
0x40: {  	_ =	shalt  }
0x41: {  	_ =	shalt  }
0x42: {  	_ =	shalt  }
0x43: {  	_ =	shalt  }
0x44: {  	_ =	shalt  }
0x45: {  	_ =	shalt  }
0x46: {  	_ =	shalt  }
0x47: {  	_ =	shalt  }
0x48: {  	_ =	shalt  }
0x49: {  	_ =	shalt  }
0x4a: {  	_ =	shalt  }
0x4b: {  	_ =	shalt  }
0x4c: {  	_ =	shalt  }
0x4d: {  	_ =	shalt  }
0x4e: {  	_ =	shalt  }
0x4f: {  	_ =	shalt  }
0x50: {  	_ =	shalt  }
0x51: {  	_ =	shalt  }
0x52: {  	_ =	shalt  }
0x53: {  	_ =	shalt  }
0x54: {  	_ =	shalt  }
0x55: {  	_ =	shalt  }
0x56: {  	_ =	shalt  }
0x57: {  	_ =	shalt  }
0x58: {  	_ =	shalt  }
0x59: {  	_ =	shalt  }
0x5a: {  	_ =	shalt  }
0x5b: {  	_ =	shalt  }
0x5c: {  	_ =	shalt  }
0x5d: {  	_ =	shalt  }
0x5e: {  	_ =	shalt  }
0x5f: {  	_ =	shalt  }
0x60: {  	_ =	shalt  }
0x61: {  	_ =	shalt  }
0x62: {  	_ =	shalt  }
0x63: {  	_ =	shalt  }
0x64: {  	_ =	shalt  }
0x65: {  	_ =	shalt  }
0x66: {  	_ =	shalt  }
0x67: {  	_ =	shalt  }
0x68: {  	_ =	shalt  }
0x69: {  	_ =	shalt  }
0x6a: {  	_ =	shalt  }
0x6b: {  	_ =	shalt  }
0x6c: {  	_ =	shalt  }
0x6d: {  	_ =	shalt  }
0x6e: {  	_ =	shalt  }
0x6f: {  	_ =	shalt  }
0x70: {  	_ =	shalt  }
0x71: {  	_ =	shalt  }
0x72: {  	_ =	shalt  }
0x73: {  	_ =	shalt  }
0x74: {  	_ =	shalt  }
0x75: {  	_ =	shalt  }
0x76: {  	_ =	shalt  }
0x77: {  	_ =	shalt  }
0x78: {  	_ =	shalt  }
0x79: {  	_ =	shalt  }
0x7a: {  	_ =	shalt  }
0x7b: {  	_ =	shalt  }
0x7c: {  	_ =	shalt  }
0x7d: {  	_ =	shalt  }
0x7e: {  	_ =	shalt  }
0x7f: {  	_ =	shalt  }
0x80: {  	_ =	shalt  }
0x81: {  	_ =	shalt  }
0x82: {  	_ =	shalt  }
0x83: {  	_ =	shalt  }
0x84: {  	_ =	shalt  }
0x85: {  	_ =	shalt  }
0x86: {  	_ =	shalt  }
0x87: {  	_ =	shalt  }
.Lfunc_end0:
.L_simem_size_0:
called_computation.5_lowered:
.L_overlay_start_0:
0x88: {  	s2 =	sld [smem:$0x3FD9]  }
0x89: {  	s3 =	sld [smem:$0x3FFE];
	_ =	sdelay $0x1  }
0x8a: {  	s1 =	srdreg.scid  }
0x8b: {  	s0 =	sand.u32 $0x1, s1  }
0x8c: {  	s14 =	sshll.u32 s0, $0xA;
	s2 =	sadd.s32 s3, s2  }
0x8d: {  	s2 =	sadd.s32 s2, s14  }
0x8e: {  	[smem:$0x3FB9] =	sst s2  }
0x8f: {  	_ = 	snop  }
0x90: {  	s2 =	sld [smem:$0x3FD0];
	_ =	sdelay $0x2  }
0x91: {  	s15 =	simm.s32 $0xE;
	s4 =	simm.s32 $0x10  }
0x92: {  	[smem:s4], [sflag:s15] =	dma.local [hbm:s2], $0x1  }
0x93: {  	_ =	swait.eq [sflag:s15], $0x1  }
0x94: {  	[sflag:s15] =	ssyncset.done $0x0  }
0x95: {  	[sflag:s15] =	ssyncadd.s32 $0xFFFFFFFF  }
0x96: {  	s16 =	sld [smem:$0x10];
	(tm) =	ssettm $0x1  }
0x97: {  	s17 =	sld [smem:$0x3FFB];
	_ =	sdelay $0x3  }
0x98: {  	_ =	strace s17  }
0x99: {  	s3 =	sld [smem:$0x3FFC];
	_ =	sdelay $0x3  }
0x9a: {  	_ =	strace s3  }
0x9b: {  	s3 =	sld [smem:$0x3FFD];
	_ =	sdelay $0x3  }
0x9c: {  	_ =	strace s3  }
0x9d: {  	_ =	strace $0x8FFFFFFF  }
0x9e: {  	s18 =	sld [smem:$0x3FDB];
	_ =	sdelay $0x1  }
0x9f: {  	s19 =	simm.s32 $_scs_section_size  }
0xa0: {  	s5 =	simm.s32 $_size__tile_overlayer_lowered;
	s6 =	simm.s32 $_tile_overlayer_lowered  }
0xa1: {  	s22 =	simm.s32 $0x1BFF;
	s21 =	sshll.u32 s6, $0x1;
	s3 =	sadd.s32 s19, s18  }
0xa2: {  	s7 =	simm.s32 $0x0;
	s20 =	sshll.u32 s5, $0x1;
	s5 =	sadd.s32 s21, s3  }
0xa3: {  	[timem:s7], [sflag:s22] =	dma.local [hbm:s5], s20  }
0xa4: {  	_ =	swait.ge [sflag:s22], s20  }
0xa5: {  	s4 =	ssub.s32 $0x0, s20;
	[sflag:s22] =	ssyncset.done $0x0  }
0xa6: {  	[sflag:s22] =	ssyncadd.s32 s4;
	_ =	sdelay $0x1  }
0xa7: {  	s23 =	simm.s32 $0x1B8B  }
0xa8: {  	_ =	swait.ge [sflag:s23], $0x1  }
0xa9: {  	[sflag:s23] =	ssyncset.done $0x0  }
0xaa: {  	s25 =	simm.s32 $0x1B8E;
	s24 =	sld [smem:$0x3FFE];
	[sflag:s23] =	ssyncadd.s32 $0xFFFFFFFF  }
0xab: {  	s26 =	simm.s32 $execute0_lowered;
	[smem:$0x3FD2] =	sst s25  }
0xac: {  	s5 =	sshll.u32 s26, $0x1;
	_ =	strace $0x80000055;
	[dreg:$0x1] =	wrdreg $0xFFFFFFFF  }
0xad: {  	s28 =	simm.s32 $_size_execute0_lowered;
	s3 =	sadd.s32 s3, s5;
	[dreg:$0x0] =	wrdreg $0x0  }
0xae: {  	s5 =	sshll.u32 s28, $0x1;
	[dreg:$0x2] =	wrdreg s3  }
0xaf: {  	[dreg:$0x3] =	wrdreg s5  }
0xb0: {  	[dreg:$0x4] =	wrdreg $0xC0  }
0xb1: {  	_ =	task [dreg:s7], $0x5FFFF  }
0xb2: {  	[dreg:$0x1] =	wrdreg $0xFFFFFFFF  }
0xb3: {  	[dreg:$0x0] =	wrdreg $0x60  }
0xb4: {  	[dreg:$0x2] =	wrdreg s24  }
0xb5: {  	[dreg:$0x3] =	wrdreg s16  }
0xb6: {  	[dreg:$0x4] =	wrdreg $0xA8000  }
0xb7: {  	[dreg:$0x5] =	wrdreg $0x9  }
0xb8: {  	_ =	task.clear_ibuf [dreg:s7], $0x6FFFF;
	_ =	strace $0x90000055  }
0xb9: {  	s29 =	simm.s32 $0x9;
	_ =	strace $0x80000057  }
0xba: {  	_ =	swait.ge [sflag:s29], $0x1  }
0xbb: {  	[sflag:s29] =	ssyncadd.s32 $0xFFFFFFFF  }
0xbc: {  	_ =	strace $0x90000057  }
0xbd: {  	_ =	sfence  }
0xbe: {  	s30 =	sld [smem:$0x0];
	_ =	sdelay $0x2  }
0xbf: {  	s31 =	sshll.u32 s1, $0xD;
	s1 =	sshrl.u32 s1, $0x2  }
0xc0: {  	s3 =	sand.u32 $0x4000, s31;
	s1 =	sadd.s32 s1, s30  }
0xc1: {  	s0 =	sor.u32 s3, s0;
	s1 =	sshll.u32 s1, $0x11  }
0xc2: {  	s0 =	sor.u32 s1, s0  }
0xc3: {  	s0 =	sadd.s32 $0x8F2B, s0  }
0xc4: {  	[sflag:s0] =	ssyncadd.remote.s32 $0x1  }
0xc5: {  	_ =	sfence.sel $0xFFFF  }
0xc6: {  	[dreg:$0x0] =	wrdreg $0xFFFFFFFF;
	(pc) =	sbr.abs _section_cstart, $3  }
0xc7: {  	[dreg:$0x1] =	wrdreg $0xFFFFFFFF  }
0xc8: {  	_ =	task.clear_ibuf [dreg:s7], $0x2FFFF;
	_ =	strace $0x9FFFFFFF  }
0xc9: {  	(tm) =	ssettm $0x7FFFFFFF  }
tec
execute0_lowered:
.L_overlay_start_1:
0x0: {  	(tag) =	ssettag $0x1  }
0x1: {  	s0 =	rddreg [dreg:$0x0]  }
0x2: {  	s3 =	rddreg [dreg:$0x1]  }
0x3: {  	s1 =	rddreg [dreg:$0x2]  }
0x4: {  	s2 =	simm.s32 $0x0;
	s4 =	srdreg.scid;
	s20 =	stileid.u32  }
0x5: {  	s29 =	simm.s32 $0x2780;
	s30 =	simm.s32 $0x0;
	s6 =	smul.u32 $0x280, s20  }
0x6: {  	[smem:$0x7FF] =	sst s2;
	s4 =	sand.u32 $0x1, s4;
	s14 =	smul.u32 $0x50000, s20  }
0x7: {  	s13 =	sadd.s32 $0xFBB200, s0;
	s22 =	sshll.u32 s20, $0x1;
	s20 =	smul.u32 $0x2800, s20  }
0x8: {  	_ =	strace $0x80000056;
	s12 =	smul.u32 $0x28000, s4;
	s5 =	ssub.s32 $0x2, s4  }
0x9: {  	s23 =	sor.u32 s4, s22;
	s7 =	sshrl.u32 s5, $0x1;
	s16 =	sadd.s32 $0x80, s6  }
0xa: {  	s24 =	sshrl.u32 s14, $0x2;
	s17 =	sadd.s32 $0x100, s6;
	s9 =	smul.u32 $0x500, s23  }
0xb: {  	s18 =	sadd.s32 $0x180, s6;
	s19 =	sadd.s32 $0x200, s6;
	s11 =	smul.u32 $0x28000, s23  }
0xc: {  	s28 =	sadd.s32 s14, s13;
	s14 =	simm.s32 $0x2800;
	s0 =	sadd.s32 s12, s0  }
0xd: {  	s15 =	ssub.s32 s5, s7;
	s25 =	sshll.u32 s16, $0x7;
	s4 =	sadd.s32 s24, s1  }
0xe: {  	s8 =	sshll.u32 s17, $0x7;
	s10 =	sshll.u32 s18, $0x7;
	s26 =	sshll.u32 s19, $0x7  }
0xf: {  	s21 =	sshll.u32 s16, $0x4;
	s22 =	sshll.u32 s17, $0x4;
	s31 =	sshll.u32 s18, $0x4  }
0x10: {  	s24 =	sshll.u32 s19, $0x4;
	s16 =	simm.s32 $0x6800;
	s17 =	simm.s32 $0x1  }
0x11: {  	s18 =	simm.s32 $0x80;
	s19 =	simm.s32 $0x2;
	s5 =	sadd.s32 s25, s1  }
0x12: {  	s6 =	sadd.s32 s8, s1;
	s7 =	sadd.s32 s10, s1;
	s8 =	sadd.s32 s26, s1  }
0x13: {  	s9 =	sadd.s32 s3, s9;
	s10 =	sadd.s32 s13, s11;
	s0 =	sadd.s32 $0x5B200, s0  }
0x14: {  	s3 =	sadd.s32 s12, s28;
	s12 =	smax.u32 s15, $0x1;
	s15 =	simm.s32 $0x5  }
0x15: {  	s25 =	simm.s32 $0x3;
	s26 =	simm.s32 $0x4;
	s11 =	sadd.s32 $0x800, s10  }
0x16: {  	s3 =	sadd.s32 $0x1800, s3;
	s20 =	sadd.s32 s20, s0;
	s21 =	sadd.s32 s21, s0  }
0x17: {  	v0 =	vimm.f32 $0.0e+00;
	s22 =	sadd.s32 s22, s0;
	s23 =	sadd.s32 s31, s0;
	s24 =	sadd.s32 s24, s0  }
.LBB2_1:
0x18: {  	s0 =	simm.s32 $0x0;
	s13 =	simm.s32 $0x200  }
.LBB2_2:
0x19: {  	p0 =	sne.s32 s13, $0xFE00;
	[tilespmem:s0+$0x2870] =	vst v0  }
0x1a: {  	[tilespmem:s0+$0x2800] =	vst v0  }
0x1b: {  	[tilespmem:s0+$0x2810] =	vst v0  }
.Ltmp0:
0x1c: {  	[tilespmem:s0+$0x2820] =	vst v0;
	(pc) =	sbr.rel @p0 .LBB2_2-.Ltmp0, $4  }
0x1d: {  	[tilespmem:s0+$0x2830] =	vst v0  }
0x1e: {  	[tilespmem:s0+$0x2840] =	vst v0  }
0x1f: {  	[tilespmem:s0+$0x2850] =	vst v0  }
0x20: {  	[tilespmem:s0+$0x2860] =	vst v0;
	s0 =	sshra.s32 s13, $0x2;
	s13 =	sadd.s32 $0x200, s13  }
0x21: {  	[tilespmem:s0+$0x2870] =	vst v0  }
0x22: {  	[tilespmem:s0+$0x2800] =	vst v0  }
0x23: {  	[tilespmem:s0+$0x2810] =	vst v0  }
0x24: {  	[tilespmem:s0+$0x2820] =	vst v0  }
0x25: {  	[tilespmem:s0+$0x2830] =	vst v0  }
0x26: {  	[tilespmem:s0+$0x2840] =	vst v0  }
0x27: {  	[tilespmem:s0+$0x2850] =	vst v0  }
0x28: {  	[tilespmem:s0+$0x2860] =	vst v0  }
0x29: {  	[spmem:s4] =	stream.linear.scatter [tilespmem:s14], [sflag:$0x5], $0x4000, $0x38;
	[tilespmem:$0x1E800] =	vst v63  }
0x2a: {  	_ =	swait.ge [sflag:s15], $0x4000  }
0x2b: {  	[sflag:s15] =	ssyncset.done $0x0  }
0x2c: {  	[sflag:s15] =	ssyncadd.s32 $0xFFFFC000  }
0x2d: {  	[spmem:s5] =	stream.linear.scatter [tilespmem:s14], [sflag:$0x5], $0x4000, $0x38;
	[tilespmem:$0x1E800] =	vst v63  }
0x2e: {  	_ =	swait.ge [sflag:s15], $0x4000  }
0x2f: {  	[sflag:s15] =	ssyncset.done $0x0  }
0x30: {  	[sflag:s15] =	ssyncadd.s32 $0xFFFFC000  }
0x31: {  	[spmem:s6] =	stream.linear.scatter [tilespmem:s14], [sflag:$0x5], $0x4000, $0x38;
	[tilespmem:$0x1E800] =	vst v63  }
0x32: {  	_ =	swait.ge [sflag:s15], $0x4000  }
0x33: {  	[sflag:s15] =	ssyncset.done $0x0  }
0x34: {  	[sflag:s15] =	ssyncadd.s32 $0xFFFFC000  }
0x35: {  	[spmem:s7] =	stream.linear.scatter [tilespmem:s14], [sflag:$0x5], $0x4000, $0x38;
	[tilespmem:$0x1E800] =	vst v63  }
0x36: {  	_ =	swait.ge [sflag:s15], $0x4000  }
0x37: {  	[sflag:s15] =	ssyncset.done $0x0  }
0x38: {  	[sflag:s15] =	ssyncadd.s32 $0xFFFFC000  }
0x39: {  	[spmem:s8] =	stream.linear.scatter [tilespmem:s14], [sflag:$0x5], $0x4000, $0x38;
	[tilespmem:$0x1E800] =	vst v63  }
0x3a: {  	_ =	swait.ge [sflag:s15], $0x4000  }
0x3b: {  	[sflag:s15] =	ssyncset.done $0x0  }
0x3c: {  	s13 =	simm.s32 $0x0;
	[sflag:s15] =	ssyncadd.s32 $0xFFFFC000  }
0x3d: {  	[tilespmem:s13], [sflag:$0x5] =	stream.linear.gather [hbm4b:s9+s13], $0x2800, $0x38;
	[tilespmem:$0x1E800] =	vst v63  }
0x3e: {  	_ =	swait.ge [sflag:s15], $0x2800  }
0x3f: {  	[sflag:s15] =	ssyncset.done $0x0  }
0x40: {  	[sflag:s15] =	ssyncadd.s32 $0xFFFFD800  }
0x41: {  	[bflag:$0x0] =	sbarrier.arrive $0xFFFF  }
0x42: {  	[tilespmem:s14], [sflag:$0x1] =	stream.linear.gather [hbm4b:s10+s13], $0x4000, $0x38;
	[tilespmem:$0x1E800] =	vst v63  }
0x43: {  	_ = 	snop  }
0x44: {  	[tilespmem:s16], [sflag:$0x2] =	stream.linear.gather [hbm4b:s11+s13], $0x4000, $0x38;
	[tilespmem:$0x1E800] =	vst v63  }
0x45: {  	_ =	swait.ge [sflag:s17], $0x4000  }
0x46: {  	[sflag:s17] =	ssyncset.done $0x0  }
0x47: {  	s28 =	simm.s32 $0x0;
	[sflag:s17] =	ssyncadd.s32 $0xFFFFC000  }
0x48: {  	[spmem:s1] =	stream.indirect.scatter.add.f32 [tilespmem:s14], [sflag:$0x3], $0x80, s28, s18, $0xb8;
	[tilespmem:$0x1E800] =	vst v63  }
0x49: {  	_ =	swait.ge [sflag:s19], $0x4000  }
0x4a: {  	[sflag:s19] =	ssyncset.done $0x0  }
0x4b: {  	s13 =	simm.s32 $0x80;
	[sflag:s19] =	ssyncadd.s32 $0xFFFFC000  }
0x4c: {  	[spmem:s1] =	stream.indirect.scatter.add.f32 [tilespmem:s16], [sflag:$0x4], $0x80, s13, s18, $0xb8;
	[tilespmem:$0x1E800] =	vst v63  }
0x4d: {  	_ =	swait.ge [sflag:s25], $0x4000  }
0x4e: {  	[sflag:s25] =	ssyncset.done $0x0  }
0x4f: {  	s28 =	sadd.s32 $0xFFFFF800, s3;
	[sflag:s25] =	ssyncadd.s32 $0xFFFFC000  }
0x50: {  	[tilespmem:s14], [sflag:$0x1] =	stream.linear.gather [hbm4b:s28+s2], $0x4000, $0x38;
	[tilespmem:$0x1E800] =	vst v63  }
0x51: {  	_ =	swait.ge [sflag:s26], $0x4000  }
0x52: {  	s31 =	simm.s32 $0x400;
	[sflag:s26] =	ssyncset.done $0x0  }
0x53: {  	s0 =	sadd.s32 $0x1000, s3;
	s13 =	smov.u32 s3;
	[sflag:s26] =	ssyncadd.s32 $0xFFFFC000  }
.LBB2_4:
0x54: {  	[tilespmem:s16], [sflag:$0x2] =	stream.linear.gather [hbm4b:s13+s2], $0x4000, $0x38;
	[tilespmem:$0x1E800] =	vst v63  }
0x55: {  	s28 =	smov.u32 s31;
	s13 =	smov.u32 s0  }
0x56: {  	p0 =	sne.s32 s31, $0x9800;
	s31 =	sadd.s32 $0x400, s31;
	_ =	swait.ge [sflag:s17], $0x4000  }
0x57: {  	[sflag:s17] =	ssyncset.done $0x0  }
0x58: {  	s28 =	sshra.s32 s28, $0x2;
	[sflag:s17] =	ssyncadd.s32 $0xFFFFC000  }
0x59: {  	[spmem:s1] =	stream.indirect.scatter.add.f32 [tilespmem:s14], [sflag:$0x3], $0x80, s28, s18, $0xb8;
	[tilespmem:$0x1E800] =	vst v63  }
0x5a: {  	_ =	swait.ge [sflag:s19], $0x4000  }
0x5b: {  	[sflag:s19] =	ssyncset.done $0x0  }
0x5c: {  	s28 =	sadd.s32 $0x80, s28;
	[sflag:s19] =	ssyncadd.s32 $0xFFFFC000  }
0x5d: {  	[spmem:s1] =	stream.indirect.scatter.add.f32 [tilespmem:s16], [sflag:$0x4], $0x80, s28, s18, $0xb8;
	[tilespmem:$0x1E800] =	vst v63  }
0x5e: {  	_ =	swait.ge [sflag:s25], $0x4000  }
0x5f: {  	[sflag:s25] =	ssyncset.done $0x0  }
.Ltmp1:
0x60: {  	s28 =	sadd.s32 $0xFFFFF800, s0;
	[sflag:s25] =	ssyncadd.s32 $0xFFFFC000;
	(pc) =	sbr.rel @p0 .LBB2_4-.Ltmp1, $4  }
0x61: {  	[tilespmem:s14], [sflag:$0x1] =	stream.linear.gather [hbm4b:s28+s2], $0x4000, $0x38;
	[tilespmem:$0x1E800] =	vst v63  }
0x62: {  	_ =	swait.ge [sflag:s26], $0x4000  }
0x63: {  	[sflag:s26] =	ssyncset.done $0x0  }
0x64: {  	s0 =	sadd.s32 $0x1000, s0;
	[sflag:s26] =	ssyncadd.s32 $0xFFFFC000  }
0x65: {  	[tilespmem:s16], [sflag:$0x2] =	stream.linear.gather [hbm4b:s13+s2], $0x4000, $0x38;
	[tilespmem:$0x1E800] =	vst v63  }
0x66: {  	_ =	swait.ge [sflag:s17], $0x4000  }
0x67: {  	[sflag:s17] =	ssyncset.done $0x0  }
0x68: {  	s0 =	simm.s32 $0x2700;
	[sflag:s17] =	ssyncadd.s32 $0xFFFFC000  }
0x69: {  	[spmem:s1] =	stream.indirect.scatter.add.f32 [tilespmem:s14], [sflag:$0x3], $0x80, s0, s18, $0xb8;
	[tilespmem:$0x1E800] =	vst v63  }
0x6a: {  	_ =	swait.ge [sflag:s19], $0x4000  }
0x6b: {  	[sflag:s19] =	ssyncset.done $0x0  }
0x6c: {  	[sflag:s19] =	ssyncadd.s32 $0xFFFFC000  }
0x6d: {  	[spmem:s1] =	stream.indirect.scatter.add.f32 [tilespmem:s16], [sflag:$0x4], $0x80, s29, s18, $0xb8;
	[tilespmem:$0x1E800] =	vst v63  }
0x6e: {  	_ =	swait.ge [sflag:s25], $0x4000  }
0x6f: {  	[sflag:s25] =	ssyncset.done $0x0  }
0x70: {  	[sflag:s25] =	ssyncadd.s32 $0xFFFFC000  }
0x71: {  	_ =	swait.ge [sflag:s26], $0x4000  }
0x72: {  	s28 =	stileid.u32;
	[sflag:s26] =	ssyncset.done $0x0  }
0x73: {  	s0 =	sshll.u32 s28, $0x6;
	[sflag:s26] =	ssyncadd.s32 $0xFFFFC000  }
0x74: {  	s31 =	sshrl.u32 s4, $0x3;
	s0 =	sor.u32 $0x1C05, s0;
	[bflag:$0x0] =	sbarrier.arrive $0xFFFF  }
0x75: {  	[hbm:s20], [sflag:s0] =	dma.local [spmem:s31], $0x800  }
0x76: {  	_ =	swait.ge [sflag:s15], $0x800  }
0x77: {  	[sflag:s15] =	ssyncset.done $0x0  }
0x78: {  	s28 =	sshrl.u32 s5, $0x3;
	[sflag:s15] =	ssyncadd.s32 $0xFFFFF800  }
0x79: {  	[hbm:s21], [sflag:s0] =	dma.local [spmem:s28], $0x800  }
0x7a: {  	_ =	swait.ge [sflag:s15], $0x800  }
0x7b: {  	[sflag:s15] =	ssyncset.done $0x0  }
0x7c: {  	s31 =	sshrl.u32 s6, $0x3;
	[sflag:s15] =	ssyncadd.s32 $0xFFFFF800  }
0x7d: {  	[hbm:s22], [sflag:s0] =	dma.local [spmem:s31], $0x800  }
0x7e: {  	_ =	swait.ge [sflag:s15], $0x800  }
0x7f: {  	[sflag:s15] =	ssyncset.done $0x0  }
0x80: {  	s28 =	sshrl.u32 s7, $0x3;
	[sflag:s15] =	ssyncadd.s32 $0xFFFFF800  }
0x81: {  	[hbm:s23], [sflag:s0] =	dma.local [spmem:s28], $0x800  }
0x82: {  	s30 =	sadd.s32 $0x1, s30;
	_ =	swait.ge [sflag:s15], $0x800  }
0x83: {  	p0 =	sne.s32 s30, s12;
	[sflag:s15] =	ssyncset.done $0x0  }
.Ltmp2:
0x84: {  	s31 =	sshrl.u32 s8, $0x3;
	[sflag:s15] =	ssyncadd.s32 $0xFFFFF800;
	(pc) =	sbr.rel @p0 .LBB2_1-.Ltmp2, $4  }
0x85: {  	[hbm:s24], [sflag:s0] =	dma.local [spmem:s31], $0x800  }
0x86: {  	_ =	swait.ge [sflag:s15], $0x800  }
0x87: {  	[sflag:s15] =	ssyncset.done $0x0  }
0x88: {  	[sflag:s15] =	ssyncadd.s32 $0xFFFFF800  }
0x89: {  	_ =	sfence.sel $0x180000  }
0x8a: {  	[bflag:$0x0] =	sbarrier.arrive $0xFFFF  }
0x8b: {  	_ =	strace $0x90000056  }
0x8c: {  	s0 =	stileid.u32;
	[bflag:$0x2] =	sbarrier.arrive $0xFFFF  }
0x8d: {  	p0 =	sne.s32 s0, $0x0;
	s0 =	rddreg [dreg:$0x3]  }
0x8e: {  	s0 =	sadd.s32 @!p0 $0x100000, s0  }
0x8f: {  	[sflag:s0] =	ssyncadd.tile.s32 @!p0 $0x1;
	_ =	shalt  }
.Lfunc_end2:
_tile_overlayer_lowered:
.L_overlay_start_2:
0x90: {  	(tag) =	ssettag $0x2  }
0x91: {  	s0 =	rddreg [dreg:$0x0];
	s2 =	stileid.u32  }
0x92: {  	s1 =	rddreg [dreg:$0x1];
	p0 =	sne.s32 s2, $0x0  }
0x93: {  	s3 =	rddreg [dreg:$0x2];
	[bflag:$0x3] =	sbarrier.arrive $0xFFFF;
	s2 =	simm.s32 @!p0 $0x1C05  }
0x94: {  	[timem:s3], [sflag:s2] =	dma.local @!p0 [hbm:s0], s1  }
0x95: {  	s0 =	simm.s32 @!p0 $0x5  }
0x96: {  	_ =	swait.ge @!p0 [sflag:s0], s1  }
0x97: {  	s1 =	ssub.s32 @!p0 $0x0, s1;
	[sflag:s0] =	ssyncset.done @!p0 $0x0  }
0x98: {  	[sflag:s0] =	ssyncadd.s32 @!p0 s1  }
0x99: {  	[bflag:$0x3] =	sbarrier.arrive $0xFFFF  }
0x9a: {  	_ =	shalt  }

</sc_bundles>
